<compile_context>
chip_gen: v7x
topology: tpu7x:2x2x1
jax: 0.10.2.dev20260603
libtpu: 0.0.44.dev20260713+nightly
codegen_flags: <defaults>
</compile_context>

<pallas_src>
import functools

import jax
import jax.numpy as jnp
from jax import lax
from jax.experimental import pallas as pl
from jax.experimental.pallas import tpu as pltpu
from jax.experimental.pallas import tpu_sc as plsc

B, S, D, V = 1024, 200, 128, 100000
N = B * S
NC, NS = 2, 16
NW = NC * NS
RPW = N // NW
C = 64
NCHUNK = RPW // C
NBUF = 4


def _combine_body(pe_ref, seg_ref, out_ref):
    out_ref[...] = seg_ref[...][:, None, :] + pe_ref[...][None, :, :]


def _make_combined(pe, segment_table):
    out = pl.pallas_call(
        _combine_body,
        out_shape=jax.ShapeDtypeStruct((2, S, D), jnp.float32),
    )(pe, segment_table)
    return out.reshape(2 * S, D)


def _sc_body(x_hbm, seg_hbm, tok_tab_hbm, comb_hbm, out_hbm,
             xall, segall,
             xidx0, xidx1, xidx2, xidx3,
             idxa, idxb, idxc, idxd,
             tok0, tok1, tok2, tok3,
             add0, add1, add2, add3,
             gsem0, gsem1, gsem2, gsem3,
             wsem0, wsem1, wsem2, wsem3):
    wid = lax.axis_index("s") * NC + lax.axis_index("c")
    base = wid * RPW
    xidx = (xidx0, xidx1, xidx2, xidx3)
    idx2 = (idxa, idxb, idxc, idxd)
    tok = (tok0, tok1, tok2, tok3)
    add = (add0, add1, add2, add3)
    gsem = (gsem0, gsem1, gsem2, gsem3)
    wsem = (wsem0, wsem1, wsem2, wsem3)

    pltpu.sync_copy(x_hbm.at[pl.ds(base, RPW)], xall)
    pltpu.sync_copy(seg_hbm.at[pl.ds(base, RPW)], segall)

    def prep(chunk, b):
        lbase = chunk * C
        for j in range(C // 16):
            xidx[b][pl.ds(j * 16, 16)] = xall[pl.ds(lbase + j * 16, 16)]
        pltpu.async_copy(tok_tab_hbm.at[xidx[b]], tok[b], gsem[b])
        for j in range(C // 16):
            rowid = base + lbase + j * 16 + lax.iota(jnp.int32, 16)
            pos = lax.rem(rowid, S)
            idx2[b][pl.ds(j * 16, 16)] = (
                segall[pl.ds(lbase + j * 16, 16)] * S + pos)
        pltpu.async_copy(comb_hbm.at[idx2[b]], add[b], gsem[b])

    def wait_g(b):
        pltpu.make_async_copy(tok_tab_hbm.at[xidx[b]], tok[b], gsem[b]).wait()
        pltpu.make_async_copy(comb_hbm.at[idx2[b]], add[b], gsem[b]).wait()

    def add_rows(b):
        t, a = tok[b], add[b]

        def row_body(i, acc):
            for u in range(4):
                r = i * 4 + u
                for j in range(D // 16):
                    sl = pl.ds(j * 16, 16)
                    plsc.addupdate(t.at[r, sl], a[r, sl])
            return acc

        lax.fori_loop(0, C // 4, row_body, 0)

    def fire_w(chunk, b):
        gbase = base + chunk * C
        pltpu.async_copy(tok[b], out_hbm.at[pl.ds(gbase, C)], wsem[b])

    def wait_w(b):
        pltpu.make_async_copy(tok[b], out_hbm.at[pl.ds(0, C)], wsem[b]).wait()

    for b in range(NBUF):
        prep(b, b)

    def body(k, acc):
        c0 = NBUF * k
        for b in range(NBUF):
            wait_g(b)
            add_rows(b)
            fire_w(c0 + b, b)
        for b in range(NBUF):
            wait_w(b)
            prep(c0 + NBUF + b, b)
        return acc

    lax.fori_loop(0, NCHUNK // NBUF - 1, body, 0)
    for b in range(NBUF):
        wait_g(b)
        add_rows(b)
        fire_w(NCHUNK - NBUF + b, b)
    for b in range(NBUF):
        wait_w(b)


def kernel(x, segment_tokens, token_table, segment_table, pe):
    combined = _make_combined(pe.astype(jnp.float32),
                              segment_table.astype(jnp.float32))
    x_flat = x.reshape(N).astype(jnp.int32)
    seg_flat = segment_tokens.reshape(N).astype(jnp.int32)

    mesh = plsc.VectorSubcoreMesh(core_axis_name="c", subcore_axis_name="s")
    sc = functools.partial(
        pl.kernel,
        mesh=mesh,
        out_type=jax.ShapeDtypeStruct((N, D), jnp.float32),
        scratch_types=(
            [pltpu.VMEM((RPW,), jnp.int32)] * 2
            + [pltpu.VMEM((C,), jnp.int32)] * 8
            + [pltpu.VMEM((C, D), jnp.float32)] * 8
            + [pltpu.SemaphoreType.DMA] * 8
        ),
    )(_sc_body)
    out = sc(x_flat, seg_flat, token_table, combined)
    return out.reshape(B, S, D)

# --- scband reference (transcript-rebuilt; emitter-appended) ---
"""Pipeline reference for scband-bertembedding-86045374808345 (READ-ONLY COPY).

The authoritative reference and input builder live on the scoring server;
editing this copy changes nothing except your own understanding.
"""

import jax, jax.numpy as jnp
import numpy as np

B, S, D, V = 1024, 200, 128, 100000

def _make_pe(max_seq_len, d_model):
    # Faithful to the torch loop: pe[pos, dim] = sin(pos // 10000**((2*dim)//d_model)) if pos even else cos(...)
    pos = np.arange(max_seq_len).reshape(-1, 1)
    dim = np.arange(d_model).reshape(1, -1)
    exponent = (2 * dim) // d_model
    denom = (10000 ** exponent).astype(np.int64)
    val = (pos // denom).astype(np.float64)
    pe = np.where(pos % 2 == 0, np.sin(val), np.cos(val))
    return jnp.asarray(pe, dtype=jnp.float32)

def setup_inputs(seed: int = 0) -> dict:
    key = jax.random.key(seed)
    k1, k2, k3, k4 = jax.random.split(key, 4)
    x = jax.random.randint(k1, (B, S), 0, V)
    segment_tokens = jax.random.randint(k2, (B, S), 0, 2)
    token_table = jax.random.normal(k3, (V, D), dtype=jnp.float32) * 0.02
    segment_table = jax.random.normal(k4, (2, D), dtype=jnp.float32) * 0.02
    pe = _make_pe(S, D)
    return {"x": x, "segment_tokens": segment_tokens, "token_table": token_table, "segment_table": segment_table, "pe": pe}

def reference(x, segment_tokens, token_table, segment_table, pe):
    token_embeddings = jnp.take(token_table, x, axis=0)
    position_encoding = pe[: x.shape[1], :][None, :, :]
    segment_embedding = jnp.take(segment_table, segment_tokens, axis=0)
    # dropout p=0.0 (eval-equivalent): identity
    return token_embeddings + position_encoding + segment_embedding

if __name__ == "__main__":
    import jax
    _d = setup_inputs()
    print(jax.jit(kernel)(*tuple(_d.values())))

</pallas_src>

<mosaic_0001>
#map = affine_map<(d0, d1) -> (0)>
#map1 = affine_map<(d0, d1) -> (0, 0)>
module attributes {stable_mosaic.version = 14 : i64} {
  func.func @_sc_body(%arg0: i32, %arg1: i32, %arg2: memref<204800xi32, #tpu.memory_space<hbm>>, %arg3: memref<204800xi32, #tpu.memory_space<hbm>>, %arg4: memref<100000x128xf32, #tpu.memory_space<hbm>>, %arg5: memref<400x128xf32, #tpu.memory_space<hbm>>, %arg6: memref<204800x128xf32, #tpu.memory_space<hbm>>, %arg7: memref<6400xi32, #tpu.memory_space<vmem>>, %arg8: memref<6400xi32, #tpu.memory_space<vmem>>, %arg9: memref<64xi32, #tpu.memory_space<vmem>>, %arg10: memref<64xi32, #tpu.memory_space<vmem>>, %arg11: memref<64xi32, #tpu.memory_space<vmem>>, %arg12: memref<64xi32, #tpu.memory_space<vmem>>, %arg13: memref<64xi32, #tpu.memory_space<vmem>>, %arg14: memref<64xi32, #tpu.memory_space<vmem>>, %arg15: memref<64xi32, #tpu.memory_space<vmem>>, %arg16: memref<64xi32, #tpu.memory_space<vmem>>, %arg17: memref<64x128xf32, #tpu.memory_space<vmem>>, %arg18: memref<64x128xf32, #tpu.memory_space<vmem>>, %arg19: memref<64x128xf32, #tpu.memory_space<vmem>>, %arg20: memref<64x128xf32, #tpu.memory_space<vmem>>, %arg21: memref<64x128xf32, #tpu.memory_space<vmem>>, %arg22: memref<64x128xf32, #tpu.memory_space<vmem>>, %arg23: memref<64x128xf32, #tpu.memory_space<vmem>>, %arg24: memref<64x128xf32, #tpu.memory_space<vmem>>, %arg25: memref<!tpu.dma_semaphore, #tpu.memory_space<semaphore_mem>>, %arg26: memref<!tpu.dma_semaphore, #tpu.memory_space<semaphore_mem>>, %arg27: memref<!tpu.dma_semaphore, #tpu.memory_space<semaphore_mem>>, %arg28: memref<!tpu.dma_semaphore, #tpu.memory_space<semaphore_mem>>, %arg29: memref<!tpu.dma_semaphore, #tpu.memory_space<semaphore_mem>>, %arg30: memref<!tpu.dma_semaphore, #tpu.memory_space<semaphore_mem>>, %arg31: memref<!tpu.dma_semaphore, #tpu.memory_space<semaphore_mem>>, %arg32: memref<!tpu.dma_semaphore, #tpu.memory_space<semaphore_mem>>) attributes {dimension_semantics = [#tpu.dimension_semantics<core_parallel>, #tpu.dimension_semantics<subcore_parallel>], iteration_bounds = array<i64: 2, 16>, scalar_prefetch = 0 : i64, scratch_operands = 26 : i64, tpu.core_type = #tpu.core_type<sc_vector_subcore>, window_params = [{transform_indices = #map}, {transform_indices = #map}, {transform_indices = #map1}, {transform_indices = #map1}, {transform_indices = #map1}]} {
    %mul3A = arith.constant 2 : i32
    %mul3A_0 = arith.muli %arg1, %mul3A : i32
    %add3A = arith.addi %mul3A_0, %arg0 : i32
    %mul3A_1 = arith.constant 6400 : i32
    %mul3A_2 = arith.muli %add3A, %mul3A_1 : i32
    "tpu.region"() ({
      %run_scoped3A = tpu.sem_alloc : memref<!tpu.dma_semaphore, #tpu.memory_space<semaphore_mem>>
      %dma_start3A_570 = tpu.memref_slice %arg2[%mul3A_2] : memref<204800xi32, #tpu.memory_space<hbm>> -> memref<6400xi32, #tpu.memory_space<hbm>>
      %dma_start3A_571 = tpu.memref_slice %arg2[%mul3A_2] : memref<204800xi32, #tpu.memory_space<hbm>> -> memref<6400xi32, #tpu.memory_space<hbm>>
      tpu.enqueue_dma source(%dma_start3A_571 : memref<6400xi32, #tpu.memory_space<hbm>>) target(%arg7 : memref<6400xi32, #tpu.memory_space<vmem>>) target_semaphore(%run_scoped3A : memref<!tpu.dma_semaphore, #tpu.memory_space<semaphore_mem>>)
      %dma_wait3A_572 = tpu.memref_slice %arg2[%mul3A_2] : memref<204800xi32, #tpu.memory_space<hbm>> -> memref<6400xi32, #tpu.memory_space<hbm>>
      %dma_wait3A_573 = tpu.memref_slice %arg2[%mul3A_2] : memref<204800xi32, #tpu.memory_space<hbm>> -> memref<6400xi32, #tpu.memory_space<hbm>>
      tpu.wait_dma2 semaphore(%run_scoped3A : memref<!tpu.dma_semaphore, #tpu.memory_space<semaphore_mem>>) src(%dma_wait3A_573 : memref<6400xi32, #tpu.memory_space<hbm>>) dst(%arg7 : memref<6400xi32, #tpu.memory_space<vmem>>)
      tpu.yield
    }) : () -> ()
    "tpu.region"() ({
      %run_scoped3A = tpu.sem_alloc : memref<!tpu.dma_semaphore, #tpu.memory_space<semaphore_mem>>
      %dma_start3A_570 = tpu.memref_slice %arg3[%mul3A_2] : memref<204800xi32, #tpu.memory_space<hbm>> -> memref<6400xi32, #tpu.memory_space<hbm>>
      %dma_start3A_571 = tpu.memref_slice %arg3[%mul3A_2] : memref<204800xi32, #tpu.memory_space<hbm>> -> memref<6400xi32, #tpu.memory_space<hbm>>
      tpu.enqueue_dma source(%dma_start3A_571 : memref<6400xi32, #tpu.memory_space<hbm>>) target(%arg8 : memref<6400xi32, #tpu.memory_space<vmem>>) target_semaphore(%run_scoped3A : memref<!tpu.dma_semaphore, #tpu.memory_space<semaphore_mem>>)
      %dma_wait3A_572 = tpu.memref_slice %arg3[%mul3A_2] : memref<204800xi32, #tpu.memory_space<hbm>> -> memref<6400xi32, #tpu.memory_space<hbm>>
      %dma_wait3A_573 = tpu.memref_slice %arg3[%mul3A_2] : memref<204800xi32, #tpu.memory_space<hbm>> -> memref<6400xi32, #tpu.memory_space<hbm>>
      tpu.wait_dma2 semaphore(%run_scoped3A : memref<!tpu.dma_semaphore, #tpu.memory_space<semaphore_mem>>) src(%dma_wait3A_573 : memref<6400xi32, #tpu.memory_space<hbm>>) dst(%arg8 : memref<6400xi32, #tpu.memory_space<vmem>>)
      tpu.yield
    }) : () -> ()
    %get3A = arith.constant 0 : index
    %get3A_3 = tpu.vector_load %arg7[%get3A] {strides = array<i32>} : memref<6400xi32, #tpu.memory_space<vmem>>, vector<16xi32>,
    %get3A_4 = vector.shape_cast %get3A_3 : vector<16xi32> to vector<16xi32>
    %swap3A = arith.constant 0 : index
    %swap3A_5 = tpu.vector_load %arg9[%swap3A] {strides = array<i32>} : memref<64xi32, #tpu.memory_space<vmem>>, vector<16xi32>,
    %swap3A_6 = vector.shape_cast %swap3A_5 : vector<16xi32> to vector<16xi32>
    %swap3A_7 = vector.shape_cast %get3A_4 : vector<16xi32> to vector<16xi32>
    tpu.vector_store %arg9[%swap3A], %swap3A_7 {strides = array<i32>} : memref<64xi32, #tpu.memory_space<vmem>>, vector<16xi32>,
    %get3A_8 = arith.constant 16 : index
    %get3A_9 = tpu.vector_load %arg7[%get3A_8] {strides = array<i32>} : memref<6400xi32, #tpu.memory_space<vmem>>, vector<16xi32>,
    %get3A_10 = vector.shape_cast %get3A_9 : vector<16xi32> to vector<16xi32>
    %swap3A_11 = arith.constant 16 : index
    %swap3A_12 = tpu.vector_load %arg9[%swap3A_11] {strides = array<i32>} : memref<64xi32, #tpu.memory_space<vmem>>, vector<16xi32>,
    %swap3A_13 = vector.shape_cast %swap3A_12 : vector<16xi32> to vector<16xi32>
    %swap3A_14 = vector.shape_cast %get3A_10 : vector<16xi32> to vector<16xi32>
    tpu.vector_store %arg9[%swap3A_11], %swap3A_14 {strides = array<i32>} : memref<64xi32, #tpu.memory_space<vmem>>, vector<16xi32>,
    %get3A_15 = arith.constant 32 : index
    %get3A_16 = tpu.vector_load %arg7[%get3A_15] {strides = array<i32>} : memref<6400xi32, #tpu.memory_space<vmem>>, vector<16xi32>,
    %get3A_17 = vector.shape_cast %get3A_16 : vector<16xi32> to vector<16xi32>
    %swap3A_18 = arith.constant 32 : index
    %swap3A_19 = tpu.vector_load %arg9[%swap3A_18] {strides = array<i32>} : memref<64xi32, #tpu.memory_space<vmem>>, vector<16xi32>,
    %swap3A_20 = vector.shape_cast %swap3A_19 : vector<16xi32> to vector<16xi32>
    %swap3A_21 = vector.shape_cast %get3A_17 : vector<16xi32> to vector<16xi32>
    tpu.vector_store %arg9[%swap3A_18], %swap3A_21 {strides = array<i32>} : memref<64xi32, #tpu.memory_space<vmem>>, vector<16xi32>,
    %get3A_22 = arith.constant 48 : index
    %get3A_23 = tpu.vector_load %arg7[%get3A_22] {strides = array<i32>} : memref<6400xi32, #tpu.memory_space<vmem>>, vector<16xi32>,
    %get3A_24 = vector.shape_cast %get3A_23 : vector<16xi32> to vector<16xi32>
    %swap3A_25 = arith.constant 48 : index
    %swap3A_26 = tpu.vector_load %arg9[%swap3A_25] {strides = array<i32>} : memref<64xi32, #tpu.memory_space<vmem>>, vector<16xi32>,
    %swap3A_27 = vector.shape_cast %swap3A_26 : vector<16xi32> to vector<16xi32>
    %swap3A_28 = vector.shape_cast %get3A_24 : vector<16xi32> to vector<16xi32>
    tpu.vector_store %arg9[%swap3A_25], %swap3A_28 {strides = array<i32>} : memref<64xi32, #tpu.memory_space<vmem>>, vector<16xi32>,
    %dma_start3A = arith.constant 0 : i32
    %dma_start3A_29 = arith.constant 0 : i32
    %dma_start3A_30 = tpu.memref_slice %arg4[%dma_start3A, %dma_start3A_29] : memref<100000x128xf32, #tpu.memory_space<hbm>> -> memref<100000x128xf32, #tpu.memory_space<hbm>>
    tpu.enqueue_indirect_dma source(%dma_start3A_30 : memref<100000x128xf32, #tpu.memory_space<hbm>>) target(%arg17 : memref<64x128xf32, #tpu.memory_space<vmem>>) offsets(%arg9 : memref<64xi32, #tpu.memory_space<vmem>>) semaphore(%arg25 : memref<!tpu.dma_semaphore, #tpu.memory_space<semaphore_mem>>)
    %add3A_31 = arith.constant 0 : i32
    %add3A_32 = arith.addi %mul3A_2, %add3A_31 : i32
    %add3A_33 = arith.constant 0 : i32
    %add3A_34 = arith.addi %add3A_32, %add3A_33 : i32
    %iota3A = tpu.iota {dimensions = array<i32: 0>} : vector<16xi32>
    %add3A_35 = vector.broadcast %add3A_34 : i32 to vector<16xi32>
    %add3A_36 = arith.addi %add3A_35, %iota3A : vector<16xi32>
    %rem3A = arith.constant 200 : i32
    %rem3A_37 = vector.broadcast %rem3A : i32 to vector<16xi32>
    %rem3A_38 = arith.remsi %add3A_36, %rem3A_37 : vector<16xi32>
    %get3A_39 = arith.constant 0 : index
    %get3A_40 = tpu.vector_load %arg8[%get3A_39] {strides = array<i32>} : memref<6400xi32, #tpu.memory_space<vmem>>, vector<16xi32>,
    %get3A_41 = vector.shape_cast %get3A_40 : vector<16xi32> to vector<16xi32>
    %mul3A_42 = arith.constant 200 : i32
    %mul3A_43 = vector.broadcast %mul3A_42 : i32 to vector<16xi32>
    %mul3A_44 = arith.muli %get3A_41, %mul3A_43 : vector<16xi32>
    %add3A_45 = arith.addi %mul3A_44, %rem3A_38 : vector<16xi32>
    %swap3A_46 = arith.constant 0 : index
    %swap3A_47 = tpu.vector_load %arg13[%swap3A_46] {strides = array<i32>} : memref<64xi32, #tpu.memory_space<vmem>>, vector<16xi32>,
    %swap3A_48 = vector.shape_cast %swap3A_47 : vector<16xi32> to vector<16xi32>
    %swap3A_49 = vector.shape_cast %add3A_45 : vector<16xi32> to vector<16xi32>
    tpu.vector_store %arg13[%swap3A_46], %swap3A_49 {strides = array<i32>} : memref<64xi32, #tpu.memory_space<vmem>>, vector<16xi32>,
    %add3A_50 = arith.constant 0 : i32
    %add3A_51 = arith.addi %mul3A_2, %add3A_50 : i32
    %add3A_52 = arith.constant 16 : i32
    %add3A_53 = arith.addi %add3A_51, %add3A_52 : i32
    %iota3A_54 = tpu.iota {dimensions = array<i32: 0>} : vector<16xi32>
    %add3A_55 = vector.broadcast %add3A_53 : i32 to vector<16xi32>
    %add3A_56 = arith.addi %add3A_55, %iota3A_54 : vector<16xi32>
    %rem3A_57 = arith.constant 200 : i32
    %rem3A_58 = vector.broadcast %rem3A_57 : i32 to vector<16xi32>
    %rem3A_59 = arith.remsi %add3A_56, %rem3A_58 : vector<16xi32>
    %get3A_60 = arith.constant 16 : index
    %get3A_61 = tpu.vector_load %arg8[%get3A_60] {strides = array<i32>} : memref<6400xi32, #tpu.memory_space<vmem>>, vector<16xi32>,
    %get3A_62 = vector.shape_cast %get3A_61 : vector<16xi32> to vector<16xi32>
    %mul3A_63 = arith.constant 200 : i32
    %mul3A_64 = vector.broadcast %mul3A_63 : i32 to vector<16xi32>
    %mul3A_65 = arith.muli %get3A_62, %mul3A_64 : vector<16xi32>
    %add3A_66 = arith.addi %mul3A_65, %rem3A_59 : vector<16xi32>
    %swap3A_67 = arith.constant 16 : index
    %swap3A_68 = tpu.vector_load %arg13[%swap3A_67] {strides = array<i32>} : memref<64xi32, #tpu.memory_space<vmem>>, vector<16xi32>,
    %swap3A_69 = vector.shape_cast %swap3A_68 : vector<16xi32> to vector<16xi32>
    %swap3A_70 = vector.shape_cast %add3A_66 : vector<16xi32> to vector<16xi32>
    tpu.vector_store %arg13[%swap3A_67], %swap3A_70 {strides = array<i32>} : memref<64xi32, #tpu.memory_space<vmem>>, vector<16xi32>,
    %add3A_71 = arith.constant 0 : i32
    %add3A_72 = arith.addi %mul3A_2, %add3A_71 : i32
    %add3A_73 = arith.constant 32 : i32
    %add3A_74 = arith.addi %add3A_72, %add3A_73 : i32
    %iota3A_75 = tpu.iota {dimensions = array<i32: 0>} : vector<16xi32>
    %add3A_76 = vector.broadcast %add3A_74 : i32 to vector<16xi32>
    %add3A_77 = arith.addi %add3A_76, %iota3A_75 : vector<16xi32>
    %rem3A_78 = arith.constant 200 : i32
    %rem3A_79 = vector.broadcast %rem3A_78 : i32 to vector<16xi32>
    %rem3A_80 = arith.remsi %add3A_77, %rem3A_79 : vector<16xi32>
    %get3A_81 = arith.constant 32 : index
    %get3A_82 = tpu.vector_load %arg8[%get3A_81] {strides = array<i32>} : memref<6400xi32, #tpu.memory_space<vmem>>, vector<16xi32>,
    %get3A_83 = vector.shape_cast %get3A_82 : vector<16xi32> to vector<16xi32>
    %mul3A_84 = arith.constant 200 : i32
    %mul3A_85 = vector.broadcast %mul3A_84 : i32 to vector<16xi32>
    %mul3A_86 = arith.muli %get3A_83, %mul3A_85 : vector<16xi32>
    %add3A_87 = arith.addi %mul3A_86, %rem3A_80 : vector<16xi32>
    %swap3A_88 = arith.constant 32 : index
    %swap3A_89 = tpu.vector_load %arg13[%swap3A_88] {strides = array<i32>} : memref<64xi32, #tpu.memory_space<vmem>>, vector<16xi32>,
    %swap3A_90 = vector.shape_cast %swap3A_89 : vector<16xi32> to vector<16xi32>
    %swap3A_91 = vector.shape_cast %add3A_87 : vector<16xi32> to vector<16xi32>
    tpu.vector_store %arg13[%swap3A_88], %swap3A_91 {strides = array<i32>} : memref<64xi32, #tpu.memory_space<vmem>>, vector<16xi32>,
    %add3A_92 = arith.constant 0 : i32
    %add3A_93 = arith.addi %mul3A_2, %add3A_92 : i32
    %add3A_94 = arith.constant 48 : i32
    %add3A_95 = arith.addi %add3A_93, %add3A_94 : i32
    %iota3A_96 = tpu.iota {dimensions = array<i32: 0>} : vector<16xi32>
    %add3A_97 = vector.broadcast %add3A_95 : i32 to vector<16xi32>
    %add3A_98 = arith.addi %add3A_97, %iota3A_96 : vector<16xi32>
    %rem3A_99 = arith.constant 200 : i32
    %rem3A_100 = vector.broadcast %rem3A_99 : i32 to vector<16xi32>
    %rem3A_101 = arith.remsi %add3A_98, %rem3A_100 : vector<16xi32>
    %get3A_102 = arith.constant 48 : index
    %get3A_103 = tpu.vector_load %arg8[%get3A_102] {strides = array<i32>} : memref<6400xi32, #tpu.memory_space<vmem>>, vector<16xi32>,
    %get3A_104 = vector.shape_cast %get3A_103 : vector<16xi32> to vector<16xi32>
    %mul3A_105 = arith.constant 200 : i32
    %mul3A_106 = vector.broadcast %mul3A_105 : i32 to vector<16xi32>
    %mul3A_107 = arith.muli %get3A_104, %mul3A_106 : vector<16xi32>
    %add3A_108 = arith.addi %mul3A_107, %rem3A_101 : vector<16xi32>
    %swap3A_109 = arith.constant 48 : index
    %swap3A_110 = tpu.vector_load %arg13[%swap3A_109] {strides = array<i32>} : memref<64xi32, #tpu.memory_space<vmem>>, vector<16xi32>,
    %swap3A_111 = vector.shape_cast %swap3A_110 : vector<16xi32> to vector<16xi32>
    %swap3A_112 = vector.shape_cast %add3A_108 : vector<16xi32> to vector<16xi32>
    tpu.vector_store %arg13[%swap3A_109], %swap3A_112 {strides = array<i32>} : memref<64xi32, #tpu.memory_space<vmem>>, vector<16xi32>,
    %dma_start3A_113 = arith.constant 0 : i32
    %dma_start3A_114 = arith.constant 0 : i32
    %dma_start3A_115 = tpu.memref_slice %arg5[%dma_start3A_113, %dma_start3A_114] : memref<400x128xf32, #tpu.memory_space<hbm>> -> memref<400x128xf32, #tpu.memory_space<hbm>>
    tpu.enqueue_indirect_dma source(%dma_start3A_115 : memref<400x128xf32, #tpu.memory_space<hbm>>) target(%arg21 : memref<64x128xf32, #tpu.memory_space<vmem>>) offsets(%arg13 : memref<64xi32, #tpu.memory_space<vmem>>) semaphore(%arg25 : memref<!tpu.dma_semaphore, #tpu.memory_space<semaphore_mem>>)
    %get3A_116 = arith.constant 64 : index
    %get3A_117 = tpu.vector_load %arg7[%get3A_116] {strides = array<i32>} : memref<6400xi32, #tpu.memory_space<vmem>>, vector<16xi32>,
    %get3A_118 = vector.shape_cast %get3A_117 : vector<16xi32> to vector<16xi32>
    %swap3A_119 = arith.constant 0 : index
    %swap3A_120 = tpu.vector_load %arg10[%swap3A_119] {strides = array<i32>} : memref<64xi32, #tpu.memory_space<vmem>>, vector<16xi32>,
    %swap3A_121 = vector.shape_cast %swap3A_120 : vector<16xi32> to vector<16xi32>
    %swap3A_122 = vector.shape_cast %get3A_118 : vector<16xi32> to vector<16xi32>
    tpu.vector_store %arg10[%swap3A_119], %swap3A_122 {strides = array<i32>} : memref<64xi32, #tpu.memory_space<vmem>>, vector<16xi32>,
    %get3A_123 = arith.constant 80 : index
    %get3A_124 = tpu.vector_load %arg7[%get3A_123] {strides = array<i32>} : memref<6400xi32, #tpu.memory_space<vmem>>, vector<16xi32>,
    %get3A_125 = vector.shape_cast %get3A_124 : vector<16xi32> to vector<16xi32>
    %swap3A_126 = arith.constant 16 : index
    %swap3A_127 = tpu.vector_load %arg10[%swap3A_126] {strides = array<i32>} : memref<64xi32, #tpu.memory_space<vmem>>, vector<16xi32>,
    %swap3A_128 = vector.shape_cast %swap3A_127 : vector<16xi32> to vector<16xi32>
    %swap3A_129 = vector.shape_cast %get3A_125 : vector<16xi32> to vector<16xi32>
    tpu.vector_store %arg10[%swap3A_126], %swap3A_129 {strides = array<i32>} : memref<64xi32, #tpu.memory_space<vmem>>, vector<16xi32>,
    %get3A_130 = arith.constant 96 : index
    %get3A_131 = tpu.vector_load %arg7[%get3A_130] {strides = array<i32>} : memref<6400xi32, #tpu.memory_space<vmem>>, vector<16xi32>,
    %get3A_132 = vector.shape_cast %get3A_131 : vector<16xi32> to vector<16xi32>
    %swap3A_133 = arith.constant 32 : index
    %swap3A_134 = tpu.vector_load %arg10[%swap3A_133] {strides = array<i32>} : memref<64xi32, #tpu.memory_space<vmem>>, vector<16xi32>,
    %swap3A_135 = vector.shape_cast %swap3A_134 : vector<16xi32> to vector<16xi32>
    %swap3A_136 = vector.shape_cast %get3A_132 : vector<16xi32> to vector<16xi32>
    tpu.vector_store %arg10[%swap3A_133], %swap3A_136 {strides = array<i32>} : memref<64xi32, #tpu.memory_space<vmem>>, vector<16xi32>,
    %get3A_137 = arith.constant 112 : index
    %get3A_138 = tpu.vector_load %arg7[%get3A_137] {strides = array<i32>} : memref<6400xi32, #tpu.memory_space<vmem>>, vector<16xi32>,
    %get3A_139 = vector.shape_cast %get3A_138 : vector<16xi32> to vector<16xi32>
    %swap3A_140 = arith.constant 48 : index
    %swap3A_141 = tpu.vector_load %arg10[%swap3A_140] {strides = array<i32>} : memref<64xi32, #tpu.memory_space<vmem>>, vector<16xi32>,
    %swap3A_142 = vector.shape_cast %swap3A_141 : vector<16xi32> to vector<16xi32>
    %swap3A_143 = vector.shape_cast %get3A_139 : vector<16xi32> to vector<16xi32>
    tpu.vector_store %arg10[%swap3A_140], %swap3A_143 {strides = array<i32>} : memref<64xi32, #tpu.memory_space<vmem>>, vector<16xi32>,
    %dma_start3A_144 = arith.constant 0 : i32
    %dma_start3A_145 = arith.constant 0 : i32
    %dma_start3A_146 = tpu.memref_slice %arg4[%dma_start3A_144, %dma_start3A_145] : memref<100000x128xf32, #tpu.memory_space<hbm>> -> memref<100000x128xf32, #tpu.memory_space<hbm>>
    tpu.enqueue_indirect_dma source(%dma_start3A_146 : memref<100000x128xf32, #tpu.memory_space<hbm>>) target(%arg18 : memref<64x128xf32, #tpu.memory_space<vmem>>) offsets(%arg10 : memref<64xi32, #tpu.memory_space<vmem>>) semaphore(%arg26 : memref<!tpu.dma_semaphore, #tpu.memory_space<semaphore_mem>>)
    %add3A_147 = arith.constant 64 : i32
    %add3A_148 = arith.addi %mul3A_2, %add3A_147 : i32
    %add3A_149 = arith.constant 0 : i32
    %add3A_150 = arith.addi %add3A_148, %add3A_149 : i32
    %iota3A_151 = tpu.iota {dimensions = array<i32: 0>} : vector<16xi32>
    %add3A_152 = vector.broadcast %add3A_150 : i32 to vector<16xi32>
    %add3A_153 = arith.addi %add3A_152, %iota3A_151 : vector<16xi32>
    %rem3A_154 = arith.constant 200 : i32
    %rem3A_155 = vector.broadcast %rem3A_154 : i32 to vector<16xi32>
    %rem3A_156 = arith.remsi %add3A_153, %rem3A_155 : vector<16xi32>
    %get3A_157 = arith.constant 64 : index
    %get3A_158 = tpu.vector_load %arg8[%get3A_157] {strides = array<i32>} : memref<6400xi32, #tpu.memory_space<vmem>>, vector<16xi32>,
    %get3A_159 = vector.shape_cast %get3A_158 : vector<16xi32> to vector<16xi32>
    %mul3A_160 = arith.constant 200 : i32
    %mul3A_161 = vector.broadcast %mul3A_160 : i32 to vector<16xi32>
    %mul3A_162 = arith.muli %get3A_159, %mul3A_161 : vector<16xi32>
    %add3A_163 = arith.addi %mul3A_162, %rem3A_156 : vector<16xi32>
    %swap3A_164 = arith.constant 0 : index
    %swap3A_165 = tpu.vector_load %arg14[%swap3A_164] {strides = array<i32>} : memref<64xi32, #tpu.memory_space<vmem>>, vector<16xi32>,
    %swap3A_166 = vector.shape_cast %swap3A_165 : vector<16xi32> to vector<16xi32>
    %swap3A_167 = vector.shape_cast %add3A_163 : vector<16xi32> to vector<16xi32>
    tpu.vector_store %arg14[%swap3A_164], %swap3A_167 {strides = array<i32>} : memref<64xi32, #tpu.memory_space<vmem>>, vector<16xi32>,
    %add3A_168 = arith.constant 64 : i32
    %add3A_169 = arith.addi %mul3A_2, %add3A_168 : i32
    %add3A_170 = arith.constant 16 : i32
    %add3A_171 = arith.addi %add3A_169, %add3A_170 : i32
    %iota3A_172 = tpu.iota {dimensions = array<i32: 0>} : vector<16xi32>
    %add3A_173 = vector.broadcast %add3A_171 : i32 to vector<16xi32>
    %add3A_174 = arith.addi %add3A_173, %iota3A_172 : vector<16xi32>
    %rem3A_175 = arith.constant 200 : i32
    %rem3A_176 = vector.broadcast %rem3A_175 : i32 to vector<16xi32>
    %rem3A_177 = arith.remsi %add3A_174, %rem3A_176 : vector<16xi32>
    %get3A_178 = arith.constant 80 : index
    %get3A_179 = tpu.vector_load %arg8[%get3A_178] {strides = array<i32>} : memref<6400xi32, #tpu.memory_space<vmem>>, vector<16xi32>,
    %get3A_180 = vector.shape_cast %get3A_179 : vector<16xi32> to vector<16xi32>
    %mul3A_181 = arith.constant 200 : i32
    %mul3A_182 = vector.broadcast %mul3A_181 : i32 to vector<16xi32>
    %mul3A_183 = arith.muli %get3A_180, %mul3A_182 : vector<16xi32>
    %add3A_184 = arith.addi %mul3A_183, %rem3A_177 : vector<16xi32>
    %swap3A_185 = arith.constant 16 : index
    %swap3A_186 = tpu.vector_load %arg14[%swap3A_185] {strides = array<i32>} : memref<64xi32, #tpu.memory_space<vmem>>, vector<16xi32>,
    %swap3A_187 = vector.shape_cast %swap3A_186 : vector<16xi32> to vector<16xi32>
    %swap3A_188 = vector.shape_cast %add3A_184 : vector<16xi32> to vector<16xi32>
    tpu.vector_store %arg14[%swap3A_185], %swap3A_188 {strides = array<i32>} : memref<64xi32, #tpu.memory_space<vmem>>, vector<16xi32>,
    %add3A_189 = arith.constant 64 : i32
    %add3A_190 = arith.addi %mul3A_2, %add3A_189 : i32
    %add3A_191 = arith.constant 32 : i32
    %add3A_192 = arith.addi %add3A_190, %add3A_191 : i32
    %iota3A_193 = tpu.iota {dimensions = array<i32: 0>} : vector<16xi32>
    %add3A_194 = vector.broadcast %add3A_192 : i32 to vector<16xi32>
    %add3A_195 = arith.addi %add3A_194, %iota3A_193 : vector<16xi32>
    %rem3A_196 = arith.constant 200 : i32
    %rem3A_197 = vector.broadcast %rem3A_196 : i32 to vector<16xi32>
    %rem3A_198 = arith.remsi %add3A_195, %rem3A_197 : vector<16xi32>
    %get3A_199 = arith.constant 96 : index
    %get3A_200 = tpu.vector_load %arg8[%get3A_199] {strides = array<i32>} : memref<6400xi32, #tpu.memory_space<vmem>>, vector<16xi32>,
    %get3A_201 = vector.shape_cast %get3A_200 : vector<16xi32> to vector<16xi32>
    %mul3A_202 = arith.constant 200 : i32
    %mul3A_203 = vector.broadcast %mul3A_202 : i32 to vector<16xi32>
    %mul3A_204 = arith.muli %get3A_201, %mul3A_203 : vector<16xi32>
    %add3A_205 = arith.addi %mul3A_204, %rem3A_198 : vector<16xi32>
    %swap3A_206 = arith.constant 32 : index
    %swap3A_207 = tpu.vector_load %arg14[%swap3A_206] {strides = array<i32>} : memref<64xi32, #tpu.memory_space<vmem>>, vector<16xi32>,
    %swap3A_208 = vector.shape_cast %swap3A_207 : vector<16xi32> to vector<16xi32>
    %swap3A_209 = vector.shape_cast %add3A_205 : vector<16xi32> to vector<16xi32>
    tpu.vector_store %arg14[%swap3A_206], %swap3A_209 {strides = array<i32>} : memref<64xi32, #tpu.memory_space<vmem>>, vector<16xi32>,
    %add3A_210 = arith.constant 64 : i32
    %add3A_211 = arith.addi %mul3A_2, %add3A_210 : i32
    %add3A_212 = arith.constant 48 : i32
    %add3A_213 = arith.addi %add3A_211, %add3A_212 : i32
    %iota3A_214 = tpu.iota {dimensions = array<i32: 0>} : vector<16xi32>
    %add3A_215 = vector.broadcast %add3A_213 : i32 to vector<16xi32>
    %add3A_216 = arith.addi %add3A_215, %iota3A_214 : vector<16xi32>
    %rem3A_217 = arith.constant 200 : i32
    %rem3A_218 = vector.broadcast %rem3A_217 : i32 to vector<16xi32>
    %rem3A_219 = arith.remsi %add3A_216, %rem3A_218 : vector<16xi32>
    %get3A_220 = arith.constant 112 : index
    %get3A_221 = tpu.vector_load %arg8[%get3A_220] {strides = array<i32>} : memref<6400xi32, #tpu.memory_space<vmem>>, vector<16xi32>,
    %get3A_222 = vector.shape_cast %get3A_221 : vector<16xi32> to vector<16xi32>
    %mul3A_223 = arith.constant 200 : i32
    %mul3A_224 = vector.broadcast %mul3A_223 : i32 to vector<16xi32>
    %mul3A_225 = arith.muli %get3A_222, %mul3A_224 : vector<16xi32>
    %add3A_226 = arith.addi %mul3A_225, %rem3A_219 : vector<16xi32>
    %swap3A_227 = arith.constant 48 : index
    %swap3A_228 = tpu.vector_load %arg14[%swap3A_227] {strides = array<i32>} : memref<64xi32, #tpu.memory_space<vmem>>, vector<16xi32>,
    %swap3A_229 = vector.shape_cast %swap3A_228 : vector<16xi32> to vector<16xi32>
    %swap3A_230 = vector.shape_cast %add3A_226 : vector<16xi32> to vector<16xi32>
    tpu.vector_store %arg14[%swap3A_227], %swap3A_230 {strides = array<i32>} : memref<64xi32, #tpu.memory_space<vmem>>, vector<16xi32>,
    %dma_start3A_231 = arith.constant 0 : i32
    %dma_start3A_232 = arith.constant 0 : i32
    %dma_start3A_233 = tpu.memref_slice %arg5[%dma_start3A_231, %dma_start3A_232] : memref<400x128xf32, #tpu.memory_space<hbm>> -> memref<400x128xf32, #tpu.memory_space<hbm>>
    tpu.enqueue_indirect_dma source(%dma_start3A_233 : memref<400x128xf32, #tpu.memory_space<hbm>>) target(%arg22 : memref<64x128xf32, #tpu.memory_space<vmem>>) offsets(%arg14 : memref<64xi32, #tpu.memory_space<vmem>>) semaphore(%arg26 : memref<!tpu.dma_semaphore, #tpu.memory_space<semaphore_mem>>)
    %get3A_234 = arith.constant 128 : index
    %get3A_235 = tpu.vector_load %arg7[%get3A_234] {strides = array<i32>} : memref<6400xi32, #tpu.memory_space<vmem>>, vector<16xi32>,
    %get3A_236 = vector.shape_cast %get3A_235 : vector<16xi32> to vector<16xi32>
    %swap3A_237 = arith.constant 0 : index
    %swap3A_238 = tpu.vector_load %arg11[%swap3A_237] {strides = array<i32>} : memref<64xi32, #tpu.memory_space<vmem>>, vector<16xi32>,
    %swap3A_239 = vector.shape_cast %swap3A_238 : vector<16xi32> to vector<16xi32>
    %swap3A_240 = vector.shape_cast %get3A_236 : vector<16xi32> to vector<16xi32>
    tpu.vector_store %arg11[%swap3A_237], %swap3A_240 {strides = array<i32>} : memref<64xi32, #tpu.memory_space<vmem>>, vector<16xi32>,
    %get3A_241 = arith.constant 144 : index
    %get3A_242 = tpu.vector_load %arg7[%get3A_241] {strides = array<i32>} : memref<6400xi32, #tpu.memory_space<vmem>>, vector<16xi32>,
    %get3A_243 = vector.shape_cast %get3A_242 : vector<16xi32> to vector<16xi32>
    %swap3A_244 = arith.constant 16 : index
    %swap3A_245 = tpu.vector_load %arg11[%swap3A_244] {strides = array<i32>} : memref<64xi32, #tpu.memory_space<vmem>>, vector<16xi32>,
    %swap3A_246 = vector.shape_cast %swap3A_245 : vector<16xi32> to vector<16xi32>
    %swap3A_247 = vector.shape_cast %get3A_243 : vector<16xi32> to vector<16xi32>
    tpu.vector_store %arg11[%swap3A_244], %swap3A_247 {strides = array<i32>} : memref<64xi32, #tpu.memory_space<vmem>>, vector<16xi32>,
    %get3A_248 = arith.constant 160 : index
    %get3A_249 = tpu.vector_load %arg7[%get3A_248] {strides = array<i32>} : memref<6400xi32, #tpu.memory_space<vmem>>, vector<16xi32>,
    %get3A_250 = vector.shape_cast %get3A_249 : vector<16xi32> to vector<16xi32>
    %swap3A_251 = arith.constant 32 : index
    %swap3A_252 = tpu.vector_load %arg11[%swap3A_251] {strides = array<i32>} : memref<64xi32, #tpu.memory_space<vmem>>, vector<16xi32>,
    %swap3A_253 = vector.shape_cast %swap3A_252 : vector<16xi32> to vector<16xi32>
    %swap3A_254 = vector.shape_cast %get3A_250 : vector<16xi32> to vector<16xi32>
    tpu.vector_store %arg11[%swap3A_251], %swap3A_254 {strides = array<i32>} : memref<64xi32, #tpu.memory_space<vmem>>, vector<16xi32>,
    %get3A_255 = arith.constant 176 : index
    %get3A_256 = tpu.vector_load %arg7[%get3A_255] {strides = array<i32>} : memref<6400xi32, #tpu.memory_space<vmem>>, vector<16xi32>,
    %get3A_257 = vector.shape_cast %get3A_256 : vector<16xi32> to vector<16xi32>
    %swap3A_258 = arith.constant 48 : index
    %swap3A_259 = tpu.vector_load %arg11[%swap3A_258] {strides = array<i32>} : memref<64xi32, #tpu.memory_space<vmem>>, vector<16xi32>,
    %swap3A_260 = vector.shape_cast %swap3A_259 : vector<16xi32> to vector<16xi32>
    %swap3A_261 = vector.shape_cast %get3A_257 : vector<16xi32> to vector<16xi32>
    tpu.vector_store %arg11[%swap3A_258], %swap3A_261 {strides = array<i32>} : memref<64xi32, #tpu.memory_space<vmem>>, vector<16xi32>,
    %dma_start3A_262 = arith.constant 0 : i32
    %dma_start3A_263 = arith.constant 0 : i32
    %dma_start3A_264 = tpu.memref_slice %arg4[%dma_start3A_262, %dma_start3A_263] : memref<100000x128xf32, #tpu.memory_space<hbm>> -> memref<100000x128xf32, #tpu.memory_space<hbm>>
    tpu.enqueue_indirect_dma source(%dma_start3A_264 : memref<100000x128xf32, #tpu.memory_space<hbm>>) target(%arg19 : memref<64x128xf32, #tpu.memory_space<vmem>>) offsets(%arg11 : memref<64xi32, #tpu.memory_space<vmem>>) semaphore(%arg27 : memref<!tpu.dma_semaphore, #tpu.memory_space<semaphore_mem>>)
    %add3A_265 = arith.constant 128 : i32
    %add3A_266 = arith.addi %mul3A_2, %add3A_265 : i32
    %add3A_267 = arith.constant 0 : i32
    %add3A_268 = arith.addi %add3A_266, %add3A_267 : i32
    %iota3A_269 = tpu.iota {dimensions = array<i32: 0>} : vector<16xi32>
    %add3A_270 = vector.broadcast %add3A_268 : i32 to vector<16xi32>
    %add3A_271 = arith.addi %add3A_270, %iota3A_269 : vector<16xi32>
    %rem3A_272 = arith.constant 200 : i32
    %rem3A_273 = vector.broadcast %rem3A_272 : i32 to vector<16xi32>
    %rem3A_274 = arith.remsi %add3A_271, %rem3A_273 : vector<16xi32>
    %get3A_275 = arith.constant 128 : index
    %get3A_276 = tpu.vector_load %arg8[%get3A_275] {strides = array<i32>} : memref<6400xi32, #tpu.memory_space<vmem>>, vector<16xi32>,
    %get3A_277 = vector.shape_cast %get3A_276 : vector<16xi32> to vector<16xi32>
    %mul3A_278 = arith.constant 200 : i32
    %mul3A_279 = vector.broadcast %mul3A_278 : i32 to vector<16xi32>
    %mul3A_280 = arith.muli %get3A_277, %mul3A_279 : vector<16xi32>
    %add3A_281 = arith.addi %mul3A_280, %rem3A_274 : vector<16xi32>
    %swap3A_282 = arith.constant 0 : index
    %swap3A_283 = tpu.vector_load %arg15[%swap3A_282] {strides = array<i32>} : memref<64xi32, #tpu.memory_space<vmem>>, vector<16xi32>,
    %swap3A_284 = vector.shape_cast %swap3A_283 : vector<16xi32> to vector<16xi32>
    %swap3A_285 = vector.shape_cast %add3A_281 : vector<16xi32> to vector<16xi32>
    tpu.vector_store %arg15[%swap3A_282], %swap3A_285 {strides = array<i32>} : memref<64xi32, #tpu.memory_space<vmem>>, vector<16xi32>,
    %add3A_286 = arith.constant 128 : i32
    %add3A_287 = arith.addi %mul3A_2, %add3A_286 : i32
    %add3A_288 = arith.constant 16 : i32
    %add3A_289 = arith.addi %add3A_287, %add3A_288 : i32
    %iota3A_290 = tpu.iota {dimensions = array<i32: 0>} : vector<16xi32>
    %add3A_291 = vector.broadcast %add3A_289 : i32 to vector<16xi32>
    %add3A_292 = arith.addi %add3A_291, %iota3A_290 : vector<16xi32>
    %rem3A_293 = arith.constant 200 : i32
    %rem3A_294 = vector.broadcast %rem3A_293 : i32 to vector<16xi32>
    %rem3A_295 = arith.remsi %add3A_292, %rem3A_294 : vector<16xi32>
    %get3A_296 = arith.constant 144 : index
    %get3A_297 = tpu.vector_load %arg8[%get3A_296] {strides = array<i32>} : memref<6400xi32, #tpu.memory_space<vmem>>, vector<16xi32>,
    %get3A_298 = vector.shape_cast %get3A_297 : vector<16xi32> to vector<16xi32>
    %mul3A_299 = arith.constant 200 : i32
    %mul3A_300 = vector.broadcast %mul3A_299 : i32 to vector<16xi32>
    %mul3A_301 = arith.muli %get3A_298, %mul3A_300 : vector<16xi32>
    %add3A_302 = arith.addi %mul3A_301, %rem3A_295 : vector<16xi32>
    %swap3A_303 = arith.constant 16 : index
    %swap3A_304 = tpu.vector_load %arg15[%swap3A_303] {strides = array<i32>} : memref<64xi32, #tpu.memory_space<vmem>>, vector<16xi32>,
    %swap3A_305 = vector.shape_cast %swap3A_304 : vector<16xi32> to vector<16xi32>
    %swap3A_306 = vector.shape_cast %add3A_302 : vector<16xi32> to vector<16xi32>
    tpu.vector_store %arg15[%swap3A_303], %swap3A_306 {strides = array<i32>} : memref<64xi32, #tpu.memory_space<vmem>>, vector<16xi32>,
    %add3A_307 = arith.constant 128 : i32
    %add3A_308 = arith.addi %mul3A_2, %add3A_307 : i32
    %add3A_309 = arith.constant 32 : i32
    %add3A_310 = arith.addi %add3A_308, %add3A_309 : i32
    %iota3A_311 = tpu.iota {dimensions = array<i32: 0>} : vector<16xi32>
    %add3A_312 = vector.broadcast %add3A_310 : i32 to vector<16xi32>
    %add3A_313 = arith.addi %add3A_312, %iota3A_311 : vector<16xi32>
    %rem3A_314 = arith.constant 200 : i32
    %rem3A_315 = vector.broadcast %rem3A_314 : i32 to vector<16xi32>
    %rem3A_316 = arith.remsi %add3A_313, %rem3A_315 : vector<16xi32>
    %get3A_317 = arith.constant 160 : index
    %get3A_318 = tpu.vector_load %arg8[%get3A_317] {strides = array<i32>} : memref<6400xi32, #tpu.memory_space<vmem>>, vector<16xi32>,
    %get3A_319 = vector.shape_cast %get3A_318 : vector<16xi32> to vector<16xi32>
    %mul3A_320 = arith.constant 200 : i32
    %mul3A_321 = vector.broadcast %mul3A_320 : i32 to vector<16xi32>
    %mul3A_322 = arith.muli %get3A_319, %mul3A_321 : vector<16xi32>
    %add3A_323 = arith.addi %mul3A_322, %rem3A_316 : vector<16xi32>
    %swap3A_324 = arith.constant 32 : index
    %swap3A_325 = tpu.vector_load %arg15[%swap3A_324] {strides = array<i32>} : memref<64xi32, #tpu.memory_space<vmem>>, vector<16xi32>,
    %swap3A_326 = vector.shape_cast %swap3A_325 : vector<16xi32> to vector<16xi32>
    %swap3A_327 = vector.shape_cast %add3A_323 : vector<16xi32> to vector<16xi32>
    tpu.vector_store %arg15[%swap3A_324], %swap3A_327 {strides = array<i32>} : memref<64xi32, #tpu.memory_space<vmem>>, vector<16xi32>,
    %add3A_328 = arith.constant 128 : i32
    %add3A_329 = arith.addi %mul3A_2, %add3A_328 : i32
    %add3A_330 = arith.constant 48 : i32
    %add3A_331 = arith.addi %add3A_329, %add3A_330 : i32
    %iota3A_332 = tpu.iota {dimensions = array<i32: 0>} : vector<16xi32>
    %add3A_333 = vector.broadcast %add3A_331 : i32 to vector<16xi32>
    %add3A_334 = arith.addi %add3A_333, %iota3A_332 : vector<16xi32>
    %rem3A_335 = arith.constant 200 : i32
    %rem3A_336 = vector.broadcast %rem3A_335 : i32 to vector<16xi32>
    %rem3A_337 = arith.remsi %add3A_334, %rem3A_336 : vector<16xi32>
    %get3A_338 = arith.constant 176 : index
    %get3A_339 = tpu.vector_load %arg8[%get3A_338] {strides = array<i32>} : memref<6400xi32, #tpu.memory_space<vmem>>, vector<16xi32>,
    %get3A_340 = vector.shape_cast %get3A_339 : vector<16xi32> to vector<16xi32>
    %mul3A_341 = arith.constant 200 : i32
    %mul3A_342 = vector.broadcast %mul3A_341 : i32 to vector<16xi32>
    %mul3A_343 = arith.muli %get3A_340, %mul3A_342 : vector<16xi32>
    %add3A_344 = arith.addi %mul3A_343, %rem3A_337 : vector<16xi32>
    %swap3A_345 = arith.constant 48 : index
    %swap3A_346 = tpu.vector_load %arg15[%swap3A_345] {strides = array<i32>} : memref<64xi32, #tpu.memory_space<vmem>>, vector<16xi32>,
    %swap3A_347 = vector.shape_cast %swap3A_346 : vector<16xi32> to vector<16xi32>
    %swap3A_348 = vector.shape_cast %add3A_344 : vector<16xi32> to vector<16xi32>
    tpu.vector_store %arg15[%swap3A_345], %swap3A_348 {strides = array<i32>} : memref<64xi32, #tpu.memory_space<vmem>>, vector<16xi32>,
    %dma_start3A_349 = arith.constant 0 : i32
    %dma_start3A_350 = arith.constant 0 : i32
    %dma_start3A_351 = tpu.memref_slice %arg5[%dma_start3A_349, %dma_start3A_350] : memref<400x128xf32, #tpu.memory_space<hbm>> -> memref<400x128xf32, #tpu.memory_space<hbm>>
    tpu.enqueue_indirect_dma source(%dma_start3A_351 : memref<400x128xf32, #tpu.memory_space<hbm>>) target(%arg23 : memref<64x128xf32, #tpu.memory_space<vmem>>) offsets(%arg15 : memref<64xi32, #tpu.memory_space<vmem>>) semaphore(%arg27 : memref<!tpu.dma_semaphore, #tpu.memory_space<semaphore_mem>>)
    %get3A_352 = arith.constant 192 : index
    %get3A_353 = tpu.vector_load %arg7[%get3A_352] {strides = array<i32>} : memref<6400xi32, #tpu.memory_space<vmem>>, vector<16xi32>,
    %get3A_354 = vector.shape_cast %get3A_353 : vector<16xi32> to vector<16xi32>
    %swap3A_355 = arith.constant 0 : index
    %swap3A_356 = tpu.vector_load %arg12[%swap3A_355] {strides = array<i32>} : memref<64xi32, #tpu.memory_space<vmem>>, vector<16xi32>,
    %swap3A_357 = vector.shape_cast %swap3A_356 : vector<16xi32> to vector<16xi32>
    %swap3A_358 = vector.shape_cast %get3A_354 : vector<16xi32> to vector<16xi32>
    tpu.vector_store %arg12[%swap3A_355], %swap3A_358 {strides = array<i32>} : memref<64xi32, #tpu.memory_space<vmem>>, vector<16xi32>,
    %get3A_359 = arith.constant 208 : index
    %get3A_360 = tpu.vector_load %arg7[%get3A_359] {strides = array<i32>} : memref<6400xi32, #tpu.memory_space<vmem>>, vector<16xi32>,
    %get3A_361 = vector.shape_cast %get3A_360 : vector<16xi32> to vector<16xi32>
    %swap3A_362 = arith.constant 16 : index
    %swap3A_363 = tpu.vector_load %arg12[%swap3A_362] {strides = array<i32>} : memref<64xi32, #tpu.memory_space<vmem>>, vector<16xi32>,
    %swap3A_364 = vector.shape_cast %swap3A_363 : vector<16xi32> to vector<16xi32>
    %swap3A_365 = vector.shape_cast %get3A_361 : vector<16xi32> to vector<16xi32>
    tpu.vector_store %arg12[%swap3A_362], %swap3A_365 {strides = array<i32>} : memref<64xi32, #tpu.memory_space<vmem>>, vector<16xi32>,
    %get3A_366 = arith.constant 224 : index
    %get3A_367 = tpu.vector_load %arg7[%get3A_366] {strides = array<i32>} : memref<6400xi32, #tpu.memory_space<vmem>>, vector<16xi32>,
    %get3A_368 = vector.shape_cast %get3A_367 : vector<16xi32> to vector<16xi32>
    %swap3A_369 = arith.constant 32 : index
    %swap3A_370 = tpu.vector_load %arg12[%swap3A_369] {strides = array<i32>} : memref<64xi32, #tpu.memory_space<vmem>>, vector<16xi32>,
    %swap3A_371 = vector.shape_cast %swap3A_370 : vector<16xi32> to vector<16xi32>
    %swap3A_372 = vector.shape_cast %get3A_368 : vector<16xi32> to vector<16xi32>
    tpu.vector_store %arg12[%swap3A_369], %swap3A_372 {strides = array<i32>} : memref<64xi32, #tpu.memory_space<vmem>>, vector<16xi32>,
    %get3A_373 = arith.constant 240 : index
    %get3A_374 = tpu.vector_load %arg7[%get3A_373] {strides = array<i32>} : memref<6400xi32, #tpu.memory_space<vmem>>, vector<16xi32>,
    %get3A_375 = vector.shape_cast %get3A_374 : vector<16xi32> to vector<16xi32>
    %swap3A_376 = arith.constant 48 : index
    %swap3A_377 = tpu.vector_load %arg12[%swap3A_376] {strides = array<i32>} : memref<64xi32, #tpu.memory_space<vmem>>, vector<16xi32>,
    %swap3A_378 = vector.shape_cast %swap3A_377 : vector<16xi32> to vector<16xi32>
    %swap3A_379 = vector.shape_cast %get3A_375 : vector<16xi32> to vector<16xi32>
    tpu.vector_store %arg12[%swap3A_376], %swap3A_379 {strides = array<i32>} : memref<64xi32, #tpu.memory_space<vmem>>, vector<16xi32>,
    %dma_start3A_380 = arith.constant 0 : i32
    %dma_start3A_381 = arith.constant 0 : i32
    %dma_start3A_382 = tpu.memref_slice %arg4[%dma_start3A_380, %dma_start3A_381] : memref<100000x128xf32, #tpu.memory_space<hbm>> -> memref<100000x128xf32, #tpu.memory_space<hbm>>
    tpu.enqueue_indirect_dma source(%dma_start3A_382 : memref<100000x128xf32, #tpu.memory_space<hbm>>) target(%arg20 : memref<64x128xf32, #tpu.memory_space<vmem>>) offsets(%arg12 : memref<64xi32, #tpu.memory_space<vmem>>) semaphore(%arg28 : memref<!tpu.dma_semaphore, #tpu.memory_space<semaphore_mem>>)
    %add3A_383 = arith.constant 192 : i32
    %add3A_384 = arith.addi %mul3A_2, %add3A_383 : i32
    %add3A_385 = arith.constant 0 : i32
    %add3A_386 = arith.addi %add3A_384, %add3A_385 : i32
    %iota3A_387 = tpu.iota {dimensions = array<i32: 0>} : vector<16xi32>
    %add3A_388 = vector.broadcast %add3A_386 : i32 to vector<16xi32>
    %add3A_389 = arith.addi %add3A_388, %iota3A_387 : vector<16xi32>
    %rem3A_390 = arith.constant 200 : i32
    %rem3A_391 = vector.broadcast %rem3A_390 : i32 to vector<16xi32>
    %rem3A_392 = arith.remsi %add3A_389, %rem3A_391 : vector<16xi32>
    %get3A_393 = arith.constant 192 : index
    %get3A_394 = tpu.vector_load %arg8[%get3A_393] {strides = array<i32>} : memref<6400xi32, #tpu.memory_space<vmem>>, vector<16xi32>,
    %get3A_395 = vector.shape_cast %get3A_394 : vector<16xi32> to vector<16xi32>
    %mul3A_396 = arith.constant 200 : i32
    %mul3A_397 = vector.broadcast %mul3A_396 : i32 to vector<16xi32>
    %mul3A_398 = arith.muli %get3A_395, %mul3A_397 : vector<16xi32>
    %add3A_399 = arith.addi %mul3A_398, %rem3A_392 : vector<16xi32>
    %swap3A_400 = arith.constant 0 : index
    %swap3A_401 = tpu.vector_load %arg16[%swap3A_400] {strides = array<i32>} : memref<64xi32, #tpu.memory_space<vmem>>, vector<16xi32>,
    %swap3A_402 = vector.shape_cast %swap3A_401 : vector<16xi32> to vector<16xi32>
    %swap3A_403 = vector.shape_cast %add3A_399 : vector<16xi32> to vector<16xi32>
    tpu.vector_store %arg16[%swap3A_400], %swap3A_403 {strides = array<i32>} : memref<64xi32, #tpu.memory_space<vmem>>, vector<16xi32>,
    %add3A_404 = arith.constant 192 : i32
    %add3A_405 = arith.addi %mul3A_2, %add3A_404 : i32
    %add3A_406 = arith.constant 16 : i32
    %add3A_407 = arith.addi %add3A_405, %add3A_406 : i32
    %iota3A_408 = tpu.iota {dimensions = array<i32: 0>} : vector<16xi32>
    %add3A_409 = vector.broadcast %add3A_407 : i32 to vector<16xi32>
    %add3A_410 = arith.addi %add3A_409, %iota3A_408 : vector<16xi32>
    %rem3A_411 = arith.constant 200 : i32
    %rem3A_412 = vector.broadcast %rem3A_411 : i32 to vector<16xi32>
    %rem3A_413 = arith.remsi %add3A_410, %rem3A_412 : vector<16xi32>
    %get3A_414 = arith.constant 208 : index
    %get3A_415 = tpu.vector_load %arg8[%get3A_414] {strides = array<i32>} : memref<6400xi32, #tpu.memory_space<vmem>>, vector<16xi32>,
    %get3A_416 = vector.shape_cast %get3A_415 : vector<16xi32> to vector<16xi32>
    %mul3A_417 = arith.constant 200 : i32
    %mul3A_418 = vector.broadcast %mul3A_417 : i32 to vector<16xi32>
    %mul3A_419 = arith.muli %get3A_416, %mul3A_418 : vector<16xi32>
    %add3A_420 = arith.addi %mul3A_419, %rem3A_413 : vector<16xi32>
    %swap3A_421 = arith.constant 16 : index
    %swap3A_422 = tpu.vector_load %arg16[%swap3A_421] {strides = array<i32>} : memref<64xi32, #tpu.memory_space<vmem>>, vector<16xi32>,
    %swap3A_423 = vector.shape_cast %swap3A_422 : vector<16xi32> to vector<16xi32>
    %swap3A_424 = vector.shape_cast %add3A_420 : vector<16xi32> to vector<16xi32>
    tpu.vector_store %arg16[%swap3A_421], %swap3A_424 {strides = array<i32>} : memref<64xi32, #tpu.memory_space<vmem>>, vector<16xi32>,
    %add3A_425 = arith.constant 192 : i32
    %add3A_426 = arith.addi %mul3A_2, %add3A_425 : i32
    %add3A_427 = arith.constant 32 : i32
    %add3A_428 = arith.addi %add3A_426, %add3A_427 : i32
    %iota3A_429 = tpu.iota {dimensions = array<i32: 0>} : vector<16xi32>
    %add3A_430 = vector.broadcast %add3A_428 : i32 to vector<16xi32>
    %add3A_431 = arith.addi %add3A_430, %iota3A_429 : vector<16xi32>
    %rem3A_432 = arith.constant 200 : i32
    %rem3A_433 = vector.broadcast %rem3A_432 : i32 to vector<16xi32>
    %rem3A_434 = arith.remsi %add3A_431, %rem3A_433 : vector<16xi32>
    %get3A_435 = arith.constant 224 : index
    %get3A_436 = tpu.vector_load %arg8[%get3A_435] {strides = array<i32>} : memref<6400xi32, #tpu.memory_space<vmem>>, vector<16xi32>,
    %get3A_437 = vector.shape_cast %get3A_436 : vector<16xi32> to vector<16xi32>
    %mul3A_438 = arith.constant 200 : i32
    %mul3A_439 = vector.broadcast %mul3A_438 : i32 to vector<16xi32>
    %mul3A_440 = arith.muli %get3A_437, %mul3A_439 : vector<16xi32>
    %add3A_441 = arith.addi %mul3A_440, %rem3A_434 : vector<16xi32>
    %swap3A_442 = arith.constant 32 : index
    %swap3A_443 = tpu.vector_load %arg16[%swap3A_442] {strides = array<i32>} : memref<64xi32, #tpu.memory_space<vmem>>, vector<16xi32>,
    %swap3A_444 = vector.shape_cast %swap3A_443 : vector<16xi32> to vector<16xi32>
    %swap3A_445 = vector.shape_cast %add3A_441 : vector<16xi32> to vector<16xi32>
    tpu.vector_store %arg16[%swap3A_442], %swap3A_445 {strides = array<i32>} : memref<64xi32, #tpu.memory_space<vmem>>, vector<16xi32>,
    %add3A_446 = arith.constant 192 : i32
    %add3A_447 = arith.addi %mul3A_2, %add3A_446 : i32
    %add3A_448 = arith.constant 48 : i32
    %add3A_449 = arith.addi %add3A_447, %add3A_448 : i32
    %iota3A_450 = tpu.iota {dimensions = array<i32: 0>} : vector<16xi32>
    %add3A_451 = vector.broadcast %add3A_449 : i32 to vector<16xi32>
    %add3A_452 = arith.addi %add3A_451, %iota3A_450 : vector<16xi32>
    %rem3A_453 = arith.constant 200 : i32
    %rem3A_454 = vector.broadcast %rem3A_453 : i32 to vector<16xi32>
    %rem3A_455 = arith.remsi %add3A_452, %rem3A_454 : vector<16xi32>
    %get3A_456 = arith.constant 240 : index
    %get3A_457 = tpu.vector_load %arg8[%get3A_456] {strides = array<i32>} : memref<6400xi32, #tpu.memory_space<vmem>>, vector<16xi32>,
    %get3A_458 = vector.shape_cast %get3A_457 : vector<16xi32> to vector<16xi32>
    %mul3A_459 = arith.constant 200 : i32
    %mul3A_460 = vector.broadcast %mul3A_459 : i32 to vector<16xi32>
    %mul3A_461 = arith.muli %get3A_458, %mul3A_460 : vector<16xi32>
    %add3A_462 = arith.addi %mul3A_461, %rem3A_455 : vector<16xi32>
    %swap3A_463 = arith.constant 48 : index
    %swap3A_464 = tpu.vector_load %arg16[%swap3A_463] {strides = array<i32>} : memref<64xi32, #tpu.memory_space<vmem>>, vector<16xi32>,
    %swap3A_465 = vector.shape_cast %swap3A_464 : vector<16xi32> to vector<16xi32>
    %swap3A_466 = vector.shape_cast %add3A_462 : vector<16xi32> to vector<16xi32>
    tpu.vector_store %arg16[%swap3A_463], %swap3A_466 {strides = array<i32>} : memref<64xi32, #tpu.memory_space<vmem>>, vector<16xi32>,
    %dma_start3A_467 = arith.constant 0 : i32
    %dma_start3A_468 = arith.constant 0 : i32
    %dma_start3A_469 = tpu.memref_slice %arg5[%dma_start3A_467, %dma_start3A_468] : memref<400x128xf32, #tpu.memory_space<hbm>> -> memref<400x128xf32, #tpu.memory_space<hbm>>
    tpu.enqueue_indirect_dma source(%dma_start3A_469 : memref<400x128xf32, #tpu.memory_space<hbm>>) target(%arg24 : memref<64x128xf32, #tpu.memory_space<vmem>>) offsets(%arg16 : memref<64xi32, #tpu.memory_space<vmem>>) semaphore(%arg28 : memref<!tpu.dma_semaphore, #tpu.memory_space<semaphore_mem>>)
    %scan3A = arith.constant 0 : i32
    %scan3A_470 = arith.constant 0 : i32
    %scan3A_471 = arith.constant 24 : i32
    %scan3A_472 = arith.addi %scan3A_470, %scan3A_471 : i32
    %scan3A_473 = arith.constant 1 : i32
    scf.for %scan3A_570 = %scan3A_470 to %scan3A_472 step %scan3A_473  : i32 {
      %mul3A_571 = arith.constant 4 : i32
      %mul3A_572 = arith.muli %mul3A_571, %scan3A_570 : i32
      %dma_wait3A_573 = arith.constant 0 : i32
      %dma_wait3A_574 = arith.constant 0 : i32
      %dma_wait3A_575 = tpu.memref_slice %arg4[%dma_wait3A_573, %dma_wait3A_574] : memref<100000x128xf32, #tpu.memory_space<hbm>> -> memref<100000x128xf32, #tpu.memory_space<hbm>>
      tpu.wait_indirect_dma semaphore(%arg25 : memref<!tpu.dma_semaphore, #tpu.memory_space<semaphore_mem>>) src(%dma_wait3A_575 : memref<100000x128xf32, #tpu.memory_space<hbm>>) dst(%arg17 : memref<64x128xf32, #tpu.memory_space<vmem>>)
      %dma_wait3A_576 = arith.constant 0 : i32
      %dma_wait3A_577 = arith.constant 0 : i32
      %dma_wait3A_578 = tpu.memref_slice %arg5[%dma_wait3A_576, %dma_wait3A_577] : memref<400x128xf32, #tpu.memory_space<hbm>> -> memref<400x128xf32, #tpu.memory_space<hbm>>
      tpu.wait_indirect_dma semaphore(%arg25 : memref<!tpu.dma_semaphore, #tpu.memory_space<semaphore_mem>>) src(%dma_wait3A_578 : memref<400x128xf32, #tpu.memory_space<hbm>>) dst(%arg21 : memref<64x128xf32, #tpu.memory_space<vmem>>)
      %scan3A_579 = arith.constant 0 : i32
      %scan3A_580 = arith.constant 0 : i32
      %scan3A_581 = arith.constant 16 : i32
      %scan3A_582 = arith.addi %scan3A_580, %scan3A_581 : i32
      %scan3A_583 = arith.constant 1 : i32
      scf.for %scan3A_1225 = %scan3A_580 to %scan3A_582 step %scan3A_583  : i32 {
        %mul3A_1226 = arith.constant 4 : i32
        %mul3A_1227 = arith.muli %scan3A_1225, %mul3A_1226 : i32
        %add3A_1228 = arith.constant 0 : i32
        %add3A_1229 = arith.addi %mul3A_1227, %add3A_1228 : i32
        %get3A_1230 = arith.index_cast %add3A_1229 : i32 to index
        %get3A_1231 = arith.constant 0 : index
        %get3A_1232 = tpu.vector_load %arg21[%get3A_1230, %get3A_1231] {strides = array<i32>} : memref<64x128xf32, #tpu.memory_space<vmem>>, vector<1x16xf32>,
        %get3A_1233 = vector.shape_cast %get3A_1232 : vector<1x16xf32> to vector<16xf32>
        %swap3A_1234 = arith.index_cast %add3A_1229 : i32 to index
        %swap3A_1235 = arith.constant 0 : index
        %swap3A_1236 = tpu.vector_load %arg17[%swap3A_1234, %swap3A_1235] {strides = array<i32>} : memref<64x128xf32, #tpu.memory_space<vmem>>, vector<1x16xf32>,
        %swap3A_1237 = vector.shape_cast %swap3A_1236 : vector<1x16xf32> to vector<16xf32>
        %swap3A_1238 = vector.shape_cast %get3A_1233 : vector<16xf32> to vector<1x16xf32>
        tpu.vector_store %arg17[%swap3A_1234, %swap3A_1235], %swap3A_1238 {add = true, strides = array<i32>} : memref<64x128xf32, #tpu.memory_space<vmem>>, vector<1x16xf32>,
        %get3A_1239 = arith.index_cast %add3A_1229 : i32 to index
        %get3A_1240 = arith.constant 16 : index
        %get3A_1241 = tpu.vector_load %arg21[%get3A_1239, %get3A_1240] {strides = array<i32>} : memref<64x128xf32, #tpu.memory_space<vmem>>, vector<1x16xf32>,
        %get3A_1242 = vector.shape_cast %get3A_1241 : vector<1x16xf32> to vector<16xf32>
        %swap3A_1243 = arith.index_cast %add3A_1229 : i32 to index
        %swap3A_1244 = arith.constant 16 : index
        %swap3A_1245 = tpu.vector_load %arg17[%swap3A_1243, %swap3A_1244] {strides = array<i32>} : memref<64x128xf32, #tpu.memory_space<vmem>>, vector<1x16xf32>,
        %swap3A_1246 = vector.shape_cast %swap3A_1245 : vector<1x16xf32> to vector<16xf32>
        %swap3A_1247 = vector.shape_cast %get3A_1242 : vector<16xf32> to vector<1x16xf32>
        tpu.vector_store %arg17[%swap3A_1243, %swap3A_1244], %swap3A_1247 {add = true, strides = array<i32>} : memref<64x128xf32, #tpu.memory_space<vmem>>, vector<1x16xf32>,
        %get3A_1248 = arith.index_cast %add3A_1229 : i32 to index
        %get3A_1249 = arith.constant 32 : index
        %get3A_1250 = tpu.vector_load %arg21[%get3A_1248, %get3A_1249] {strides = array<i32>} : memref<64x128xf32, #tpu.memory_space<vmem>>, vector<1x16xf32>,
        %get3A_1251 = vector.shape_cast %get3A_1250 : vector<1x16xf32> to vector<16xf32>
        %swap3A_1252 = arith.index_cast %add3A_1229 : i32 to index
        %swap3A_1253 = arith.constant 32 : index
        %swap3A_1254 = tpu.vector_load %arg17[%swap3A_1252, %swap3A_1253] {strides = array<i32>} : memref<64x128xf32, #tpu.memory_space<vmem>>, vector<1x16xf32>,
        %swap3A_1255 = vector.shape_cast %swap3A_1254 : vector<1x16xf32> to vector<16xf32>
        %swap3A_1256 = vector.shape_cast %get3A_1251 : vector<16xf32> to vector<1x16xf32>
        tpu.vector_store %arg17[%swap3A_1252, %swap3A_1253], %swap3A_1256 {add = true, strides = array<i32>} : memref<64x128xf32, #tpu.memory_space<vmem>>, vector<1x16xf32>,
        %get3A_1257 = arith.index_cast %add3A_1229 : i32 to index
        %get3A_1258 = arith.constant 48 : index
        %get3A_1259 = tpu.vector_load %arg21[%get3A_1257, %get3A_1258] {strides = array<i32>} : memref<64x128xf32, #tpu.memory_space<vmem>>, vector<1x16xf32>,
        %get3A_1260 = vector.shape_cast %get3A_1259 : vector<1x16xf32> to vector<16xf32>
        %swap3A_1261 = arith.index_cast %add3A_1229 : i32 to index
        %swap3A_1262 = arith.constant 48 : index
        %swap3A_1263 = tpu.vector_load %arg17[%swap3A_1261, %swap3A_1262] {strides = array<i32>} : memref<64x128xf32, #tpu.memory_space<vmem>>, vector<1x16xf32>,
        %swap3A_1264 = vector.shape_cast %swap3A_1263 : vector<1x16xf32> to vector<16xf32>
        %swap3A_1265 = vector.shape_cast %get3A_1260 : vector<16xf32> to vector<1x16xf32>
        tpu.vector_store %arg17[%swap3A_1261, %swap3A_1262], %swap3A_1265 {add = true, strides = array<i32>} : memref<64x128xf32, #tpu.memory_space<vmem>>, vector<1x16xf32>,
        %get3A_1266 = arith.index_cast %add3A_1229 : i32 to index
        %get3A_1267 = arith.constant 64 : index
        %get3A_1268 = tpu.vector_load %arg21[%get3A_1266, %get3A_1267] {strides = array<i32>} : memref<64x128xf32, #tpu.memory_space<vmem>>, vector<1x16xf32>,
        %get3A_1269 = vector.shape_cast %get3A_1268 : vector<1x16xf32> to vector<16xf32>
        %swap3A_1270 = arith.index_cast %add3A_1229 : i32 to index
        %swap3A_1271 = arith.constant 64 : index
        %swap3A_1272 = tpu.vector_load %arg17[%swap3A_1270, %swap3A_1271] {strides = array<i32>} : memref<64x128xf32, #tpu.memory_space<vmem>>, vector<1x16xf32>,
        %swap3A_1273 = vector.shape_cast %swap3A_1272 : vector<1x16xf32> to vector<16xf32>
        %swap3A_1274 = vector.shape_cast %get3A_1269 : vector<16xf32> to vector<1x16xf32>
        tpu.vector_store %arg17[%swap3A_1270, %swap3A_1271], %swap3A_1274 {add = true, strides = array<i32>} : memref<64x128xf32, #tpu.memory_space<vmem>>, vector<1x16xf32>,
        %get3A_1275 = arith.index_cast %add3A_1229 : i32 to index
        %get3A_1276 = arith.constant 80 : index
        %get3A_1277 = tpu.vector_load %arg21[%get3A_1275, %get3A_1276] {strides = array<i32>} : memref<64x128xf32, #tpu.memory_space<vmem>>, vector<1x16xf32>,
        %get3A_1278 = vector.shape_cast %get3A_1277 : vector<1x16xf32> to vector<16xf32>
        %swap3A_1279 = arith.index_cast %add3A_1229 : i32 to index
        %swap3A_1280 = arith.constant 80 : index
        %swap3A_1281 = tpu.vector_load %arg17[%swap3A_1279, %swap3A_1280] {strides = array<i32>} : memref<64x128xf32, #tpu.memory_space<vmem>>, vector<1x16xf32>,
        %swap3A_1282 = vector.shape_cast %swap3A_1281 : vector<1x16xf32> to vector<16xf32>
        %swap3A_1283 = vector.shape_cast %get3A_1278 : vector<16xf32> to vector<1x16xf32>
        tpu.vector_store %arg17[%swap3A_1279, %swap3A_1280], %swap3A_1283 {add = true, strides = array<i32>} : memref<64x128xf32, #tpu.memory_space<vmem>>, vector<1x16xf32>,
        %get3A_1284 = arith.index_cast %add3A_1229 : i32 to index
        %get3A_1285 = arith.constant 96 : index
        %get3A_1286 = tpu.vector_load %arg21[%get3A_1284, %get3A_1285] {strides = array<i32>} : memref<64x128xf32, #tpu.memory_space<vmem>>, vector<1x16xf32>,
        %get3A_1287 = vector.shape_cast %get3A_1286 : vector<1x16xf32> to vector<16xf32>
        %swap3A_1288 = arith.index_cast %add3A_1229 : i32 to index
        %swap3A_1289 = arith.constant 96 : index
        %swap3A_1290 = tpu.vector_load %arg17[%swap3A_1288, %swap3A_1289] {strides = array<i32>} : memref<64x128xf32, #tpu.memory_space<vmem>>, vector<1x16xf32>,
        %swap3A_1291 = vector.shape_cast %swap3A_1290 : vector<1x16xf32> to vector<16xf32>
        %swap3A_1292 = vector.shape_cast %get3A_1287 : vector<16xf32> to vector<1x16xf32>
        tpu.vector_store %arg17[%swap3A_1288, %swap3A_1289], %swap3A_1292 {add = true, strides = array<i32>} : memref<64x128xf32, #tpu.memory_space<vmem>>, vector<1x16xf32>,
        %get3A_1293 = arith.index_cast %add3A_1229 : i32 to index
        %get3A_1294 = arith.constant 112 : index
        %get3A_1295 = tpu.vector_load %arg21[%get3A_1293, %get3A_1294] {strides = array<i32>} : memref<64x128xf32, #tpu.memory_space<vmem>>, vector<1x16xf32>,
        %get3A_1296 = vector.shape_cast %get3A_1295 : vector<1x16xf32> to vector<16xf32>
        %swap3A_1297 = arith.index_cast %add3A_1229 : i32 to index
        %swap3A_1298 = arith.constant 112 : index
        %swap3A_1299 = tpu.vector_load %arg17[%swap3A_1297, %swap3A_1298] {strides = array<i32>} : memref<64x128xf32, #tpu.memory_space<vmem>>, vector<1x16xf32>,
        %swap3A_1300 = vector.shape_cast %swap3A_1299 : vector<1x16xf32> to vector<16xf32>
        %swap3A_1301 = vector.shape_cast %get3A_1296 : vector<16xf32> to vector<1x16xf32>
        tpu.vector_store %arg17[%swap3A_1297, %swap3A_1298], %swap3A_1301 {add = true, strides = array<i32>} : memref<64x128xf32, #tpu.memory_space<vmem>>, vector<1x16xf32>,
        %mul3A_1302 = arith.constant 4 : i32
        %mul3A_1303 = arith.muli %scan3A_1225, %mul3A_1302 : i32
        %add3A_1304 = arith.constant 1 : i32
        %add3A_1305 = arith.addi %mul3A_1303, %add3A_1304 : i32
        %get3A_1306 = arith.index_cast %add3A_1305 : i32 to index
        %get3A_1307 = arith.constant 0 : index
        %get3A_1308 = tpu.vector_load %arg21[%get3A_1306, %get3A_1307] {strides = array<i32>} : memref<64x128xf32, #tpu.memory_space<vmem>>, vector<1x16xf32>,
        %get3A_1309 = vector.shape_cast %get3A_1308 : vector<1x16xf32> to vector<16xf32>
        %swap3A_1310 = arith.index_cast %add3A_1305 : i32 to index
        %swap3A_1311 = arith.constant 0 : index
        %swap3A_1312 = tpu.vector_load %arg17[%swap3A_1310, %swap3A_1311] {strides = array<i32>} : memref<64x128xf32, #tpu.memory_space<vmem>>, vector<1x16xf32>,
        %swap3A_1313 = vector.shape_cast %swap3A_1312 : vector<1x16xf32> to vector<16xf32>
        %swap3A_1314 = vector.shape_cast %get3A_1309 : vector<16xf32> to vector<1x16xf32>
        tpu.vector_store %arg17[%swap3A_1310, %swap3A_1311], %swap3A_1314 {add = true, strides = array<i32>} : memref<64x128xf32, #tpu.memory_space<vmem>>, vector<1x16xf32>,
        %get3A_1315 = arith.index_cast %add3A_1305 : i32 to index
        %get3A_1316 = arith.constant 16 : index
        %get3A_1317 = tpu.vector_load %arg21[%get3A_1315, %get3A_1316] {strides = array<i32>} : memref<64x128xf32, #tpu.memory_space<vmem>>, vector<1x16xf32>,
        %get3A_1318 = vector.shape_cast %get3A_1317 : vector<1x16xf32> to vector<16xf32>
        %swap3A_1319 = arith.index_cast %add3A_1305 : i32 to index
        %swap3A_1320 = arith.constant 16 : index
        %swap3A_1321 = tpu.vector_load %arg17[%swap3A_1319, %swap3A_1320] {strides = array<i32>} : memref<64x128xf32, #tpu.memory_space<vmem>>, vector<1x16xf32>,
        %swap3A_1322 = vector.shape_cast %swap3A_1321 : vector<1x16xf32> to vector<16xf32>
        %swap3A_1323 = vector.shape_cast %get3A_1318 : vector<16xf32> to vector<1x16xf32>
        tpu.vector_store %arg17[%swap3A_1319, %swap3A_1320], %swap3A_1323 {add = true, strides = array<i32>} : memref<64x128xf32, #tpu.memory_space<vmem>>, vector<1x16xf32>,
        %get3A_1324 = arith.index_cast %add3A_1305 : i32 to index
        %get3A_1325 = arith.constant 32 : index
        %get3A_1326 = tpu.vector_load %arg21[%get3A_1324, %get3A_1325] {strides = array<i32>} : memref<64x128xf32, #tpu.memory_space<vmem>>, vector<1x16xf32>,
        %get3A_1327 = vector.shape_cast %get3A_1326 : vector<1x16xf32> to vector<16xf32>
        %swap3A_1328 = arith.index_cast %add3A_1305 : i32 to index
        %swap3A_1329 = arith.constant 32 : index
        %swap3A_1330 = tpu.vector_load %arg17[%swap3A_1328, %swap3A_1329] {strides = array<i32>} : memref<64x128xf32, #tpu.memory_space<vmem>>, vector<1x16xf32>,
        %swap3A_1331 = vector.shape_cast %swap3A_1330 : vector<1x16xf32> to vector<16xf32>
        %swap3A_1332 = vector.shape_cast %get3A_1327 : vector<16xf32> to vector<1x16xf32>
        tpu.vector_store %arg17[%swap3A_1328, %swap3A_1329], %swap3A_1332 {add = true, strides = array<i32>} : memref<64x128xf32, #tpu.memory_space<vmem>>, vector<1x16xf32>,
        %get3A_1333 = arith.index_cast %add3A_1305 : i32 to index
        %get3A_1334 = arith.constant 48 : index
        %get3A_1335 = tpu.vector_load %arg21[%get3A_1333, %get3A_1334] {strides = array<i32>} : memref<64x128xf32, #tpu.memory_space<vmem>>, vector<1x16xf32>,
        %get3A_1336 = vector.shape_cast %get3A_1335 : vector<1x16xf32> to vector<16xf32>
        %swap3A_1337 = arith.index_cast %add3A_1305 : i32 to index
        %swap3A_1338 = arith.constant 48 : index
        %swap3A_1339 = tpu.vector_load %arg17[%swap3A_1337, %swap3A_1338] {strides = array<i32>} : memref<64x128xf32, #tpu.memory_space<vmem>>, vector<1x16xf32>,
        %swap3A_1340 = vector.shape_cast %swap3A_1339 : vector<1x16xf32> to vector<16xf32>
        %swap3A_1341 = vector.shape_cast %get3A_1336 : vector<16xf32> to vector<1x16xf32>
        tpu.vector_store %arg17[%swap3A_1337, %swap3A_1338], %swap3A_1341 {add = true, strides = array<i32>} : memref<64x128xf32, #tpu.memory_space<vmem>>, vector<1x16xf32>,
        %get3A_1342 = arith.index_cast %add3A_1305 : i32 to index
        %get3A_1343 = arith.constant 64 : index
        %get3A_1344 = tpu.vector_load %arg21[%get3A_1342, %get3A_1343] {strides = array<i32>} : memref<64x128xf32, #tpu.memory_space<vmem>>, vector<1x16xf32>,
        %get3A_1345 = vector.shape_cast %get3A_1344 : vector<1x16xf32> to vector<16xf32>
        %swap3A_1346 = arith.index_cast %add3A_1305 : i32 to index
        %swap3A_1347 = arith.constant 64 : index
        %swap3A_1348 = tpu.vector_load %arg17[%swap3A_1346, %swap3A_1347] {strides = array<i32>} : memref<64x128xf32, #tpu.memory_space<vmem>>, vector<1x16xf32>,
        %swap3A_1349 = vector.shape_cast %swap3A_1348 : vector<1x16xf32> to vector<16xf32>
        %swap3A_1350 = vector.shape_cast %get3A_1345 : vector<16xf32> to vector<1x16xf32>
        tpu.vector_store %arg17[%swap3A_1346, %swap3A_1347], %swap3A_1350 {add = true, strides = array<i32>} : memref<64x128xf32, #tpu.memory_space<vmem>>, vector<1x16xf32>,
        %get3A_1351 = arith.index_cast %add3A_1305 : i32 to index
        %get3A_1352 = arith.constant 80 : index
        %get3A_1353 = tpu.vector_load %arg21[%get3A_1351, %get3A_1352] {strides = array<i32>} : memref<64x128xf32, #tpu.memory_space<vmem>>, vector<1x16xf32>,
        %get3A_1354 = vector.shape_cast %get3A_1353 : vector<1x16xf32> to vector<16xf32>
        %swap3A_1355 = arith.index_cast %add3A_1305 : i32 to index
        %swap3A_1356 = arith.constant 80 : index
        %swap3A_1357 = tpu.vector_load %arg17[%swap3A_1355, %swap3A_1356] {strides = array<i32>} : memref<64x128xf32, #tpu.memory_space<vmem>>, vector<1x16xf32>,
        %swap3A_1358 = vector.shape_cast %swap3A_1357 : vector<1x16xf32> to vector<16xf32>
        %swap3A_1359 = vector.shape_cast %get3A_1354 : vector<16xf32> to vector<1x16xf32>
        tpu.vector_store %arg17[%swap3A_1355, %swap3A_1356], %swap3A_1359 {add = true, strides = array<i32>} : memref<64x128xf32, #tpu.memory_space<vmem>>, vector<1x16xf32>,
        %get3A_1360 = arith.index_cast %add3A_1305 : i32 to index
        %get3A_1361 = arith.constant 96 : index
        %get3A_1362 = tpu.vector_load %arg21[%get3A_1360, %get3A_1361] {strides = array<i32>} : memref<64x128xf32, #tpu.memory_space<vmem>>, vector<1x16xf32>,
        %get3A_1363 = vector.shape_cast %get3A_1362 : vector<1x16xf32> to vector<16xf32>
        %swap3A_1364 = arith.index_cast %add3A_1305 : i32 to index
        %swap3A_1365 = arith.constant 96 : index
        %swap3A_1366 = tpu.vector_load %arg17[%swap3A_1364, %swap3A_1365] {strides = array<i32>} : memref<64x128xf32, #tpu.memory_space<vmem>>, vector<1x16xf32>,
        %swap3A_1367 = vector.shape_cast %swap3A_1366 : vector<1x16xf32> to vector<16xf32>
        %swap3A_1368 = vector.shape_cast %get3A_1363 : vector<16xf32> to vector<1x16xf32>
        tpu.vector_store %arg17[%swap3A_1364, %swap3A_1365], %swap3A_1368 {add = true, strides = array<i32>} : memref<64x128xf32, #tpu.memory_space<vmem>>, vector<1x16xf32>,
        %get3A_1369 = arith.index_cast %add3A_1305 : i32 to index
        %get3A_1370 = arith.constant 112 : index
        %get3A_1371 = tpu.vector_load %arg21[%get3A_1369, %get3A_1370] {strides = array<i32>} : memref<64x128xf32, #tpu.memory_space<vmem>>, vector<1x16xf32>,
        %get3A_1372 = vector.shape_cast %get3A_1371 : vector<1x16xf32> to vector<16xf32>
        %swap3A_1373 = arith.index_cast %add3A_1305 : i32 to index
        %swap3A_1374 = arith.constant 112 : index
        %swap3A_1375 = tpu.vector_load %arg17[%swap3A_1373, %swap3A_1374] {strides = array<i32>} : memref<64x128xf32, #tpu.memory_space<vmem>>, vector<1x16xf32>,
        %swap3A_1376 = vector.shape_cast %swap3A_1375 : vector<1x16xf32> to vector<16xf32>
        %swap3A_1377 = vector.shape_cast %get3A_1372 : vector<16xf32> to vector<1x16xf32>
        tpu.vector_store %arg17[%swap3A_1373, %swap3A_1374], %swap3A_1377 {add = true, strides = array<i32>} : memref<64x128xf32, #tpu.memory_space<vmem>>, vector<1x16xf32>,
        %mul3A_1378 = arith.constant 4 : i32
        %mul3A_1379 = arith.muli %scan3A_1225, %mul3A_1378 : i32
        %add3A_1380 = arith.constant 2 : i32
        %add3A_1381 = arith.addi %mul3A_1379, %add3A_1380 : i32
        %get3A_1382 = arith.index_cast %add3A_1381 : i32 to index
        %get3A_1383 = arith.constant 0 : index
        %get3A_1384 = tpu.vector_load %arg21[%get3A_1382, %get3A_1383] {strides = array<i32>} : memref<64x128xf32, #tpu.memory_space<vmem>>, vector<1x16xf32>,
        %get3A_1385 = vector.shape_cast %get3A_1384 : vector<1x16xf32> to vector<16xf32>
        %swap3A_1386 = arith.index_cast %add3A_1381 : i32 to index
        %swap3A_1387 = arith.constant 0 : index
        %swap3A_1388 = tpu.vector_load %arg17[%swap3A_1386, %swap3A_1387] {strides = array<i32>} : memref<64x128xf32, #tpu.memory_space<vmem>>, vector<1x16xf32>,
        %swap3A_1389 = vector.shape_cast %swap3A_1388 : vector<1x16xf32> to vector<16xf32>
        %swap3A_1390 = vector.shape_cast %get3A_1385 : vector<16xf32> to vector<1x16xf32>
        tpu.vector_store %arg17[%swap3A_1386, %swap3A_1387], %swap3A_1390 {add = true, strides = array<i32>} : memref<64x128xf32, #tpu.memory_space<vmem>>, vector<1x16xf32>,
        %get3A_1391 = arith.index_cast %add3A_1381 : i32 to index
        %get3A_1392 = arith.constant 16 : index
        %get3A_1393 = tpu.vector_load %arg21[%get3A_1391, %get3A_1392] {strides = array<i32>} : memref<64x128xf32, #tpu.memory_space<vmem>>, vector<1x16xf32>,
        %get3A_1394 = vector.shape_cast %get3A_1393 : vector<1x16xf32> to vector<16xf32>
        %swap3A_1395 = arith.index_cast %add3A_1381 : i32 to index
        %swap3A_1396 = arith.constant 16 : index
        %swap3A_1397 = tpu.vector_load %arg17[%swap3A_1395, %swap3A_1396] {strides = array<i32>} : memref<64x128xf32, #tpu.memory_space<vmem>>, vector<1x16xf32>,
        %swap3A_1398 = vector.shape_cast %swap3A_1397 : vector<1x16xf32> to vector<16xf32>
        %swap3A_1399 = vector.shape_cast %get3A_1394 : vector<16xf32> to vector<1x16xf32>
        tpu.vector_store %arg17[%swap3A_1395, %swap3A_1396], %swap3A_1399 {add = true, strides = array<i32>} : memref<64x128xf32, #tpu.memory_space<vmem>>, vector<1x16xf32>,
        %get3A_1400 = arith.index_cast %add3A_1381 : i32 to index
        %get3A_1401 = arith.constant 32 : index
        %get3A_1402 = tpu.vector_load %arg21[%get3A_1400, %get3A_1401] {strides = array<i32>} : memref<64x128xf32, #tpu.memory_space<vmem>>, vector<1x16xf32>,
        %get3A_1403 = vector.shape_cast %get3A_1402 : vector<1x16xf32> to vector<16xf32>
        %swap3A_1404 = arith.index_cast %add3A_1381 : i32 to index
        %swap3A_1405 = arith.constant 32 : index
        %swap3A_1406 = tpu.vector_load %arg17[%swap3A_1404, %swap3A_1405] {strides = array<i32>} : memref<64x128xf32, #tpu.memory_space<vmem>>, vector<1x16xf32>,
        %swap3A_1407 = vector.shape_cast %swap3A_1406 : vector<1x16xf32> to vector<16xf32>
        %swap3A_1408 = vector.shape_cast %get3A_1403 : vector<16xf32> to vector<1x16xf32>
        tpu.vector_store %arg17[%swap3A_1404, %swap3A_1405], %swap3A_1408 {add = true, strides = array<i32>} : memref<64x128xf32, #tpu.memory_space<vmem>>, vector<1x16xf32>,
        %get3A_1409 = arith.index_cast %add3A_1381 : i32 to index
        %get3A_1410 = arith.constant 48 : index
        %get3A_1411 = tpu.vector_load %arg21[%get3A_1409, %get3A_1410] {strides = array<i32>} : memref<64x128xf32, #tpu.memory_space<vmem>>, vector<1x16xf32>,
        %get3A_1412 = vector.shape_cast %get3A_1411 : vector<1x16xf32> to vector<16xf32>
        %swap3A_1413 = arith.index_cast %add3A_1381 : i32 to index
        %swap3A_1414 = arith.constant 48 : index
        %swap3A_1415 = tpu.vector_load %arg17[%swap3A_1413, %swap3A_1414] {strides = array<i32>} : memref<64x128xf32, #tpu.memory_space<vmem>>, vector<1x16xf32>,
        %swap3A_1416 = vector.shape_cast %swap3A_1415 : vector<1x16xf32> to vector<16xf32>
        %swap3A_1417 = vector.shape_cast %get3A_1412 : vector<16xf32> to vector<1x16xf32>
        tpu.vector_store %arg17[%swap3A_1413, %swap3A_1414], %swap3A_1417 {add = true, strides = array<i32>} : memref<64x128xf32, #tpu.memory_space<vmem>>, vector<1x16xf32>,
        %get3A_1418 = arith.index_cast %add3A_1381 : i32 to index
        %get3A_1419 = arith.constant 64 : index
        %get3A_1420 = tpu.vector_load %arg21[%get3A_1418, %get3A_1419] {strides = array<i32>} : memref<64x128xf32, #tpu.memory_space<vmem>>, vector<1x16xf32>,
        %get3A_1421 = vector.shape_cast %get3A_1420 : vector<1x16xf32> to vector<16xf32>
        %swap3A_1422 = arith.index_cast %add3A_1381 : i32 to index
        %swap3A_1423 = arith.constant 64 : index
        %swap3A_1424 = tpu.vector_load %arg17[%swap3A_1422, %swap3A_1423] {strides = array<i32>} : memref<64x128xf32, #tpu.memory_space<vmem>>, vector<1x16xf32>,
        %swap3A_1425 = vector.shape_cast %swap3A_1424 : vector<1x16xf32> to vector<16xf32>
        %swap3A_1426 = vector.shape_cast %get3A_1421 : vector<16xf32> to vector<1x16xf32>
        tpu.vector_store %arg17[%swap3A_1422, %swap3A_1423], %swap3A_1426 {add = true, strides = array<i32>} : memref<64x128xf32, #tpu.memory_space<vmem>>, vector<1x16xf32>,
        %get3A_1427 = arith.index_cast %add3A_1381 : i32 to index
        %get3A_1428 = arith.constant 80 : index
        %get3A_1429 = tpu.vector_load %arg21[%get3A_1427, %get3A_1428] {strides = array<i32>} : memref<64x128xf32, #tpu.memory_space<vmem>>, vector<1x16xf32>,
        %get3A_1430 = vector.shape_cast %get3A_1429 : vector<1x16xf32> to vector<16xf32>
        %swap3A_1431 = arith.index_cast %add3A_1381 : i32 to index
        %swap3A_1432 = arith.constant 80 : index
        %swap3A_1433 = tpu.vector_load %arg17[%swap3A_1431, %swap3A_1432] {strides = array<i32>} : memref<64x128xf32, #tpu.memory_space<vmem>>, vector<1x16xf32>,
        %swap3A_1434 = vector.shape_cast %swap3A_1433 : vector<1x16xf32> to vector<16xf32>
        %swap3A_1435 = vector.shape_cast %get3A_1430 : vector<16xf32> to vector<1x16xf32>
        tpu.vector_store %arg17[%swap3A_1431, %swap3A_1432], %swap3A_1435 {add = true, strides = array<i32>} : memref<64x128xf32, #tpu.memory_space<vmem>>, vector<1x16xf32>,
        %get3A_1436 = arith.index_cast %add3A_1381 : i32 to index
        %get3A_1437 = arith.constant 96 : index
        %get3A_1438 = tpu.vector_load %arg21[%get3A_1436, %get3A_1437] {strides = array<i32>} : memref<64x128xf32, #tpu.memory_space<vmem>>, vector<1x16xf32>,
        %get3A_1439 = vector.shape_cast %get3A_1438 : vector<1x16xf32> to vector<16xf32>
        %swap3A_1440 = arith.index_cast %add3A_1381 : i32 to index
        %swap3A_1441 = arith.constant 96 : index
        %swap3A_1442 = tpu.vector_load %arg17[%swap3A_1440, %swap3A_1441] {strides = array<i32>} : memref<64x128xf32, #tpu.memory_space<vmem>>, vector<1x16xf32>,
        %swap3A_1443 = vector.shape_cast %swap3A_1442 : vector<1x16xf32> to vector<16xf32>
        %swap3A_1444 = vector.shape_cast %get3A_1439 : vector<16xf32> to vector<1x16xf32>
        tpu.vector_store %arg17[%swap3A_1440, %swap3A_1441], %swap3A_1444 {add = true, strides = array<i32>} : memref<64x128xf32, #tpu.memory_space<vmem>>, vector<1x16xf32>,
        %get3A_1445 = arith.index_cast %add3A_1381 : i32 to index
        %get3A_1446 = arith.constant 112 : index
        %get3A_1447 = tpu.vector_load %arg21[%get3A_1445, %get3A_1446] {strides = array<i32>} : memref<64x128xf32, #tpu.memory_space<vmem>>, vector<1x16xf32>,
        %get3A_1448 = vector.shape_cast %get3A_1447 : vector<1x16xf32> to vector<16xf32>
        %swap3A_1449 = arith.index_cast %add3A_1381 : i32 to index
        %swap3A_1450 = arith.constant 112 : index
        %swap3A_1451 = tpu.vector_load %arg17[%swap3A_1449, %swap3A_1450] {strides = array<i32>} : memref<64x128xf32, #tpu.memory_space<vmem>>, vector<1x16xf32>,
        %swap3A_1452 = vector.shape_cast %swap3A_1451 : vector<1x16xf32> to vector<16xf32>
        %swap3A_1453 = vector.shape_cast %get3A_1448 : vector<16xf32> to vector<1x16xf32>
        tpu.vector_store %arg17[%swap3A_1449, %swap3A_1450], %swap3A_1453 {add = true, strides = array<i32>} : memref<64x128xf32, #tpu.memory_space<vmem>>, vector<1x16xf32>,
        %mul3A_1454 = arith.constant 4 : i32
        %mul3A_1455 = arith.muli %scan3A_1225, %mul3A_1454 : i32
        %add3A_1456 = arith.constant 3 : i32
        %add3A_1457 = arith.addi %mul3A_1455, %add3A_1456 : i32
        %get3A_1458 = arith.index_cast %add3A_1457 : i32 to index
        %get3A_1459 = arith.constant 0 : index
        %get3A_1460 = tpu.vector_load %arg21[%get3A_1458, %get3A_1459] {strides = array<i32>} : memref<64x128xf32, #tpu.memory_space<vmem>>, vector<1x16xf32>,
        %get3A_1461 = vector.shape_cast %get3A_1460 : vector<1x16xf32> to vector<16xf32>
        %swap3A_1462 = arith.index_cast %add3A_1457 : i32 to index
        %swap3A_1463 = arith.constant 0 : index
        %swap3A_1464 = tpu.vector_load %arg17[%swap3A_1462, %swap3A_1463] {strides = array<i32>} : memref<64x128xf32, #tpu.memory_space<vmem>>, vector<1x16xf32>,
        %swap3A_1465 = vector.shape_cast %swap3A_1464 : vector<1x16xf32> to vector<16xf32>
        %swap3A_1466 = vector.shape_cast %get3A_1461 : vector<16xf32> to vector<1x16xf32>
        tpu.vector_store %arg17[%swap3A_1462, %swap3A_1463], %swap3A_1466 {add = true, strides = array<i32>} : memref<64x128xf32, #tpu.memory_space<vmem>>, vector<1x16xf32>,
        %get3A_1467 = arith.index_cast %add3A_1457 : i32 to index
        %get3A_1468 = arith.constant 16 : index
        %get3A_1469 = tpu.vector_load %arg21[%get3A_1467, %get3A_1468] {strides = array<i32>} : memref<64x128xf32, #tpu.memory_space<vmem>>, vector<1x16xf32>,
        %get3A_1470 = vector.shape_cast %get3A_1469 : vector<1x16xf32> to vector<16xf32>
        %swap3A_1471 = arith.index_cast %add3A_1457 : i32 to index
        %swap3A_1472 = arith.constant 16 : index
        %swap3A_1473 = tpu.vector_load %arg17[%swap3A_1471, %swap3A_1472] {strides = array<i32>} : memref<64x128xf32, #tpu.memory_space<vmem>>, vector<1x16xf32>,
        %swap3A_1474 = vector.shape_cast %swap3A_1473 : vector<1x16xf32> to vector<16xf32>
        %swap3A_1475 = vector.shape_cast %get3A_1470 : vector<16xf32> to vector<1x16xf32>
        tpu.vector_store %arg17[%swap3A_1471, %swap3A_1472], %swap3A_1475 {add = true, strides = array<i32>} : memref<64x128xf32, #tpu.memory_space<vmem>>, vector<1x16xf32>,
        %get3A_1476 = arith.index_cast %add3A_1457 : i32 to index
        %get3A_1477 = arith.constant 32 : index
        %get3A_1478 = tpu.vector_load %arg21[%get3A_1476, %get3A_1477] {strides = array<i32>} : memref<64x128xf32, #tpu.memory_space<vmem>>, vector<1x16xf32>,
        %get3A_1479 = vector.shape_cast %get3A_1478 : vector<1x16xf32> to vector<16xf32>
        %swap3A_1480 = arith.index_cast %add3A_1457 : i32 to index
        %swap3A_1481 = arith.constant 32 : index
        %swap3A_1482 = tpu.vector_load %arg17[%swap3A_1480, %swap3A_1481] {strides = array<i32>} : memref<64x128xf32, #tpu.memory_space<vmem>>, vector<1x16xf32>,
        %swap3A_1483 = vector.shape_cast %swap3A_1482 : vector<1x16xf32> to vector<16xf32>
        %swap3A_1484 = vector.shape_cast %get3A_1479 : vector<16xf32> to vector<1x16xf32>
        tpu.vector_store %arg17[%swap3A_1480, %swap3A_1481], %swap3A_1484 {add = true, strides = array<i32>} : memref<64x128xf32, #tpu.memory_space<vmem>>, vector<1x16xf32>,
        %get3A_1485 = arith.index_cast %add3A_1457 : i32 to index
        %get3A_1486 = arith.constant 48 : index
        %get3A_1487 = tpu.vector_load %arg21[%get3A_1485, %get3A_1486] {strides = array<i32>} : memref<64x128xf32, #tpu.memory_space<vmem>>, vector<1x16xf32>,
        %get3A_1488 = vector.shape_cast %get3A_1487 : vector<1x16xf32> to vector<16xf32>
        %swap3A_1489 = arith.index_cast %add3A_1457 : i32 to index
        %swap3A_1490 = arith.constant 48 : index
        %swap3A_1491 = tpu.vector_load %arg17[%swap3A_1489, %swap3A_1490] {strides = array<i32>} : memref<64x128xf32, #tpu.memory_space<vmem>>, vector<1x16xf32>,
        %swap3A_1492 = vector.shape_cast %swap3A_1491 : vector<1x16xf32> to vector<16xf32>
        %swap3A_1493 = vector.shape_cast %get3A_1488 : vector<16xf32> to vector<1x16xf32>
        tpu.vector_store %arg17[%swap3A_1489, %swap3A_1490], %swap3A_1493 {add = true, strides = array<i32>} : memref<64x128xf32, #tpu.memory_space<vmem>>, vector<1x16xf32>,
        %get3A_1494 = arith.index_cast %add3A_1457 : i32 to index
        %get3A_1495 = arith.constant 64 : index
        %get3A_1496 = tpu.vector_load %arg21[%get3A_1494, %get3A_1495] {strides = array<i32>} : memref<64x128xf32, #tpu.memory_space<vmem>>, vector<1x16xf32>,
        %get3A_1497 = vector.shape_cast %get3A_1496 : vector<1x16xf32> to vector<16xf32>
        %swap3A_1498 = arith.index_cast %add3A_1457 : i32 to index
        %swap3A_1499 = arith.constant 64 : index
        %swap3A_1500 = tpu.vector_load %arg17[%swap3A_1498, %swap3A_1499] {strides = array<i32>} : memref<64x128xf32, #tpu.memory_space<vmem>>, vector<1x16xf32>,
        %swap3A_1501 = vector.shape_cast %swap3A_1500 : vector<1x16xf32> to vector<16xf32>
        %swap3A_1502 = vector.shape_cast %get3A_1497 : vector<16xf32> to vector<1x16xf32>
        tpu.vector_store %arg17[%swap3A_1498, %swap3A_1499], %swap3A_1502 {add = true, strides = array<i32>} : memref<64x128xf32, #tpu.memory_space<vmem>>, vector<1x16xf32>,
        %get3A_1503 = arith.index_cast %add3A_1457 : i32 to index
        %get3A_1504 = arith.constant 80 : index
        %get3A_1505 = tpu.vector_load %arg21[%get3A_1503, %get3A_1504] {strides = array<i32>} : memref<64x128xf32, #tpu.memory_space<vmem>>, vector<1x16xf32>,
        %get3A_1506 = vector.shape_cast %get3A_1505 : vector<1x16xf32> to vector<16xf32>
        %swap3A_1507 = arith.index_cast %add3A_1457 : i32 to index
        %swap3A_1508 = arith.constant 80 : index
        %swap3A_1509 = tpu.vector_load %arg17[%swap3A_1507, %swap3A_1508] {strides = array<i32>} : memref<64x128xf32, #tpu.memory_space<vmem>>, vector<1x16xf32>,
        %swap3A_1510 = vector.shape_cast %swap3A_1509 : vector<1x16xf32> to vector<16xf32>
        %swap3A_1511 = vector.shape_cast %get3A_1506 : vector<16xf32> to vector<1x16xf32>
        tpu.vector_store %arg17[%swap3A_1507, %swap3A_1508], %swap3A_1511 {add = true, strides = array<i32>} : memref<64x128xf32, #tpu.memory_space<vmem>>, vector<1x16xf32>,
        %get3A_1512 = arith.index_cast %add3A_1457 : i32 to index
        %get3A_1513 = arith.constant 96 : index
        %get3A_1514 = tpu.vector_load %arg21[%get3A_1512, %get3A_1513] {strides = array<i32>} : memref<64x128xf32, #tpu.memory_space<vmem>>, vector<1x16xf32>,
        %get3A_1515 = vector.shape_cast %get3A_1514 : vector<1x16xf32> to vector<16xf32>
        %swap3A_1516 = arith.index_cast %add3A_1457 : i32 to index
        %swap3A_1517 = arith.constant 96 : index
        %swap3A_1518 = tpu.vector_load %arg17[%swap3A_1516, %swap3A_1517] {strides = array<i32>} : memref<64x128xf32, #tpu.memory_space<vmem>>, vector<1x16xf32>,
        %swap3A_1519 = vector.shape_cast %swap3A_1518 : vector<1x16xf32> to vector<16xf32>
        %swap3A_1520 = vector.shape_cast %get3A_1515 : vector<16xf32> to vector<1x16xf32>
        tpu.vector_store %arg17[%swap3A_1516, %swap3A_1517], %swap3A_1520 {add = true, strides = array<i32>} : memref<64x128xf32, #tpu.memory_space<vmem>>, vector<1x16xf32>,
        %get3A_1521 = arith.index_cast %add3A_1457 : i32 to index
        %get3A_1522 = arith.constant 112 : index
        %get3A_1523 = tpu.vector_load %arg21[%get3A_1521, %get3A_1522] {strides = array<i32>} : memref<64x128xf32, #tpu.memory_space<vmem>>, vector<1x16xf32>,
        %get3A_1524 = vector.shape_cast %get3A_1523 : vector<1x16xf32> to vector<16xf32>
        %swap3A_1525 = arith.index_cast %add3A_1457 : i32 to index
        %swap3A_1526 = arith.constant 112 : index
        %swap3A_1527 = tpu.vector_load %arg17[%swap3A_1525, %swap3A_1526] {strides = array<i32>} : memref<64x128xf32, #tpu.memory_space<vmem>>, vector<1x16xf32>,
        %swap3A_1528 = vector.shape_cast %swap3A_1527 : vector<1x16xf32> to vector<16xf32>
        %swap3A_1529 = vector.shape_cast %get3A_1524 : vector<16xf32> to vector<1x16xf32>
        tpu.vector_store %arg17[%swap3A_1525, %swap3A_1526], %swap3A_1529 {add = true, strides = array<i32>} : memref<64x128xf32, #tpu.memory_space<vmem>>, vector<1x16xf32>,
      }
      %scan3A_584 = arith.constant 16 : i32
      %add3A_585 = arith.constant 0 : i32
      %add3A_586 = arith.addi %mul3A_572, %add3A_585 : i32
      %mul3A_587 = arith.constant 64 : i32
      %mul3A_588 = arith.muli %add3A_586, %mul3A_587 : i32
      %add3A_589 = arith.addi %mul3A_2, %mul3A_588 : i32
      %dma_start3A_590 = arith.constant 0 : i32
      %dma_start3A_591 = tpu.memref_slice %arg6[%add3A_589, %dma_start3A_590] : memref<204800x128xf32, #tpu.memory_space<hbm>> -> memref<64x128xf32, #tpu.memory_space<hbm>>
      %dma_start3A_592 = arith.constant 0 : i32
      %dma_start3A_593 = tpu.memref_slice %arg6[%add3A_589, %dma_start3A_592] : memref<204800x128xf32, #tpu.memory_space<hbm>> -> memref<64x128xf32, #tpu.memory_space<hbm>>
      tpu.enqueue_dma source(%arg17 : memref<64x128xf32, #tpu.memory_space<vmem>>) target(%dma_start3A_593 : memref<64x128xf32, #tpu.memory_space<hbm>>) target_semaphore(%arg29 : memref<!tpu.dma_semaphore, #tpu.memory_space<semaphore_mem>>)
      %dma_wait3A_594 = arith.constant 0 : i32
      %dma_wait3A_595 = arith.constant 0 : i32
      %dma_wait3A_596 = tpu.memref_slice %arg4[%dma_wait3A_594, %dma_wait3A_595] : memref<100000x128xf32, #tpu.memory_space<hbm>> -> memref<100000x128xf32, #tpu.memory_space<hbm>>
      tpu.wait_indirect_dma semaphore(%arg26 : memref<!tpu.dma_semaphore, #tpu.memory_space<semaphore_mem>>) src(%dma_wait3A_596 : memref<100000x128xf32, #tpu.memory_space<hbm>>) dst(%arg18 : memref<64x128xf32, #tpu.memory_space<vmem>>)
      %dma_wait3A_597 = arith.constant 0 : i32
      %dma_wait3A_598 = arith.constant 0 : i32
      %dma_wait3A_599 = tpu.memref_slice %arg5[%dma_wait3A_597, %dma_wait3A_598] : memref<400x128xf32, #tpu.memory_space<hbm>> -> memref<400x128xf32, #tpu.memory_space<hbm>>
      tpu.wait_indirect_dma semaphore(%arg26 : memref<!tpu.dma_semaphore, #tpu.memory_space<semaphore_mem>>) src(%dma_wait3A_599 : memref<400x128xf32, #tpu.memory_space<hbm>>) dst(%arg22 : memref<64x128xf32, #tpu.memory_space<vmem>>)
      %scan3A_600 = arith.constant 0 : i32
      %scan3A_601 = arith.constant 0 : i32
      %scan3A_602 = arith.constant 16 : i32
      %scan3A_603 = arith.addi %scan3A_601, %scan3A_602 : i32
      %scan3A_604 = arith.constant 1 : i32
      scf.for %scan3A_1225 = %scan3A_601 to %scan3A_603 step %scan3A_604  : i32 {
        %mul3A_1226 = arith.constant 4 : i32
        %mul3A_1227 = arith.muli %scan3A_1225, %mul3A_1226 : i32
        %add3A_1228 = arith.constant 0 : i32
        %add3A_1229 = arith.addi %mul3A_1227, %add3A_1228 : i32
        %get3A_1230 = arith.index_cast %add3A_1229 : i32 to index
        %get3A_1231 = arith.constant 0 : index
        %get3A_1232 = tpu.vector_load %arg22[%get3A_1230, %get3A_1231] {strides = array<i32>} : memref<64x128xf32, #tpu.memory_space<vmem>>, vector<1x16xf32>,
        %get3A_1233 = vector.shape_cast %get3A_1232 : vector<1x16xf32> to vector<16xf32>
        %swap3A_1234 = arith.index_cast %add3A_1229 : i32 to index
        %swap3A_1235 = arith.constant 0 : index
        %swap3A_1236 = tpu.vector_load %arg18[%swap3A_1234, %swap3A_1235] {strides = array<i32>} : memref<64x128xf32, #tpu.memory_space<vmem>>, vector<1x16xf32>,
        %swap3A_1237 = vector.shape_cast %swap3A_1236 : vector<1x16xf32> to vector<16xf32>
        %swap3A_1238 = vector.shape_cast %get3A_1233 : vector<16xf32> to vector<1x16xf32>
        tpu.vector_store %arg18[%swap3A_1234, %swap3A_1235], %swap3A_1238 {add = true, strides = array<i32>} : memref<64x128xf32, #tpu.memory_space<vmem>>, vector<1x16xf32>,
        %get3A_1239 = arith.index_cast %add3A_1229 : i32 to index
        %get3A_1240 = arith.constant 16 : index
        %get3A_1241 = tpu.vector_load %arg22[%get3A_1239, %get3A_1240] {strides = array<i32>} : memref<64x128xf32, #tpu.memory_space<vmem>>, vector<1x16xf32>,
        %get3A_1242 = vector.shape_cast %get3A_1241 : vector<1x16xf32> to vector<16xf32>
        %swap3A_1243 = arith.index_cast %add3A_1229 : i32 to index
        %swap3A_1244 = arith.constant 16 : index
        %swap3A_1245 = tpu.vector_load %arg18[%swap3A_1243, %swap3A_1244] {strides = array<i32>} : memref<64x128xf32, #tpu.memory_space<vmem>>, vector<1x16xf32>,
        %swap3A_1246 = vector.shape_cast %swap3A_1245 : vector<1x16xf32> to vector<16xf32>
        %swap3A_1247 = vector.shape_cast %get3A_1242 : vector<16xf32> to vector<1x16xf32>
        tpu.vector_store %arg18[%swap3A_1243, %swap3A_1244], %swap3A_1247 {add = true, strides = array<i32>} : memref<64x128xf32, #tpu.memory_space<vmem>>, vector<1x16xf32>,
        %get3A_1248 = arith.index_cast %add3A_1229 : i32 to index
        %get3A_1249 = arith.constant 32 : index
        %get3A_1250 = tpu.vector_load %arg22[%get3A_1248, %get3A_1249] {strides = array<i32>} : memref<64x128xf32, #tpu.memory_space<vmem>>, vector<1x16xf32>,
        %get3A_1251 = vector.shape_cast %get3A_1250 : vector<1x16xf32> to vector<16xf32>
        %swap3A_1252 = arith.index_cast %add3A_1229 : i32 to index
        %swap3A_1253 = arith.constant 32 : index
        %swap3A_1254 = tpu.vector_load %arg18[%swap3A_1252, %swap3A_1253] {strides = array<i32>} : memref<64x128xf32, #tpu.memory_space<vmem>>, vector<1x16xf32>,
        %swap3A_1255 = vector.shape_cast %swap3A_1254 : vector<1x16xf32> to vector<16xf32>
        %swap3A_1256 = vector.shape_cast %get3A_1251 : vector<16xf32> to vector<1x16xf32>
        tpu.vector_store %arg18[%swap3A_1252, %swap3A_1253], %swap3A_1256 {add = true, strides = array<i32>} : memref<64x128xf32, #tpu.memory_space<vmem>>, vector<1x16xf32>,
        %get3A_1257 = arith.index_cast %add3A_1229 : i32 to index
        %get3A_1258 = arith.constant 48 : index
        %get3A_1259 = tpu.vector_load %arg22[%get3A_1257, %get3A_1258] {strides = array<i32>} : memref<64x128xf32, #tpu.memory_space<vmem>>, vector<1x16xf32>,
        %get3A_1260 = vector.shape_cast %get3A_1259 : vector<1x16xf32> to vector<16xf32>
        %swap3A_1261 = arith.index_cast %add3A_1229 : i32 to index
        %swap3A_1262 = arith.constant 48 : index
        %swap3A_1263 = tpu.vector_load %arg18[%swap3A_1261, %swap3A_1262] {strides = array<i32>} : memref<64x128xf32, #tpu.memory_space<vmem>>, vector<1x16xf32>,
        %swap3A_1264 = vector.shape_cast %swap3A_1263 : vector<1x16xf32> to vector<16xf32>
        %swap3A_1265 = vector.shape_cast %get3A_1260 : vector<16xf32> to vector<1x16xf32>
        tpu.vector_store %arg18[%swap3A_1261, %swap3A_1262], %swap3A_1265 {add = true, strides = array<i32>} : memref<64x128xf32, #tpu.memory_space<vmem>>, vector<1x16xf32>,
        %get3A_1266 = arith.index_cast %add3A_1229 : i32 to index
        %get3A_1267 = arith.constant 64 : index
        %get3A_1268 = tpu.vector_load %arg22[%get3A_1266, %get3A_1267] {strides = array<i32>} : memref<64x128xf32, #tpu.memory_space<vmem>>, vector<1x16xf32>,
        %get3A_1269 = vector.shape_cast %get3A_1268 : vector<1x16xf32> to vector<16xf32>
        %swap3A_1270 = arith.index_cast %add3A_1229 : i32 to index
        %swap3A_1271 = arith.constant 64 : index
        %swap3A_1272 = tpu.vector_load %arg18[%swap3A_1270, %swap3A_1271] {strides = array<i32>} : memref<64x128xf32, #tpu.memory_space<vmem>>, vector<1x16xf32>,
        %swap3A_1273 = vector.shape_cast %swap3A_1272 : vector<1x16xf32> to vector<16xf32>
        %swap3A_1274 = vector.shape_cast %get3A_1269 : vector<16xf32> to vector<1x16xf32>
        tpu.vector_store %arg18[%swap3A_1270, %swap3A_1271], %swap3A_1274 {add = true, strides = array<i32>} : memref<64x128xf32, #tpu.memory_space<vmem>>, vector<1x16xf32>,
        %get3A_1275 = arith.index_cast %add3A_1229 : i32 to index
        %get3A_1276 = arith.constant 80 : index
        %get3A_1277 = tpu.vector_load %arg22[%get3A_1275, %get3A_1276] {strides = array<i32>} : memref<64x128xf32, #tpu.memory_space<vmem>>, vector<1x16xf32>,
        %get3A_1278 = vector.shape_cast %get3A_1277 : vector<1x16xf32> to vector<16xf32>
        %swap3A_1279 = arith.index_cast %add3A_1229 : i32 to index
        %swap3A_1280 = arith.constant 80 : index
        %swap3A_1281 = tpu.vector_load %arg18[%swap3A_1279, %swap3A_1280] {strides = array<i32>} : memref<64x128xf32, #tpu.memory_space<vmem>>, vector<1x16xf32>,
        %swap3A_1282 = vector.shape_cast %swap3A_1281 : vector<1x16xf32> to vector<16xf32>
        %swap3A_1283 = vector.shape_cast %get3A_1278 : vector<16xf32> to vector<1x16xf32>
        tpu.vector_store %arg18[%swap3A_1279, %swap3A_1280], %swap3A_1283 {add = true, strides = array<i32>} : memref<64x128xf32, #tpu.memory_space<vmem>>, vector<1x16xf32>,
        %get3A_1284 = arith.index_cast %add3A_1229 : i32 to index
        %get3A_1285 = arith.constant 96 : index
        %get3A_1286 = tpu.vector_load %arg22[%get3A_1284, %get3A_1285] {strides = array<i32>} : memref<64x128xf32, #tpu.memory_space<vmem>>, vector<1x16xf32>,
        %get3A_1287 = vector.shape_cast %get3A_1286 : vector<1x16xf32> to vector<16xf32>
        %swap3A_1288 = arith.index_cast %add3A_1229 : i32 to index
        %swap3A_1289 = arith.constant 96 : index
        %swap3A_1290 = tpu.vector_load %arg18[%swap3A_1288, %swap3A_1289] {strides = array<i32>} : memref<64x128xf32, #tpu.memory_space<vmem>>, vector<1x16xf32>,
        %swap3A_1291 = vector.shape_cast %swap3A_1290 : vector<1x16xf32> to vector<16xf32>
        %swap3A_1292 = vector.shape_cast %get3A_1287 : vector<16xf32> to vector<1x16xf32>
        tpu.vector_store %arg18[%swap3A_1288, %swap3A_1289], %swap3A_1292 {add = true, strides = array<i32>} : memref<64x128xf32, #tpu.memory_space<vmem>>, vector<1x16xf32>,
        %get3A_1293 = arith.index_cast %add3A_1229 : i32 to index
        %get3A_1294 = arith.constant 112 : index
        %get3A_1295 = tpu.vector_load %arg22[%get3A_1293, %get3A_1294] {strides = array<i32>} : memref<64x128xf32, #tpu.memory_space<vmem>>, vector<1x16xf32>,
        %get3A_1296 = vector.shape_cast %get3A_1295 : vector<1x16xf32> to vector<16xf32>
        %swap3A_1297 = arith.index_cast %add3A_1229 : i32 to index
        %swap3A_1298 = arith.constant 112 : index
        %swap3A_1299 = tpu.vector_load %arg18[%swap3A_1297, %swap3A_1298] {strides = array<i32>} : memref<64x128xf32, #tpu.memory_space<vmem>>, vector<1x16xf32>,
        %swap3A_1300 = vector.shape_cast %swap3A_1299 : vector<1x16xf32> to vector<16xf32>
        %swap3A_1301 = vector.shape_cast %get3A_1296 : vector<16xf32> to vector<1x16xf32>
        tpu.vector_store %arg18[%swap3A_1297, %swap3A_1298], %swap3A_1301 {add = true, strides = array<i32>} : memref<64x128xf32, #tpu.memory_space<vmem>>, vector<1x16xf32>,
        %mul3A_1302 = arith.constant 4 : i32
        %mul3A_1303 = arith.muli %scan3A_1225, %mul3A_1302 : i32
        %add3A_1304 = arith.constant 1 : i32
        %add3A_1305 = arith.addi %mul3A_1303, %add3A_1304 : i32
        %get3A_1306 = arith.index_cast %add3A_1305 : i32 to index
        %get3A_1307 = arith.constant 0 : index
        %get3A_1308 = tpu.vector_load %arg22[%get3A_1306, %get3A_1307] {strides = array<i32>} : memref<64x128xf32, #tpu.memory_space<vmem>>, vector<1x16xf32>,
        %get3A_1309 = vector.shape_cast %get3A_1308 : vector<1x16xf32> to vector<16xf32>
        %swap3A_1310 = arith.index_cast %add3A_1305 : i32 to index
        %swap3A_1311 = arith.constant 0 : index
        %swap3A_1312 = tpu.vector_load %arg18[%swap3A_1310, %swap3A_1311] {strides = array<i32>} : memref<64x128xf32, #tpu.memory_space<vmem>>, vector<1x16xf32>,
        %swap3A_1313 = vector.shape_cast %swap3A_1312 : vector<1x16xf32> to vector<16xf32>
        %swap3A_1314 = vector.shape_cast %get3A_1309 : vector<16xf32> to vector<1x16xf32>
        tpu.vector_store %arg18[%swap3A_1310, %swap3A_1311], %swap3A_1314 {add = true, strides = array<i32>} : memref<64x128xf32, #tpu.memory_space<vmem>>, vector<1x16xf32>,
        %get3A_1315 = arith.index_cast %add3A_1305 : i32 to index
        %get3A_1316 = arith.constant 16 : index
        %get3A_1317 = tpu.vector_load %arg22[%get3A_1315, %get3A_1316] {strides = array<i32>} : memref<64x128xf32, #tpu.memory_space<vmem>>, vector<1x16xf32>,
        %get3A_1318 = vector.shape_cast %get3A_1317 : vector<1x16xf32> to vector<16xf32>
        %swap3A_1319 = arith.index_cast %add3A_1305 : i32 to index
        %swap3A_1320 = arith.constant 16 : index
        %swap3A_1321 = tpu.vector_load %arg18[%swap3A_1319, %swap3A_1320] {strides = array<i32>} : memref<64x128xf32, #tpu.memory_space<vmem>>, vector<1x16xf32>,
        %swap3A_1322 = vector.shape_cast %swap3A_1321 : vector<1x16xf32> to vector<16xf32>
        %swap3A_1323 = vector.shape_cast %get3A_1318 : vector<16xf32> to vector<1x16xf32>
        tpu.vector_store %arg18[%swap3A_1319, %swap3A_1320], %swap3A_1323 {add = true, strides = array<i32>} : memref<64x128xf32, #tpu.memory_space<vmem>>, vector<1x16xf32>,
        %get3A_1324 = arith.index_cast %add3A_1305 : i32 to index
        %get3A_1325 = arith.constant 32 : index
        %get3A_1326 = tpu.vector_load %arg22[%get3A_1324, %get3A_1325] {strides = array<i32>} : memref<64x128xf32, #tpu.memory_space<vmem>>, vector<1x16xf32>,
        %get3A_1327 = vector.shape_cast %get3A_1326 : vector<1x16xf32> to vector<16xf32>
        %swap3A_1328 = arith.index_cast %add3A_1305 : i32 to index
        %swap3A_1329 = arith.constant 32 : index
        %swap3A_1330 = tpu.vector_load %arg18[%swap3A_1328, %swap3A_1329] {strides = array<i32>} : memref<64x128xf32, #tpu.memory_space<vmem>>, vector<1x16xf32>,
        %swap3A_1331 = vector.shape_cast %swap3A_1330 : vector<1x16xf32> to vector<16xf32>
        %swap3A_1332 = vector.shape_cast %get3A_1327 : vector<16xf32> to vector<1x16xf32>
        tpu.vector_store %arg18[%swap3A_1328, %swap3A_1329], %swap3A_1332 {add = true, strides = array<i32>} : memref<64x128xf32, #tpu.memory_space<vmem>>, vector<1x16xf32>,
        %get3A_1333 = arith.index_cast %add3A_1305 : i32 to index
        %get3A_1334 = arith.constant 48 : index
        %get3A_1335 = tpu.vector_load %arg22[%get3A_1333, %get3A_1334] {strides = array<i32>} : memref<64x128xf32, #tpu.memory_space<vmem>>, vector<1x16xf32>,
        %get3A_1336 = vector.shape_cast %get3A_1335 : vector<1x16xf32> to vector<16xf32>
        %swap3A_1337 = arith.index_cast %add3A_1305 : i32 to index
        %swap3A_1338 = arith.constant 48 : index
        %swap3A_1339 = tpu.vector_load %arg18[%swap3A_1337, %swap3A_1338] {strides = array<i32>} : memref<64x128xf32, #tpu.memory_space<vmem>>, vector<1x16xf32>,
        %swap3A_1340 = vector.shape_cast %swap3A_1339 : vector<1x16xf32> to vector<16xf32>
        %swap3A_1341 = vector.shape_cast %get3A_1336 : vector<16xf32> to vector<1x16xf32>
        tpu.vector_store %arg18[%swap3A_1337, %swap3A_1338], %swap3A_1341 {add = true, strides = array<i32>} : memref<64x128xf32, #tpu.memory_space<vmem>>, vector<1x16xf32>,
        %get3A_1342 = arith.index_cast %add3A_1305 : i32 to index
        %get3A_1343 = arith.constant 64 : index
        %get3A_1344 = tpu.vector_load %arg22[%get3A_1342, %get3A_1343] {strides = array<i32>} : memref<64x128xf32, #tpu.memory_space<vmem>>, vector<1x16xf32>,
        %get3A_1345 = vector.shape_cast %get3A_1344 : vector<1x16xf32> to vector<16xf32>
        %swap3A_1346 = arith.index_cast %add3A_1305 : i32 to index
        %swap3A_1347 = arith.constant 64 : index
        %swap3A_1348 = tpu.vector_load %arg18[%swap3A_1346, %swap3A_1347] {strides = array<i32>} : memref<64x128xf32, #tpu.memory_space<vmem>>, vector<1x16xf32>,
        %swap3A_1349 = vector.shape_cast %swap3A_1348 : vector<1x16xf32> to vector<16xf32>
        %swap3A_1350 = vector.shape_cast %get3A_1345 : vector<16xf32> to vector<1x16xf32>
        tpu.vector_store %arg18[%swap3A_1346, %swap3A_1347], %swap3A_1350 {add = true, strides = array<i32>} : memref<64x128xf32, #tpu.memory_space<vmem>>, vector<1x16xf32>,
        %get3A_1351 = arith.index_cast %add3A_1305 : i32 to index
        %get3A_1352 = arith.constant 80 : index
        %get3A_1353 = tpu.vector_load %arg22[%get3A_1351, %get3A_1352] {strides = array<i32>} : memref<64x128xf32, #tpu.memory_space<vmem>>, vector<1x16xf32>,
        %get3A_1354 = vector.shape_cast %get3A_1353 : vector<1x16xf32> to vector<16xf32>
        %swap3A_1355 = arith.index_cast %add3A_1305 : i32 to index
        %swap3A_1356 = arith.constant 80 : index
        %swap3A_1357 = tpu.vector_load %arg18[%swap3A_1355, %swap3A_1356] {strides = array<i32>} : memref<64x128xf32, #tpu.memory_space<vmem>>, vector<1x16xf32>,
        %swap3A_1358 = vector.shape_cast %swap3A_1357 : vector<1x16xf32> to vector<16xf32>
        %swap3A_1359 = vector.shape_cast %get3A_1354 : vector<16xf32> to vector<1x16xf32>
        tpu.vector_store %arg18[%swap3A_1355, %swap3A_1356], %swap3A_1359 {add = true, strides = array<i32>} : memref<64x128xf32, #tpu.memory_space<vmem>>, vector<1x16xf32>,
        %get3A_1360 = arith.index_cast %add3A_1305 : i32 to index
        %get3A_1361 = arith.constant 96 : index
        %get3A_1362 = tpu.vector_load %arg22[%get3A_1360, %get3A_1361] {strides = array<i32>} : memref<64x128xf32, #tpu.memory_space<vmem>>, vector<1x16xf32>,
        %get3A_1363 = vector.shape_cast %get3A_1362 : vector<1x16xf32> to vector<16xf32>
        %swap3A_1364 = arith.index_cast %add3A_1305 : i32 to index
        %swap3A_1365 = arith.constant 96 : index
        %swap3A_1366 = tpu.vector_load %arg18[%swap3A_1364, %swap3A_1365] {strides = array<i32>} : memref<64x128xf32, #tpu.memory_space<vmem>>, vector<1x16xf32>,
        %swap3A_1367 = vector.shape_cast %swap3A_1366 : vector<1x16xf32> to vector<16xf32>
        %swap3A_1368 = vector.shape_cast %get3A_1363 : vector<16xf32> to vector<1x16xf32>
        tpu.vector_store %arg18[%swap3A_1364, %swap3A_1365], %swap3A_1368 {add = true, strides = array<i32>} : memref<64x128xf32, #tpu.memory_space<vmem>>, vector<1x16xf32>,
        %get3A_1369 = arith.index_cast %add3A_1305 : i32 to index
        %get3A_1370 = arith.constant 112 : index
        %get3A_1371 = tpu.vector_load %arg22[%get3A_1369, %get3A_1370] {strides = array<i32>} : memref<64x128xf32, #tpu.memory_space<vmem>>, vector<1x16xf32>,
        %get3A_1372 = vector.shape_cast %get3A_1371 : vector<1x16xf32> to vector<16xf32>
        %swap3A_1373 = arith.index_cast %add3A_1305 : i32 to index
        %swap3A_1374 = arith.constant 112 : index
        %swap3A_1375 = tpu.vector_load %arg18[%swap3A_1373, %swap3A_1374] {strides = array<i32>} : memref<64x128xf32, #tpu.memory_space<vmem>>, vector<1x16xf32>,
        %swap3A_1376 = vector.shape_cast %swap3A_1375 : vector<1x16xf32> to vector<16xf32>
        %swap3A_1377 = vector.shape_cast %get3A_1372 : vector<16xf32> to vector<1x16xf32>
        tpu.vector_store %arg18[%swap3A_1373, %swap3A_1374], %swap3A_1377 {add = true, strides = array<i32>} : memref<64x128xf32, #tpu.memory_space<vmem>>, vector<1x16xf32>,
        %mul3A_1378 = arith.constant 4 : i32
        %mul3A_1379 = arith.muli %scan3A_1225, %mul3A_1378 : i32
        %add3A_1380 = arith.constant 2 : i32
        %add3A_1381 = arith.addi %mul3A_1379, %add3A_1380 : i32
        %get3A_1382 = arith.index_cast %add3A_1381 : i32 to index
        %get3A_1383 = arith.constant 0 : index
        %get3A_1384 = tpu.vector_load %arg22[%get3A_1382, %get3A_1383] {strides = array<i32>} : memref<64x128xf32, #tpu.memory_space<vmem>>, vector<1x16xf32>,
        %get3A_1385 = vector.shape_cast %get3A_1384 : vector<1x16xf32> to vector<16xf32>
        %swap3A_1386 = arith.index_cast %add3A_1381 : i32 to index
        %swap3A_1387 = arith.constant 0 : index
        %swap3A_1388 = tpu.vector_load %arg18[%swap3A_1386, %swap3A_1387] {strides = array<i32>} : memref<64x128xf32, #tpu.memory_space<vmem>>, vector<1x16xf32>,
        %swap3A_1389 = vector.shape_cast %swap3A_1388 : vector<1x16xf32> to vector<16xf32>
        %swap3A_1390 = vector.shape_cast %get3A_1385 : vector<16xf32> to vector<1x16xf32>
        tpu.vector_store %arg18[%swap3A_1386, %swap3A_1387], %swap3A_1390 {add = true, strides = array<i32>} : memref<64x128xf32, #tpu.memory_space<vmem>>, vector<1x16xf32>,
        %get3A_1391 = arith.index_cast %add3A_1381 : i32 to index
        %get3A_1392 = arith.constant 16 : index
        %get3A_1393 = tpu.vector_load %arg22[%get3A_1391, %get3A_1392] {strides = array<i32>} : memref<64x128xf32, #tpu.memory_space<vmem>>, vector<1x16xf32>,
        %get3A_1394 = vector.shape_cast %get3A_1393 : vector<1x16xf32> to vector<16xf32>
        %swap3A_1395 = arith.index_cast %add3A_1381 : i32 to index
        %swap3A_1396 = arith.constant 16 : index
        %swap3A_1397 = tpu.vector_load %arg18[%swap3A_1395, %swap3A_1396] {strides = array<i32>} : memref<64x128xf32, #tpu.memory_space<vmem>>, vector<1x16xf32>,
        %swap3A_1398 = vector.shape_cast %swap3A_1397 : vector<1x16xf32> to vector<16xf32>
        %swap3A_1399 = vector.shape_cast %get3A_1394 : vector<16xf32> to vector<1x16xf32>
        tpu.vector_store %arg18[%swap3A_1395, %swap3A_1396], %swap3A_1399 {add = true, strides = array<i32>} : memref<64x128xf32, #tpu.memory_space<vmem>>, vector<1x16xf32>,
        %get3A_1400 = arith.index_cast %add3A_1381 : i32 to index
        %get3A_1401 = arith.constant 32 : index
        %get3A_1402 = tpu.vector_load %arg22[%get3A_1400, %get3A_1401] {strides = array<i32>} : memref<64x128xf32, #tpu.memory_space<vmem>>, vector<1x16xf32>,
        %get3A_1403 = vector.shape_cast %get3A_1402 : vector<1x16xf32> to vector<16xf32>
        %swap3A_1404 = arith.index_cast %add3A_1381 : i32 to index
        %swap3A_1405 = arith.constant 32 : index
        %swap3A_1406 = tpu.vector_load %arg18[%swap3A_1404, %swap3A_1405] {strides = array<i32>} : memref<64x128xf32, #tpu.memory_space<vmem>>, vector<1x16xf32>,
        %swap3A_1407 = vector.shape_cast %swap3A_1406 : vector<1x16xf32> to vector<16xf32>
        %swap3A_1408 = vector.shape_cast %get3A_1403 : vector<16xf32> to vector<1x16xf32>
        tpu.vector_store %arg18[%swap3A_1404, %swap3A_1405], %swap3A_1408 {add = true, strides = array<i32>} : memref<64x128xf32, #tpu.memory_space<vmem>>, vector<1x16xf32>,
        %get3A_1409 = arith.index_cast %add3A_1381 : i32 to index
        %get3A_1410 = arith.constant 48 : index
        %get3A_1411 = tpu.vector_load %arg22[%get3A_1409, %get3A_1410] {strides = array<i32>} : memref<64x128xf32, #tpu.memory_space<vmem>>, vector<1x16xf32>,
        %get3A_1412 = vector.shape_cast %get3A_1411 : vector<1x16xf32> to vector<16xf32>
        %swap3A_1413 = arith.index_cast %add3A_1381 : i32 to index
        %swap3A_1414 = arith.constant 48 : index
        %swap3A_1415 = tpu.vector_load %arg18[%swap3A_1413, %swap3A_1414] {strides = array<i32>} : memref<64x128xf32, #tpu.memory_space<vmem>>, vector<1x16xf32>,
        %swap3A_1416 = vector.shape_cast %swap3A_1415 : vector<1x16xf32> to vector<16xf32>
        %swap3A_1417 = vector.shape_cast %get3A_1412 : vector<16xf32> to vector<1x16xf32>
        tpu.vector_store %arg18[%swap3A_1413, %swap3A_1414], %swap3A_1417 {add = true, strides = array<i32>} : memref<64x128xf32, #tpu.memory_space<vmem>>, vector<1x16xf32>,
        %get3A_1418 = arith.index_cast %add3A_1381 : i32 to index
        %get3A_1419 = arith.constant 64 : index
        %get3A_1420 = tpu.vector_load %arg22[%get3A_1418, %get3A_1419] {strides = array<i32>} : memref<64x128xf32, #tpu.memory_space<vmem>>, vector<1x16xf32>,
        %get3A_1421 = vector.shape_cast %get3A_1420 : vector<1x16xf32> to vector<16xf32>
        %swap3A_1422 = arith.index_cast %add3A_1381 : i32 to index
        %swap3A_1423 = arith.constant 64 : index
        %swap3A_1424 = tpu.vector_load %arg18[%swap3A_1422, %swap3A_1423] {strides = array<i32>} : memref<64x128xf32, #tpu.memory_space<vmem>>, vector<1x16xf32>,
        %swap3A_1425 = vector.shape_cast %swap3A_1424 : vector<1x16xf32> to vector<16xf32>
        %swap3A_1426 = vector.shape_cast %get3A_1421 : vector<16xf32> to vector<1x16xf32>
        tpu.vector_store %arg18[%swap3A_1422, %swap3A_1423], %swap3A_1426 {add = true, strides = array<i32>} : memref<64x128xf32, #tpu.memory_space<vmem>>, vector<1x16xf32>,
        %get3A_1427 = arith.index_cast %add3A_1381 : i32 to index
        %get3A_1428 = arith.constant 80 : index
        %get3A_1429 = tpu.vector_load %arg22[%get3A_1427, %get3A_1428] {strides = array<i32>} : memref<64x128xf32, #tpu.memory_space<vmem>>, vector<1x16xf32>,
        %get3A_1430 = vector.shape_cast %get3A_1429 : vector<1x16xf32> to vector<16xf32>
        %swap3A_1431 = arith.index_cast %add3A_1381 : i32 to index
        %swap3A_1432 = arith.constant 80 : index
        %swap3A_1433 = tpu.vector_load %arg18[%swap3A_1431, %swap3A_1432] {strides = array<i32>} : memref<64x128xf32, #tpu.memory_space<vmem>>, vector<1x16xf32>,
        %swap3A_1434 = vector.shape_cast %swap3A_1433 : vector<1x16xf32> to vector<16xf32>
        %swap3A_1435 = vector.shape_cast %get3A_1430 : vector<16xf32> to vector<1x16xf32>
        tpu.vector_store %arg18[%swap3A_1431, %swap3A_1432], %swap3A_1435 {add = true, strides = array<i32>} : memref<64x128xf32, #tpu.memory_space<vmem>>, vector<1x16xf32>,
        %get3A_1436 = arith.index_cast %add3A_1381 : i32 to index
        %get3A_1437 = arith.constant 96 : index
        %get3A_1438 = tpu.vector_load %arg22[%get3A_1436, %get3A_1437] {strides = array<i32>} : memref<64x128xf32, #tpu.memory_space<vmem>>, vector<1x16xf32>,
        %get3A_1439 = vector.shape_cast %get3A_1438 : vector<1x16xf32> to vector<16xf32>
        %swap3A_1440 = arith.index_cast %add3A_1381 : i32 to index
        %swap3A_1441 = arith.constant 96 : index
        %swap3A_1442 = tpu.vector_load %arg18[%swap3A_1440, %swap3A_1441] {strides = array<i32>} : memref<64x128xf32, #tpu.memory_space<vmem>>, vector<1x16xf32>,
        %swap3A_1443 = vector.shape_cast %swap3A_1442 : vector<1x16xf32> to vector<16xf32>
        %swap3A_1444 = vector.shape_cast %get3A_1439 : vector<16xf32> to vector<1x16xf32>
        tpu.vector_store %arg18[%swap3A_1440, %swap3A_1441], %swap3A_1444 {add = true, strides = array<i32>} : memref<64x128xf32, #tpu.memory_space<vmem>>, vector<1x16xf32>,
        %get3A_1445 = arith.index_cast %add3A_1381 : i32 to index
        %get3A_1446 = arith.constant 112 : index
        %get3A_1447 = tpu.vector_load %arg22[%get3A_1445, %get3A_1446] {strides = array<i32>} : memref<64x128xf32, #tpu.memory_space<vmem>>, vector<1x16xf32>,
        %get3A_1448 = vector.shape_cast %get3A_1447 : vector<1x16xf32> to vector<16xf32>
        %swap3A_1449 = arith.index_cast %add3A_1381 : i32 to index
        %swap3A_1450 = arith.constant 112 : index
        %swap3A_1451 = tpu.vector_load %arg18[%swap3A_1449, %swap3A_1450] {strides = array<i32>} : memref<64x128xf32, #tpu.memory_space<vmem>>, vector<1x16xf32>,
        %swap3A_1452 = vector.shape_cast %swap3A_1451 : vector<1x16xf32> to vector<16xf32>
        %swap3A_1453 = vector.shape_cast %get3A_1448 : vector<16xf32> to vector<1x16xf32>
        tpu.vector_store %arg18[%swap3A_1449, %swap3A_1450], %swap3A_1453 {add = true, strides = array<i32>} : memref<64x128xf32, #tpu.memory_space<vmem>>, vector<1x16xf32>,
        %mul3A_1454 = arith.constant 4 : i32
        %mul3A_1455 = arith.muli %scan3A_1225, %mul3A_1454 : i32
        %add3A_1456 = arith.constant 3 : i32
        %add3A_1457 = arith.addi %mul3A_1455, %add3A_1456 : i32
        %get3A_1458 = arith.index_cast %add3A_1457 : i32 to index
        %get3A_1459 = arith.constant 0 : index
        %get3A_1460 = tpu.vector_load %arg22[%get3A_1458, %get3A_1459] {strides = array<i32>} : memref<64x128xf32, #tpu.memory_space<vmem>>, vector<1x16xf32>,
        %get3A_1461 = vector.shape_cast %get3A_1460 : vector<1x16xf32> to vector<16xf32>
        %swap3A_1462 = arith.index_cast %add3A_1457 : i32 to index
        %swap3A_1463 = arith.constant 0 : index
        %swap3A_1464 = tpu.vector_load %arg18[%swap3A_1462, %swap3A_1463] {strides = array<i32>} : memref<64x128xf32, #tpu.memory_space<vmem>>, vector<1x16xf32>,
        %swap3A_1465 = vector.shape_cast %swap3A_1464 : vector<1x16xf32> to vector<16xf32>
        %swap3A_1466 = vector.shape_cast %get3A_1461 : vector<16xf32> to vector<1x16xf32>
        tpu.vector_store %arg18[%swap3A_1462, %swap3A_1463], %swap3A_1466 {add = true, strides = array<i32>} : memref<64x128xf32, #tpu.memory_space<vmem>>, vector<1x16xf32>,
        %get3A_1467 = arith.index_cast %add3A_1457 : i32 to index
        %get3A_1468 = arith.constant 16 : index
        %get3A_1469 = tpu.vector_load %arg22[%get3A_1467, %get3A_1468] {strides = array<i32>} : memref<64x128xf32, #tpu.memory_space<vmem>>, vector<1x16xf32>,
        %get3A_1470 = vector.shape_cast %get3A_1469 : vector<1x16xf32> to vector<16xf32>
        %swap3A_1471 = arith.index_cast %add3A_1457 : i32 to index
        %swap3A_1472 = arith.constant 16 : index
        %swap3A_1473 = tpu.vector_load %arg18[%swap3A_1471, %swap3A_1472] {strides = array<i32>} : memref<64x128xf32, #tpu.memory_space<vmem>>, vector<1x16xf32>,
        %swap3A_1474 = vector.shape_cast %swap3A_1473 : vector<1x16xf32> to vector<16xf32>
        %swap3A_1475 = vector.shape_cast %get3A_1470 : vector<16xf32> to vector<1x16xf32>
        tpu.vector_store %arg18[%swap3A_1471, %swap3A_1472], %swap3A_1475 {add = true, strides = array<i32>} : memref<64x128xf32, #tpu.memory_space<vmem>>, vector<1x16xf32>,
        %get3A_1476 = arith.index_cast %add3A_1457 : i32 to index
        %get3A_1477 = arith.constant 32 : index
        %get3A_1478 = tpu.vector_load %arg22[%get3A_1476, %get3A_1477] {strides = array<i32>} : memref<64x128xf32, #tpu.memory_space<vmem>>, vector<1x16xf32>,
        %get3A_1479 = vector.shape_cast %get3A_1478 : vector<1x16xf32> to vector<16xf32>
        %swap3A_1480 = arith.index_cast %add3A_1457 : i32 to index
        %swap3A_1481 = arith.constant 32 : index
        %swap3A_1482 = tpu.vector_load %arg18[%swap3A_1480, %swap3A_1481] {strides = array<i32>} : memref<64x128xf32, #tpu.memory_space<vmem>>, vector<1x16xf32>,
        %swap3A_1483 = vector.shape_cast %swap3A_1482 : vector<1x16xf32> to vector<16xf32>
        %swap3A_1484 = vector.shape_cast %get3A_1479 : vector<16xf32> to vector<1x16xf32>
        tpu.vector_store %arg18[%swap3A_1480, %swap3A_1481], %swap3A_1484 {add = true, strides = array<i32>} : memref<64x128xf32, #tpu.memory_space<vmem>>, vector<1x16xf32>,
        %get3A_1485 = arith.index_cast %add3A_1457 : i32 to index
        %get3A_1486 = arith.constant 48 : index
        %get3A_1487 = tpu.vector_load %arg22[%get3A_1485, %get3A_1486] {strides = array<i32>} : memref<64x128xf32, #tpu.memory_space<vmem>>, vector<1x16xf32>,
        %get3A_1488 = vector.shape_cast %get3A_1487 : vector<1x16xf32> to vector<16xf32>
        %swap3A_1489 = arith.index_cast %add3A_1457 : i32 to index
        %swap3A_1490 = arith.constant 48 : index
        %swap3A_1491 = tpu.vector_load %arg18[%swap3A_1489, %swap3A_1490] {strides = array<i32>} : memref<64x128xf32, #tpu.memory_space<vmem>>, vector<1x16xf32>,
        %swap3A_1492 = vector.shape_cast %swap3A_1491 : vector<1x16xf32> to vector<16xf32>
        %swap3A_1493 = vector.shape_cast %get3A_1488 : vector<16xf32> to vector<1x16xf32>
        tpu.vector_store %arg18[%swap3A_1489, %swap3A_1490], %swap3A_1493 {add = true, strides = array<i32>} : memref<64x128xf32, #tpu.memory_space<vmem>>, vector<1x16xf32>,
        %get3A_1494 = arith.index_cast %add3A_1457 : i32 to index
        %get3A_1495 = arith.constant 64 : index
        %get3A_1496 = tpu.vector_load %arg22[%get3A_1494, %get3A_1495] {strides = array<i32>} : memref<64x128xf32, #tpu.memory_space<vmem>>, vector<1x16xf32>,
        %get3A_1497 = vector.shape_cast %get3A_1496 : vector<1x16xf32> to vector<16xf32>
        %swap3A_1498 = arith.index_cast %add3A_1457 : i32 to index
        %swap3A_1499 = arith.constant 64 : index
        %swap3A_1500 = tpu.vector_load %arg18[%swap3A_1498, %swap3A_1499] {strides = array<i32>} : memref<64x128xf32, #tpu.memory_space<vmem>>, vector<1x16xf32>,
        %swap3A_1501 = vector.shape_cast %swap3A_1500 : vector<1x16xf32> to vector<16xf32>
        %swap3A_1502 = vector.shape_cast %get3A_1497 : vector<16xf32> to vector<1x16xf32>
        tpu.vector_store %arg18[%swap3A_1498, %swap3A_1499], %swap3A_1502 {add = true, strides = array<i32>} : memref<64x128xf32, #tpu.memory_space<vmem>>, vector<1x16xf32>,
        %get3A_1503 = arith.index_cast %add3A_1457 : i32 to index
        %get3A_1504 = arith.constant 80 : index
        %get3A_1505 = tpu.vector_load %arg22[%get3A_1503, %get3A_1504] {strides = array<i32>} : memref<64x128xf32, #tpu.memory_space<vmem>>, vector<1x16xf32>,
        %get3A_1506 = vector.shape_cast %get3A_1505 : vector<1x16xf32> to vector<16xf32>
        %swap3A_1507 = arith.index_cast %add3A_1457 : i32 to index
        %swap3A_1508 = arith.constant 80 : index
        %swap3A_1509 = tpu.vector_load %arg18[%swap3A_1507, %swap3A_1508] {strides = array<i32>} : memref<64x128xf32, #tpu.memory_space<vmem>>, vector<1x16xf32>,
        %swap3A_1510 = vector.shape_cast %swap3A_1509 : vector<1x16xf32> to vector<16xf32>
        %swap3A_1511 = vector.shape_cast %get3A_1506 : vector<16xf32> to vector<1x16xf32>
        tpu.vector_store %arg18[%swap3A_1507, %swap3A_1508], %swap3A_1511 {add = true, strides = array<i32>} : memref<64x128xf32, #tpu.memory_space<vmem>>, vector<1x16xf32>,
        %get3A_1512 = arith.index_cast %add3A_1457 : i32 to index
        %get3A_1513 = arith.constant 96 : index
        %get3A_1514 = tpu.vector_load %arg22[%get3A_1512, %get3A_1513] {strides = array<i32>} : memref<64x128xf32, #tpu.memory_space<vmem>>, vector<1x16xf32>,
        %get3A_1515 = vector.shape_cast %get3A_1514 : vector<1x16xf32> to vector<16xf32>
        %swap3A_1516 = arith.index_cast %add3A_1457 : i32 to index
        %swap3A_1517 = arith.constant 96 : index
        %swap3A_1518 = tpu.vector_load %arg18[%swap3A_1516, %swap3A_1517] {strides = array<i32>} : memref<64x128xf32, #tpu.memory_space<vmem>>, vector<1x16xf32>,
        %swap3A_1519 = vector.shape_cast %swap3A_1518 : vector<1x16xf32> to vector<16xf32>
        %swap3A_1520 = vector.shape_cast %get3A_1515 : vector<16xf32> to vector<1x16xf32>
        tpu.vector_store %arg18[%swap3A_1516, %swap3A_1517], %swap3A_1520 {add = true, strides = array<i32>} : memref<64x128xf32, #tpu.memory_space<vmem>>, vector<1x16xf32>,
        %get3A_1521 = arith.index_cast %add3A_1457 : i32 to index
        %get3A_1522 = arith.constant 112 : index
        %get3A_1523 = tpu.vector_load %arg22[%get3A_1521, %get3A_1522] {strides = array<i32>} : memref<64x128xf32, #tpu.memory_space<vmem>>, vector<1x16xf32>,
        %get3A_1524 = vector.shape_cast %get3A_1523 : vector<1x16xf32> to vector<16xf32>
        %swap3A_1525 = arith.index_cast %add3A_1457 : i32 to index
        %swap3A_1526 = arith.constant 112 : index
        %swap3A_1527 = tpu.vector_load %arg18[%swap3A_1525, %swap3A_1526] {strides = array<i32>} : memref<64x128xf32, #tpu.memory_space<vmem>>, vector<1x16xf32>,
        %swap3A_1528 = vector.shape_cast %swap3A_1527 : vector<1x16xf32> to vector<16xf32>
        %swap3A_1529 = vector.shape_cast %get3A_1524 : vector<16xf32> to vector<1x16xf32>
        tpu.vector_store %arg18[%swap3A_1525, %swap3A_1526], %swap3A_1529 {add = true, strides = array<i32>} : memref<64x128xf32, #tpu.memory_space<vmem>>, vector<1x16xf32>,
      }
      %scan3A_605 = arith.constant 16 : i32
      %add3A_606 = arith.constant 1 : i32
      %add3A_607 = arith.addi %mul3A_572, %add3A_606 : i32
      %mul3A_608 = arith.constant 64 : i32
      %mul3A_609 = arith.muli %add3A_607, %mul3A_608 : i32
      %add3A_610 = arith.addi %mul3A_2, %mul3A_609 : i32
      %dma_start3A_611 = arith.constant 0 : i32
      %dma_start3A_612 = tpu.memref_slice %arg6[%add3A_610, %dma_start3A_611] : memref<204800x128xf32, #tpu.memory_space<hbm>> -> memref<64x128xf32, #tpu.memory_space<hbm>>
      %dma_start3A_613 = arith.constant 0 : i32
      %dma_start3A_614 = tpu.memref_slice %arg6[%add3A_610, %dma_start3A_613] : memref<204800x128xf32, #tpu.memory_space<hbm>> -> memref<64x128xf32, #tpu.memory_space<hbm>>
      tpu.enqueue_dma source(%arg18 : memref<64x128xf32, #tpu.memory_space<vmem>>) target(%dma_start3A_614 : memref<64x128xf32, #tpu.memory_space<hbm>>) target_semaphore(%arg30 : memref<!tpu.dma_semaphore, #tpu.memory_space<semaphore_mem>>)
      %dma_wait3A_615 = arith.constant 0 : i32
      %dma_wait3A_616 = arith.constant 0 : i32
      %dma_wait3A_617 = tpu.memref_slice %arg4[%dma_wait3A_615, %dma_wait3A_616] : memref<100000x128xf32, #tpu.memory_space<hbm>> -> memref<100000x128xf32, #tpu.memory_space<hbm>>
      tpu.wait_indirect_dma semaphore(%arg27 : memref<!tpu.dma_semaphore, #tpu.memory_space<semaphore_mem>>) src(%dma_wait3A_617 : memref<100000x128xf32, #tpu.memory_space<hbm>>) dst(%arg19 : memref<64x128xf32, #tpu.memory_space<vmem>>)
      %dma_wait3A_618 = arith.constant 0 : i32
      %dma_wait3A_619 = arith.constant 0 : i32
      %dma_wait3A_620 = tpu.memref_slice %arg5[%dma_wait3A_618, %dma_wait3A_619] : memref<400x128xf32, #tpu.memory_space<hbm>> -> memref<400x128xf32, #tpu.memory_space<hbm>>
      tpu.wait_indirect_dma semaphore(%arg27 : memref<!tpu.dma_semaphore, #tpu.memory_space<semaphore_mem>>) src(%dma_wait3A_620 : memref<400x128xf32, #tpu.memory_space<hbm>>) dst(%arg23 : memref<64x128xf32, #tpu.memory_space<vmem>>)
      %scan3A_621 = arith.constant 0 : i32
      %scan3A_622 = arith.constant 0 : i32
      %scan3A_623 = arith.constant 16 : i32
      %scan3A_624 = arith.addi %scan3A_622, %scan3A_623 : i32
      %scan3A_625 = arith.constant 1 : i32
      scf.for %scan3A_1225 = %scan3A_622 to %scan3A_624 step %scan3A_625  : i32 {
        %mul3A_1226 = arith.constant 4 : i32
        %mul3A_1227 = arith.muli %scan3A_1225, %mul3A_1226 : i32
        %add3A_1228 = arith.constant 0 : i32
        %add3A_1229 = arith.addi %mul3A_1227, %add3A_1228 : i32
        %get3A_1230 = arith.index_cast %add3A_1229 : i32 to index
        %get3A_1231 = arith.constant 0 : index
        %get3A_1232 = tpu.vector_load %arg23[%get3A_1230, %get3A_1231] {strides = array<i32>} : memref<64x128xf32, #tpu.memory_space<vmem>>, vector<1x16xf32>,
        %get3A_1233 = vector.shape_cast %get3A_1232 : vector<1x16xf32> to vector<16xf32>
        %swap3A_1234 = arith.index_cast %add3A_1229 : i32 to index
        %swap3A_1235 = arith.constant 0 : index
        %swap3A_1236 = tpu.vector_load %arg19[%swap3A_1234, %swap3A_1235] {strides = array<i32>} : memref<64x128xf32, #tpu.memory_space<vmem>>, vector<1x16xf32>,
        %swap3A_1237 = vector.shape_cast %swap3A_1236 : vector<1x16xf32> to vector<16xf32>
        %swap3A_1238 = vector.shape_cast %get3A_1233 : vector<16xf32> to vector<1x16xf32>
        tpu.vector_store %arg19[%swap3A_1234, %swap3A_1235], %swap3A_1238 {add = true, strides = array<i32>} : memref<64x128xf32, #tpu.memory_space<vmem>>, vector<1x16xf32>,
        %get3A_1239 = arith.index_cast %add3A_1229 : i32 to index
        %get3A_1240 = arith.constant 16 : index
        %get3A_1241 = tpu.vector_load %arg23[%get3A_1239, %get3A_1240] {strides = array<i32>} : memref<64x128xf32, #tpu.memory_space<vmem>>, vector<1x16xf32>,
        %get3A_1242 = vector.shape_cast %get3A_1241 : vector<1x16xf32> to vector<16xf32>
        %swap3A_1243 = arith.index_cast %add3A_1229 : i32 to index
        %swap3A_1244 = arith.constant 16 : index
        %swap3A_1245 = tpu.vector_load %arg19[%swap3A_1243, %swap3A_1244] {strides = array<i32>} : memref<64x128xf32, #tpu.memory_space<vmem>>, vector<1x16xf32>,
        %swap3A_1246 = vector.shape_cast %swap3A_1245 : vector<1x16xf32> to vector<16xf32>
        %swap3A_1247 = vector.shape_cast %get3A_1242 : vector<16xf32> to vector<1x16xf32>
        tpu.vector_store %arg19[%swap3A_1243, %swap3A_1244], %swap3A_1247 {add = true, strides = array<i32>} : memref<64x128xf32, #tpu.memory_space<vmem>>, vector<1x16xf32>,
        %get3A_1248 = arith.index_cast %add3A_1229 : i32 to index
        %get3A_1249 = arith.constant 32 : index
        %get3A_1250 = tpu.vector_load %arg23[%get3A_1248, %get3A_1249] {strides = array<i32>} : memref<64x128xf32, #tpu.memory_space<vmem>>, vector<1x16xf32>,
        %get3A_1251 = vector.shape_cast %get3A_1250 : vector<1x16xf32> to vector<16xf32>
        %swap3A_1252 = arith.index_cast %add3A_1229 : i32 to index
        %swap3A_1253 = arith.constant 32 : index
        %swap3A_1254 = tpu.vector_load %arg19[%swap3A_1252, %swap3A_1253] {strides = array<i32>} : memref<64x128xf32, #tpu.memory_space<vmem>>, vector<1x16xf32>,
        %swap3A_1255 = vector.shape_cast %swap3A_1254 : vector<1x16xf32> to vector<16xf32>
        %swap3A_1256 = vector.shape_cast %get3A_1251 : vector<16xf32> to vector<1x16xf32>
        tpu.vector_store %arg19[%swap3A_1252, %swap3A_1253], %swap3A_1256 {add = true, strides = array<i32>} : memref<64x128xf32, #tpu.memory_space<vmem>>, vector<1x16xf32>,
        %get3A_1257 = arith.index_cast %add3A_1229 : i32 to index
        %get3A_1258 = arith.constant 48 : index
        %get3A_1259 = tpu.vector_load %arg23[%get3A_1257, %get3A_1258] {strides = array<i32>} : memref<64x128xf32, #tpu.memory_space<vmem>>, vector<1x16xf32>,
        %get3A_1260 = vector.shape_cast %get3A_1259 : vector<1x16xf32> to vector<16xf32>
        %swap3A_1261 = arith.index_cast %add3A_1229 : i32 to index
        %swap3A_1262 = arith.constant 48 : index
        %swap3A_1263 = tpu.vector_load %arg19[%swap3A_1261, %swap3A_1262] {strides = array<i32>} : memref<64x128xf32, #tpu.memory_space<vmem>>, vector<1x16xf32>,
        %swap3A_1264 = vector.shape_cast %swap3A_1263 : vector<1x16xf32> to vector<16xf32>
        %swap3A_1265 = vector.shape_cast %get3A_1260 : vector<16xf32> to vector<1x16xf32>
        tpu.vector_store %arg19[%swap3A_1261, %swap3A_1262], %swap3A_1265 {add = true, strides = array<i32>} : memref<64x128xf32, #tpu.memory_space<vmem>>, vector<1x16xf32>,
        %get3A_1266 = arith.index_cast %add3A_1229 : i32 to index
        %get3A_1267 = arith.constant 64 : index
        %get3A_1268 = tpu.vector_load %arg23[%get3A_1266, %get3A_1267] {strides = array<i32>} : memref<64x128xf32, #tpu.memory_space<vmem>>, vector<1x16xf32>,
        %get3A_1269 = vector.shape_cast %get3A_1268 : vector<1x16xf32> to vector<16xf32>
        %swap3A_1270 = arith.index_cast %add3A_1229 : i32 to index
        %swap3A_1271 = arith.constant 64 : index
        %swap3A_1272 = tpu.vector_load %arg19[%swap3A_1270, %swap3A_1271] {strides = array<i32>} : memref<64x128xf32, #tpu.memory_space<vmem>>, vector<1x16xf32>,
        %swap3A_1273 = vector.shape_cast %swap3A_1272 : vector<1x16xf32> to vector<16xf32>
        %swap3A_1274 = vector.shape_cast %get3A_1269 : vector<16xf32> to vector<1x16xf32>
        tpu.vector_store %arg19[%swap3A_1270, %swap3A_1271], %swap3A_1274 {add = true, strides = array<i32>} : memref<64x128xf32, #tpu.memory_space<vmem>>, vector<1x16xf32>,
        %get3A_1275 = arith.index_cast %add3A_1229 : i32 to index
        %get3A_1276 = arith.constant 80 : index
        %get3A_1277 = tpu.vector_load %arg23[%get3A_1275, %get3A_1276] {strides = array<i32>} : memref<64x128xf32, #tpu.memory_space<vmem>>, vector<1x16xf32>,
        %get3A_1278 = vector.shape_cast %get3A_1277 : vector<1x16xf32> to vector<16xf32>
        %swap3A_1279 = arith.index_cast %add3A_1229 : i32 to index
        %swap3A_1280 = arith.constant 80 : index
        %swap3A_1281 = tpu.vector_load %arg19[%swap3A_1279, %swap3A_1280] {strides = array<i32>} : memref<64x128xf32, #tpu.memory_space<vmem>>, vector<1x16xf32>,
        %swap3A_1282 = vector.shape_cast %swap3A_1281 : vector<1x16xf32> to vector<16xf32>
        %swap3A_1283 = vector.shape_cast %get3A_1278 : vector<16xf32> to vector<1x16xf32>
        tpu.vector_store %arg19[%swap3A_1279, %swap3A_1280], %swap3A_1283 {add = true, strides = array<i32>} : memref<64x128xf32, #tpu.memory_space<vmem>>, vector<1x16xf32>,
        %get3A_1284 = arith.index_cast %add3A_1229 : i32 to index
        %get3A_1285 = arith.constant 96 : index
        %get3A_1286 = tpu.vector_load %arg23[%get3A_1284, %get3A_1285] {strides = array<i32>} : memref<64x128xf32, #tpu.memory_space<vmem>>, vector<1x16xf32>,
        %get3A_1287 = vector.shape_cast %get3A_1286 : vector<1x16xf32> to vector<16xf32>
        %swap3A_1288 = arith.index_cast %add3A_1229 : i32 to index
        %swap3A_1289 = arith.constant 96 : index
        %swap3A_1290 = tpu.vector_load %arg19[%swap3A_1288, %swap3A_1289] {strides = array<i32>} : memref<64x128xf32, #tpu.memory_space<vmem>>, vector<1x16xf32>,
        %swap3A_1291 = vector.shape_cast %swap3A_1290 : vector<1x16xf32> to vector<16xf32>
        %swap3A_1292 = vector.shape_cast %get3A_1287 : vector<16xf32> to vector<1x16xf32>
        tpu.vector_store %arg19[%swap3A_1288, %swap3A_1289], %swap3A_1292 {add = true, strides = array<i32>} : memref<64x128xf32, #tpu.memory_space<vmem>>, vector<1x16xf32>,
        %get3A_1293 = arith.index_cast %add3A_1229 : i32 to index
        %get3A_1294 = arith.constant 112 : index
        %get3A_1295 = tpu.vector_load %arg23[%get3A_1293, %get3A_1294] {strides = array<i32>} : memref<64x128xf32, #tpu.memory_space<vmem>>, vector<1x16xf32>,
        %get3A_1296 = vector.shape_cast %get3A_1295 : vector<1x16xf32> to vector<16xf32>
        %swap3A_1297 = arith.index_cast %add3A_1229 : i32 to index
        %swap3A_1298 = arith.constant 112 : index
        %swap3A_1299 = tpu.vector_load %arg19[%swap3A_1297, %swap3A_1298] {strides = array<i32>} : memref<64x128xf32, #tpu.memory_space<vmem>>, vector<1x16xf32>,
        %swap3A_1300 = vector.shape_cast %swap3A_1299 : vector<1x16xf32> to vector<16xf32>
        %swap3A_1301 = vector.shape_cast %get3A_1296 : vector<16xf32> to vector<1x16xf32>
        tpu.vector_store %arg19[%swap3A_1297, %swap3A_1298], %swap3A_1301 {add = true, strides = array<i32>} : memref<64x128xf32, #tpu.memory_space<vmem>>, vector<1x16xf32>,
        %mul3A_1302 = arith.constant 4 : i32
        %mul3A_1303 = arith.muli %scan3A_1225, %mul3A_1302 : i32
        %add3A_1304 = arith.constant 1 : i32
        %add3A_1305 = arith.addi %mul3A_1303, %add3A_1304 : i32
        %get3A_1306 = arith.index_cast %add3A_1305 : i32 to index
        %get3A_1307 = arith.constant 0 : index
        %get3A_1308 = tpu.vector_load %arg23[%get3A_1306, %get3A_1307] {strides = array<i32>} : memref<64x128xf32, #tpu.memory_space<vmem>>, vector<1x16xf32>,
        %get3A_1309 = vector.shape_cast %get3A_1308 : vector<1x16xf32> to vector<16xf32>
        %swap3A_1310 = arith.index_cast %add3A_1305 : i32 to index
        %swap3A_1311 = arith.constant 0 : index
        %swap3A_1312 = tpu.vector_load %arg19[%swap3A_1310, %swap3A_1311] {strides = array<i32>} : memref<64x128xf32, #tpu.memory_space<vmem>>, vector<1x16xf32>,
        %swap3A_1313 = vector.shape_cast %swap3A_1312 : vector<1x16xf32> to vector<16xf32>
        %swap3A_1314 = vector.shape_cast %get3A_1309 : vector<16xf32> to vector<1x16xf32>
        tpu.vector_store %arg19[%swap3A_1310, %swap3A_1311], %swap3A_1314 {add = true, strides = array<i32>} : memref<64x128xf32, #tpu.memory_space<vmem>>, vector<1x16xf32>,
        %get3A_1315 = arith.index_cast %add3A_1305 : i32 to index
        %get3A_1316 = arith.constant 16 : index
        %get3A_1317 = tpu.vector_load %arg23[%get3A_1315, %get3A_1316] {strides = array<i32>} : memref<64x128xf32, #tpu.memory_space<vmem>>, vector<1x16xf32>,
        %get3A_1318 = vector.shape_cast %get3A_1317 : vector<1x16xf32> to vector<16xf32>
        %swap3A_1319 = arith.index_cast %add3A_1305 : i32 to index
        %swap3A_1320 = arith.constant 16 : index
        %swap3A_1321 = tpu.vector_load %arg19[%swap3A_1319, %swap3A_1320] {strides = array<i32>} : memref<64x128xf32, #tpu.memory_space<vmem>>, vector<1x16xf32>,
        %swap3A_1322 = vector.shape_cast %swap3A_1321 : vector<1x16xf32> to vector<16xf32>
        %swap3A_1323 = vector.shape_cast %get3A_1318 : vector<16xf32> to vector<1x16xf32>
        tpu.vector_store %arg19[%swap3A_1319, %swap3A_1320], %swap3A_1323 {add = true, strides = array<i32>} : memref<64x128xf32, #tpu.memory_space<vmem>>, vector<1x16xf32>,
        %get3A_1324 = arith.index_cast %add3A_1305 : i32 to index
        %get3A_1325 = arith.constant 32 : index
        %get3A_1326 = tpu.vector_load %arg23[%get3A_1324, %get3A_1325] {strides = array<i32>} : memref<64x128xf32, #tpu.memory_space<vmem>>, vector<1x16xf32>,
        %get3A_1327 = vector.shape_cast %get3A_1326 : vector<1x16xf32> to vector<16xf32>
        %swap3A_1328 = arith.index_cast %add3A_1305 : i32 to index
        %swap3A_1329 = arith.constant 32 : index
        %swap3A_1330 = tpu.vector_load %arg19[%swap3A_1328, %swap3A_1329] {strides = array<i32>} : memref<64x128xf32, #tpu.memory_space<vmem>>, vector<1x16xf32>,
        %swap3A_1331 = vector.shape_cast %swap3A_1330 : vector<1x16xf32> to vector<16xf32>
        %swap3A_1332 = vector.shape_cast %get3A_1327 : vector<16xf32> to vector<1x16xf32>
        tpu.vector_store %arg19[%swap3A_1328, %swap3A_1329], %swap3A_1332 {add = true, strides = array<i32>} : memref<64x128xf32, #tpu.memory_space<vmem>>, vector<1x16xf32>,
        %get3A_1333 = arith.index_cast %add3A_1305 : i32 to index
        %get3A_1334 = arith.constant 48 : index
        %get3A_1335 = tpu.vector_load %arg23[%get3A_1333, %get3A_1334] {strides = array<i32>} : memref<64x128xf32, #tpu.memory_space<vmem>>, vector<1x16xf32>,
        %get3A_1336 = vector.shape_cast %get3A_1335 : vector<1x16xf32> to vector<16xf32>
        %swap3A_1337 = arith.index_cast %add3A_1305 : i32 to index
        %swap3A_1338 = arith.constant 48 : index
        %swap3A_1339 = tpu.vector_load %arg19[%swap3A_1337, %swap3A_1338] {strides = array<i32>} : memref<64x128xf32, #tpu.memory_space<vmem>>, vector<1x16xf32>,
        %swap3A_1340 = vector.shape_cast %swap3A_1339 : vector<1x16xf32> to vector<16xf32>
        %swap3A_1341 = vector.shape_cast %get3A_1336 : vector<16xf32> to vector<1x16xf32>
        tpu.vector_store %arg19[%swap3A_1337, %swap3A_1338], %swap3A_1341 {add = true, strides = array<i32>} : memref<64x128xf32, #tpu.memory_space<vmem>>, vector<1x16xf32>,
        %get3A_1342 = arith.index_cast %add3A_1305 : i32 to index
        %get3A_1343 = arith.constant 64 : index
        %get3A_1344 = tpu.vector_load %arg23[%get3A_1342, %get3A_1343] {strides = array<i32>} : memref<64x128xf32, #tpu.memory_space<vmem>>, vector<1x16xf32>,
        %get3A_1345 = vector.shape_cast %get3A_1344 : vector<1x16xf32> to vector<16xf32>
        %swap3A_1346 = arith.index_cast %add3A_1305 : i32 to index
        %swap3A_1347 = arith.constant 64 : index
        %swap3A_1348 = tpu.vector_load %arg19[%swap3A_1346, %swap3A_1347] {strides = array<i32>} : memref<64x128xf32, #tpu.memory_space<vmem>>, vector<1x16xf32>,
        %swap3A_1349 = vector.shape_cast %swap3A_1348 : vector<1x16xf32> to vector<16xf32>
        %swap3A_1350 = vector.shape_cast %get3A_1345 : vector<16xf32> to vector<1x16xf32>
        tpu.vector_store %arg19[%swap3A_1346, %swap3A_1347], %swap3A_1350 {add = true, strides = array<i32>} : memref<64x128xf32, #tpu.memory_space<vmem>>, vector<1x16xf32>,
        %get3A_1351 = arith.index_cast %add3A_1305 : i32 to index
        %get3A_1352 = arith.constant 80 : index
        %get3A_1353 = tpu.vector_load %arg23[%get3A_1351, %get3A_1352] {strides = array<i32>} : memref<64x128xf32, #tpu.memory_space<vmem>>, vector<1x16xf32>,
        %get3A_1354 = vector.shape_cast %get3A_1353 : vector<1x16xf32> to vector<16xf32>
        %swap3A_1355 = arith.index_cast %add3A_1305 : i32 to index
        %swap3A_1356 = arith.constant 80 : index
        %swap3A_1357 = tpu.vector_load %arg19[%swap3A_1355, %swap3A_1356] {strides = array<i32>} : memref<64x128xf32, #tpu.memory_space<vmem>>, vector<1x16xf32>,
        %swap3A_1358 = vector.shape_cast %swap3A_1357 : vector<1x16xf32> to vector<16xf32>
        %swap3A_1359 = vector.shape_cast %get3A_1354 : vector<16xf32> to vector<1x16xf32>
        tpu.vector_store %arg19[%swap3A_1355, %swap3A_1356], %swap3A_1359 {add = true, strides = array<i32>} : memref<64x128xf32, #tpu.memory_space<vmem>>, vector<1x16xf32>,
        %get3A_1360 = arith.index_cast %add3A_1305 : i32 to index
        %get3A_1361 = arith.constant 96 : index
        %get3A_1362 = tpu.vector_load %arg23[%get3A_1360, %get3A_1361] {strides = array<i32>} : memref<64x128xf32, #tpu.memory_space<vmem>>, vector<1x16xf32>,
        %get3A_1363 = vector.shape_cast %get3A_1362 : vector<1x16xf32> to vector<16xf32>
        %swap3A_1364 = arith.index_cast %add3A_1305 : i32 to index
        %swap3A_1365 = arith.constant 96 : index
        %swap3A_1366 = tpu.vector_load %arg19[%swap3A_1364, %swap3A_1365] {strides = array<i32>} : memref<64x128xf32, #tpu.memory_space<vmem>>, vector<1x16xf32>,
        %swap3A_1367 = vector.shape_cast %swap3A_1366 : vector<1x16xf32> to vector<16xf32>
        %swap3A_1368 = vector.shape_cast %get3A_1363 : vector<16xf32> to vector<1x16xf32>
        tpu.vector_store %arg19[%swap3A_1364, %swap3A_1365], %swap3A_1368 {add = true, strides = array<i32>} : memref<64x128xf32, #tpu.memory_space<vmem>>, vector<1x16xf32>,
        %get3A_1369 = arith.index_cast %add3A_1305 : i32 to index
        %get3A_1370 = arith.constant 112 : index
        %get3A_1371 = tpu.vector_load %arg23[%get3A_1369, %get3A_1370] {strides = array<i32>} : memref<64x128xf32, #tpu.memory_space<vmem>>, vector<1x16xf32>,
        %get3A_1372 = vector.shape_cast %get3A_1371 : vector<1x16xf32> to vector<16xf32>
        %swap3A_1373 = arith.index_cast %add3A_1305 : i32 to index
        %swap3A_1374 = arith.constant 112 : index
        %swap3A_1375 = tpu.vector_load %arg19[%swap3A_1373, %swap3A_1374] {strides = array<i32>} : memref<64x128xf32, #tpu.memory_space<vmem>>, vector<1x16xf32>,
        %swap3A_1376 = vector.shape_cast %swap3A_1375 : vector<1x16xf32> to vector<16xf32>
        %swap3A_1377 = vector.shape_cast %get3A_1372 : vector<16xf32> to vector<1x16xf32>
        tpu.vector_store %arg19[%swap3A_1373, %swap3A_1374], %swap3A_1377 {add = true, strides = array<i32>} : memref<64x128xf32, #tpu.memory_space<vmem>>, vector<1x16xf32>,
        %mul3A_1378 = arith.constant 4 : i32
        %mul3A_1379 = arith.muli %scan3A_1225, %mul3A_1378 : i32
        %add3A_1380 = arith.constant 2 : i32
        %add3A_1381 = arith.addi %mul3A_1379, %add3A_1380 : i32
        %get3A_1382 = arith.index_cast %add3A_1381 : i32 to index
        %get3A_1383 = arith.constant 0 : index
        %get3A_1384 = tpu.vector_load %arg23[%get3A_1382, %get3A_1383] {strides = array<i32>} : memref<64x128xf32, #tpu.memory_space<vmem>>, vector<1x16xf32>,
        %get3A_1385 = vector.shape_cast %get3A_1384 : vector<1x16xf32> to vector<16xf32>
        %swap3A_1386 = arith.index_cast %add3A_1381 : i32 to index
        %swap3A_1387 = arith.constant 0 : index
        %swap3A_1388 = tpu.vector_load %arg19[%swap3A_1386, %swap3A_1387] {strides = array<i32>} : memref<64x128xf32, #tpu.memory_space<vmem>>, vector<1x16xf32>,
        %swap3A_1389 = vector.shape_cast %swap3A_1388 : vector<1x16xf32> to vector<16xf32>
        %swap3A_1390 = vector.shape_cast %get3A_1385 : vector<16xf32> to vector<1x16xf32>
        tpu.vector_store %arg19[%swap3A_1386, %swap3A_1387], %swap3A_1390 {add = true, strides = array<i32>} : memref<64x128xf32, #tpu.memory_space<vmem>>, vector<1x16xf32>,
        %get3A_1391 = arith.index_cast %add3A_1381 : i32 to index
        %get3A_1392 = arith.constant 16 : index
        %get3A_1393 = tpu.vector_load %arg23[%get3A_1391, %get3A_1392] {strides = array<i32>} : memref<64x128xf32, #tpu.memory_space<vmem>>, vector<1x16xf32>,
        %get3A_1394 = vector.shape_cast %get3A_1393 : vector<1x16xf32> to vector<16xf32>
        %swap3A_1395 = arith.index_cast %add3A_1381 : i32 to index
        %swap3A_1396 = arith.constant 16 : index
        %swap3A_1397 = tpu.vector_load %arg19[%swap3A_1395, %swap3A_1396] {strides = array<i32>} : memref<64x128xf32, #tpu.memory_space<vmem>>, vector<1x16xf32>,
        %swap3A_1398 = vector.shape_cast %swap3A_1397 : vector<1x16xf32> to vector<16xf32>
        %swap3A_1399 = vector.shape_cast %get3A_1394 : vector<16xf32> to vector<1x16xf32>
        tpu.vector_store %arg19[%swap3A_1395, %swap3A_1396], %swap3A_1399 {add = true, strides = array<i32>} : memref<64x128xf32, #tpu.memory_space<vmem>>, vector<1x16xf32>,
        %get3A_1400 = arith.index_cast %add3A_1381 : i32 to index
        %get3A_1401 = arith.constant 32 : index
        %get3A_1402 = tpu.vector_load %arg23[%get3A_1400, %get3A_1401] {strides = array<i32>} : memref<64x128xf32, #tpu.memory_space<vmem>>, vector<1x16xf32>,
        %get3A_1403 = vector.shape_cast %get3A_1402 : vector<1x16xf32> to vector<16xf32>
        %swap3A_1404 = arith.index_cast %add3A_1381 : i32 to index
        %swap3A_1405 = arith.constant 32 : index
        %swap3A_1406 = tpu.vector_load %arg19[%swap3A_1404, %swap3A_1405] {strides = array<i32>} : memref<64x128xf32, #tpu.memory_space<vmem>>, vector<1x16xf32>,
        %swap3A_1407 = vector.shape_cast %swap3A_1406 : vector<1x16xf32> to vector<16xf32>
        %swap3A_1408 = vector.shape_cast %get3A_1403 : vector<16xf32> to vector<1x16xf32>
        tpu.vector_store %arg19[%swap3A_1404, %swap3A_1405], %swap3A_1408 {add = true, strides = array<i32>} : memref<64x128xf32, #tpu.memory_space<vmem>>, vector<1x16xf32>,
        %get3A_1409 = arith.index_cast %add3A_1381 : i32 to index
        %get3A_1410 = arith.constant 48 : index
        %get3A_1411 = tpu.vector_load %arg23[%get3A_1409, %get3A_1410] {strides = array<i32>} : memref<64x128xf32, #tpu.memory_space<vmem>>, vector<1x16xf32>,
        %get3A_1412 = vector.shape_cast %get3A_1411 : vector<1x16xf32> to vector<16xf32>
        %swap3A_1413 = arith.index_cast %add3A_1381 : i32 to index
        %swap3A_1414 = arith.constant 48 : index
        %swap3A_1415 = tpu.vector_load %arg19[%swap3A_1413, %swap3A_1414] {strides = array<i32>} : memref<64x128xf32, #tpu.memory_space<vmem>>, vector<1x16xf32>,
        %swap3A_1416 = vector.shape_cast %swap3A_1415 : vector<1x16xf32> to vector<16xf32>
        %swap3A_1417 = vector.shape_cast %get3A_1412 : vector<16xf32> to vector<1x16xf32>
        tpu.vector_store %arg19[%swap3A_1413, %swap3A_1414], %swap3A_1417 {add = true, strides = array<i32>} : memref<64x128xf32, #tpu.memory_space<vmem>>, vector<1x16xf32>,
        %get3A_1418 = arith.index_cast %add3A_1381 : i32 to index
        %get3A_1419 = arith.constant 64 : index
        %get3A_1420 = tpu.vector_load %arg23[%get3A_1418, %get3A_1419] {strides = array<i32>} : memref<64x128xf32, #tpu.memory_space<vmem>>, vector<1x16xf32>,
        %get3A_1421 = vector.shape_cast %get3A_1420 : vector<1x16xf32> to vector<16xf32>
        %swap3A_1422 = arith.index_cast %add3A_1381 : i32 to index
        %swap3A_1423 = arith.constant 64 : index
        %swap3A_1424 = tpu.vector_load %arg19[%swap3A_1422, %swap3A_1423] {strides = array<i32>} : memref<64x128xf32, #tpu.memory_space<vmem>>, vector<1x16xf32>,
        %swap3A_1425 = vector.shape_cast %swap3A_1424 : vector<1x16xf32> to vector<16xf32>
        %swap3A_1426 = vector.shape_cast %get3A_1421 : vector<16xf32> to vector<1x16xf32>
        tpu.vector_store %arg19[%swap3A_1422, %swap3A_1423], %swap3A_1426 {add = true, strides = array<i32>} : memref<64x128xf32, #tpu.memory_space<vmem>>, vector<1x16xf32>,
        %get3A_1427 = arith.index_cast %add3A_1381 : i32 to index
        %get3A_1428 = arith.constant 80 : index
        %get3A_1429 = tpu.vector_load %arg23[%get3A_1427, %get3A_1428] {strides = array<i32>} : memref<64x128xf32, #tpu.memory_space<vmem>>, vector<1x16xf32>,
        %get3A_1430 = vector.shape_cast %get3A_1429 : vector<1x16xf32> to vector<16xf32>
        %swap3A_1431 = arith.index_cast %add3A_1381 : i32 to index
        %swap3A_1432 = arith.constant 80 : index
        %swap3A_1433 = tpu.vector_load %arg19[%swap3A_1431, %swap3A_1432] {strides = array<i32>} : memref<64x128xf32, #tpu.memory_space<vmem>>, vector<1x16xf32>,
        %swap3A_1434 = vector.shape_cast %swap3A_1433 : vector<1x16xf32> to vector<16xf32>
        %swap3A_1435 = vector.shape_cast %get3A_1430 : vector<16xf32> to vector<1x16xf32>
        tpu.vector_store %arg19[%swap3A_1431, %swap3A_1432], %swap3A_1435 {add = true, strides = array<i32>} : memref<64x128xf32, #tpu.memory_space<vmem>>, vector<1x16xf32>,
        %get3A_1436 = arith.index_cast %add3A_1381 : i32 to index
        %get3A_1437 = arith.constant 96 : index
        %get3A_1438 = tpu.vector_load %arg23[%get3A_1436, %get3A_1437] {strides = array<i32>} : memref<64x128xf32, #tpu.memory_space<vmem>>, vector<1x16xf32>,
        %get3A_1439 = vector.shape_cast %get3A_1438 : vector<1x16xf32> to vector<16xf32>
        %swap3A_1440 = arith.index_cast %add3A_1381 : i32 to index
        %swap3A_1441 = arith.constant 96 : index
        %swap3A_1442 = tpu.vector_load %arg19[%swap3A_1440, %swap3A_1441] {strides = array<i32>} : memref<64x128xf32, #tpu.memory_space<vmem>>, vector<1x16xf32>,
        %swap3A_1443 = vector.shape_cast %swap3A_1442 : vector<1x16xf32> to vector<16xf32>
        %swap3A_1444 = vector.shape_cast %get3A_1439 : vector<16xf32> to vector<1x16xf32>
        tpu.vector_store %arg19[%swap3A_1440, %swap3A_1441], %swap3A_1444 {add = true, strides = array<i32>} : memref<64x128xf32, #tpu.memory_space<vmem>>, vector<1x16xf32>,
        %get3A_1445 = arith.index_cast %add3A_1381 : i32 to index
        %get3A_1446 = arith.constant 112 : index
        %get3A_1447 = tpu.vector_load %arg23[%get3A_1445, %get3A_1446] {strides = array<i32>} : memref<64x128xf32, #tpu.memory_space<vmem>>, vector<1x16xf32>,
        %get3A_1448 = vector.shape_cast %get3A_1447 : vector<1x16xf32> to vector<16xf32>
        %swap3A_1449 = arith.index_cast %add3A_1381 : i32 to index
        %swap3A_1450 = arith.constant 112 : index
        %swap3A_1451 = tpu.vector_load %arg19[%swap3A_1449, %swap3A_1450] {strides = array<i32>} : memref<64x128xf32, #tpu.memory_space<vmem>>, vector<1x16xf32>,
        %swap3A_1452 = vector.shape_cast %swap3A_1451 : vector<1x16xf32> to vector<16xf32>
        %swap3A_1453 = vector.shape_cast %get3A_1448 : vector<16xf32> to vector<1x16xf32>
        tpu.vector_store %arg19[%swap3A_1449, %swap3A_1450], %swap3A_1453 {add = true, strides = array<i32>} : memref<64x128xf32, #tpu.memory_space<vmem>>, vector<1x16xf32>,
        %mul3A_1454 = arith.constant 4 : i32
        %mul3A_1455 = arith.muli %scan3A_1225, %mul3A_1454 : i32
        %add3A_1456 = arith.constant 3 : i32
        %add3A_1457 = arith.addi %mul3A_1455, %add3A_1456 : i32
        %get3A_1458 = arith.index_cast %add3A_1457 : i32 to index
        %get3A_1459 = arith.constant 0 : index
        %get3A_1460 = tpu.vector_load %arg23[%get3A_1458, %get3A_1459] {strides = array<i32>} : memref<64x128xf32, #tpu.memory_space<vmem>>, vector<1x16xf32>,
        %get3A_1461 = vector.shape_cast %get3A_1460 : vector<1x16xf32> to vector<16xf32>
        %swap3A_1462 = arith.index_cast %add3A_1457 : i32 to index
        %swap3A_1463 = arith.constant 0 : index
        %swap3A_1464 = tpu.vector_load %arg19[%swap3A_1462, %swap3A_1463] {strides = array<i32>} : memref<64x128xf32, #tpu.memory_space<vmem>>, vector<1x16xf32>,
        %swap3A_1465 = vector.shape_cast %swap3A_1464 : vector<1x16xf32> to vector<16xf32>
        %swap3A_1466 = vector.shape_cast %get3A_1461 : vector<16xf32> to vector<1x16xf32>
        tpu.vector_store %arg19[%swap3A_1462, %swap3A_1463], %swap3A_1466 {add = true, strides = array<i32>} : memref<64x128xf32, #tpu.memory_space<vmem>>, vector<1x16xf32>,
        %get3A_1467 = arith.index_cast %add3A_1457 : i32 to index
        %get3A_1468 = arith.constant 16 : index
        %get3A_1469 = tpu.vector_load %arg23[%get3A_1467, %get3A_1468] {strides = array<i32>} : memref<64x128xf32, #tpu.memory_space<vmem>>, vector<1x16xf32>,
        %get3A_1470 = vector.shape_cast %get3A_1469 : vector<1x16xf32> to vector<16xf32>
        %swap3A_1471 = arith.index_cast %add3A_1457 : i32 to index
        %swap3A_1472 = arith.constant 16 : index
        %swap3A_1473 = tpu.vector_load %arg19[%swap3A_1471, %swap3A_1472] {strides = array<i32>} : memref<64x128xf32, #tpu.memory_space<vmem>>, vector<1x16xf32>,
        %swap3A_1474 = vector.shape_cast %swap3A_1473 : vector<1x16xf32> to vector<16xf32>
        %swap3A_1475 = vector.shape_cast %get3A_1470 : vector<16xf32> to vector<1x16xf32>
        tpu.vector_store %arg19[%swap3A_1471, %swap3A_1472], %swap3A_1475 {add = true, strides = array<i32>} : memref<64x128xf32, #tpu.memory_space<vmem>>, vector<1x16xf32>,
        %get3A_1476 = arith.index_cast %add3A_1457 : i32 to index
        %get3A_1477 = arith.constant 32 : index
        %get3A_1478 = tpu.vector_load %arg23[%get3A_1476, %get3A_1477] {strides = array<i32>} : memref<64x128xf32, #tpu.memory_space<vmem>>, vector<1x16xf32>,
        %get3A_1479 = vector.shape_cast %get3A_1478 : vector<1x16xf32> to vector<16xf32>
        %swap3A_1480 = arith.index_cast %add3A_1457 : i32 to index
        %swap3A_1481 = arith.constant 32 : index
        %swap3A_1482 = tpu.vector_load %arg19[%swap3A_1480, %swap3A_1481] {strides = array<i32>} : memref<64x128xf32, #tpu.memory_space<vmem>>, vector<1x16xf32>,
        %swap3A_1483 = vector.shape_cast %swap3A_1482 : vector<1x16xf32> to vector<16xf32>
        %swap3A_1484 = vector.shape_cast %get3A_1479 : vector<16xf32> to vector<1x16xf32>
        tpu.vector_store %arg19[%swap3A_1480, %swap3A_1481], %swap3A_1484 {add = true, strides = array<i32>} : memref<64x128xf32, #tpu.memory_space<vmem>>, vector<1x16xf32>,
        %get3A_1485 = arith.index_cast %add3A_1457 : i32 to index
        %get3A_1486 = arith.constant 48 : index
        %get3A_1487 = tpu.vector_load %arg23[%get3A_1485, %get3A_1486] {strides = array<i32>} : memref<64x128xf32, #tpu.memory_space<vmem>>, vector<1x16xf32>,
        %get3A_1488 = vector.shape_cast %get3A_1487 : vector<1x16xf32> to vector<16xf32>
        %swap3A_1489 = arith.index_cast %add3A_1457 : i32 to index
        %swap3A_1490 = arith.constant 48 : index
        %swap3A_1491 = tpu.vector_load %arg19[%swap3A_1489, %swap3A_1490] {strides = array<i32>} : memref<64x128xf32, #tpu.memory_space<vmem>>, vector<1x16xf32>,
        %swap3A_1492 = vector.shape_cast %swap3A_1491 : vector<1x16xf32> to vector<16xf32>
        %swap3A_1493 = vector.shape_cast %get3A_1488 : vector<16xf32> to vector<1x16xf32>
        tpu.vector_store %arg19[%swap3A_1489, %swap3A_1490], %swap3A_1493 {add = true, strides = array<i32>} : memref<64x128xf32, #tpu.memory_space<vmem>>, vector<1x16xf32>,
        %get3A_1494 = arith.index_cast %add3A_1457 : i32 to index
        %get3A_1495 = arith.constant 64 : index
        %get3A_1496 = tpu.vector_load %arg23[%get3A_1494, %get3A_1495] {strides = array<i32>} : memref<64x128xf32, #tpu.memory_space<vmem>>, vector<1x16xf32>,
        %get3A_1497 = vector.shape_cast %get3A_1496 : vector<1x16xf32> to vector<16xf32>
        %swap3A_1498 = arith.index_cast %add3A_1457 : i32 to index
        %swap3A_1499 = arith.constant 64 : index
        %swap3A_1500 = tpu.vector_load %arg19[%swap3A_1498, %swap3A_1499] {strides = array<i32>} : memref<64x128xf32, #tpu.memory_space<vmem>>, vector<1x16xf32>,
        %swap3A_1501 = vector.shape_cast %swap3A_1500 : vector<1x16xf32> to vector<16xf32>
        %swap3A_1502 = vector.shape_cast %get3A_1497 : vector<16xf32> to vector<1x16xf32>
        tpu.vector_store %arg19[%swap3A_1498, %swap3A_1499], %swap3A_1502 {add = true, strides = array<i32>} : memref<64x128xf32, #tpu.memory_space<vmem>>, vector<1x16xf32>,
        %get3A_1503 = arith.index_cast %add3A_1457 : i32 to index
        %get3A_1504 = arith.constant 80 : index
        %get3A_1505 = tpu.vector_load %arg23[%get3A_1503, %get3A_1504] {strides = array<i32>} : memref<64x128xf32, #tpu.memory_space<vmem>>, vector<1x16xf32>,
        %get3A_1506 = vector.shape_cast %get3A_1505 : vector<1x16xf32> to vector<16xf32>
        %swap3A_1507 = arith.index_cast %add3A_1457 : i32 to index
        %swap3A_1508 = arith.constant 80 : index
        %swap3A_1509 = tpu.vector_load %arg19[%swap3A_1507, %swap3A_1508] {strides = array<i32>} : memref<64x128xf32, #tpu.memory_space<vmem>>, vector<1x16xf32>,
        %swap3A_1510 = vector.shape_cast %swap3A_1509 : vector<1x16xf32> to vector<16xf32>
        %swap3A_1511 = vector.shape_cast %get3A_1506 : vector<16xf32> to vector<1x16xf32>
        tpu.vector_store %arg19[%swap3A_1507, %swap3A_1508], %swap3A_1511 {add = true, strides = array<i32>} : memref<64x128xf32, #tpu.memory_space<vmem>>, vector<1x16xf32>,
        %get3A_1512 = arith.index_cast %add3A_1457 : i32 to index
        %get3A_1513 = arith.constant 96 : index
        %get3A_1514 = tpu.vector_load %arg23[%get3A_1512, %get3A_1513] {strides = array<i32>} : memref<64x128xf32, #tpu.memory_space<vmem>>, vector<1x16xf32>,
        %get3A_1515 = vector.shape_cast %get3A_1514 : vector<1x16xf32> to vector<16xf32>
        %swap3A_1516 = arith.index_cast %add3A_1457 : i32 to index
        %swap3A_1517 = arith.constant 96 : index
        %swap3A_1518 = tpu.vector_load %arg19[%swap3A_1516, %swap3A_1517] {strides = array<i32>} : memref<64x128xf32, #tpu.memory_space<vmem>>, vector<1x16xf32>,
        %swap3A_1519 = vector.shape_cast %swap3A_1518 : vector<1x16xf32> to vector<16xf32>
        %swap3A_1520 = vector.shape_cast %get3A_1515 : vector<16xf32> to vector<1x16xf32>
        tpu.vector_store %arg19[%swap3A_1516, %swap3A_1517], %swap3A_1520 {add = true, strides = array<i32>} : memref<64x128xf32, #tpu.memory_space<vmem>>, vector<1x16xf32>,
        %get3A_1521 = arith.index_cast %add3A_1457 : i32 to index
        %get3A_1522 = arith.constant 112 : index
        %get3A_1523 = tpu.vector_load %arg23[%get3A_1521, %get3A_1522] {strides = array<i32>} : memref<64x128xf32, #tpu.memory_space<vmem>>, vector<1x16xf32>,
        %get3A_1524 = vector.shape_cast %get3A_1523 : vector<1x16xf32> to vector<16xf32>
        %swap3A_1525 = arith.index_cast %add3A_1457 : i32 to index
        %swap3A_1526 = arith.constant 112 : index
        %swap3A_1527 = tpu.vector_load %arg19[%swap3A_1525, %swap3A_1526] {strides = array<i32>} : memref<64x128xf32, #tpu.memory_space<vmem>>, vector<1x16xf32>,
        %swap3A_1528 = vector.shape_cast %swap3A_1527 : vector<1x16xf32> to vector<16xf32>
        %swap3A_1529 = vector.shape_cast %get3A_1524 : vector<16xf32> to vector<1x16xf32>
        tpu.vector_store %arg19[%swap3A_1525, %swap3A_1526], %swap3A_1529 {add = true, strides = array<i32>} : memref<64x128xf32, #tpu.memory_space<vmem>>, vector<1x16xf32>,
      }
      %scan3A_626 = arith.constant 16 : i32
      %add3A_627 = arith.constant 2 : i32
      %add3A_628 = arith.addi %mul3A_572, %add3A_627 : i32
      %mul3A_629 = arith.constant 64 : i32
      %mul3A_630 = arith.muli %add3A_628, %mul3A_629 : i32
      %add3A_631 = arith.addi %mul3A_2, %mul3A_630 : i32
      %dma_start3A_632 = arith.constant 0 : i32
      %dma_start3A_633 = tpu.memref_slice %arg6[%add3A_631, %dma_start3A_632] : memref<204800x128xf32, #tpu.memory_space<hbm>> -> memref<64x128xf32, #tpu.memory_space<hbm>>
      %dma_start3A_634 = arith.constant 0 : i32
      %dma_start3A_635 = tpu.memref_slice %arg6[%add3A_631, %dma_start3A_634] : memref<204800x128xf32, #tpu.memory_space<hbm>> -> memref<64x128xf32, #tpu.memory_space<hbm>>
      tpu.enqueue_dma source(%arg19 : memref<64x128xf32, #tpu.memory_space<vmem>>) target(%dma_start3A_635 : memref<64x128xf32, #tpu.memory_space<hbm>>) target_semaphore(%arg31 : memref<!tpu.dma_semaphore, #tpu.memory_space<semaphore_mem>>)
      %dma_wait3A_636 = arith.constant 0 : i32
      %dma_wait3A_637 = arith.constant 0 : i32
      %dma_wait3A_638 = tpu.memref_slice %arg4[%dma_wait3A_636, %dma_wait3A_637] : memref<100000x128xf32, #tpu.memory_space<hbm>> -> memref<100000x128xf32, #tpu.memory_space<hbm>>
      tpu.wait_indirect_dma semaphore(%arg28 : memref<!tpu.dma_semaphore, #tpu.memory_space<semaphore_mem>>) src(%dma_wait3A_638 : memref<100000x128xf32, #tpu.memory_space<hbm>>) dst(%arg20 : memref<64x128xf32, #tpu.memory_space<vmem>>)
      %dma_wait3A_639 = arith.constant 0 : i32
      %dma_wait3A_640 = arith.constant 0 : i32
      %dma_wait3A_641 = tpu.memref_slice %arg5[%dma_wait3A_639, %dma_wait3A_640] : memref<400x128xf32, #tpu.memory_space<hbm>> -> memref<400x128xf32, #tpu.memory_space<hbm>>
      tpu.wait_indirect_dma semaphore(%arg28 : memref<!tpu.dma_semaphore, #tpu.memory_space<semaphore_mem>>) src(%dma_wait3A_641 : memref<400x128xf32, #tpu.memory_space<hbm>>) dst(%arg24 : memref<64x128xf32, #tpu.memory_space<vmem>>)
      %scan3A_642 = arith.constant 0 : i32
      %scan3A_643 = arith.constant 0 : i32
      %scan3A_644 = arith.constant 16 : i32
      %scan3A_645 = arith.addi %scan3A_643, %scan3A_644 : i32
      %scan3A_646 = arith.constant 1 : i32
      scf.for %scan3A_1225 = %scan3A_643 to %scan3A_645 step %scan3A_646  : i32 {
        %mul3A_1226 = arith.constant 4 : i32
        %mul3A_1227 = arith.muli %scan3A_1225, %mul3A_1226 : i32
        %add3A_1228 = arith.constant 0 : i32
        %add3A_1229 = arith.addi %mul3A_1227, %add3A_1228 : i32
        %get3A_1230 = arith.index_cast %add3A_1229 : i32 to index
        %get3A_1231 = arith.constant 0 : index
        %get3A_1232 = tpu.vector_load %arg24[%get3A_1230, %get3A_1231] {strides = array<i32>} : memref<64x128xf32, #tpu.memory_space<vmem>>, vector<1x16xf32>,
        %get3A_1233 = vector.shape_cast %get3A_1232 : vector<1x16xf32> to vector<16xf32>
        %swap3A_1234 = arith.index_cast %add3A_1229 : i32 to index
        %swap3A_1235 = arith.constant 0 : index
        %swap3A_1236 = tpu.vector_load %arg20[%swap3A_1234, %swap3A_1235] {strides = array<i32>} : memref<64x128xf32, #tpu.memory_space<vmem>>, vector<1x16xf32>,
        %swap3A_1237 = vector.shape_cast %swap3A_1236 : vector<1x16xf32> to vector<16xf32>
        %swap3A_1238 = vector.shape_cast %get3A_1233 : vector<16xf32> to vector<1x16xf32>
        tpu.vector_store %arg20[%swap3A_1234, %swap3A_1235], %swap3A_1238 {add = true, strides = array<i32>} : memref<64x128xf32, #tpu.memory_space<vmem>>, vector<1x16xf32>,
        %get3A_1239 = arith.index_cast %add3A_1229 : i32 to index
        %get3A_1240 = arith.constant 16 : index
        %get3A_1241 = tpu.vector_load %arg24[%get3A_1239, %get3A_1240] {strides = array<i32>} : memref<64x128xf32, #tpu.memory_space<vmem>>, vector<1x16xf32>,
        %get3A_1242 = vector.shape_cast %get3A_1241 : vector<1x16xf32> to vector<16xf32>
        %swap3A_1243 = arith.index_cast %add3A_1229 : i32 to index
        %swap3A_1244 = arith.constant 16 : index
        %swap3A_1245 = tpu.vector_load %arg20[%swap3A_1243, %swap3A_1244] {strides = array<i32>} : memref<64x128xf32, #tpu.memory_space<vmem>>, vector<1x16xf32>,
        %swap3A_1246 = vector.shape_cast %swap3A_1245 : vector<1x16xf32> to vector<16xf32>
        %swap3A_1247 = vector.shape_cast %get3A_1242 : vector<16xf32> to vector<1x16xf32>
        tpu.vector_store %arg20[%swap3A_1243, %swap3A_1244], %swap3A_1247 {add = true, strides = array<i32>} : memref<64x128xf32, #tpu.memory_space<vmem>>, vector<1x16xf32>,
        %get3A_1248 = arith.index_cast %add3A_1229 : i32 to index
        %get3A_1249 = arith.constant 32 : index
        %get3A_1250 = tpu.vector_load %arg24[%get3A_1248, %get3A_1249] {strides = array<i32>} : memref<64x128xf32, #tpu.memory_space<vmem>>, vector<1x16xf32>,
        %get3A_1251 = vector.shape_cast %get3A_1250 : vector<1x16xf32> to vector<16xf32>
        %swap3A_1252 = arith.index_cast %add3A_1229 : i32 to index
        %swap3A_1253 = arith.constant 32 : index
        %swap3A_1254 = tpu.vector_load %arg20[%swap3A_1252, %swap3A_1253] {strides = array<i32>} : memref<64x128xf32, #tpu.memory_space<vmem>>, vector<1x16xf32>,
        %swap3A_1255 = vector.shape_cast %swap3A_1254 : vector<1x16xf32> to vector<16xf32>
        %swap3A_1256 = vector.shape_cast %get3A_1251 : vector<16xf32> to vector<1x16xf32>
        tpu.vector_store %arg20[%swap3A_1252, %swap3A_1253], %swap3A_1256 {add = true, strides = array<i32>} : memref<64x128xf32, #tpu.memory_space<vmem>>, vector<1x16xf32>,
        %get3A_1257 = arith.index_cast %add3A_1229 : i32 to index
        %get3A_1258 = arith.constant 48 : index
        %get3A_1259 = tpu.vector_load %arg24[%get3A_1257, %get3A_1258] {strides = array<i32>} : memref<64x128xf32, #tpu.memory_space<vmem>>, vector<1x16xf32>,
        %get3A_1260 = vector.shape_cast %get3A_1259 : vector<1x16xf32> to vector<16xf32>
        %swap3A_1261 = arith.index_cast %add3A_1229 : i32 to index
        %swap3A_1262 = arith.constant 48 : index
        %swap3A_1263 = tpu.vector_load %arg20[%swap3A_1261, %swap3A_1262] {strides = array<i32>} : memref<64x128xf32, #tpu.memory_space<vmem>>, vector<1x16xf32>,
        %swap3A_1264 = vector.shape_cast %swap3A_1263 : vector<1x16xf32> to vector<16xf32>
        %swap3A_1265 = vector.shape_cast %get3A_1260 : vector<16xf32> to vector<1x16xf32>
        tpu.vector_store %arg20[%swap3A_1261, %swap3A_1262], %swap3A_1265 {add = true, strides = array<i32>} : memref<64x128xf32, #tpu.memory_space<vmem>>, vector<1x16xf32>,
        %get3A_1266 = arith.index_cast %add3A_1229 : i32 to index
        %get3A_1267 = arith.constant 64 : index
        %get3A_1268 = tpu.vector_load %arg24[%get3A_1266, %get3A_1267] {strides = array<i32>} : memref<64x128xf32, #tpu.memory_space<vmem>>, vector<1x16xf32>,
        %get3A_1269 = vector.shape_cast %get3A_1268 : vector<1x16xf32> to vector<16xf32>
        %swap3A_1270 = arith.index_cast %add3A_1229 : i32 to index
        %swap3A_1271 = arith.constant 64 : index
        %swap3A_1272 = tpu.vector_load %arg20[%swap3A_1270, %swap3A_1271] {strides = array<i32>} : memref<64x128xf32, #tpu.memory_space<vmem>>, vector<1x16xf32>,
        %swap3A_1273 = vector.shape_cast %swap3A_1272 : vector<1x16xf32> to vector<16xf32>
        %swap3A_1274 = vector.shape_cast %get3A_1269 : vector<16xf32> to vector<1x16xf32>
        tpu.vector_store %arg20[%swap3A_1270, %swap3A_1271], %swap3A_1274 {add = true, strides = array<i32>} : memref<64x128xf32, #tpu.memory_space<vmem>>, vector<1x16xf32>,
        %get3A_1275 = arith.index_cast %add3A_1229 : i32 to index
        %get3A_1276 = arith.constant 80 : index
        %get3A_1277 = tpu.vector_load %arg24[%get3A_1275, %get3A_1276] {strides = array<i32>} : memref<64x128xf32, #tpu.memory_space<vmem>>, vector<1x16xf32>,
        %get3A_1278 = vector.shape_cast %get3A_1277 : vector<1x16xf32> to vector<16xf32>
        %swap3A_1279 = arith.index_cast %add3A_1229 : i32 to index
        %swap3A_1280 = arith.constant 80 : index
        %swap3A_1281 = tpu.vector_load %arg20[%swap3A_1279, %swap3A_1280] {strides = array<i32>} : memref<64x128xf32, #tpu.memory_space<vmem>>, vector<1x16xf32>,
        %swap3A_1282 = vector.shape_cast %swap3A_1281 : vector<1x16xf32> to vector<16xf32>
        %swap3A_1283 = vector.shape_cast %get3A_1278 : vector<16xf32> to vector<1x16xf32>
        tpu.vector_store %arg20[%swap3A_1279, %swap3A_1280], %swap3A_1283 {add = true, strides = array<i32>} : memref<64x128xf32, #tpu.memory_space<vmem>>, vector<1x16xf32>,
        %get3A_1284 = arith.index_cast %add3A_1229 : i32 to index
        %get3A_1285 = arith.constant 96 : index
        %get3A_1286 = tpu.vector_load %arg24[%get3A_1284, %get3A_1285] {strides = array<i32>} : memref<64x128xf32, #tpu.memory_space<vmem>>, vector<1x16xf32>,
        %get3A_1287 = vector.shape_cast %get3A_1286 : vector<1x16xf32> to vector<16xf32>
        %swap3A_1288 = arith.index_cast %add3A_1229 : i32 to index
        %swap3A_1289 = arith.constant 96 : index
        %swap3A_1290 = tpu.vector_load %arg20[%swap3A_1288, %swap3A_1289] {strides = array<i32>} : memref<64x128xf32, #tpu.memory_space<vmem>>, vector<1x16xf32>,
        %swap3A_1291 = vector.shape_cast %swap3A_1290 : vector<1x16xf32> to vector<16xf32>
        %swap3A_1292 = vector.shape_cast %get3A_1287 : vector<16xf32> to vector<1x16xf32>
        tpu.vector_store %arg20[%swap3A_1288, %swap3A_1289], %swap3A_1292 {add = true, strides = array<i32>} : memref<64x128xf32, #tpu.memory_space<vmem>>, vector<1x16xf32>,
        %get3A_1293 = arith.index_cast %add3A_1229 : i32 to index
        %get3A_1294 = arith.constant 112 : index
        %get3A_1295 = tpu.vector_load %arg24[%get3A_1293, %get3A_1294] {strides = array<i32>} : memref<64x128xf32, #tpu.memory_space<vmem>>, vector<1x16xf32>,
        %get3A_1296 = vector.shape_cast %get3A_1295 : vector<1x16xf32> to vector<16xf32>
        %swap3A_1297 = arith.index_cast %add3A_1229 : i32 to index
        %swap3A_1298 = arith.constant 112 : index
        %swap3A_1299 = tpu.vector_load %arg20[%swap3A_1297, %swap3A_1298] {strides = array<i32>} : memref<64x128xf32, #tpu.memory_space<vmem>>, vector<1x16xf32>,
        %swap3A_1300 = vector.shape_cast %swap3A_1299 : vector<1x16xf32> to vector<16xf32>
        %swap3A_1301 = vector.shape_cast %get3A_1296 : vector<16xf32> to vector<1x16xf32>
        tpu.vector_store %arg20[%swap3A_1297, %swap3A_1298], %swap3A_1301 {add = true, strides = array<i32>} : memref<64x128xf32, #tpu.memory_space<vmem>>, vector<1x16xf32>,
        %mul3A_1302 = arith.constant 4 : i32
        %mul3A_1303 = arith.muli %scan3A_1225, %mul3A_1302 : i32
        %add3A_1304 = arith.constant 1 : i32
        %add3A_1305 = arith.addi %mul3A_1303, %add3A_1304 : i32
        %get3A_1306 = arith.index_cast %add3A_1305 : i32 to index
        %get3A_1307 = arith.constant 0 : index
        %get3A_1308 = tpu.vector_load %arg24[%get3A_1306, %get3A_1307] {strides = array<i32>} : memref<64x128xf32, #tpu.memory_space<vmem>>, vector<1x16xf32>,
        %get3A_1309 = vector.shape_cast %get3A_1308 : vector<1x16xf32> to vector<16xf32>
        %swap3A_1310 = arith.index_cast %add3A_1305 : i32 to index
        %swap3A_1311 = arith.constant 0 : index
        %swap3A_1312 = tpu.vector_load %arg20[%swap3A_1310, %swap3A_1311] {strides = array<i32>} : memref<64x128xf32, #tpu.memory_space<vmem>>, vector<1x16xf32>,
        %swap3A_1313 = vector.shape_cast %swap3A_1312 : vector<1x16xf32> to vector<16xf32>
        %swap3A_1314 = vector.shape_cast %get3A_1309 : vector<16xf32> to vector<1x16xf32>
        tpu.vector_store %arg20[%swap3A_1310, %swap3A_1311], %swap3A_1314 {add = true, strides = array<i32>} : memref<64x128xf32, #tpu.memory_space<vmem>>, vector<1x16xf32>,
        %get3A_1315 = arith.index_cast %add3A_1305 : i32 to index
        %get3A_1316 = arith.constant 16 : index
        %get3A_1317 = tpu.vector_load %arg24[%get3A_1315, %get3A_1316] {strides = array<i32>} : memref<64x128xf32, #tpu.memory_space<vmem>>, vector<1x16xf32>,
        %get3A_1318 = vector.shape_cast %get3A_1317 : vector<1x16xf32> to vector<16xf32>
        %swap3A_1319 = arith.index_cast %add3A_1305 : i32 to index
        %swap3A_1320 = arith.constant 16 : index
        %swap3A_1321 = tpu.vector_load %arg20[%swap3A_1319, %swap3A_1320] {strides = array<i32>} : memref<64x128xf32, #tpu.memory_space<vmem>>, vector<1x16xf32>,
        %swap3A_1322 = vector.shape_cast %swap3A_1321 : vector<1x16xf32> to vector<16xf32>
        %swap3A_1323 = vector.shape_cast %get3A_1318 : vector<16xf32> to vector<1x16xf32>
        tpu.vector_store %arg20[%swap3A_1319, %swap3A_1320], %swap3A_1323 {add = true, strides = array<i32>} : memref<64x128xf32, #tpu.memory_space<vmem>>, vector<1x16xf32>,
        %get3A_1324 = arith.index_cast %add3A_1305 : i32 to index
        %get3A_1325 = arith.constant 32 : index
        %get3A_1326 = tpu.vector_load %arg24[%get3A_1324, %get3A_1325] {strides = array<i32>} : memref<64x128xf32, #tpu.memory_space<vmem>>, vector<1x16xf32>,
        %get3A_1327 = vector.shape_cast %get3A_1326 : vector<1x16xf32> to vector<16xf32>
        %swap3A_1328 = arith.index_cast %add3A_1305 : i32 to index
        %swap3A_1329 = arith.constant 32 : index
        %swap3A_1330 = tpu.vector_load %arg20[%swap3A_1328, %swap3A_1329] {strides = array<i32>} : memref<64x128xf32, #tpu.memory_space<vmem>>, vector<1x16xf32>,
        %swap3A_1331 = vector.shape_cast %swap3A_1330 : vector<1x16xf32> to vector<16xf32>
        %swap3A_1332 = vector.shape_cast %get3A_1327 : vector<16xf32> to vector<1x16xf32>
        tpu.vector_store %arg20[%swap3A_1328, %swap3A_1329], %swap3A_1332 {add = true, strides = array<i32>} : memref<64x128xf32, #tpu.memory_space<vmem>>, vector<1x16xf32>,
        %get3A_1333 = arith.index_cast %add3A_1305 : i32 to index
        %get3A_1334 = arith.constant 48 : index
        %get3A_1335 = tpu.vector_load %arg24[%get3A_1333, %get3A_1334] {strides = array<i32>} : memref<64x128xf32, #tpu.memory_space<vmem>>, vector<1x16xf32>,
        %get3A_1336 = vector.shape_cast %get3A_1335 : vector<1x16xf32> to vector<16xf32>
        %swap3A_1337 = arith.index_cast %add3A_1305 : i32 to index
        %swap3A_1338 = arith.constant 48 : index
        %swap3A_1339 = tpu.vector_load %arg20[%swap3A_1337, %swap3A_1338] {strides = array<i32>} : memref<64x128xf32, #tpu.memory_space<vmem>>, vector<1x16xf32>,
        %swap3A_1340 = vector.shape_cast %swap3A_1339 : vector<1x16xf32> to vector<16xf32>
        %swap3A_1341 = vector.shape_cast %get3A_1336 : vector<16xf32> to vector<1x16xf32>
        tpu.vector_store %arg20[%swap3A_1337, %swap3A_1338], %swap3A_1341 {add = true, strides = array<i32>} : memref<64x128xf32, #tpu.memory_space<vmem>>, vector<1x16xf32>,
        %get3A_1342 = arith.index_cast %add3A_1305 : i32 to index
        %get3A_1343 = arith.constant 64 : index
        %get3A_1344 = tpu.vector_load %arg24[%get3A_1342, %get3A_1343] {strides = array<i32>} : memref<64x128xf32, #tpu.memory_space<vmem>>, vector<1x16xf32>,
        %get3A_1345 = vector.shape_cast %get3A_1344 : vector<1x16xf32> to vector<16xf32>
        %swap3A_1346 = arith.index_cast %add3A_1305 : i32 to index
        %swap3A_1347 = arith.constant 64 : index
        %swap3A_1348 = tpu.vector_load %arg20[%swap3A_1346, %swap3A_1347] {strides = array<i32>} : memref<64x128xf32, #tpu.memory_space<vmem>>, vector<1x16xf32>,
        %swap3A_1349 = vector.shape_cast %swap3A_1348 : vector<1x16xf32> to vector<16xf32>
        %swap3A_1350 = vector.shape_cast %get3A_1345 : vector<16xf32> to vector<1x16xf32>
        tpu.vector_store %arg20[%swap3A_1346, %swap3A_1347], %swap3A_1350 {add = true, strides = array<i32>} : memref<64x128xf32, #tpu.memory_space<vmem>>, vector<1x16xf32>,
        %get3A_1351 = arith.index_cast %add3A_1305 : i32 to index
        %get3A_1352 = arith.constant 80 : index
        %get3A_1353 = tpu.vector_load %arg24[%get3A_1351, %get3A_1352] {strides = array<i32>} : memref<64x128xf32, #tpu.memory_space<vmem>>, vector<1x16xf32>,
        %get3A_1354 = vector.shape_cast %get3A_1353 : vector<1x16xf32> to vector<16xf32>
        %swap3A_1355 = arith.index_cast %add3A_1305 : i32 to index
        %swap3A_1356 = arith.constant 80 : index
        %swap3A_1357 = tpu.vector_load %arg20[%swap3A_1355, %swap3A_1356] {strides = array<i32>} : memref<64x128xf32, #tpu.memory_space<vmem>>, vector<1x16xf32>,
        %swap3A_1358 = vector.shape_cast %swap3A_1357 : vector<1x16xf32> to vector<16xf32>
        %swap3A_1359 = vector.shape_cast %get3A_1354 : vector<16xf32> to vector<1x16xf32>
        tpu.vector_store %arg20[%swap3A_1355, %swap3A_1356], %swap3A_1359 {add = true, strides = array<i32>} : memref<64x128xf32, #tpu.memory_space<vmem>>, vector<1x16xf32>,
        %get3A_1360 = arith.index_cast %add3A_1305 : i32 to index
        %get3A_1361 = arith.constant 96 : index
        %get3A_1362 = tpu.vector_load %arg24[%get3A_1360, %get3A_1361] {strides = array<i32>} : memref<64x128xf32, #tpu.memory_space<vmem>>, vector<1x16xf32>,
        %get3A_1363 = vector.shape_cast %get3A_1362 : vector<1x16xf32> to vector<16xf32>
        %swap3A_1364 = arith.index_cast %add3A_1305 : i32 to index
        %swap3A_1365 = arith.constant 96 : index
        %swap3A_1366 = tpu.vector_load %arg20[%swap3A_1364, %swap3A_1365] {strides = array<i32>} : memref<64x128xf32, #tpu.memory_space<vmem>>, vector<1x16xf32>,
        %swap3A_1367 = vector.shape_cast %swap3A_1366 : vector<1x16xf32> to vector<16xf32>
        %swap3A_1368 = vector.shape_cast %get3A_1363 : vector<16xf32> to vector<1x16xf32>
        tpu.vector_store %arg20[%swap3A_1364, %swap3A_1365], %swap3A_1368 {add = true, strides = array<i32>} : memref<64x128xf32, #tpu.memory_space<vmem>>, vector<1x16xf32>,
        %get3A_1369 = arith.index_cast %add3A_1305 : i32 to index
        %get3A_1370 = arith.constant 112 : index
        %get3A_1371 = tpu.vector_load %arg24[%get3A_1369, %get3A_1370] {strides = array<i32>} : memref<64x128xf32, #tpu.memory_space<vmem>>, vector<1x16xf32>,
        %get3A_1372 = vector.shape_cast %get3A_1371 : vector<1x16xf32> to vector<16xf32>
        %swap3A_1373 = arith.index_cast %add3A_1305 : i32 to index
        %swap3A_1374 = arith.constant 112 : index
        %swap3A_1375 = tpu.vector_load %arg20[%swap3A_1373, %swap3A_1374] {strides = array<i32>} : memref<64x128xf32, #tpu.memory_space<vmem>>, vector<1x16xf32>,
        %swap3A_1376 = vector.shape_cast %swap3A_1375 : vector<1x16xf32> to vector<16xf32>
        %swap3A_1377 = vector.shape_cast %get3A_1372 : vector<16xf32> to vector<1x16xf32>
        tpu.vector_store %arg20[%swap3A_1373, %swap3A_1374], %swap3A_1377 {add = true, strides = array<i32>} : memref<64x128xf32, #tpu.memory_space<vmem>>, vector<1x16xf32>,
        %mul3A_1378 = arith.constant 4 : i32
        %mul3A_1379 = arith.muli %scan3A_1225, %mul3A_1378 : i32
        %add3A_1380 = arith.constant 2 : i32
        %add3A_1381 = arith.addi %mul3A_1379, %add3A_1380 : i32
        %get3A_1382 = arith.index_cast %add3A_1381 : i32 to index
        %get3A_1383 = arith.constant 0 : index
        %get3A_1384 = tpu.vector_load %arg24[%get3A_1382, %get3A_1383] {strides = array<i32>} : memref<64x128xf32, #tpu.memory_space<vmem>>, vector<1x16xf32>,
        %get3A_1385 = vector.shape_cast %get3A_1384 : vector<1x16xf32> to vector<16xf32>
        %swap3A_1386 = arith.index_cast %add3A_1381 : i32 to index
        %swap3A_1387 = arith.constant 0 : index
        %swap3A_1388 = tpu.vector_load %arg20[%swap3A_1386, %swap3A_1387] {strides = array<i32>} : memref<64x128xf32, #tpu.memory_space<vmem>>, vector<1x16xf32>,
        %swap3A_1389 = vector.shape_cast %swap3A_1388 : vector<1x16xf32> to vector<16xf32>
        %swap3A_1390 = vector.shape_cast %get3A_1385 : vector<16xf32> to vector<1x16xf32>
        tpu.vector_store %arg20[%swap3A_1386, %swap3A_1387], %swap3A_1390 {add = true, strides = array<i32>} : memref<64x128xf32, #tpu.memory_space<vmem>>, vector<1x16xf32>,
        %get3A_1391 = arith.index_cast %add3A_1381 : i32 to index
        %get3A_1392 = arith.constant 16 : index
        %get3A_1393 = tpu.vector_load %arg24[%get3A_1391, %get3A_1392] {strides = array<i32>} : memref<64x128xf32, #tpu.memory_space<vmem>>, vector<1x16xf32>,
        %get3A_1394 = vector.shape_cast %get3A_1393 : vector<1x16xf32> to vector<16xf32>
        %swap3A_1395 = arith.index_cast %add3A_1381 : i32 to index
        %swap3A_1396 = arith.constant 16 : index
        %swap3A_1397 = tpu.vector_load %arg20[%swap3A_1395, %swap3A_1396] {strides = array<i32>} : memref<64x128xf32, #tpu.memory_space<vmem>>, vector<1x16xf32>,
        %swap3A_1398 = vector.shape_cast %swap3A_1397 : vector<1x16xf32> to vector<16xf32>
        %swap3A_1399 = vector.shape_cast %get3A_1394 : vector<16xf32> to vector<1x16xf32>
        tpu.vector_store %arg20[%swap3A_1395, %swap3A_1396], %swap3A_1399 {add = true, strides = array<i32>} : memref<64x128xf32, #tpu.memory_space<vmem>>, vector<1x16xf32>,
        %get3A_1400 = arith.index_cast %add3A_1381 : i32 to index
        %get3A_1401 = arith.constant 32 : index
        %get3A_1402 = tpu.vector_load %arg24[%get3A_1400, %get3A_1401] {strides = array<i32>} : memref<64x128xf32, #tpu.memory_space<vmem>>, vector<1x16xf32>,
        %get3A_1403 = vector.shape_cast %get3A_1402 : vector<1x16xf32> to vector<16xf32>
        %swap3A_1404 = arith.index_cast %add3A_1381 : i32 to index
        %swap3A_1405 = arith.constant 32 : index
        %swap3A_1406 = tpu.vector_load %arg20[%swap3A_1404, %swap3A_1405] {strides = array<i32>} : memref<64x128xf32, #tpu.memory_space<vmem>>, vector<1x16xf32>,
        %swap3A_1407 = vector.shape_cast %swap3A_1406 : vector<1x16xf32> to vector<16xf32>
        %swap3A_1408 = vector.shape_cast %get3A_1403 : vector<16xf32> to vector<1x16xf32>
        tpu.vector_store %arg20[%swap3A_1404, %swap3A_1405], %swap3A_1408 {add = true, strides = array<i32>} : memref<64x128xf32, #tpu.memory_space<vmem>>, vector<1x16xf32>,
        %get3A_1409 = arith.index_cast %add3A_1381 : i32 to index
        %get3A_1410 = arith.constant 48 : index
        %get3A_1411 = tpu.vector_load %arg24[%get3A_1409, %get3A_1410] {strides = array<i32>} : memref<64x128xf32, #tpu.memory_space<vmem>>, vector<1x16xf32>,
        %get3A_1412 = vector.shape_cast %get3A_1411 : vector<1x16xf32> to vector<16xf32>
        %swap3A_1413 = arith.index_cast %add3A_1381 : i32 to index
        %swap3A_1414 = arith.constant 48 : index
        %swap3A_1415 = tpu.vector_load %arg20[%swap3A_1413, %swap3A_1414] {strides = array<i32>} : memref<64x128xf32, #tpu.memory_space<vmem>>, vector<1x16xf32>,
        %swap3A_1416 = vector.shape_cast %swap3A_1415 : vector<1x16xf32> to vector<16xf32>
        %swap3A_1417 = vector.shape_cast %get3A_1412 : vector<16xf32> to vector<1x16xf32>
        tpu.vector_store %arg20[%swap3A_1413, %swap3A_1414], %swap3A_1417 {add = true, strides = array<i32>} : memref<64x128xf32, #tpu.memory_space<vmem>>, vector<1x16xf32>,
        %get3A_1418 = arith.index_cast %add3A_1381 : i32 to index
        %get3A_1419 = arith.constant 64 : index
        %get3A_1420 = tpu.vector_load %arg24[%get3A_1418, %get3A_1419] {strides = array<i32>} : memref<64x128xf32, #tpu.memory_space<vmem>>, vector<1x16xf32>,
        %get3A_1421 = vector.shape_cast %get3A_1420 : vector<1x16xf32> to vector<16xf32>
        %swap3A_1422 = arith.index_cast %add3A_1381 : i32 to index
        %swap3A_1423 = arith.constant 64 : index
        %swap3A_1424 = tpu.vector_load %arg20[%swap3A_1422, %swap3A_1423] {strides = array<i32>} : memref<64x128xf32, #tpu.memory_space<vmem>>, vector<1x16xf32>,
        %swap3A_1425 = vector.shape_cast %swap3A_1424 : vector<1x16xf32> to vector<16xf32>
        %swap3A_1426 = vector.shape_cast %get3A_1421 : vector<16xf32> to vector<1x16xf32>
        tpu.vector_store %arg20[%swap3A_1422, %swap3A_1423], %swap3A_1426 {add = true, strides = array<i32>} : memref<64x128xf32, #tpu.memory_space<vmem>>, vector<1x16xf32>,
        %get3A_1427 = arith.index_cast %add3A_1381 : i32 to index
        %get3A_1428 = arith.constant 80 : index
        %get3A_1429 = tpu.vector_load %arg24[%get3A_1427, %get3A_1428] {strides = array<i32>} : memref<64x128xf32, #tpu.memory_space<vmem>>, vector<1x16xf32>,
        %get3A_1430 = vector.shape_cast %get3A_1429 : vector<1x16xf32> to vector<16xf32>
        %swap3A_1431 = arith.index_cast %add3A_1381 : i32 to index
        %swap3A_1432 = arith.constant 80 : index
        %swap3A_1433 = tpu.vector_load %arg20[%swap3A_1431, %swap3A_1432] {strides = array<i32>} : memref<64x128xf32, #tpu.memory_space<vmem>>, vector<1x16xf32>,
        %swap3A_1434 = vector.shape_cast %swap3A_1433 : vector<1x16xf32> to vector<16xf32>
        %swap3A_1435 = vector.shape_cast %get3A_1430 : vector<16xf32> to vector<1x16xf32>
        tpu.vector_store %arg20[%swap3A_1431, %swap3A_1432], %swap3A_1435 {add = true, strides = array<i32>} : memref<64x128xf32, #tpu.memory_space<vmem>>, vector<1x16xf32>,
        %get3A_1436 = arith.index_cast %add3A_1381 : i32 to index
        %get3A_1437 = arith.constant 96 : index
        %get3A_1438 = tpu.vector_load %arg24[%get3A_1436, %get3A_1437] {strides = array<i32>} : memref<64x128xf32, #tpu.memory_space<vmem>>, vector<1x16xf32>,
        %get3A_1439 = vector.shape_cast %get3A_1438 : vector<1x16xf32> to vector<16xf32>
        %swap3A_1440 = arith.index_cast %add3A_1381 : i32 to index
        %swap3A_1441 = arith.constant 96 : index
        %swap3A_1442 = tpu.vector_load %arg20[%swap3A_1440, %swap3A_1441] {strides = array<i32>} : memref<64x128xf32, #tpu.memory_space<vmem>>, vector<1x16xf32>,
        %swap3A_1443 = vector.shape_cast %swap3A_1442 : vector<1x16xf32> to vector<16xf32>
        %swap3A_1444 = vector.shape_cast %get3A_1439 : vector<16xf32> to vector<1x16xf32>
        tpu.vector_store %arg20[%swap3A_1440, %swap3A_1441], %swap3A_1444 {add = true, strides = array<i32>} : memref<64x128xf32, #tpu.memory_space<vmem>>, vector<1x16xf32>,
        %get3A_1445 = arith.index_cast %add3A_1381 : i32 to index
        %get3A_1446 = arith.constant 112 : index
        %get3A_1447 = tpu.vector_load %arg24[%get3A_1445, %get3A_1446] {strides = array<i32>} : memref<64x128xf32, #tpu.memory_space<vmem>>, vector<1x16xf32>,
        %get3A_1448 = vector.shape_cast %get3A_1447 : vector<1x16xf32> to vector<16xf32>
        %swap3A_1449 = arith.index_cast %add3A_1381 : i32 to index
        %swap3A_1450 = arith.constant 112 : index
        %swap3A_1451 = tpu.vector_load %arg20[%swap3A_1449, %swap3A_1450] {strides = array<i32>} : memref<64x128xf32, #tpu.memory_space<vmem>>, vector<1x16xf32>,
        %swap3A_1452 = vector.shape_cast %swap3A_1451 : vector<1x16xf32> to vector<16xf32>
        %swap3A_1453 = vector.shape_cast %get3A_1448 : vector<16xf32> to vector<1x16xf32>
        tpu.vector_store %arg20[%swap3A_1449, %swap3A_1450], %swap3A_1453 {add = true, strides = array<i32>} : memref<64x128xf32, #tpu.memory_space<vmem>>, vector<1x16xf32>,
        %mul3A_1454 = arith.constant 4 : i32
        %mul3A_1455 = arith.muli %scan3A_1225, %mul3A_1454 : i32
        %add3A_1456 = arith.constant 3 : i32
        %add3A_1457 = arith.addi %mul3A_1455, %add3A_1456 : i32
        %get3A_1458 = arith.index_cast %add3A_1457 : i32 to index
        %get3A_1459 = arith.constant 0 : index
        %get3A_1460 = tpu.vector_load %arg24[%get3A_1458, %get3A_1459] {strides = array<i32>} : memref<64x128xf32, #tpu.memory_space<vmem>>, vector<1x16xf32>,
        %get3A_1461 = vector.shape_cast %get3A_1460 : vector<1x16xf32> to vector<16xf32>
        %swap3A_1462 = arith.index_cast %add3A_1457 : i32 to index
        %swap3A_1463 = arith.constant 0 : index
        %swap3A_1464 = tpu.vector_load %arg20[%swap3A_1462, %swap3A_1463] {strides = array<i32>} : memref<64x128xf32, #tpu.memory_space<vmem>>, vector<1x16xf32>,
        %swap3A_1465 = vector.shape_cast %swap3A_1464 : vector<1x16xf32> to vector<16xf32>
        %swap3A_1466 = vector.shape_cast %get3A_1461 : vector<16xf32> to vector<1x16xf32>
        tpu.vector_store %arg20[%swap3A_1462, %swap3A_1463], %swap3A_1466 {add = true, strides = array<i32>} : memref<64x128xf32, #tpu.memory_space<vmem>>, vector<1x16xf32>,
        %get3A_1467 = arith.index_cast %add3A_1457 : i32 to index
        %get3A_1468 = arith.constant 16 : index
        %get3A_1469 = tpu.vector_load %arg24[%get3A_1467, %get3A_1468] {strides = array<i32>} : memref<64x128xf32, #tpu.memory_space<vmem>>, vector<1x16xf32>,
        %get3A_1470 = vector.shape_cast %get3A_1469 : vector<1x16xf32> to vector<16xf32>
        %swap3A_1471 = arith.index_cast %add3A_1457 : i32 to index
        %swap3A_1472 = arith.constant 16 : index
        %swap3A_1473 = tpu.vector_load %arg20[%swap3A_1471, %swap3A_1472] {strides = array<i32>} : memref<64x128xf32, #tpu.memory_space<vmem>>, vector<1x16xf32>,
        %swap3A_1474 = vector.shape_cast %swap3A_1473 : vector<1x16xf32> to vector<16xf32>
        %swap3A_1475 = vector.shape_cast %get3A_1470 : vector<16xf32> to vector<1x16xf32>
        tpu.vector_store %arg20[%swap3A_1471, %swap3A_1472], %swap3A_1475 {add = true, strides = array<i32>} : memref<64x128xf32, #tpu.memory_space<vmem>>, vector<1x16xf32>,
        %get3A_1476 = arith.index_cast %add3A_1457 : i32 to index
        %get3A_1477 = arith.constant 32 : index
        %get3A_1478 = tpu.vector_load %arg24[%get3A_1476, %get3A_1477] {strides = array<i32>} : memref<64x128xf32, #tpu.memory_space<vmem>>, vector<1x16xf32>,
        %get3A_1479 = vector.shape_cast %get3A_1478 : vector<1x16xf32> to vector<16xf32>
        %swap3A_1480 = arith.index_cast %add3A_1457 : i32 to index
        %swap3A_1481 = arith.constant 32 : index
        %swap3A_1482 = tpu.vector_load %arg20[%swap3A_1480, %swap3A_1481] {strides = array<i32>} : memref<64x128xf32, #tpu.memory_space<vmem>>, vector<1x16xf32>,
        %swap3A_1483 = vector.shape_cast %swap3A_1482 : vector<1x16xf32> to vector<16xf32>
        %swap3A_1484 = vector.shape_cast %get3A_1479 : vector<16xf32> to vector<1x16xf32>
        tpu.vector_store %arg20[%swap3A_1480, %swap3A_1481], %swap3A_1484 {add = true, strides = array<i32>} : memref<64x128xf32, #tpu.memory_space<vmem>>, vector<1x16xf32>,
        %get3A_1485 = arith.index_cast %add3A_1457 : i32 to index
        %get3A_1486 = arith.constant 48 : index
        %get3A_1487 = tpu.vector_load %arg24[%get3A_1485, %get3A_1486] {strides = array<i32>} : memref<64x128xf32, #tpu.memory_space<vmem>>, vector<1x16xf32>,
        %get3A_1488 = vector.shape_cast %get3A_1487 : vector<1x16xf32> to vector<16xf32>
        %swap3A_1489 = arith.index_cast %add3A_1457 : i32 to index
        %swap3A_1490 = arith.constant 48 : index
        %swap3A_1491 = tpu.vector_load %arg20[%swap3A_1489, %swap3A_1490] {strides = array<i32>} : memref<64x128xf32, #tpu.memory_space<vmem>>, vector<1x16xf32>,
        %swap3A_1492 = vector.shape_cast %swap3A_1491 : vector<1x16xf32> to vector<16xf32>
        %swap3A_1493 = vector.shape_cast %get3A_1488 : vector<16xf32> to vector<1x16xf32>
        tpu.vector_store %arg20[%swap3A_1489, %swap3A_1490], %swap3A_1493 {add = true, strides = array<i32>} : memref<64x128xf32, #tpu.memory_space<vmem>>, vector<1x16xf32>,
        %get3A_1494 = arith.index_cast %add3A_1457 : i32 to index
        %get3A_1495 = arith.constant 64 : index
        %get3A_1496 = tpu.vector_load %arg24[%get3A_1494, %get3A_1495] {strides = array<i32>} : memref<64x128xf32, #tpu.memory_space<vmem>>, vector<1x16xf32>,
        %get3A_1497 = vector.shape_cast %get3A_1496 : vector<1x16xf32> to vector<16xf32>
        %swap3A_1498 = arith.index_cast %add3A_1457 : i32 to index
        %swap3A_1499 = arith.constant 64 : index
        %swap3A_1500 = tpu.vector_load %arg20[%swap3A_1498, %swap3A_1499] {strides = array<i32>} : memref<64x128xf32, #tpu.memory_space<vmem>>, vector<1x16xf32>,
        %swap3A_1501 = vector.shape_cast %swap3A_1500 : vector<1x16xf32> to vector<16xf32>
        %swap3A_1502 = vector.shape_cast %get3A_1497 : vector<16xf32> to vector<1x16xf32>
        tpu.vector_store %arg20[%swap3A_1498, %swap3A_1499], %swap3A_1502 {add = true, strides = array<i32>} : memref<64x128xf32, #tpu.memory_space<vmem>>, vector<1x16xf32>,
        %get3A_1503 = arith.index_cast %add3A_1457 : i32 to index
        %get3A_1504 = arith.constant 80 : index
        %get3A_1505 = tpu.vector_load %arg24[%get3A_1503, %get3A_1504] {strides = array<i32>} : memref<64x128xf32, #tpu.memory_space<vmem>>, vector<1x16xf32>,
        %get3A_1506 = vector.shape_cast %get3A_1505 : vector<1x16xf32> to vector<16xf32>
        %swap3A_1507 = arith.index_cast %add3A_1457 : i32 to index
        %swap3A_1508 = arith.constant 80 : index
        %swap3A_1509 = tpu.vector_load %arg20[%swap3A_1507, %swap3A_1508] {strides = array<i32>} : memref<64x128xf32, #tpu.memory_space<vmem>>, vector<1x16xf32>,
        %swap3A_1510 = vector.shape_cast %swap3A_1509 : vector<1x16xf32> to vector<16xf32>
        %swap3A_1511 = vector.shape_cast %get3A_1506 : vector<16xf32> to vector<1x16xf32>
        tpu.vector_store %arg20[%swap3A_1507, %swap3A_1508], %swap3A_1511 {add = true, strides = array<i32>} : memref<64x128xf32, #tpu.memory_space<vmem>>, vector<1x16xf32>,
        %get3A_1512 = arith.index_cast %add3A_1457 : i32 to index
        %get3A_1513 = arith.constant 96 : index
        %get3A_1514 = tpu.vector_load %arg24[%get3A_1512, %get3A_1513] {strides = array<i32>} : memref<64x128xf32, #tpu.memory_space<vmem>>, vector<1x16xf32>,
        %get3A_1515 = vector.shape_cast %get3A_1514 : vector<1x16xf32> to vector<16xf32>
        %swap3A_1516 = arith.index_cast %add3A_1457 : i32 to index
        %swap3A_1517 = arith.constant 96 : index
        %swap3A_1518 = tpu.vector_load %arg20[%swap3A_1516, %swap3A_1517] {strides = array<i32>} : memref<64x128xf32, #tpu.memory_space<vmem>>, vector<1x16xf32>,
        %swap3A_1519 = vector.shape_cast %swap3A_1518 : vector<1x16xf32> to vector<16xf32>
        %swap3A_1520 = vector.shape_cast %get3A_1515 : vector<16xf32> to vector<1x16xf32>
        tpu.vector_store %arg20[%swap3A_1516, %swap3A_1517], %swap3A_1520 {add = true, strides = array<i32>} : memref<64x128xf32, #tpu.memory_space<vmem>>, vector<1x16xf32>,
        %get3A_1521 = arith.index_cast %add3A_1457 : i32 to index
        %get3A_1522 = arith.constant 112 : index
        %get3A_1523 = tpu.vector_load %arg24[%get3A_1521, %get3A_1522] {strides = array<i32>} : memref<64x128xf32, #tpu.memory_space<vmem>>, vector<1x16xf32>,
        %get3A_1524 = vector.shape_cast %get3A_1523 : vector<1x16xf32> to vector<16xf32>
        %swap3A_1525 = arith.index_cast %add3A_1457 : i32 to index
        %swap3A_1526 = arith.constant 112 : index
        %swap3A_1527 = tpu.vector_load %arg20[%swap3A_1525, %swap3A_1526] {strides = array<i32>} : memref<64x128xf32, #tpu.memory_space<vmem>>, vector<1x16xf32>,
        %swap3A_1528 = vector.shape_cast %swap3A_1527 : vector<1x16xf32> to vector<16xf32>
        %swap3A_1529 = vector.shape_cast %get3A_1524 : vector<16xf32> to vector<1x16xf32>
        tpu.vector_store %arg20[%swap3A_1525, %swap3A_1526], %swap3A_1529 {add = true, strides = array<i32>} : memref<64x128xf32, #tpu.memory_space<vmem>>, vector<1x16xf32>,
      }
      %scan3A_647 = arith.constant 16 : i32
      %add3A_648 = arith.constant 3 : i32
      %add3A_649 = arith.addi %mul3A_572, %add3A_648 : i32
      %mul3A_650 = arith.constant 64 : i32
      %mul3A_651 = arith.muli %add3A_649, %mul3A_650 : i32
      %add3A_652 = arith.addi %mul3A_2, %mul3A_651 : i32
      %dma_start3A_653 = arith.constant 0 : i32
      %dma_start3A_654 = tpu.memref_slice %arg6[%add3A_652, %dma_start3A_653] : memref<204800x128xf32, #tpu.memory_space<hbm>> -> memref<64x128xf32, #tpu.memory_space<hbm>>
      %dma_start3A_655 = arith.constant 0 : i32
      %dma_start3A_656 = tpu.memref_slice %arg6[%add3A_652, %dma_start3A_655] : memref<204800x128xf32, #tpu.memory_space<hbm>> -> memref<64x128xf32, #tpu.memory_space<hbm>>
      tpu.enqueue_dma source(%arg20 : memref<64x128xf32, #tpu.memory_space<vmem>>) target(%dma_start3A_656 : memref<64x128xf32, #tpu.memory_space<hbm>>) target_semaphore(%arg32 : memref<!tpu.dma_semaphore, #tpu.memory_space<semaphore_mem>>)
      %dma_wait3A_657 = arith.constant 0 : i32
      %dma_wait3A_658 = arith.constant 0 : i32
      %dma_wait3A_659 = tpu.memref_slice %arg6[%dma_wait3A_657, %dma_wait3A_658] : memref<204800x128xf32, #tpu.memory_space<hbm>> -> memref<64x128xf32, #tpu.memory_space<hbm>>
      %dma_wait3A_660 = arith.constant 0 : i32
      %dma_wait3A_661 = arith.constant 0 : i32
      %dma_wait3A_662 = tpu.memref_slice %arg6[%dma_wait3A_660, %dma_wait3A_661] : memref<204800x128xf32, #tpu.memory_space<hbm>> -> memref<64x128xf32, #tpu.memory_space<hbm>>
      tpu.wait_dma2 semaphore(%arg29 : memref<!tpu.dma_semaphore, #tpu.memory_space<semaphore_mem>>) src(%arg17 : memref<64x128xf32, #tpu.memory_space<vmem>>) dst(%dma_wait3A_662 : memref<64x128xf32, #tpu.memory_space<hbm>>)
      %add3A_663 = arith.constant 4 : i32
      %add3A_664 = arith.addi %mul3A_572, %add3A_663 : i32
      %add3A_665 = arith.constant 0 : i32
      %add3A_666 = arith.addi %add3A_664, %add3A_665 : i32
      %mul3A_667 = arith.constant 64 : i32
      %mul3A_668 = arith.muli %add3A_666, %mul3A_667 : i32
      %add3A_669 = arith.constant 0 : i32
      %add3A_670 = arith.addi %mul3A_668, %add3A_669 : i32
      %get3A_671 = arith.index_cast %add3A_670 : i32 to index
      %get3A_672 = tpu.vector_load %arg7[%get3A_671] {strides = array<i32>} : memref<6400xi32, #tpu.memory_space<vmem>>, vector<16xi32>,
      %get3A_673 = vector.shape_cast %get3A_672 : vector<16xi32> to vector<16xi32>
      %swap3A_674 = arith.constant 0 : index
      %swap3A_675 = tpu.vector_load %arg9[%swap3A_674] {strides = array<i32>} : memref<64xi32, #tpu.memory_space<vmem>>, vector<16xi32>,
      %swap3A_676 = vector.shape_cast %swap3A_675 : vector<16xi32> to vector<16xi32>
      %swap3A_677 = vector.shape_cast %get3A_673 : vector<16xi32> to vector<16xi32>
      tpu.vector_store %arg9[%swap3A_674], %swap3A_677 {strides = array<i32>} : memref<64xi32, #tpu.memory_space<vmem>>, vector<16xi32>,
      %add3A_678 = arith.constant 16 : i32
      %add3A_679 = arith.addi %mul3A_668, %add3A_678 : i32
      %get3A_680 = arith.index_cast %add3A_679 : i32 to index
      %get3A_681 = tpu.vector_load %arg7[%get3A_680] {strides = array<i32>} : memref<6400xi32, #tpu.memory_space<vmem>>, vector<16xi32>,
      %get3A_682 = vector.shape_cast %get3A_681 : vector<16xi32> to vector<16xi32>
      %swap3A_683 = arith.constant 16 : index
      %swap3A_684 = tpu.vector_load %arg9[%swap3A_683] {strides = array<i32>} : memref<64xi32, #tpu.memory_space<vmem>>, vector<16xi32>,
      %swap3A_685 = vector.shape_cast %swap3A_684 : vector<16xi32> to vector<16xi32>
      %swap3A_686 = vector.shape_cast %get3A_682 : vector<16xi32> to vector<16xi32>
      tpu.vector_store %arg9[%swap3A_683], %swap3A_686 {strides = array<i32>} : memref<64xi32, #tpu.memory_space<vmem>>, vector<16xi32>,
      %add3A_687 = arith.constant 32 : i32
      %add3A_688 = arith.addi %mul3A_668, %add3A_687 : i32
      %get3A_689 = arith.index_cast %add3A_688 : i32 to index
      %get3A_690 = tpu.vector_load %arg7[%get3A_689] {strides = array<i32>} : memref<6400xi32, #tpu.memory_space<vmem>>, vector<16xi32>,
      %get3A_691 = vector.shape_cast %get3A_690 : vector<16xi32> to vector<16xi32>
      %swap3A_692 = arith.constant 32 : index
      %swap3A_693 = tpu.vector_load %arg9[%swap3A_692] {strides = array<i32>} : memref<64xi32, #tpu.memory_space<vmem>>, vector<16xi32>,
      %swap3A_694 = vector.shape_cast %swap3A_693 : vector<16xi32> to vector<16xi32>
      %swap3A_695 = vector.shape_cast %get3A_691 : vector<16xi32> to vector<16xi32>
      tpu.vector_store %arg9[%swap3A_692], %swap3A_695 {strides = array<i32>} : memref<64xi32, #tpu.memory_space<vmem>>, vector<16xi32>,
      %add3A_696 = arith.constant 48 : i32
      %add3A_697 = arith.addi %mul3A_668, %add3A_696 : i32
      %get3A_698 = arith.index_cast %add3A_697 : i32 to index
      %get3A_699 = tpu.vector_load %arg7[%get3A_698] {strides = array<i32>} : memref<6400xi32, #tpu.memory_space<vmem>>, vector<16xi32>,
      %get3A_700 = vector.shape_cast %get3A_699 : vector<16xi32> to vector<16xi32>
      %swap3A_701 = arith.constant 48 : index
      %swap3A_702 = tpu.vector_load %arg9[%swap3A_701] {strides = array<i32>} : memref<64xi32, #tpu.memory_space<vmem>>, vector<16xi32>,
      %swap3A_703 = vector.shape_cast %swap3A_702 : vector<16xi32> to vector<16xi32>
      %swap3A_704 = vector.shape_cast %get3A_700 : vector<16xi32> to vector<16xi32>
      tpu.vector_store %arg9[%swap3A_701], %swap3A_704 {strides = array<i32>} : memref<64xi32, #tpu.memory_space<vmem>>, vector<16xi32>,
      %dma_start3A_705 = arith.constant 0 : i32
      %dma_start3A_706 = arith.constant 0 : i32
      %dma_start3A_707 = tpu.memref_slice %arg4[%dma_start3A_705, %dma_start3A_706] : memref<100000x128xf32, #tpu.memory_space<hbm>> -> memref<100000x128xf32, #tpu.memory_space<hbm>>
      tpu.enqueue_indirect_dma source(%dma_start3A_707 : memref<100000x128xf32, #tpu.memory_space<hbm>>) target(%arg17 : memref<64x128xf32, #tpu.memory_space<vmem>>) offsets(%arg9 : memref<64xi32, #tpu.memory_space<vmem>>) semaphore(%arg25 : memref<!tpu.dma_semaphore, #tpu.memory_space<semaphore_mem>>)
      %add3A_708 = arith.addi %mul3A_2, %mul3A_668 : i32
      %add3A_709 = arith.constant 0 : i32
      %add3A_710 = arith.addi %add3A_708, %add3A_709 : i32
      %iota3A_711 = tpu.iota {dimensions = array<i32: 0>} : vector<16xi32>
      %add3A_712 = vector.broadcast %add3A_710 : i32 to vector<16xi32>
      %add3A_713 = arith.addi %add3A_712, %iota3A_711 : vector<16xi32>
      %rem3A_714 = arith.constant 200 : i32
      %rem3A_715 = vector.broadcast %rem3A_714 : i32 to vector<16xi32>
      %rem3A_716 = arith.remsi %add3A_713, %rem3A_715 : vector<16xi32>
      %add3A_717 = arith.constant 0 : i32
      %add3A_718 = arith.addi %mul3A_668, %add3A_717 : i32
      %get3A_719 = arith.index_cast %add3A_718 : i32 to index
      %get3A_720 = tpu.vector_load %arg8[%get3A_719] {strides = array<i32>} : memref<6400xi32, #tpu.memory_space<vmem>>, vector<16xi32>,
      %get3A_721 = vector.shape_cast %get3A_720 : vector<16xi32> to vector<16xi32>
      %mul3A_722 = arith.constant 200 : i32
      %mul3A_723 = vector.broadcast %mul3A_722 : i32 to vector<16xi32>
      %mul3A_724 = arith.muli %get3A_721, %mul3A_723 : vector<16xi32>
      %add3A_725 = arith.addi %mul3A_724, %rem3A_716 : vector<16xi32>
      %swap3A_726 = arith.constant 0 : index
      %swap3A_727 = tpu.vector_load %arg13[%swap3A_726] {strides = array<i32>} : memref<64xi32, #tpu.memory_space<vmem>>, vector<16xi32>,
      %swap3A_728 = vector.shape_cast %swap3A_727 : vector<16xi32> to vector<16xi32>
      %swap3A_729 = vector.shape_cast %add3A_725 : vector<16xi32> to vector<16xi32>
      tpu.vector_store %arg13[%swap3A_726], %swap3A_729 {strides = array<i32>} : memref<64xi32, #tpu.memory_space<vmem>>, vector<16xi32>,
      %add3A_730 = arith.addi %mul3A_2, %mul3A_668 : i32
      %add3A_731 = arith.constant 16 : i32
      %add3A_732 = arith.addi %add3A_730, %add3A_731 : i32
      %iota3A_733 = tpu.iota {dimensions = array<i32: 0>} : vector<16xi32>
      %add3A_734 = vector.broadcast %add3A_732 : i32 to vector<16xi32>
      %add3A_735 = arith.addi %add3A_734, %iota3A_733 : vector<16xi32>
      %rem3A_736 = arith.constant 200 : i32
      %rem3A_737 = vector.broadcast %rem3A_736 : i32 to vector<16xi32>
      %rem3A_738 = arith.remsi %add3A_735, %rem3A_737 : vector<16xi32>
      %add3A_739 = arith.constant 16 : i32
      %add3A_740 = arith.addi %mul3A_668, %add3A_739 : i32
      %get3A_741 = arith.index_cast %add3A_740 : i32 to index
      %get3A_742 = tpu.vector_load %arg8[%get3A_741] {strides = array<i32>} : memref<6400xi32, #tpu.memory_space<vmem>>, vector<16xi32>,
      %get3A_743 = vector.shape_cast %get3A_742 : vector<16xi32> to vector<16xi32>
      %mul3A_744 = arith.constant 200 : i32
      %mul3A_745 = vector.broadcast %mul3A_744 : i32 to vector<16xi32>
      %mul3A_746 = arith.muli %get3A_743, %mul3A_745 : vector<16xi32>
      %add3A_747 = arith.addi %mul3A_746, %rem3A_738 : vector<16xi32>
      %swap3A_748 = arith.constant 16 : index
      %swap3A_749 = tpu.vector_load %arg13[%swap3A_748] {strides = array<i32>} : memref<64xi32, #tpu.memory_space<vmem>>, vector<16xi32>,
      %swap3A_750 = vector.shape_cast %swap3A_749 : vector<16xi32> to vector<16xi32>
      %swap3A_751 = vector.shape_cast %add3A_747 : vector<16xi32> to vector<16xi32>
      tpu.vector_store %arg13[%swap3A_748], %swap3A_751 {strides = array<i32>} : memref<64xi32, #tpu.memory_space<vmem>>, vector<16xi32>,
      %add3A_752 = arith.addi %mul3A_2, %mul3A_668 : i32
      %add3A_753 = arith.constant 32 : i32
      %add3A_754 = arith.addi %add3A_752, %add3A_753 : i32
      %iota3A_755 = tpu.iota {dimensions = array<i32: 0>} : vector<16xi32>
      %add3A_756 = vector.broadcast %add3A_754 : i32 to vector<16xi32>
      %add3A_757 = arith.addi %add3A_756, %iota3A_755 : vector<16xi32>
      %rem3A_758 = arith.constant 200 : i32
      %rem3A_759 = vector.broadcast %rem3A_758 : i32 to vector<16xi32>
      %rem3A_760 = arith.remsi %add3A_757, %rem3A_759 : vector<16xi32>
      %add3A_761 = arith.constant 32 : i32
      %add3A_762 = arith.addi %mul3A_668, %add3A_761 : i32
      %get3A_763 = arith.index_cast %add3A_762 : i32 to index
      %get3A_764 = tpu.vector_load %arg8[%get3A_763] {strides = array<i32>} : memref<6400xi32, #tpu.memory_space<vmem>>, vector<16xi32>,
      %get3A_765 = vector.shape_cast %get3A_764 : vector<16xi32> to vector<16xi32>
      %mul3A_766 = arith.constant 200 : i32
      %mul3A_767 = vector.broadcast %mul3A_766 : i32 to vector<16xi32>
      %mul3A_768 = arith.muli %get3A_765, %mul3A_767 : vector<16xi32>
      %add3A_769 = arith.addi %mul3A_768, %rem3A_760 : vector<16xi32>
      %swap3A_770 = arith.constant 32 : index
      %swap3A_771 = tpu.vector_load %arg13[%swap3A_770] {strides = array<i32>} : memref<64xi32, #tpu.memory_space<vmem>>, vector<16xi32>,
      %swap3A_772 = vector.shape_cast %swap3A_771 : vector<16xi32> to vector<16xi32>
      %swap3A_773 = vector.shape_cast %add3A_769 : vector<16xi32> to vector<16xi32>
      tpu.vector_store %arg13[%swap3A_770], %swap3A_773 {strides = array<i32>} : memref<64xi32, #tpu.memory_space<vmem>>, vector<16xi32>,
      %add3A_774 = arith.addi %mul3A_2, %mul3A_668 : i32
      %add3A_775 = arith.constant 48 : i32
      %add3A_776 = arith.addi %add3A_774, %add3A_775 : i32
      %iota3A_777 = tpu.iota {dimensions = array<i32: 0>} : vector<16xi32>
      %add3A_778 = vector.broadcast %add3A_776 : i32 to vector<16xi32>
      %add3A_779 = arith.addi %add3A_778, %iota3A_777 : vector<16xi32>
      %rem3A_780 = arith.constant 200 : i32
      %rem3A_781 = vector.broadcast %rem3A_780 : i32 to vector<16xi32>
      %rem3A_782 = arith.remsi %add3A_779, %rem3A_781 : vector<16xi32>
      %add3A_783 = arith.constant 48 : i32
      %add3A_784 = arith.addi %mul3A_668, %add3A_783 : i32
      %get3A_785 = arith.index_cast %add3A_784 : i32 to index
      %get3A_786 = tpu.vector_load %arg8[%get3A_785] {strides = array<i32>} : memref<6400xi32, #tpu.memory_space<vmem>>, vector<16xi32>,
      %get3A_787 = vector.shape_cast %get3A_786 : vector<16xi32> to vector<16xi32>
      %mul3A_788 = arith.constant 200 : i32
      %mul3A_789 = vector.broadcast %mul3A_788 : i32 to vector<16xi32>
      %mul3A_790 = arith.muli %get3A_787, %mul3A_789 : vector<16xi32>
      %add3A_791 = arith.addi %mul3A_790, %rem3A_782 : vector<16xi32>
      %swap3A_792 = arith.constant 48 : index
      %swap3A_793 = tpu.vector_load %arg13[%swap3A_792] {strides = array<i32>} : memref<64xi32, #tpu.memory_space<vmem>>, vector<16xi32>,
      %swap3A_794 = vector.shape_cast %swap3A_793 : vector<16xi32> to vector<16xi32>
      %swap3A_795 = vector.shape_cast %add3A_791 : vector<16xi32> to vector<16xi32>
      tpu.vector_store %arg13[%swap3A_792], %swap3A_795 {strides = array<i32>} : memref<64xi32, #tpu.memory_space<vmem>>, vector<16xi32>,
      %dma_start3A_796 = arith.constant 0 : i32
      %dma_start3A_797 = arith.constant 0 : i32
      %dma_start3A_798 = tpu.memref_slice %arg5[%dma_start3A_796, %dma_start3A_797] : memref<400x128xf32, #tpu.memory_space<hbm>> -> memref<400x128xf32, #tpu.memory_space<hbm>>
      tpu.enqueue_indirect_dma source(%dma_start3A_798 : memref<400x128xf32, #tpu.memory_space<hbm>>) target(%arg21 : memref<64x128xf32, #tpu.memory_space<vmem>>) offsets(%arg13 : memref<64xi32, #tpu.memory_space<vmem>>) semaphore(%arg25 : memref<!tpu.dma_semaphore, #tpu.memory_space<semaphore_mem>>)
      %dma_wait3A_799 = arith.constant 0 : i32
      %dma_wait3A_800 = arith.constant 0 : i32
      %dma_wait3A_801 = tpu.memref_slice %arg6[%dma_wait3A_799, %dma_wait3A_800] : memref<204800x128xf32, #tpu.memory_space<hbm>> -> memref<64x128xf32, #tpu.memory_space<hbm>>
      %dma_wait3A_802 = arith.constant 0 : i32
      %dma_wait3A_803 = arith.constant 0 : i32
      %dma_wait3A_804 = tpu.memref_slice %arg6[%dma_wait3A_802, %dma_wait3A_803] : memref<204800x128xf32, #tpu.memory_space<hbm>> -> memref<64x128xf32, #tpu.memory_space<hbm>>
      tpu.wait_dma2 semaphore(%arg30 : memref<!tpu.dma_semaphore, #tpu.memory_space<semaphore_mem>>) src(%arg18 : memref<64x128xf32, #tpu.memory_space<vmem>>) dst(%dma_wait3A_804 : memref<64x128xf32, #tpu.memory_space<hbm>>)
      %add3A_805 = arith.constant 4 : i32
      %add3A_806 = arith.addi %mul3A_572, %add3A_805 : i32
      %add3A_807 = arith.constant 1 : i32
      %add3A_808 = arith.addi %add3A_806, %add3A_807 : i32
      %mul3A_809 = arith.constant 64 : i32
      %mul3A_810 = arith.muli %add3A_808, %mul3A_809 : i32
      %add3A_811 = arith.constant 0 : i32
      %add3A_812 = arith.addi %mul3A_810, %add3A_811 : i32
      %get3A_813 = arith.index_cast %add3A_812 : i32 to index
      %get3A_814 = tpu.vector_load %arg7[%get3A_813] {strides = array<i32>} : memref<6400xi32, #tpu.memory_space<vmem>>, vector<16xi32>,
      %get3A_815 = vector.shape_cast %get3A_814 : vector<16xi32> to vector<16xi32>
      %swap3A_816 = arith.constant 0 : index
      %swap3A_817 = tpu.vector_load %arg10[%swap3A_816] {strides = array<i32>} : memref<64xi32, #tpu.memory_space<vmem>>, vector<16xi32>,
      %swap3A_818 = vector.shape_cast %swap3A_817 : vector<16xi32> to vector<16xi32>
      %swap3A_819 = vector.shape_cast %get3A_815 : vector<16xi32> to vector<16xi32>
      tpu.vector_store %arg10[%swap3A_816], %swap3A_819 {strides = array<i32>} : memref<64xi32, #tpu.memory_space<vmem>>, vector<16xi32>,
      %add3A_820 = arith.constant 16 : i32
      %add3A_821 = arith.addi %mul3A_810, %add3A_820 : i32
      %get3A_822 = arith.index_cast %add3A_821 : i32 to index
      %get3A_823 = tpu.vector_load %arg7[%get3A_822] {strides = array<i32>} : memref<6400xi32, #tpu.memory_space<vmem>>, vector<16xi32>,
      %get3A_824 = vector.shape_cast %get3A_823 : vector<16xi32> to vector<16xi32>
      %swap3A_825 = arith.constant 16 : index
      %swap3A_826 = tpu.vector_load %arg10[%swap3A_825] {strides = array<i32>} : memref<64xi32, #tpu.memory_space<vmem>>, vector<16xi32>,
      %swap3A_827 = vector.shape_cast %swap3A_826 : vector<16xi32> to vector<16xi32>
      %swap3A_828 = vector.shape_cast %get3A_824 : vector<16xi32> to vector<16xi32>
      tpu.vector_store %arg10[%swap3A_825], %swap3A_828 {strides = array<i32>} : memref<64xi32, #tpu.memory_space<vmem>>, vector<16xi32>,
      %add3A_829 = arith.constant 32 : i32
      %add3A_830 = arith.addi %mul3A_810, %add3A_829 : i32
      %get3A_831 = arith.index_cast %add3A_830 : i32 to index
      %get3A_832 = tpu.vector_load %arg7[%get3A_831] {strides = array<i32>} : memref<6400xi32, #tpu.memory_space<vmem>>, vector<16xi32>,
      %get3A_833 = vector.shape_cast %get3A_832 : vector<16xi32> to vector<16xi32>
      %swap3A_834 = arith.constant 32 : index
      %swap3A_835 = tpu.vector_load %arg10[%swap3A_834] {strides = array<i32>} : memref<64xi32, #tpu.memory_space<vmem>>, vector<16xi32>,
      %swap3A_836 = vector.shape_cast %swap3A_835 : vector<16xi32> to vector<16xi32>
      %swap3A_837 = vector.shape_cast %get3A_833 : vector<16xi32> to vector<16xi32>
      tpu.vector_store %arg10[%swap3A_834], %swap3A_837 {strides = array<i32>} : memref<64xi32, #tpu.memory_space<vmem>>, vector<16xi32>,
      %add3A_838 = arith.constant 48 : i32
      %add3A_839 = arith.addi %mul3A_810, %add3A_838 : i32
      %get3A_840 = arith.index_cast %add3A_839 : i32 to index
      %get3A_841 = tpu.vector_load %arg7[%get3A_840] {strides = array<i32>} : memref<6400xi32, #tpu.memory_space<vmem>>, vector<16xi32>,
      %get3A_842 = vector.shape_cast %get3A_841 : vector<16xi32> to vector<16xi32>
      %swap3A_843 = arith.constant 48 : index
      %swap3A_844 = tpu.vector_load %arg10[%swap3A_843] {strides = array<i32>} : memref<64xi32, #tpu.memory_space<vmem>>, vector<16xi32>,
      %swap3A_845 = vector.shape_cast %swap3A_844 : vector<16xi32> to vector<16xi32>
      %swap3A_846 = vector.shape_cast %get3A_842 : vector<16xi32> to vector<16xi32>
      tpu.vector_store %arg10[%swap3A_843], %swap3A_846 {strides = array<i32>} : memref<64xi32, #tpu.memory_space<vmem>>, vector<16xi32>,
      %dma_start3A_847 = arith.constant 0 : i32
      %dma_start3A_848 = arith.constant 0 : i32
      %dma_start3A_849 = tpu.memref_slice %arg4[%dma_start3A_847, %dma_start3A_848] : memref<100000x128xf32, #tpu.memory_space<hbm>> -> memref<100000x128xf32, #tpu.memory_space<hbm>>
      tpu.enqueue_indirect_dma source(%dma_start3A_849 : memref<100000x128xf32, #tpu.memory_space<hbm>>) target(%arg18 : memref<64x128xf32, #tpu.memory_space<vmem>>) offsets(%arg10 : memref<64xi32, #tpu.memory_space<vmem>>) semaphore(%arg26 : memref<!tpu.dma_semaphore, #tpu.memory_space<semaphore_mem>>)
      %add3A_850 = arith.addi %mul3A_2, %mul3A_810 : i32
      %add3A_851 = arith.constant 0 : i32
      %add3A_852 = arith.addi %add3A_850, %add3A_851 : i32
      %iota3A_853 = tpu.iota {dimensions = array<i32: 0>} : vector<16xi32>
      %add3A_854 = vector.broadcast %add3A_852 : i32 to vector<16xi32>
      %add3A_855 = arith.addi %add3A_854, %iota3A_853 : vector<16xi32>
      %rem3A_856 = arith.constant 200 : i32
      %rem3A_857 = vector.broadcast %rem3A_856 : i32 to vector<16xi32>
      %rem3A_858 = arith.remsi %add3A_855, %rem3A_857 : vector<16xi32>
      %add3A_859 = arith.constant 0 : i32
      %add3A_860 = arith.addi %mul3A_810, %add3A_859 : i32
      %get3A_861 = arith.index_cast %add3A_860 : i32 to index
      %get3A_862 = tpu.vector_load %arg8[%get3A_861] {strides = array<i32>} : memref<6400xi32, #tpu.memory_space<vmem>>, vector<16xi32>,
      %get3A_863 = vector.shape_cast %get3A_862 : vector<16xi32> to vector<16xi32>
      %mul3A_864 = arith.constant 200 : i32
      %mul3A_865 = vector.broadcast %mul3A_864 : i32 to vector<16xi32>
      %mul3A_866 = arith.muli %get3A_863, %mul3A_865 : vector<16xi32>
      %add3A_867 = arith.addi %mul3A_866, %rem3A_858 : vector<16xi32>
      %swap3A_868 = arith.constant 0 : index
      %swap3A_869 = tpu.vector_load %arg14[%swap3A_868] {strides = array<i32>} : memref<64xi32, #tpu.memory_space<vmem>>, vector<16xi32>,
      %swap3A_870 = vector.shape_cast %swap3A_869 : vector<16xi32> to vector<16xi32>
      %swap3A_871 = vector.shape_cast %add3A_867 : vector<16xi32> to vector<16xi32>
      tpu.vector_store %arg14[%swap3A_868], %swap3A_871 {strides = array<i32>} : memref<64xi32, #tpu.memory_space<vmem>>, vector<16xi32>,
      %add3A_872 = arith.addi %mul3A_2, %mul3A_810 : i32
      %add3A_873 = arith.constant 16 : i32
      %add3A_874 = arith.addi %add3A_872, %add3A_873 : i32
      %iota3A_875 = tpu.iota {dimensions = array<i32: 0>} : vector<16xi32>
      %add3A_876 = vector.broadcast %add3A_874 : i32 to vector<16xi32>
      %add3A_877 = arith.addi %add3A_876, %iota3A_875 : vector<16xi32>
      %rem3A_878 = arith.constant 200 : i32
      %rem3A_879 = vector.broadcast %rem3A_878 : i32 to vector<16xi32>
      %rem3A_880 = arith.remsi %add3A_877, %rem3A_879 : vector<16xi32>
      %add3A_881 = arith.constant 16 : i32
      %add3A_882 = arith.addi %mul3A_810, %add3A_881 : i32
      %get3A_883 = arith.index_cast %add3A_882 : i32 to index
      %get3A_884 = tpu.vector_load %arg8[%get3A_883] {strides = array<i32>} : memref<6400xi32, #tpu.memory_space<vmem>>, vector<16xi32>,
      %get3A_885 = vector.shape_cast %get3A_884 : vector<16xi32> to vector<16xi32>
      %mul3A_886 = arith.constant 200 : i32
      %mul3A_887 = vector.broadcast %mul3A_886 : i32 to vector<16xi32>
      %mul3A_888 = arith.muli %get3A_885, %mul3A_887 : vector<16xi32>
      %add3A_889 = arith.addi %mul3A_888, %rem3A_880 : vector<16xi32>
      %swap3A_890 = arith.constant 16 : index
      %swap3A_891 = tpu.vector_load %arg14[%swap3A_890] {strides = array<i32>} : memref<64xi32, #tpu.memory_space<vmem>>, vector<16xi32>,
      %swap3A_892 = vector.shape_cast %swap3A_891 : vector<16xi32> to vector<16xi32>
      %swap3A_893 = vector.shape_cast %add3A_889 : vector<16xi32> to vector<16xi32>
      tpu.vector_store %arg14[%swap3A_890], %swap3A_893 {strides = array<i32>} : memref<64xi32, #tpu.memory_space<vmem>>, vector<16xi32>,
      %add3A_894 = arith.addi %mul3A_2, %mul3A_810 : i32
      %add3A_895 = arith.constant 32 : i32
      %add3A_896 = arith.addi %add3A_894, %add3A_895 : i32
      %iota3A_897 = tpu.iota {dimensions = array<i32: 0>} : vector<16xi32>
      %add3A_898 = vector.broadcast %add3A_896 : i32 to vector<16xi32>
      %add3A_899 = arith.addi %add3A_898, %iota3A_897 : vector<16xi32>
      %rem3A_900 = arith.constant 200 : i32
      %rem3A_901 = vector.broadcast %rem3A_900 : i32 to vector<16xi32>
      %rem3A_902 = arith.remsi %add3A_899, %rem3A_901 : vector<16xi32>
      %add3A_903 = arith.constant 32 : i32
      %add3A_904 = arith.addi %mul3A_810, %add3A_903 : i32
      %get3A_905 = arith.index_cast %add3A_904 : i32 to index
      %get3A_906 = tpu.vector_load %arg8[%get3A_905] {strides = array<i32>} : memref<6400xi32, #tpu.memory_space<vmem>>, vector<16xi32>,
      %get3A_907 = vector.shape_cast %get3A_906 : vector<16xi32> to vector<16xi32>
      %mul3A_908 = arith.constant 200 : i32
      %mul3A_909 = vector.broadcast %mul3A_908 : i32 to vector<16xi32>
      %mul3A_910 = arith.muli %get3A_907, %mul3A_909 : vector<16xi32>
      %add3A_911 = arith.addi %mul3A_910, %rem3A_902 : vector<16xi32>
      %swap3A_912 = arith.constant 32 : index
      %swap3A_913 = tpu.vector_load %arg14[%swap3A_912] {strides = array<i32>} : memref<64xi32, #tpu.memory_space<vmem>>, vector<16xi32>,
      %swap3A_914 = vector.shape_cast %swap3A_913 : vector<16xi32> to vector<16xi32>
      %swap3A_915 = vector.shape_cast %add3A_911 : vector<16xi32> to vector<16xi32>
      tpu.vector_store %arg14[%swap3A_912], %swap3A_915 {strides = array<i32>} : memref<64xi32, #tpu.memory_space<vmem>>, vector<16xi32>,
      %add3A_916 = arith.addi %mul3A_2, %mul3A_810 : i32
      %add3A_917 = arith.constant 48 : i32
      %add3A_918 = arith.addi %add3A_916, %add3A_917 : i32
      %iota3A_919 = tpu.iota {dimensions = array<i32: 0>} : vector<16xi32>
      %add3A_920 = vector.broadcast %add3A_918 : i32 to vector<16xi32>
      %add3A_921 = arith.addi %add3A_920, %iota3A_919 : vector<16xi32>
      %rem3A_922 = arith.constant 200 : i32
      %rem3A_923 = vector.broadcast %rem3A_922 : i32 to vector<16xi32>
      %rem3A_924 = arith.remsi %add3A_921, %rem3A_923 : vector<16xi32>
      %add3A_925 = arith.constant 48 : i32
      %add3A_926 = arith.addi %mul3A_810, %add3A_925 : i32
      %get3A_927 = arith.index_cast %add3A_926 : i32 to index
      %get3A_928 = tpu.vector_load %arg8[%get3A_927] {strides = array<i32>} : memref<6400xi32, #tpu.memory_space<vmem>>, vector<16xi32>,
      %get3A_929 = vector.shape_cast %get3A_928 : vector<16xi32> to vector<16xi32>
      %mul3A_930 = arith.constant 200 : i32
      %mul3A_931 = vector.broadcast %mul3A_930 : i32 to vector<16xi32>
      %mul3A_932 = arith.muli %get3A_929, %mul3A_931 : vector<16xi32>
      %add3A_933 = arith.addi %mul3A_932, %rem3A_924 : vector<16xi32>
      %swap3A_934 = arith.constant 48 : index
      %swap3A_935 = tpu.vector_load %arg14[%swap3A_934] {strides = array<i32>} : memref<64xi32, #tpu.memory_space<vmem>>, vector<16xi32>,
      %swap3A_936 = vector.shape_cast %swap3A_935 : vector<16xi32> to vector<16xi32>
      %swap3A_937 = vector.shape_cast %add3A_933 : vector<16xi32> to vector<16xi32>
      tpu.vector_store %arg14[%swap3A_934], %swap3A_937 {strides = array<i32>} : memref<64xi32, #tpu.memory_space<vmem>>, vector<16xi32>,
      %dma_start3A_938 = arith.constant 0 : i32
      %dma_start3A_939 = arith.constant 0 : i32
      %dma_start3A_940 = tpu.memref_slice %arg5[%dma_start3A_938, %dma_start3A_939] : memref<400x128xf32, #tpu.memory_space<hbm>> -> memref<400x128xf32, #tpu.memory_space<hbm>>
      tpu.enqueue_indirect_dma source(%dma_start3A_940 : memref<400x128xf32, #tpu.memory_space<hbm>>) target(%arg22 : memref<64x128xf32, #tpu.memory_space<vmem>>) offsets(%arg14 : memref<64xi32, #tpu.memory_space<vmem>>) semaphore(%arg26 : memref<!tpu.dma_semaphore, #tpu.memory_space<semaphore_mem>>)
      %dma_wait3A_941 = arith.constant 0 : i32
      %dma_wait3A_942 = arith.constant 0 : i32
      %dma_wait3A_943 = tpu.memref_slice %arg6[%dma_wait3A_941, %dma_wait3A_942] : memref<204800x128xf32, #tpu.memory_space<hbm>> -> memref<64x128xf32, #tpu.memory_space<hbm>>
      %dma_wait3A_944 = arith.constant 0 : i32
      %dma_wait3A_945 = arith.constant 0 : i32
      %dma_wait3A_946 = tpu.memref_slice %arg6[%dma_wait3A_944, %dma_wait3A_945] : memref<204800x128xf32, #tpu.memory_space<hbm>> -> memref<64x128xf32, #tpu.memory_space<hbm>>
      tpu.wait_dma2 semaphore(%arg31 : memref<!tpu.dma_semaphore, #tpu.memory_space<semaphore_mem>>) src(%arg19 : memref<64x128xf32, #tpu.memory_space<vmem>>) dst(%dma_wait3A_946 : memref<64x128xf32, #tpu.memory_space<hbm>>)
      %add3A_947 = arith.constant 4 : i32
      %add3A_948 = arith.addi %mul3A_572, %add3A_947 : i32
      %add3A_949 = arith.constant 2 : i32
      %add3A_950 = arith.addi %add3A_948, %add3A_949 : i32
      %mul3A_951 = arith.constant 64 : i32
      %mul3A_952 = arith.muli %add3A_950, %mul3A_951 : i32
      %add3A_953 = arith.constant 0 : i32
      %add3A_954 = arith.addi %mul3A_952, %add3A_953 : i32
      %get3A_955 = arith.index_cast %add3A_954 : i32 to index
      %get3A_956 = tpu.vector_load %arg7[%get3A_955] {strides = array<i32>} : memref<6400xi32, #tpu.memory_space<vmem>>, vector<16xi32>,
      %get3A_957 = vector.shape_cast %get3A_956 : vector<16xi32> to vector<16xi32>
      %swap3A_958 = arith.constant 0 : index
      %swap3A_959 = tpu.vector_load %arg11[%swap3A_958] {strides = array<i32>} : memref<64xi32, #tpu.memory_space<vmem>>, vector<16xi32>,
      %swap3A_960 = vector.shape_cast %swap3A_959 : vector<16xi32> to vector<16xi32>
      %swap3A_961 = vector.shape_cast %get3A_957 : vector<16xi32> to vector<16xi32>
      tpu.vector_store %arg11[%swap3A_958], %swap3A_961 {strides = array<i32>} : memref<64xi32, #tpu.memory_space<vmem>>, vector<16xi32>,
      %add3A_962 = arith.constant 16 : i32
      %add3A_963 = arith.addi %mul3A_952, %add3A_962 : i32
      %get3A_964 = arith.index_cast %add3A_963 : i32 to index
      %get3A_965 = tpu.vector_load %arg7[%get3A_964] {strides = array<i32>} : memref<6400xi32, #tpu.memory_space<vmem>>, vector<16xi32>,
      %get3A_966 = vector.shape_cast %get3A_965 : vector<16xi32> to vector<16xi32>
      %swap3A_967 = arith.constant 16 : index
      %swap3A_968 = tpu.vector_load %arg11[%swap3A_967] {strides = array<i32>} : memref<64xi32, #tpu.memory_space<vmem>>, vector<16xi32>,
      %swap3A_969 = vector.shape_cast %swap3A_968 : vector<16xi32> to vector<16xi32>
      %swap3A_970 = vector.shape_cast %get3A_966 : vector<16xi32> to vector<16xi32>
      tpu.vector_store %arg11[%swap3A_967], %swap3A_970 {strides = array<i32>} : memref<64xi32, #tpu.memory_space<vmem>>, vector<16xi32>,
      %add3A_971 = arith.constant 32 : i32
      %add3A_972 = arith.addi %mul3A_952, %add3A_971 : i32
      %get3A_973 = arith.index_cast %add3A_972 : i32 to index
      %get3A_974 = tpu.vector_load %arg7[%get3A_973] {strides = array<i32>} : memref<6400xi32, #tpu.memory_space<vmem>>, vector<16xi32>,
      %get3A_975 = vector.shape_cast %get3A_974 : vector<16xi32> to vector<16xi32>
      %swap3A_976 = arith.constant 32 : index
      %swap3A_977 = tpu.vector_load %arg11[%swap3A_976] {strides = array<i32>} : memref<64xi32, #tpu.memory_space<vmem>>, vector<16xi32>,
      %swap3A_978 = vector.shape_cast %swap3A_977 : vector<16xi32> to vector<16xi32>
      %swap3A_979 = vector.shape_cast %get3A_975 : vector<16xi32> to vector<16xi32>
      tpu.vector_store %arg11[%swap3A_976], %swap3A_979 {strides = array<i32>} : memref<64xi32, #tpu.memory_space<vmem>>, vector<16xi32>,
      %add3A_980 = arith.constant 48 : i32
      %add3A_981 = arith.addi %mul3A_952, %add3A_980 : i32
      %get3A_982 = arith.index_cast %add3A_981 : i32 to index
      %get3A_983 = tpu.vector_load %arg7[%get3A_982] {strides = array<i32>} : memref<6400xi32, #tpu.memory_space<vmem>>, vector<16xi32>,
      %get3A_984 = vector.shape_cast %get3A_983 : vector<16xi32> to vector<16xi32>
      %swap3A_985 = arith.constant 48 : index
      %swap3A_986 = tpu.vector_load %arg11[%swap3A_985] {strides = array<i32>} : memref<64xi32, #tpu.memory_space<vmem>>, vector<16xi32>,
      %swap3A_987 = vector.shape_cast %swap3A_986 : vector<16xi32> to vector<16xi32>
      %swap3A_988 = vector.shape_cast %get3A_984 : vector<16xi32> to vector<16xi32>
      tpu.vector_store %arg11[%swap3A_985], %swap3A_988 {strides = array<i32>} : memref<64xi32, #tpu.memory_space<vmem>>, vector<16xi32>,
      %dma_start3A_989 = arith.constant 0 : i32
      %dma_start3A_990 = arith.constant 0 : i32
      %dma_start3A_991 = tpu.memref_slice %arg4[%dma_start3A_989, %dma_start3A_990] : memref<100000x128xf32, #tpu.memory_space<hbm>> -> memref<100000x128xf32, #tpu.memory_space<hbm>>
      tpu.enqueue_indirect_dma source(%dma_start3A_991 : memref<100000x128xf32, #tpu.memory_space<hbm>>) target(%arg19 : memref<64x128xf32, #tpu.memory_space<vmem>>) offsets(%arg11 : memref<64xi32, #tpu.memory_space<vmem>>) semaphore(%arg27 : memref<!tpu.dma_semaphore, #tpu.memory_space<semaphore_mem>>)
      %add3A_992 = arith.addi %mul3A_2, %mul3A_952 : i32
      %add3A_993 = arith.constant 0 : i32
      %add3A_994 = arith.addi %add3A_992, %add3A_993 : i32
      %iota3A_995 = tpu.iota {dimensions = array<i32: 0>} : vector<16xi32>
      %add3A_996 = vector.broadcast %add3A_994 : i32 to vector<16xi32>
      %add3A_997 = arith.addi %add3A_996, %iota3A_995 : vector<16xi32>
      %rem3A_998 = arith.constant 200 : i32
      %rem3A_999 = vector.broadcast %rem3A_998 : i32 to vector<16xi32>
      %rem3A_1000 = arith.remsi %add3A_997, %rem3A_999 : vector<16xi32>
      %add3A_1001 = arith.constant 0 : i32
      %add3A_1002 = arith.addi %mul3A_952, %add3A_1001 : i32
      %get3A_1003 = arith.index_cast %add3A_1002 : i32 to index
      %get3A_1004 = tpu.vector_load %arg8[%get3A_1003] {strides = array<i32>} : memref<6400xi32, #tpu.memory_space<vmem>>, vector<16xi32>,
      %get3A_1005 = vector.shape_cast %get3A_1004 : vector<16xi32> to vector<16xi32>
      %mul3A_1006 = arith.constant 200 : i32
      %mul3A_1007 = vector.broadcast %mul3A_1006 : i32 to vector<16xi32>
      %mul3A_1008 = arith.muli %get3A_1005, %mul3A_1007 : vector<16xi32>
      %add3A_1009 = arith.addi %mul3A_1008, %rem3A_1000 : vector<16xi32>
      %swap3A_1010 = arith.constant 0 : index
      %swap3A_1011 = tpu.vector_load %arg15[%swap3A_1010] {strides = array<i32>} : memref<64xi32, #tpu.memory_space<vmem>>, vector<16xi32>,
      %swap3A_1012 = vector.shape_cast %swap3A_1011 : vector<16xi32> to vector<16xi32>
      %swap3A_1013 = vector.shape_cast %add3A_1009 : vector<16xi32> to vector<16xi32>
      tpu.vector_store %arg15[%swap3A_1010], %swap3A_1013 {strides = array<i32>} : memref<64xi32, #tpu.memory_space<vmem>>, vector<16xi32>,
      %add3A_1014 = arith.addi %mul3A_2, %mul3A_952 : i32
      %add3A_1015 = arith.constant 16 : i32
      %add3A_1016 = arith.addi %add3A_1014, %add3A_1015 : i32
      %iota3A_1017 = tpu.iota {dimensions = array<i32: 0>} : vector<16xi32>
      %add3A_1018 = vector.broadcast %add3A_1016 : i32 to vector<16xi32>
      %add3A_1019 = arith.addi %add3A_1018, %iota3A_1017 : vector<16xi32>
      %rem3A_1020 = arith.constant 200 : i32
      %rem3A_1021 = vector.broadcast %rem3A_1020 : i32 to vector<16xi32>
      %rem3A_1022 = arith.remsi %add3A_1019, %rem3A_1021 : vector<16xi32>
      %add3A_1023 = arith.constant 16 : i32
      %add3A_1024 = arith.addi %mul3A_952, %add3A_1023 : i32
      %get3A_1025 = arith.index_cast %add3A_1024 : i32 to index
      %get3A_1026 = tpu.vector_load %arg8[%get3A_1025] {strides = array<i32>} : memref<6400xi32, #tpu.memory_space<vmem>>, vector<16xi32>,
      %get3A_1027 = vector.shape_cast %get3A_1026 : vector<16xi32> to vector<16xi32>
      %mul3A_1028 = arith.constant 200 : i32
      %mul3A_1029 = vector.broadcast %mul3A_1028 : i32 to vector<16xi32>
      %mul3A_1030 = arith.muli %get3A_1027, %mul3A_1029 : vector<16xi32>
      %add3A_1031 = arith.addi %mul3A_1030, %rem3A_1022 : vector<16xi32>
      %swap3A_1032 = arith.constant 16 : index
      %swap3A_1033 = tpu.vector_load %arg15[%swap3A_1032] {strides = array<i32>} : memref<64xi32, #tpu.memory_space<vmem>>, vector<16xi32>,
      %swap3A_1034 = vector.shape_cast %swap3A_1033 : vector<16xi32> to vector<16xi32>
      %swap3A_1035 = vector.shape_cast %add3A_1031 : vector<16xi32> to vector<16xi32>
      tpu.vector_store %arg15[%swap3A_1032], %swap3A_1035 {strides = array<i32>} : memref<64xi32, #tpu.memory_space<vmem>>, vector<16xi32>,
      %add3A_1036 = arith.addi %mul3A_2, %mul3A_952 : i32
      %add3A_1037 = arith.constant 32 : i32
      %add3A_1038 = arith.addi %add3A_1036, %add3A_1037 : i32
      %iota3A_1039 = tpu.iota {dimensions = array<i32: 0>} : vector<16xi32>
      %add3A_1040 = vector.broadcast %add3A_1038 : i32 to vector<16xi32>
      %add3A_1041 = arith.addi %add3A_1040, %iota3A_1039 : vector<16xi32>
      %rem3A_1042 = arith.constant 200 : i32
      %rem3A_1043 = vector.broadcast %rem3A_1042 : i32 to vector<16xi32>
      %rem3A_1044 = arith.remsi %add3A_1041, %rem3A_1043 : vector<16xi32>
      %add3A_1045 = arith.constant 32 : i32
      %add3A_1046 = arith.addi %mul3A_952, %add3A_1045 : i32
      %get3A_1047 = arith.index_cast %add3A_1046 : i32 to index
      %get3A_1048 = tpu.vector_load %arg8[%get3A_1047] {strides = array<i32>} : memref<6400xi32, #tpu.memory_space<vmem>>, vector<16xi32>,
      %get3A_1049 = vector.shape_cast %get3A_1048 : vector<16xi32> to vector<16xi32>
      %mul3A_1050 = arith.constant 200 : i32
      %mul3A_1051 = vector.broadcast %mul3A_1050 : i32 to vector<16xi32>
      %mul3A_1052 = arith.muli %get3A_1049, %mul3A_1051 : vector<16xi32>
      %add3A_1053 = arith.addi %mul3A_1052, %rem3A_1044 : vector<16xi32>
      %swap3A_1054 = arith.constant 32 : index
      %swap3A_1055 = tpu.vector_load %arg15[%swap3A_1054] {strides = array<i32>} : memref<64xi32, #tpu.memory_space<vmem>>, vector<16xi32>,
      %swap3A_1056 = vector.shape_cast %swap3A_1055 : vector<16xi32> to vector<16xi32>
      %swap3A_1057 = vector.shape_cast %add3A_1053 : vector<16xi32> to vector<16xi32>
      tpu.vector_store %arg15[%swap3A_1054], %swap3A_1057 {strides = array<i32>} : memref<64xi32, #tpu.memory_space<vmem>>, vector<16xi32>,
      %add3A_1058 = arith.addi %mul3A_2, %mul3A_952 : i32
      %add3A_1059 = arith.constant 48 : i32
      %add3A_1060 = arith.addi %add3A_1058, %add3A_1059 : i32
      %iota3A_1061 = tpu.iota {dimensions = array<i32: 0>} : vector<16xi32>
      %add3A_1062 = vector.broadcast %add3A_1060 : i32 to vector<16xi32>
      %add3A_1063 = arith.addi %add3A_1062, %iota3A_1061 : vector<16xi32>
      %rem3A_1064 = arith.constant 200 : i32
      %rem3A_1065 = vector.broadcast %rem3A_1064 : i32 to vector<16xi32>
      %rem3A_1066 = arith.remsi %add3A_1063, %rem3A_1065 : vector<16xi32>
      %add3A_1067 = arith.constant 48 : i32
      %add3A_1068 = arith.addi %mul3A_952, %add3A_1067 : i32
      %get3A_1069 = arith.index_cast %add3A_1068 : i32 to index
      %get3A_1070 = tpu.vector_load %arg8[%get3A_1069] {strides = array<i32>} : memref<6400xi32, #tpu.memory_space<vmem>>, vector<16xi32>,
      %get3A_1071 = vector.shape_cast %get3A_1070 : vector<16xi32> to vector<16xi32>
      %mul3A_1072 = arith.constant 200 : i32
      %mul3A_1073 = vector.broadcast %mul3A_1072 : i32 to vector<16xi32>
      %mul3A_1074 = arith.muli %get3A_1071, %mul3A_1073 : vector<16xi32>
      %add3A_1075 = arith.addi %mul3A_1074, %rem3A_1066 : vector<16xi32>
      %swap3A_1076 = arith.constant 48 : index
      %swap3A_1077 = tpu.vector_load %arg15[%swap3A_1076] {strides = array<i32>} : memref<64xi32, #tpu.memory_space<vmem>>, vector<16xi32>,
      %swap3A_1078 = vector.shape_cast %swap3A_1077 : vector<16xi32> to vector<16xi32>
      %swap3A_1079 = vector.shape_cast %add3A_1075 : vector<16xi32> to vector<16xi32>
      tpu.vector_store %arg15[%swap3A_1076], %swap3A_1079 {strides = array<i32>} : memref<64xi32, #tpu.memory_space<vmem>>, vector<16xi32>,
      %dma_start3A_1080 = arith.constant 0 : i32
      %dma_start3A_1081 = arith.constant 0 : i32
      %dma_start3A_1082 = tpu.memref_slice %arg5[%dma_start3A_1080, %dma_start3A_1081] : memref<400x128xf32, #tpu.memory_space<hbm>> -> memref<400x128xf32, #tpu.memory_space<hbm>>
      tpu.enqueue_indirect_dma source(%dma_start3A_1082 : memref<400x128xf32, #tpu.memory_space<hbm>>) target(%arg23 : memref<64x128xf32, #tpu.memory_space<vmem>>) offsets(%arg15 : memref<64xi32, #tpu.memory_space<vmem>>) semaphore(%arg27 : memref<!tpu.dma_semaphore, #tpu.memory_space<semaphore_mem>>)
      %dma_wait3A_1083 = arith.constant 0 : i32
      %dma_wait3A_1084 = arith.constant 0 : i32
      %dma_wait3A_1085 = tpu.memref_slice %arg6[%dma_wait3A_1083, %dma_wait3A_1084] : memref<204800x128xf32, #tpu.memory_space<hbm>> -> memref<64x128xf32, #tpu.memory_space<hbm>>
      %dma_wait3A_1086 = arith.constant 0 : i32
      %dma_wait3A_1087 = arith.constant 0 : i32
      %dma_wait3A_1088 = tpu.memref_slice %arg6[%dma_wait3A_1086, %dma_wait3A_1087] : memref<204800x128xf32, #tpu.memory_space<hbm>> -> memref<64x128xf32, #tpu.memory_space<hbm>>
      tpu.wait_dma2 semaphore(%arg32 : memref<!tpu.dma_semaphore, #tpu.memory_space<semaphore_mem>>) src(%arg20 : memref<64x128xf32, #tpu.memory_space<vmem>>) dst(%dma_wait3A_1088 : memref<64x128xf32, #tpu.memory_space<hbm>>)
      %add3A_1089 = arith.constant 4 : i32
      %add3A_1090 = arith.addi %mul3A_572, %add3A_1089 : i32
      %add3A_1091 = arith.constant 3 : i32
      %add3A_1092 = arith.addi %add3A_1090, %add3A_1091 : i32
      %mul3A_1093 = arith.constant 64 : i32
      %mul3A_1094 = arith.muli %add3A_1092, %mul3A_1093 : i32
      %add3A_1095 = arith.constant 0 : i32
      %add3A_1096 = arith.addi %mul3A_1094, %add3A_1095 : i32
      %get3A_1097 = arith.index_cast %add3A_1096 : i32 to index
      %get3A_1098 = tpu.vector_load %arg7[%get3A_1097] {strides = array<i32>} : memref<6400xi32, #tpu.memory_space<vmem>>, vector<16xi32>,
      %get3A_1099 = vector.shape_cast %get3A_1098 : vector<16xi32> to vector<16xi32>
      %swap3A_1100 = arith.constant 0 : index
      %swap3A_1101 = tpu.vector_load %arg12[%swap3A_1100] {strides = array<i32>} : memref<64xi32, #tpu.memory_space<vmem>>, vector<16xi32>,
      %swap3A_1102 = vector.shape_cast %swap3A_1101 : vector<16xi32> to vector<16xi32>
      %swap3A_1103 = vector.shape_cast %get3A_1099 : vector<16xi32> to vector<16xi32>
      tpu.vector_store %arg12[%swap3A_1100], %swap3A_1103 {strides = array<i32>} : memref<64xi32, #tpu.memory_space<vmem>>, vector<16xi32>,
      %add3A_1104 = arith.constant 16 : i32
      %add3A_1105 = arith.addi %mul3A_1094, %add3A_1104 : i32
      %get3A_1106 = arith.index_cast %add3A_1105 : i32 to index
      %get3A_1107 = tpu.vector_load %arg7[%get3A_1106] {strides = array<i32>} : memref<6400xi32, #tpu.memory_space<vmem>>, vector<16xi32>,
      %get3A_1108 = vector.shape_cast %get3A_1107 : vector<16xi32> to vector<16xi32>
      %swap3A_1109 = arith.constant 16 : index
      %swap3A_1110 = tpu.vector_load %arg12[%swap3A_1109] {strides = array<i32>} : memref<64xi32, #tpu.memory_space<vmem>>, vector<16xi32>,
      %swap3A_1111 = vector.shape_cast %swap3A_1110 : vector<16xi32> to vector<16xi32>
      %swap3A_1112 = vector.shape_cast %get3A_1108 : vector<16xi32> to vector<16xi32>
      tpu.vector_store %arg12[%swap3A_1109], %swap3A_1112 {strides = array<i32>} : memref<64xi32, #tpu.memory_space<vmem>>, vector<16xi32>,
      %add3A_1113 = arith.constant 32 : i32
      %add3A_1114 = arith.addi %mul3A_1094, %add3A_1113 : i32
      %get3A_1115 = arith.index_cast %add3A_1114 : i32 to index
      %get3A_1116 = tpu.vector_load %arg7[%get3A_1115] {strides = array<i32>} : memref<6400xi32, #tpu.memory_space<vmem>>, vector<16xi32>,
      %get3A_1117 = vector.shape_cast %get3A_1116 : vector<16xi32> to vector<16xi32>
      %swap3A_1118 = arith.constant 32 : index
      %swap3A_1119 = tpu.vector_load %arg12[%swap3A_1118] {strides = array<i32>} : memref<64xi32, #tpu.memory_space<vmem>>, vector<16xi32>,
      %swap3A_1120 = vector.shape_cast %swap3A_1119 : vector<16xi32> to vector<16xi32>
      %swap3A_1121 = vector.shape_cast %get3A_1117 : vector<16xi32> to vector<16xi32>
      tpu.vector_store %arg12[%swap3A_1118], %swap3A_1121 {strides = array<i32>} : memref<64xi32, #tpu.memory_space<vmem>>, vector<16xi32>,
      %add3A_1122 = arith.constant 48 : i32
      %add3A_1123 = arith.addi %mul3A_1094, %add3A_1122 : i32
      %get3A_1124 = arith.index_cast %add3A_1123 : i32 to index
      %get3A_1125 = tpu.vector_load %arg7[%get3A_1124] {strides = array<i32>} : memref<6400xi32, #tpu.memory_space<vmem>>, vector<16xi32>,
      %get3A_1126 = vector.shape_cast %get3A_1125 : vector<16xi32> to vector<16xi32>
      %swap3A_1127 = arith.constant 48 : index
      %swap3A_1128 = tpu.vector_load %arg12[%swap3A_1127] {strides = array<i32>} : memref<64xi32, #tpu.memory_space<vmem>>, vector<16xi32>,
      %swap3A_1129 = vector.shape_cast %swap3A_1128 : vector<16xi32> to vector<16xi32>
      %swap3A_1130 = vector.shape_cast %get3A_1126 : vector<16xi32> to vector<16xi32>
      tpu.vector_store %arg12[%swap3A_1127], %swap3A_1130 {strides = array<i32>} : memref<64xi32, #tpu.memory_space<vmem>>, vector<16xi32>,
      %dma_start3A_1131 = arith.constant 0 : i32
      %dma_start3A_1132 = arith.constant 0 : i32
      %dma_start3A_1133 = tpu.memref_slice %arg4[%dma_start3A_1131, %dma_start3A_1132] : memref<100000x128xf32, #tpu.memory_space<hbm>> -> memref<100000x128xf32, #tpu.memory_space<hbm>>
      tpu.enqueue_indirect_dma source(%dma_start3A_1133 : memref<100000x128xf32, #tpu.memory_space<hbm>>) target(%arg20 : memref<64x128xf32, #tpu.memory_space<vmem>>) offsets(%arg12 : memref<64xi32, #tpu.memory_space<vmem>>) semaphore(%arg28 : memref<!tpu.dma_semaphore, #tpu.memory_space<semaphore_mem>>)
      %add3A_1134 = arith.addi %mul3A_2, %mul3A_1094 : i32
      %add3A_1135 = arith.constant 0 : i32
      %add3A_1136 = arith.addi %add3A_1134, %add3A_1135 : i32
      %iota3A_1137 = tpu.iota {dimensions = array<i32: 0>} : vector<16xi32>
      %add3A_1138 = vector.broadcast %add3A_1136 : i32 to vector<16xi32>
      %add3A_1139 = arith.addi %add3A_1138, %iota3A_1137 : vector<16xi32>
      %rem3A_1140 = arith.constant 200 : i32
      %rem3A_1141 = vector.broadcast %rem3A_1140 : i32 to vector<16xi32>
      %rem3A_1142 = arith.remsi %add3A_1139, %rem3A_1141 : vector<16xi32>
      %add3A_1143 = arith.constant 0 : i32
      %add3A_1144 = arith.addi %mul3A_1094, %add3A_1143 : i32
      %get3A_1145 = arith.index_cast %add3A_1144 : i32 to index
      %get3A_1146 = tpu.vector_load %arg8[%get3A_1145] {strides = array<i32>} : memref<6400xi32, #tpu.memory_space<vmem>>, vector<16xi32>,
      %get3A_1147 = vector.shape_cast %get3A_1146 : vector<16xi32> to vector<16xi32>
      %mul3A_1148 = arith.constant 200 : i32
      %mul3A_1149 = vector.broadcast %mul3A_1148 : i32 to vector<16xi32>
      %mul3A_1150 = arith.muli %get3A_1147, %mul3A_1149 : vector<16xi32>
      %add3A_1151 = arith.addi %mul3A_1150, %rem3A_1142 : vector<16xi32>
      %swap3A_1152 = arith.constant 0 : index
      %swap3A_1153 = tpu.vector_load %arg16[%swap3A_1152] {strides = array<i32>} : memref<64xi32, #tpu.memory_space<vmem>>, vector<16xi32>,
      %swap3A_1154 = vector.shape_cast %swap3A_1153 : vector<16xi32> to vector<16xi32>
      %swap3A_1155 = vector.shape_cast %add3A_1151 : vector<16xi32> to vector<16xi32>
      tpu.vector_store %arg16[%swap3A_1152], %swap3A_1155 {strides = array<i32>} : memref<64xi32, #tpu.memory_space<vmem>>, vector<16xi32>,
      %add3A_1156 = arith.addi %mul3A_2, %mul3A_1094 : i32
      %add3A_1157 = arith.constant 16 : i32
      %add3A_1158 = arith.addi %add3A_1156, %add3A_1157 : i32
      %iota3A_1159 = tpu.iota {dimensions = array<i32: 0>} : vector<16xi32>
      %add3A_1160 = vector.broadcast %add3A_1158 : i32 to vector<16xi32>
      %add3A_1161 = arith.addi %add3A_1160, %iota3A_1159 : vector<16xi32>
      %rem3A_1162 = arith.constant 200 : i32
      %rem3A_1163 = vector.broadcast %rem3A_1162 : i32 to vector<16xi32>
      %rem3A_1164 = arith.remsi %add3A_1161, %rem3A_1163 : vector<16xi32>
      %add3A_1165 = arith.constant 16 : i32
      %add3A_1166 = arith.addi %mul3A_1094, %add3A_1165 : i32
      %get3A_1167 = arith.index_cast %add3A_1166 : i32 to index
      %get3A_1168 = tpu.vector_load %arg8[%get3A_1167] {strides = array<i32>} : memref<6400xi32, #tpu.memory_space<vmem>>, vector<16xi32>,
      %get3A_1169 = vector.shape_cast %get3A_1168 : vector<16xi32> to vector<16xi32>
      %mul3A_1170 = arith.constant 200 : i32
      %mul3A_1171 = vector.broadcast %mul3A_1170 : i32 to vector<16xi32>
      %mul3A_1172 = arith.muli %get3A_1169, %mul3A_1171 : vector<16xi32>
      %add3A_1173 = arith.addi %mul3A_1172, %rem3A_1164 : vector<16xi32>
      %swap3A_1174 = arith.constant 16 : index
      %swap3A_1175 = tpu.vector_load %arg16[%swap3A_1174] {strides = array<i32>} : memref<64xi32, #tpu.memory_space<vmem>>, vector<16xi32>,
      %swap3A_1176 = vector.shape_cast %swap3A_1175 : vector<16xi32> to vector<16xi32>
      %swap3A_1177 = vector.shape_cast %add3A_1173 : vector<16xi32> to vector<16xi32>
      tpu.vector_store %arg16[%swap3A_1174], %swap3A_1177 {strides = array<i32>} : memref<64xi32, #tpu.memory_space<vmem>>, vector<16xi32>,
      %add3A_1178 = arith.addi %mul3A_2, %mul3A_1094 : i32
      %add3A_1179 = arith.constant 32 : i32
      %add3A_1180 = arith.addi %add3A_1178, %add3A_1179 : i32
      %iota3A_1181 = tpu.iota {dimensions = array<i32: 0>} : vector<16xi32>
      %add3A_1182 = vector.broadcast %add3A_1180 : i32 to vector<16xi32>
      %add3A_1183 = arith.addi %add3A_1182, %iota3A_1181 : vector<16xi32>
      %rem3A_1184 = arith.constant 200 : i32
      %rem3A_1185 = vector.broadcast %rem3A_1184 : i32 to vector<16xi32>
      %rem3A_1186 = arith.remsi %add3A_1183, %rem3A_1185 : vector<16xi32>
      %add3A_1187 = arith.constant 32 : i32
      %add3A_1188 = arith.addi %mul3A_1094, %add3A_1187 : i32
      %get3A_1189 = arith.index_cast %add3A_1188 : i32 to index
      %get3A_1190 = tpu.vector_load %arg8[%get3A_1189] {strides = array<i32>} : memref<6400xi32, #tpu.memory_space<vmem>>, vector<16xi32>,
      %get3A_1191 = vector.shape_cast %get3A_1190 : vector<16xi32> to vector<16xi32>
      %mul3A_1192 = arith.constant 200 : i32
      %mul3A_1193 = vector.broadcast %mul3A_1192 : i32 to vector<16xi32>
      %mul3A_1194 = arith.muli %get3A_1191, %mul3A_1193 : vector<16xi32>
      %add3A_1195 = arith.addi %mul3A_1194, %rem3A_1186 : vector<16xi32>
      %swap3A_1196 = arith.constant 32 : index
      %swap3A_1197 = tpu.vector_load %arg16[%swap3A_1196] {strides = array<i32>} : memref<64xi32, #tpu.memory_space<vmem>>, vector<16xi32>,
      %swap3A_1198 = vector.shape_cast %swap3A_1197 : vector<16xi32> to vector<16xi32>
      %swap3A_1199 = vector.shape_cast %add3A_1195 : vector<16xi32> to vector<16xi32>
      tpu.vector_store %arg16[%swap3A_1196], %swap3A_1199 {strides = array<i32>} : memref<64xi32, #tpu.memory_space<vmem>>, vector<16xi32>,
      %add3A_1200 = arith.addi %mul3A_2, %mul3A_1094 : i32
      %add3A_1201 = arith.constant 48 : i32
      %add3A_1202 = arith.addi %add3A_1200, %add3A_1201 : i32
      %iota3A_1203 = tpu.iota {dimensions = array<i32: 0>} : vector<16xi32>
      %add3A_1204 = vector.broadcast %add3A_1202 : i32 to vector<16xi32>
      %add3A_1205 = arith.addi %add3A_1204, %iota3A_1203 : vector<16xi32>
      %rem3A_1206 = arith.constant 200 : i32
      %rem3A_1207 = vector.broadcast %rem3A_1206 : i32 to vector<16xi32>
      %rem3A_1208 = arith.remsi %add3A_1205, %rem3A_1207 : vector<16xi32>
      %add3A_1209 = arith.constant 48 : i32
      %add3A_1210 = arith.addi %mul3A_1094, %add3A_1209 : i32
      %get3A_1211 = arith.index_cast %add3A_1210 : i32 to index
      %get3A_1212 = tpu.vector_load %arg8[%get3A_1211] {strides = array<i32>} : memref<6400xi32, #tpu.memory_space<vmem>>, vector<16xi32>,
      %get3A_1213 = vector.shape_cast %get3A_1212 : vector<16xi32> to vector<16xi32>
      %mul3A_1214 = arith.constant 200 : i32
      %mul3A_1215 = vector.broadcast %mul3A_1214 : i32 to vector<16xi32>
      %mul3A_1216 = arith.muli %get3A_1213, %mul3A_1215 : vector<16xi32>
      %add3A_1217 = arith.addi %mul3A_1216, %rem3A_1208 : vector<16xi32>
      %swap3A_1218 = arith.constant 48 : index
      %swap3A_1219 = tpu.vector_load %arg16[%swap3A_1218] {strides = array<i32>} : memref<64xi32, #tpu.memory_space<vmem>>, vector<16xi32>,
      %swap3A_1220 = vector.shape_cast %swap3A_1219 : vector<16xi32> to vector<16xi32>
      %swap3A_1221 = vector.shape_cast %add3A_1217 : vector<16xi32> to vector<16xi32>
      tpu.vector_store %arg16[%swap3A_1218], %swap3A_1221 {strides = array<i32>} : memref<64xi32, #tpu.memory_space<vmem>>, vector<16xi32>,
      %dma_start3A_1222 = arith.constant 0 : i32
      %dma_start3A_1223 = arith.constant 0 : i32
      %dma_start3A_1224 = tpu.memref_slice %arg5[%dma_start3A_1222, %dma_start3A_1223] : memref<400x128xf32, #tpu.memory_space<hbm>> -> memref<400x128xf32, #tpu.memory_space<hbm>>
      tpu.enqueue_indirect_dma source(%dma_start3A_1224 : memref<400x128xf32, #tpu.memory_space<hbm>>) target(%arg24 : memref<64x128xf32, #tpu.memory_space<vmem>>) offsets(%arg16 : memref<64xi32, #tpu.memory_space<vmem>>) semaphore(%arg28 : memref<!tpu.dma_semaphore, #tpu.memory_space<semaphore_mem>>)
    }
    %scan3A_474 = arith.constant 24 : i32
    %dma_wait3A = arith.constant 0 : i32
    %dma_wait3A_475 = arith.constant 0 : i32
    %dma_wait3A_476 = tpu.memref_slice %arg4[%dma_wait3A, %dma_wait3A_475] : memref<100000x128xf32, #tpu.memory_space<hbm>> -> memref<100000x128xf32, #tpu.memory_space<hbm>>
    tpu.wait_indirect_dma semaphore(%arg25 : memref<!tpu.dma_semaphore, #tpu.memory_space<semaphore_mem>>) src(%dma_wait3A_476 : memref<100000x128xf32, #tpu.memory_space<hbm>>) dst(%arg17 : memref<64x128xf32, #tpu.memory_space<vmem>>)
    %dma_wait3A_477 = arith.constant 0 : i32
    %dma_wait3A_478 = arith.constant 0 : i32
    %dma_wait3A_479 = tpu.memref_slice %arg5[%dma_wait3A_477, %dma_wait3A_478] : memref<400x128xf32, #tpu.memory_space<hbm>> -> memref<400x128xf32, #tpu.memory_space<hbm>>
    tpu.wait_indirect_dma semaphore(%arg25 : memref<!tpu.dma_semaphore, #tpu.memory_space<semaphore_mem>>) src(%dma_wait3A_479 : memref<400x128xf32, #tpu.memory_space<hbm>>) dst(%arg21 : memref<64x128xf32, #tpu.memory_space<vmem>>)
    %scan3A_480 = arith.constant 0 : i32
    %scan3A_481 = arith.constant 0 : i32
    %scan3A_482 = arith.constant 16 : i32
    %scan3A_483 = arith.addi %scan3A_481, %scan3A_482 : i32
    %scan3A_484 = arith.constant 1 : i32
    scf.for %scan3A_570 = %scan3A_481 to %scan3A_483 step %scan3A_484  : i32 {
      %mul3A_571 = arith.constant 4 : i32
      %mul3A_572 = arith.muli %scan3A_570, %mul3A_571 : i32
      %add3A_573 = arith.constant 0 : i32
      %add3A_574 = arith.addi %mul3A_572, %add3A_573 : i32
      %get3A_575 = arith.index_cast %add3A_574 : i32 to index
      %get3A_576 = arith.constant 0 : index
      %get3A_577 = tpu.vector_load %arg21[%get3A_575, %get3A_576] {strides = array<i32>} : memref<64x128xf32, #tpu.memory_space<vmem>>, vector<1x16xf32>,
      %get3A_578 = vector.shape_cast %get3A_577 : vector<1x16xf32> to vector<16xf32>
      %swap3A_579 = arith.index_cast %add3A_574 : i32 to index
      %swap3A_580 = arith.constant 0 : index
      %swap3A_581 = tpu.vector_load %arg17[%swap3A_579, %swap3A_580] {strides = array<i32>} : memref<64x128xf32, #tpu.memory_space<vmem>>, vector<1x16xf32>,
      %swap3A_582 = vector.shape_cast %swap3A_581 : vector<1x16xf32> to vector<16xf32>
      %swap3A_583 = vector.shape_cast %get3A_578 : vector<16xf32> to vector<1x16xf32>
      tpu.vector_store %arg17[%swap3A_579, %swap3A_580], %swap3A_583 {add = true, strides = array<i32>} : memref<64x128xf32, #tpu.memory_space<vmem>>, vector<1x16xf32>,
      %get3A_584 = arith.index_cast %add3A_574 : i32 to index
      %get3A_585 = arith.constant 16 : index
      %get3A_586 = tpu.vector_load %arg21[%get3A_584, %get3A_585] {strides = array<i32>} : memref<64x128xf32, #tpu.memory_space<vmem>>, vector<1x16xf32>,
      %get3A_587 = vector.shape_cast %get3A_586 : vector<1x16xf32> to vector<16xf32>
      %swap3A_588 = arith.index_cast %add3A_574 : i32 to index
      %swap3A_589 = arith.constant 16 : index
      %swap3A_590 = tpu.vector_load %arg17[%swap3A_588, %swap3A_589] {strides = array<i32>} : memref<64x128xf32, #tpu.memory_space<vmem>>, vector<1x16xf32>,
      %swap3A_591 = vector.shape_cast %swap3A_590 : vector<1x16xf32> to vector<16xf32>
      %swap3A_592 = vector.shape_cast %get3A_587 : vector<16xf32> to vector<1x16xf32>
      tpu.vector_store %arg17[%swap3A_588, %swap3A_589], %swap3A_592 {add = true, strides = array<i32>} : memref<64x128xf32, #tpu.memory_space<vmem>>, vector<1x16xf32>,
      %get3A_593 = arith.index_cast %add3A_574 : i32 to index
      %get3A_594 = arith.constant 32 : index
      %get3A_595 = tpu.vector_load %arg21[%get3A_593, %get3A_594] {strides = array<i32>} : memref<64x128xf32, #tpu.memory_space<vmem>>, vector<1x16xf32>,
      %get3A_596 = vector.shape_cast %get3A_595 : vector<1x16xf32> to vector<16xf32>
      %swap3A_597 = arith.index_cast %add3A_574 : i32 to index
      %swap3A_598 = arith.constant 32 : index
      %swap3A_599 = tpu.vector_load %arg17[%swap3A_597, %swap3A_598] {strides = array<i32>} : memref<64x128xf32, #tpu.memory_space<vmem>>, vector<1x16xf32>,
      %swap3A_600 = vector.shape_cast %swap3A_599 : vector<1x16xf32> to vector<16xf32>
      %swap3A_601 = vector.shape_cast %get3A_596 : vector<16xf32> to vector<1x16xf32>
      tpu.vector_store %arg17[%swap3A_597, %swap3A_598], %swap3A_601 {add = true, strides = array<i32>} : memref<64x128xf32, #tpu.memory_space<vmem>>, vector<1x16xf32>,
      %get3A_602 = arith.index_cast %add3A_574 : i32 to index
      %get3A_603 = arith.constant 48 : index
      %get3A_604 = tpu.vector_load %arg21[%get3A_602, %get3A_603] {strides = array<i32>} : memref<64x128xf32, #tpu.memory_space<vmem>>, vector<1x16xf32>,
      %get3A_605 = vector.shape_cast %get3A_604 : vector<1x16xf32> to vector<16xf32>
      %swap3A_606 = arith.index_cast %add3A_574 : i32 to index
      %swap3A_607 = arith.constant 48 : index
      %swap3A_608 = tpu.vector_load %arg17[%swap3A_606, %swap3A_607] {strides = array<i32>} : memref<64x128xf32, #tpu.memory_space<vmem>>, vector<1x16xf32>,
      %swap3A_609 = vector.shape_cast %swap3A_608 : vector<1x16xf32> to vector<16xf32>
      %swap3A_610 = vector.shape_cast %get3A_605 : vector<16xf32> to vector<1x16xf32>
      tpu.vector_store %arg17[%swap3A_606, %swap3A_607], %swap3A_610 {add = true, strides = array<i32>} : memref<64x128xf32, #tpu.memory_space<vmem>>, vector<1x16xf32>,
      %get3A_611 = arith.index_cast %add3A_574 : i32 to index
      %get3A_612 = arith.constant 64 : index
      %get3A_613 = tpu.vector_load %arg21[%get3A_611, %get3A_612] {strides = array<i32>} : memref<64x128xf32, #tpu.memory_space<vmem>>, vector<1x16xf32>,
      %get3A_614 = vector.shape_cast %get3A_613 : vector<1x16xf32> to vector<16xf32>
      %swap3A_615 = arith.index_cast %add3A_574 : i32 to index
      %swap3A_616 = arith.constant 64 : index
      %swap3A_617 = tpu.vector_load %arg17[%swap3A_615, %swap3A_616] {strides = array<i32>} : memref<64x128xf32, #tpu.memory_space<vmem>>, vector<1x16xf32>,
      %swap3A_618 = vector.shape_cast %swap3A_617 : vector<1x16xf32> to vector<16xf32>
      %swap3A_619 = vector.shape_cast %get3A_614 : vector<16xf32> to vector<1x16xf32>
      tpu.vector_store %arg17[%swap3A_615, %swap3A_616], %swap3A_619 {add = true, strides = array<i32>} : memref<64x128xf32, #tpu.memory_space<vmem>>, vector<1x16xf32>,
      %get3A_620 = arith.index_cast %add3A_574 : i32 to index
      %get3A_621 = arith.constant 80 : index
      %get3A_622 = tpu.vector_load %arg21[%get3A_620, %get3A_621] {strides = array<i32>} : memref<64x128xf32, #tpu.memory_space<vmem>>, vector<1x16xf32>,
      %get3A_623 = vector.shape_cast %get3A_622 : vector<1x16xf32> to vector<16xf32>
      %swap3A_624 = arith.index_cast %add3A_574 : i32 to index
      %swap3A_625 = arith.constant 80 : index
      %swap3A_626 = tpu.vector_load %arg17[%swap3A_624, %swap3A_625] {strides = array<i32>} : memref<64x128xf32, #tpu.memory_space<vmem>>, vector<1x16xf32>,
      %swap3A_627 = vector.shape_cast %swap3A_626 : vector<1x16xf32> to vector<16xf32>
      %swap3A_628 = vector.shape_cast %get3A_623 : vector<16xf32> to vector<1x16xf32>
      tpu.vector_store %arg17[%swap3A_624, %swap3A_625], %swap3A_628 {add = true, strides = array<i32>} : memref<64x128xf32, #tpu.memory_space<vmem>>, vector<1x16xf32>,
      %get3A_629 = arith.index_cast %add3A_574 : i32 to index
      %get3A_630 = arith.constant 96 : index
      %get3A_631 = tpu.vector_load %arg21[%get3A_629, %get3A_630] {strides = array<i32>} : memref<64x128xf32, #tpu.memory_space<vmem>>, vector<1x16xf32>,
      %get3A_632 = vector.shape_cast %get3A_631 : vector<1x16xf32> to vector<16xf32>
      %swap3A_633 = arith.index_cast %add3A_574 : i32 to index
      %swap3A_634 = arith.constant 96 : index
      %swap3A_635 = tpu.vector_load %arg17[%swap3A_633, %swap3A_634] {strides = array<i32>} : memref<64x128xf32, #tpu.memory_space<vmem>>, vector<1x16xf32>,
      %swap3A_636 = vector.shape_cast %swap3A_635 : vector<1x16xf32> to vector<16xf32>
      %swap3A_637 = vector.shape_cast %get3A_632 : vector<16xf32> to vector<1x16xf32>
      tpu.vector_store %arg17[%swap3A_633, %swap3A_634], %swap3A_637 {add = true, strides = array<i32>} : memref<64x128xf32, #tpu.memory_space<vmem>>, vector<1x16xf32>,
      %get3A_638 = arith.index_cast %add3A_574 : i32 to index
      %get3A_639 = arith.constant 112 : index
      %get3A_640 = tpu.vector_load %arg21[%get3A_638, %get3A_639] {strides = array<i32>} : memref<64x128xf32, #tpu.memory_space<vmem>>, vector<1x16xf32>,
      %get3A_641 = vector.shape_cast %get3A_640 : vector<1x16xf32> to vector<16xf32>
      %swap3A_642 = arith.index_cast %add3A_574 : i32 to index
      %swap3A_643 = arith.constant 112 : index
      %swap3A_644 = tpu.vector_load %arg17[%swap3A_642, %swap3A_643] {strides = array<i32>} : memref<64x128xf32, #tpu.memory_space<vmem>>, vector<1x16xf32>,
      %swap3A_645 = vector.shape_cast %swap3A_644 : vector<1x16xf32> to vector<16xf32>
      %swap3A_646 = vector.shape_cast %get3A_641 : vector<16xf32> to vector<1x16xf32>
      tpu.vector_store %arg17[%swap3A_642, %swap3A_643], %swap3A_646 {add = true, strides = array<i32>} : memref<64x128xf32, #tpu.memory_space<vmem>>, vector<1x16xf32>,
      %mul3A_647 = arith.constant 4 : i32
      %mul3A_648 = arith.muli %scan3A_570, %mul3A_647 : i32
      %add3A_649 = arith.constant 1 : i32
      %add3A_650 = arith.addi %mul3A_648, %add3A_649 : i32
      %get3A_651 = arith.index_cast %add3A_650 : i32 to index
      %get3A_652 = arith.constant 0 : index
      %get3A_653 = tpu.vector_load %arg21[%get3A_651, %get3A_652] {strides = array<i32>} : memref<64x128xf32, #tpu.memory_space<vmem>>, vector<1x16xf32>,
      %get3A_654 = vector.shape_cast %get3A_653 : vector<1x16xf32> to vector<16xf32>
      %swap3A_655 = arith.index_cast %add3A_650 : i32 to index
      %swap3A_656 = arith.constant 0 : index
      %swap3A_657 = tpu.vector_load %arg17[%swap3A_655, %swap3A_656] {strides = array<i32>} : memref<64x128xf32, #tpu.memory_space<vmem>>, vector<1x16xf32>,
      %swap3A_658 = vector.shape_cast %swap3A_657 : vector<1x16xf32> to vector<16xf32>
      %swap3A_659 = vector.shape_cast %get3A_654 : vector<16xf32> to vector<1x16xf32>
      tpu.vector_store %arg17[%swap3A_655, %swap3A_656], %swap3A_659 {add = true, strides = array<i32>} : memref<64x128xf32, #tpu.memory_space<vmem>>, vector<1x16xf32>,
      %get3A_660 = arith.index_cast %add3A_650 : i32 to index
      %get3A_661 = arith.constant 16 : index
      %get3A_662 = tpu.vector_load %arg21[%get3A_660, %get3A_661] {strides = array<i32>} : memref<64x128xf32, #tpu.memory_space<vmem>>, vector<1x16xf32>,
      %get3A_663 = vector.shape_cast %get3A_662 : vector<1x16xf32> to vector<16xf32>
      %swap3A_664 = arith.index_cast %add3A_650 : i32 to index
      %swap3A_665 = arith.constant 16 : index
      %swap3A_666 = tpu.vector_load %arg17[%swap3A_664, %swap3A_665] {strides = array<i32>} : memref<64x128xf32, #tpu.memory_space<vmem>>, vector<1x16xf32>,
      %swap3A_667 = vector.shape_cast %swap3A_666 : vector<1x16xf32> to vector<16xf32>
      %swap3A_668 = vector.shape_cast %get3A_663 : vector<16xf32> to vector<1x16xf32>
      tpu.vector_store %arg17[%swap3A_664, %swap3A_665], %swap3A_668 {add = true, strides = array<i32>} : memref<64x128xf32, #tpu.memory_space<vmem>>, vector<1x16xf32>,
      %get3A_669 = arith.index_cast %add3A_650 : i32 to index
      %get3A_670 = arith.constant 32 : index
      %get3A_671 = tpu.vector_load %arg21[%get3A_669, %get3A_670] {strides = array<i32>} : memref<64x128xf32, #tpu.memory_space<vmem>>, vector<1x16xf32>,
      %get3A_672 = vector.shape_cast %get3A_671 : vector<1x16xf32> to vector<16xf32>
      %swap3A_673 = arith.index_cast %add3A_650 : i32 to index
      %swap3A_674 = arith.constant 32 : index
      %swap3A_675 = tpu.vector_load %arg17[%swap3A_673, %swap3A_674] {strides = array<i32>} : memref<64x128xf32, #tpu.memory_space<vmem>>, vector<1x16xf32>,
      %swap3A_676 = vector.shape_cast %swap3A_675 : vector<1x16xf32> to vector<16xf32>
      %swap3A_677 = vector.shape_cast %get3A_672 : vector<16xf32> to vector<1x16xf32>
      tpu.vector_store %arg17[%swap3A_673, %swap3A_674], %swap3A_677 {add = true, strides = array<i32>} : memref<64x128xf32, #tpu.memory_space<vmem>>, vector<1x16xf32>,
      %get3A_678 = arith.index_cast %add3A_650 : i32 to index
      %get3A_679 = arith.constant 48 : index
      %get3A_680 = tpu.vector_load %arg21[%get3A_678, %get3A_679] {strides = array<i32>} : memref<64x128xf32, #tpu.memory_space<vmem>>, vector<1x16xf32>,
      %get3A_681 = vector.shape_cast %get3A_680 : vector<1x16xf32> to vector<16xf32>
      %swap3A_682 = arith.index_cast %add3A_650 : i32 to index
      %swap3A_683 = arith.constant 48 : index
      %swap3A_684 = tpu.vector_load %arg17[%swap3A_682, %swap3A_683] {strides = array<i32>} : memref<64x128xf32, #tpu.memory_space<vmem>>, vector<1x16xf32>,
      %swap3A_685 = vector.shape_cast %swap3A_684 : vector<1x16xf32> to vector<16xf32>
      %swap3A_686 = vector.shape_cast %get3A_681 : vector<16xf32> to vector<1x16xf32>
      tpu.vector_store %arg17[%swap3A_682, %swap3A_683], %swap3A_686 {add = true, strides = array<i32>} : memref<64x128xf32, #tpu.memory_space<vmem>>, vector<1x16xf32>,
      %get3A_687 = arith.index_cast %add3A_650 : i32 to index
      %get3A_688 = arith.constant 64 : index
      %get3A_689 = tpu.vector_load %arg21[%get3A_687, %get3A_688] {strides = array<i32>} : memref<64x128xf32, #tpu.memory_space<vmem>>, vector<1x16xf32>,
      %get3A_690 = vector.shape_cast %get3A_689 : vector<1x16xf32> to vector<16xf32>
      %swap3A_691 = arith.index_cast %add3A_650 : i32 to index
      %swap3A_692 = arith.constant 64 : index
      %swap3A_693 = tpu.vector_load %arg17[%swap3A_691, %swap3A_692] {strides = array<i32>} : memref<64x128xf32, #tpu.memory_space<vmem>>, vector<1x16xf32>,
      %swap3A_694 = vector.shape_cast %swap3A_693 : vector<1x16xf32> to vector<16xf32>
      %swap3A_695 = vector.shape_cast %get3A_690 : vector<16xf32> to vector<1x16xf32>
      tpu.vector_store %arg17[%swap3A_691, %swap3A_692], %swap3A_695 {add = true, strides = array<i32>} : memref<64x128xf32, #tpu.memory_space<vmem>>, vector<1x16xf32>,
      %get3A_696 = arith.index_cast %add3A_650 : i32 to index
      %get3A_697 = arith.constant 80 : index
      %get3A_698 = tpu.vector_load %arg21[%get3A_696, %get3A_697] {strides = array<i32>} : memref<64x128xf32, #tpu.memory_space<vmem>>, vector<1x16xf32>,
      %get3A_699 = vector.shape_cast %get3A_698 : vector<1x16xf32> to vector<16xf32>
      %swap3A_700 = arith.index_cast %add3A_650 : i32 to index
      %swap3A_701 = arith.constant 80 : index
      %swap3A_702 = tpu.vector_load %arg17[%swap3A_700, %swap3A_701] {strides = array<i32>} : memref<64x128xf32, #tpu.memory_space<vmem>>, vector<1x16xf32>,
      %swap3A_703 = vector.shape_cast %swap3A_702 : vector<1x16xf32> to vector<16xf32>
      %swap3A_704 = vector.shape_cast %get3A_699 : vector<16xf32> to vector<1x16xf32>
      tpu.vector_store %arg17[%swap3A_700, %swap3A_701], %swap3A_704 {add = true, strides = array<i32>} : memref<64x128xf32, #tpu.memory_space<vmem>>, vector<1x16xf32>,
      %get3A_705 = arith.index_cast %add3A_650 : i32 to index
      %get3A_706 = arith.constant 96 : index
      %get3A_707 = tpu.vector_load %arg21[%get3A_705, %get3A_706] {strides = array<i32>} : memref<64x128xf32, #tpu.memory_space<vmem>>, vector<1x16xf32>,
      %get3A_708 = vector.shape_cast %get3A_707 : vector<1x16xf32> to vector<16xf32>
      %swap3A_709 = arith.index_cast %add3A_650 : i32 to index
      %swap3A_710 = arith.constant 96 : index
      %swap3A_711 = tpu.vector_load %arg17[%swap3A_709, %swap3A_710] {strides = array<i32>} : memref<64x128xf32, #tpu.memory_space<vmem>>, vector<1x16xf32>,
      %swap3A_712 = vector.shape_cast %swap3A_711 : vector<1x16xf32> to vector<16xf32>
      %swap3A_713 = vector.shape_cast %get3A_708 : vector<16xf32> to vector<1x16xf32>
      tpu.vector_store %arg17[%swap3A_709, %swap3A_710], %swap3A_713 {add = true, strides = array<i32>} : memref<64x128xf32, #tpu.memory_space<vmem>>, vector<1x16xf32>,
      %get3A_714 = arith.index_cast %add3A_650 : i32 to index
      %get3A_715 = arith.constant 112 : index
      %get3A_716 = tpu.vector_load %arg21[%get3A_714, %get3A_715] {strides = array<i32>} : memref<64x128xf32, #tpu.memory_space<vmem>>, vector<1x16xf32>,
      %get3A_717 = vector.shape_cast %get3A_716 : vector<1x16xf32> to vector<16xf32>
      %swap3A_718 = arith.index_cast %add3A_650 : i32 to index
      %swap3A_719 = arith.constant 112 : index
      %swap3A_720 = tpu.vector_load %arg17[%swap3A_718, %swap3A_719] {strides = array<i32>} : memref<64x128xf32, #tpu.memory_space<vmem>>, vector<1x16xf32>,
      %swap3A_721 = vector.shape_cast %swap3A_720 : vector<1x16xf32> to vector<16xf32>
      %swap3A_722 = vector.shape_cast %get3A_717 : vector<16xf32> to vector<1x16xf32>
      tpu.vector_store %arg17[%swap3A_718, %swap3A_719], %swap3A_722 {add = true, strides = array<i32>} : memref<64x128xf32, #tpu.memory_space<vmem>>, vector<1x16xf32>,
      %mul3A_723 = arith.constant 4 : i32
      %mul3A_724 = arith.muli %scan3A_570, %mul3A_723 : i32
      %add3A_725 = arith.constant 2 : i32
      %add3A_726 = arith.addi %mul3A_724, %add3A_725 : i32
      %get3A_727 = arith.index_cast %add3A_726 : i32 to index
      %get3A_728 = arith.constant 0 : index
      %get3A_729 = tpu.vector_load %arg21[%get3A_727, %get3A_728] {strides = array<i32>} : memref<64x128xf32, #tpu.memory_space<vmem>>, vector<1x16xf32>,
      %get3A_730 = vector.shape_cast %get3A_729 : vector<1x16xf32> to vector<16xf32>
      %swap3A_731 = arith.index_cast %add3A_726 : i32 to index
      %swap3A_732 = arith.constant 0 : index
      %swap3A_733 = tpu.vector_load %arg17[%swap3A_731, %swap3A_732] {strides = array<i32>} : memref<64x128xf32, #tpu.memory_space<vmem>>, vector<1x16xf32>,
      %swap3A_734 = vector.shape_cast %swap3A_733 : vector<1x16xf32> to vector<16xf32>
      %swap3A_735 = vector.shape_cast %get3A_730 : vector<16xf32> to vector<1x16xf32>
      tpu.vector_store %arg17[%swap3A_731, %swap3A_732], %swap3A_735 {add = true, strides = array<i32>} : memref<64x128xf32, #tpu.memory_space<vmem>>, vector<1x16xf32>,
      %get3A_736 = arith.index_cast %add3A_726 : i32 to index
      %get3A_737 = arith.constant 16 : index
      %get3A_738 = tpu.vector_load %arg21[%get3A_736, %get3A_737] {strides = array<i32>} : memref<64x128xf32, #tpu.memory_space<vmem>>, vector<1x16xf32>,
      %get3A_739 = vector.shape_cast %get3A_738 : vector<1x16xf32> to vector<16xf32>
      %swap3A_740 = arith.index_cast %add3A_726 : i32 to index
      %swap3A_741 = arith.constant 16 : index
      %swap3A_742 = tpu.vector_load %arg17[%swap3A_740, %swap3A_741] {strides = array<i32>} : memref<64x128xf32, #tpu.memory_space<vmem>>, vector<1x16xf32>,
      %swap3A_743 = vector.shape_cast %swap3A_742 : vector<1x16xf32> to vector<16xf32>
      %swap3A_744 = vector.shape_cast %get3A_739 : vector<16xf32> to vector<1x16xf32>
      tpu.vector_store %arg17[%swap3A_740, %swap3A_741], %swap3A_744 {add = true, strides = array<i32>} : memref<64x128xf32, #tpu.memory_space<vmem>>, vector<1x16xf32>,
      %get3A_745 = arith.index_cast %add3A_726 : i32 to index
      %get3A_746 = arith.constant 32 : index
      %get3A_747 = tpu.vector_load %arg21[%get3A_745, %get3A_746] {strides = array<i32>} : memref<64x128xf32, #tpu.memory_space<vmem>>, vector<1x16xf32>,
      %get3A_748 = vector.shape_cast %get3A_747 : vector<1x16xf32> to vector<16xf32>
      %swap3A_749 = arith.index_cast %add3A_726 : i32 to index
      %swap3A_750 = arith.constant 32 : index
      %swap3A_751 = tpu.vector_load %arg17[%swap3A_749, %swap3A_750] {strides = array<i32>} : memref<64x128xf32, #tpu.memory_space<vmem>>, vector<1x16xf32>,
      %swap3A_752 = vector.shape_cast %swap3A_751 : vector<1x16xf32> to vector<16xf32>
      %swap3A_753 = vector.shape_cast %get3A_748 : vector<16xf32> to vector<1x16xf32>
      tpu.vector_store %arg17[%swap3A_749, %swap3A_750], %swap3A_753 {add = true, strides = array<i32>} : memref<64x128xf32, #tpu.memory_space<vmem>>, vector<1x16xf32>,
      %get3A_754 = arith.index_cast %add3A_726 : i32 to index
      %get3A_755 = arith.constant 48 : index
      %get3A_756 = tpu.vector_load %arg21[%get3A_754, %get3A_755] {strides = array<i32>} : memref<64x128xf32, #tpu.memory_space<vmem>>, vector<1x16xf32>,
      %get3A_757 = vector.shape_cast %get3A_756 : vector<1x16xf32> to vector<16xf32>
      %swap3A_758 = arith.index_cast %add3A_726 : i32 to index
      %swap3A_759 = arith.constant 48 : index
      %swap3A_760 = tpu.vector_load %arg17[%swap3A_758, %swap3A_759] {strides = array<i32>} : memref<64x128xf32, #tpu.memory_space<vmem>>, vector<1x16xf32>,
      %swap3A_761 = vector.shape_cast %swap3A_760 : vector<1x16xf32> to vector<16xf32>
      %swap3A_762 = vector.shape_cast %get3A_757 : vector<16xf32> to vector<1x16xf32>
      tpu.vector_store %arg17[%swap3A_758, %swap3A_759], %swap3A_762 {add = true, strides = array<i32>} : memref<64x128xf32, #tpu.memory_space<vmem>>, vector<1x16xf32>,
      %get3A_763 = arith.index_cast %add3A_726 : i32 to index
      %get3A_764 = arith.constant 64 : index
      %get3A_765 = tpu.vector_load %arg21[%get3A_763, %get3A_764] {strides = array<i32>} : memref<64x128xf32, #tpu.memory_space<vmem>>, vector<1x16xf32>,
      %get3A_766 = vector.shape_cast %get3A_765 : vector<1x16xf32> to vector<16xf32>
      %swap3A_767 = arith.index_cast %add3A_726 : i32 to index
      %swap3A_768 = arith.constant 64 : index
      %swap3A_769 = tpu.vector_load %arg17[%swap3A_767, %swap3A_768] {strides = array<i32>} : memref<64x128xf32, #tpu.memory_space<vmem>>, vector<1x16xf32>,
      %swap3A_770 = vector.shape_cast %swap3A_769 : vector<1x16xf32> to vector<16xf32>
      %swap3A_771 = vector.shape_cast %get3A_766 : vector<16xf32> to vector<1x16xf32>
      tpu.vector_store %arg17[%swap3A_767, %swap3A_768], %swap3A_771 {add = true, strides = array<i32>} : memref<64x128xf32, #tpu.memory_space<vmem>>, vector<1x16xf32>,
      %get3A_772 = arith.index_cast %add3A_726 : i32 to index
      %get3A_773 = arith.constant 80 : index
      %get3A_774 = tpu.vector_load %arg21[%get3A_772, %get3A_773] {strides = array<i32>} : memref<64x128xf32, #tpu.memory_space<vmem>>, vector<1x16xf32>,
      %get3A_775 = vector.shape_cast %get3A_774 : vector<1x16xf32> to vector<16xf32>
      %swap3A_776 = arith.index_cast %add3A_726 : i32 to index
      %swap3A_777 = arith.constant 80 : index
      %swap3A_778 = tpu.vector_load %arg17[%swap3A_776, %swap3A_777] {strides = array<i32>} : memref<64x128xf32, #tpu.memory_space<vmem>>, vector<1x16xf32>,
      %swap3A_779 = vector.shape_cast %swap3A_778 : vector<1x16xf32> to vector<16xf32>
      %swap3A_780 = vector.shape_cast %get3A_775 : vector<16xf32> to vector<1x16xf32>
      tpu.vector_store %arg17[%swap3A_776, %swap3A_777], %swap3A_780 {add = true, strides = array<i32>} : memref<64x128xf32, #tpu.memory_space<vmem>>, vector<1x16xf32>,
      %get3A_781 = arith.index_cast %add3A_726 : i32 to index
      %get3A_782 = arith.constant 96 : index
      %get3A_783 = tpu.vector_load %arg21[%get3A_781, %get3A_782] {strides = array<i32>} : memref<64x128xf32, #tpu.memory_space<vmem>>, vector<1x16xf32>,
      %get3A_784 = vector.shape_cast %get3A_783 : vector<1x16xf32> to vector<16xf32>
      %swap3A_785 = arith.index_cast %add3A_726 : i32 to index
      %swap3A_786 = arith.constant 96 : index
      %swap3A_787 = tpu.vector_load %arg17[%swap3A_785, %swap3A_786] {strides = array<i32>} : memref<64x128xf32, #tpu.memory_space<vmem>>, vector<1x16xf32>,
      %swap3A_788 = vector.shape_cast %swap3A_787 : vector<1x16xf32> to vector<16xf32>
      %swap3A_789 = vector.shape_cast %get3A_784 : vector<16xf32> to vector<1x16xf32>
      tpu.vector_store %arg17[%swap3A_785, %swap3A_786], %swap3A_789 {add = true, strides = array<i32>} : memref<64x128xf32, #tpu.memory_space<vmem>>, vector<1x16xf32>,
      %get3A_790 = arith.index_cast %add3A_726 : i32 to index
      %get3A_791 = arith.constant 112 : index
      %get3A_792 = tpu.vector_load %arg21[%get3A_790, %get3A_791] {strides = array<i32>} : memref<64x128xf32, #tpu.memory_space<vmem>>, vector<1x16xf32>,
      %get3A_793 = vector.shape_cast %get3A_792 : vector<1x16xf32> to vector<16xf32>
      %swap3A_794 = arith.index_cast %add3A_726 : i32 to index
      %swap3A_795 = arith.constant 112 : index
      %swap3A_796 = tpu.vector_load %arg17[%swap3A_794, %swap3A_795] {strides = array<i32>} : memref<64x128xf32, #tpu.memory_space<vmem>>, vector<1x16xf32>,
      %swap3A_797 = vector.shape_cast %swap3A_796 : vector<1x16xf32> to vector<16xf32>
      %swap3A_798 = vector.shape_cast %get3A_793 : vector<16xf32> to vector<1x16xf32>
      tpu.vector_store %arg17[%swap3A_794, %swap3A_795], %swap3A_798 {add = true, strides = array<i32>} : memref<64x128xf32, #tpu.memory_space<vmem>>, vector<1x16xf32>,
      %mul3A_799 = arith.constant 4 : i32
      %mul3A_800 = arith.muli %scan3A_570, %mul3A_799 : i32
      %add3A_801 = arith.constant 3 : i32
      %add3A_802 = arith.addi %mul3A_800, %add3A_801 : i32
      %get3A_803 = arith.index_cast %add3A_802 : i32 to index
      %get3A_804 = arith.constant 0 : index
      %get3A_805 = tpu.vector_load %arg21[%get3A_803, %get3A_804] {strides = array<i32>} : memref<64x128xf32, #tpu.memory_space<vmem>>, vector<1x16xf32>,
      %get3A_806 = vector.shape_cast %get3A_805 : vector<1x16xf32> to vector<16xf32>
      %swap3A_807 = arith.index_cast %add3A_802 : i32 to index
      %swap3A_808 = arith.constant 0 : index
      %swap3A_809 = tpu.vector_load %arg17[%swap3A_807, %swap3A_808] {strides = array<i32>} : memref<64x128xf32, #tpu.memory_space<vmem>>, vector<1x16xf32>,
      %swap3A_810 = vector.shape_cast %swap3A_809 : vector<1x16xf32> to vector<16xf32>
      %swap3A_811 = vector.shape_cast %get3A_806 : vector<16xf32> to vector<1x16xf32>
      tpu.vector_store %arg17[%swap3A_807, %swap3A_808], %swap3A_811 {add = true, strides = array<i32>} : memref<64x128xf32, #tpu.memory_space<vmem>>, vector<1x16xf32>,
      %get3A_812 = arith.index_cast %add3A_802 : i32 to index
      %get3A_813 = arith.constant 16 : index
      %get3A_814 = tpu.vector_load %arg21[%get3A_812, %get3A_813] {strides = array<i32>} : memref<64x128xf32, #tpu.memory_space<vmem>>, vector<1x16xf32>,
      %get3A_815 = vector.shape_cast %get3A_814 : vector<1x16xf32> to vector<16xf32>
      %swap3A_816 = arith.index_cast %add3A_802 : i32 to index
      %swap3A_817 = arith.constant 16 : index
      %swap3A_818 = tpu.vector_load %arg17[%swap3A_816, %swap3A_817] {strides = array<i32>} : memref<64x128xf32, #tpu.memory_space<vmem>>, vector<1x16xf32>,
      %swap3A_819 = vector.shape_cast %swap3A_818 : vector<1x16xf32> to vector<16xf32>
      %swap3A_820 = vector.shape_cast %get3A_815 : vector<16xf32> to vector<1x16xf32>
      tpu.vector_store %arg17[%swap3A_816, %swap3A_817], %swap3A_820 {add = true, strides = array<i32>} : memref<64x128xf32, #tpu.memory_space<vmem>>, vector<1x16xf32>,
      %get3A_821 = arith.index_cast %add3A_802 : i32 to index
      %get3A_822 = arith.constant 32 : index
      %get3A_823 = tpu.vector_load %arg21[%get3A_821, %get3A_822] {strides = array<i32>} : memref<64x128xf32, #tpu.memory_space<vmem>>, vector<1x16xf32>,
      %get3A_824 = vector.shape_cast %get3A_823 : vector<1x16xf32> to vector<16xf32>
      %swap3A_825 = arith.index_cast %add3A_802 : i32 to index
      %swap3A_826 = arith.constant 32 : index
      %swap3A_827 = tpu.vector_load %arg17[%swap3A_825, %swap3A_826] {strides = array<i32>} : memref<64x128xf32, #tpu.memory_space<vmem>>, vector<1x16xf32>,
      %swap3A_828 = vector.shape_cast %swap3A_827 : vector<1x16xf32> to vector<16xf32>
      %swap3A_829 = vector.shape_cast %get3A_824 : vector<16xf32> to vector<1x16xf32>
      tpu.vector_store %arg17[%swap3A_825, %swap3A_826], %swap3A_829 {add = true, strides = array<i32>} : memref<64x128xf32, #tpu.memory_space<vmem>>, vector<1x16xf32>,
      %get3A_830 = arith.index_cast %add3A_802 : i32 to index
      %get3A_831 = arith.constant 48 : index
      %get3A_832 = tpu.vector_load %arg21[%get3A_830, %get3A_831] {strides = array<i32>} : memref<64x128xf32, #tpu.memory_space<vmem>>, vector<1x16xf32>,
      %get3A_833 = vector.shape_cast %get3A_832 : vector<1x16xf32> to vector<16xf32>
      %swap3A_834 = arith.index_cast %add3A_802 : i32 to index
      %swap3A_835 = arith.constant 48 : index
      %swap3A_836 = tpu.vector_load %arg17[%swap3A_834, %swap3A_835] {strides = array<i32>} : memref<64x128xf32, #tpu.memory_space<vmem>>, vector<1x16xf32>,
      %swap3A_837 = vector.shape_cast %swap3A_836 : vector<1x16xf32> to vector<16xf32>
      %swap3A_838 = vector.shape_cast %get3A_833 : vector<16xf32> to vector<1x16xf32>
      tpu.vector_store %arg17[%swap3A_834, %swap3A_835], %swap3A_838 {add = true, strides = array<i32>} : memref<64x128xf32, #tpu.memory_space<vmem>>, vector<1x16xf32>,
      %get3A_839 = arith.index_cast %add3A_802 : i32 to index
      %get3A_840 = arith.constant 64 : index
      %get3A_841 = tpu.vector_load %arg21[%get3A_839, %get3A_840] {strides = array<i32>} : memref<64x128xf32, #tpu.memory_space<vmem>>, vector<1x16xf32>,
      %get3A_842 = vector.shape_cast %get3A_841 : vector<1x16xf32> to vector<16xf32>
      %swap3A_843 = arith.index_cast %add3A_802 : i32 to index
      %swap3A_844 = arith.constant 64 : index
      %swap3A_845 = tpu.vector_load %arg17[%swap3A_843, %swap3A_844] {strides = array<i32>} : memref<64x128xf32, #tpu.memory_space<vmem>>, vector<1x16xf32>,
      %swap3A_846 = vector.shape_cast %swap3A_845 : vector<1x16xf32> to vector<16xf32>
      %swap3A_847 = vector.shape_cast %get3A_842 : vector<16xf32> to vector<1x16xf32>
      tpu.vector_store %arg17[%swap3A_843, %swap3A_844], %swap3A_847 {add = true, strides = array<i32>} : memref<64x128xf32, #tpu.memory_space<vmem>>, vector<1x16xf32>,
      %get3A_848 = arith.index_cast %add3A_802 : i32 to index
      %get3A_849 = arith.constant 80 : index
      %get3A_850 = tpu.vector_load %arg21[%get3A_848, %get3A_849] {strides = array<i32>} : memref<64x128xf32, #tpu.memory_space<vmem>>, vector<1x16xf32>,
      %get3A_851 = vector.shape_cast %get3A_850 : vector<1x16xf32> to vector<16xf32>
      %swap3A_852 = arith.index_cast %add3A_802 : i32 to index
      %swap3A_853 = arith.constant 80 : index
      %swap3A_854 = tpu.vector_load %arg17[%swap3A_852, %swap3A_853] {strides = array<i32>} : memref<64x128xf32, #tpu.memory_space<vmem>>, vector<1x16xf32>,
      %swap3A_855 = vector.shape_cast %swap3A_854 : vector<1x16xf32> to vector<16xf32>
      %swap3A_856 = vector.shape_cast %get3A_851 : vector<16xf32> to vector<1x16xf32>
      tpu.vector_store %arg17[%swap3A_852, %swap3A_853], %swap3A_856 {add = true, strides = array<i32>} : memref<64x128xf32, #tpu.memory_space<vmem>>, vector<1x16xf32>,
      %get3A_857 = arith.index_cast %add3A_802 : i32 to index
      %get3A_858 = arith.constant 96 : index
      %get3A_859 = tpu.vector_load %arg21[%get3A_857, %get3A_858] {strides = array<i32>} : memref<64x128xf32, #tpu.memory_space<vmem>>, vector<1x16xf32>,
      %get3A_860 = vector.shape_cast %get3A_859 : vector<1x16xf32> to vector<16xf32>
      %swap3A_861 = arith.index_cast %add3A_802 : i32 to index
      %swap3A_862 = arith.constant 96 : index
      %swap3A_863 = tpu.vector_load %arg17[%swap3A_861, %swap3A_862] {strides = array<i32>} : memref<64x128xf32, #tpu.memory_space<vmem>>, vector<1x16xf32>,
      %swap3A_864 = vector.shape_cast %swap3A_863 : vector<1x16xf32> to vector<16xf32>
      %swap3A_865 = vector.shape_cast %get3A_860 : vector<16xf32> to vector<1x16xf32>
      tpu.vector_store %arg17[%swap3A_861, %swap3A_862], %swap3A_865 {add = true, strides = array<i32>} : memref<64x128xf32, #tpu.memory_space<vmem>>, vector<1x16xf32>,
      %get3A_866 = arith.index_cast %add3A_802 : i32 to index
      %get3A_867 = arith.constant 112 : index
      %get3A_868 = tpu.vector_load %arg21[%get3A_866, %get3A_867] {strides = array<i32>} : memref<64x128xf32, #tpu.memory_space<vmem>>, vector<1x16xf32>,
      %get3A_869 = vector.shape_cast %get3A_868 : vector<1x16xf32> to vector<16xf32>
      %swap3A_870 = arith.index_cast %add3A_802 : i32 to index
      %swap3A_871 = arith.constant 112 : index
      %swap3A_872 = tpu.vector_load %arg17[%swap3A_870, %swap3A_871] {strides = array<i32>} : memref<64x128xf32, #tpu.memory_space<vmem>>, vector<1x16xf32>,
      %swap3A_873 = vector.shape_cast %swap3A_872 : vector<1x16xf32> to vector<16xf32>
      %swap3A_874 = vector.shape_cast %get3A_869 : vector<16xf32> to vector<1x16xf32>
      tpu.vector_store %arg17[%swap3A_870, %swap3A_871], %swap3A_874 {add = true, strides = array<i32>} : memref<64x128xf32, #tpu.memory_space<vmem>>, vector<1x16xf32>,
    }
    %scan3A_485 = arith.constant 16 : i32
    %add3A_486 = arith.constant 6144 : i32
    %add3A_487 = arith.addi %mul3A_2, %add3A_486 : i32
    %dma_start3A_488 = arith.constant 0 : i32
    %dma_start3A_489 = tpu.memref_slice %arg6[%add3A_487, %dma_start3A_488] : memref<204800x128xf32, #tpu.memory_space<hbm>> -> memref<64x128xf32, #tpu.memory_space<hbm>>
    %dma_start3A_490 = arith.constant 0 : i32
    %dma_start3A_491 = tpu.memref_slice %arg6[%add3A_487, %dma_start3A_490] : memref<204800x128xf32, #tpu.memory_space<hbm>> -> memref<64x128xf32, #tpu.memory_space<hbm>>
    tpu.enqueue_dma source(%arg17 : memref<64x128xf32, #tpu.memory_space<vmem>>) target(%dma_start3A_491 : memref<64x128xf32, #tpu.memory_space<hbm>>) target_semaphore(%arg29 : memref<!tpu.dma_semaphore, #tpu.memory_space<semaphore_mem>>)
    %dma_wait3A_492 = arith.constant 0 : i32
    %dma_wait3A_493 = arith.constant 0 : i32
    %dma_wait3A_494 = tpu.memref_slice %arg4[%dma_wait3A_492, %dma_wait3A_493] : memref<100000x128xf32, #tpu.memory_space<hbm>> -> memref<100000x128xf32, #tpu.memory_space<hbm>>
    tpu.wait_indirect_dma semaphore(%arg26 : memref<!tpu.dma_semaphore, #tpu.memory_space<semaphore_mem>>) src(%dma_wait3A_494 : memref<100000x128xf32, #tpu.memory_space<hbm>>) dst(%arg18 : memref<64x128xf32, #tpu.memory_space<vmem>>)
    %dma_wait3A_495 = arith.constant 0 : i32
    %dma_wait3A_496 = arith.constant 0 : i32
    %dma_wait3A_497 = tpu.memref_slice %arg5[%dma_wait3A_495, %dma_wait3A_496] : memref<400x128xf32, #tpu.memory_space<hbm>> -> memref<400x128xf32, #tpu.memory_space<hbm>>
    tpu.wait_indirect_dma semaphore(%arg26 : memref<!tpu.dma_semaphore, #tpu.memory_space<semaphore_mem>>) src(%dma_wait3A_497 : memref<400x128xf32, #tpu.memory_space<hbm>>) dst(%arg22 : memref<64x128xf32, #tpu.memory_space<vmem>>)
    %scan3A_498 = arith.constant 0 : i32
    %scan3A_499 = arith.constant 0 : i32
    %scan3A_500 = arith.constant 16 : i32
    %scan3A_501 = arith.addi %scan3A_499, %scan3A_500 : i32
    %scan3A_502 = arith.constant 1 : i32
    scf.for %scan3A_570 = %scan3A_499 to %scan3A_501 step %scan3A_502  : i32 {
      %mul3A_571 = arith.constant 4 : i32
      %mul3A_572 = arith.muli %scan3A_570, %mul3A_571 : i32
      %add3A_573 = arith.constant 0 : i32
      %add3A_574 = arith.addi %mul3A_572, %add3A_573 : i32
      %get3A_575 = arith.index_cast %add3A_574 : i32 to index
      %get3A_576 = arith.constant 0 : index
      %get3A_577 = tpu.vector_load %arg22[%get3A_575, %get3A_576] {strides = array<i32>} : memref<64x128xf32, #tpu.memory_space<vmem>>, vector<1x16xf32>,
      %get3A_578 = vector.shape_cast %get3A_577 : vector<1x16xf32> to vector<16xf32>
      %swap3A_579 = arith.index_cast %add3A_574 : i32 to index
      %swap3A_580 = arith.constant 0 : index
      %swap3A_581 = tpu.vector_load %arg18[%swap3A_579, %swap3A_580] {strides = array<i32>} : memref<64x128xf32, #tpu.memory_space<vmem>>, vector<1x16xf32>,
      %swap3A_582 = vector.shape_cast %swap3A_581 : vector<1x16xf32> to vector<16xf32>
      %swap3A_583 = vector.shape_cast %get3A_578 : vector<16xf32> to vector<1x16xf32>
      tpu.vector_store %arg18[%swap3A_579, %swap3A_580], %swap3A_583 {add = true, strides = array<i32>} : memref<64x128xf32, #tpu.memory_space<vmem>>, vector<1x16xf32>,
      %get3A_584 = arith.index_cast %add3A_574 : i32 to index
      %get3A_585 = arith.constant 16 : index
      %get3A_586 = tpu.vector_load %arg22[%get3A_584, %get3A_585] {strides = array<i32>} : memref<64x128xf32, #tpu.memory_space<vmem>>, vector<1x16xf32>,
      %get3A_587 = vector.shape_cast %get3A_586 : vector<1x16xf32> to vector<16xf32>
      %swap3A_588 = arith.index_cast %add3A_574 : i32 to index
      %swap3A_589 = arith.constant 16 : index
      %swap3A_590 = tpu.vector_load %arg18[%swap3A_588, %swap3A_589] {strides = array<i32>} : memref<64x128xf32, #tpu.memory_space<vmem>>, vector<1x16xf32>,
      %swap3A_591 = vector.shape_cast %swap3A_590 : vector<1x16xf32> to vector<16xf32>
      %swap3A_592 = vector.shape_cast %get3A_587 : vector<16xf32> to vector<1x16xf32>
      tpu.vector_store %arg18[%swap3A_588, %swap3A_589], %swap3A_592 {add = true, strides = array<i32>} : memref<64x128xf32, #tpu.memory_space<vmem>>, vector<1x16xf32>,
      %get3A_593 = arith.index_cast %add3A_574 : i32 to index
      %get3A_594 = arith.constant 32 : index
      %get3A_595 = tpu.vector_load %arg22[%get3A_593, %get3A_594] {strides = array<i32>} : memref<64x128xf32, #tpu.memory_space<vmem>>, vector<1x16xf32>,
      %get3A_596 = vector.shape_cast %get3A_595 : vector<1x16xf32> to vector<16xf32>
      %swap3A_597 = arith.index_cast %add3A_574 : i32 to index
      %swap3A_598 = arith.constant 32 : index
      %swap3A_599 = tpu.vector_load %arg18[%swap3A_597, %swap3A_598] {strides = array<i32>} : memref<64x128xf32, #tpu.memory_space<vmem>>, vector<1x16xf32>,
      %swap3A_600 = vector.shape_cast %swap3A_599 : vector<1x16xf32> to vector<16xf32>
      %swap3A_601 = vector.shape_cast %get3A_596 : vector<16xf32> to vector<1x16xf32>
      tpu.vector_store %arg18[%swap3A_597, %swap3A_598], %swap3A_601 {add = true, strides = array<i32>} : memref<64x128xf32, #tpu.memory_space<vmem>>, vector<1x16xf32>,
      %get3A_602 = arith.index_cast %add3A_574 : i32 to index
      %get3A_603 = arith.constant 48 : index
      %get3A_604 = tpu.vector_load %arg22[%get3A_602, %get3A_603] {strides = array<i32>} : memref<64x128xf32, #tpu.memory_space<vmem>>, vector<1x16xf32>,
      %get3A_605 = vector.shape_cast %get3A_604 : vector<1x16xf32> to vector<16xf32>
      %swap3A_606 = arith.index_cast %add3A_574 : i32 to index
      %swap3A_607 = arith.constant 48 : index
      %swap3A_608 = tpu.vector_load %arg18[%swap3A_606, %swap3A_607] {strides = array<i32>} : memref<64x128xf32, #tpu.memory_space<vmem>>, vector<1x16xf32>,
      %swap3A_609 = vector.shape_cast %swap3A_608 : vector<1x16xf32> to vector<16xf32>
      %swap3A_610 = vector.shape_cast %get3A_605 : vector<16xf32> to vector<1x16xf32>
      tpu.vector_store %arg18[%swap3A_606, %swap3A_607], %swap3A_610 {add = true, strides = array<i32>} : memref<64x128xf32, #tpu.memory_space<vmem>>, vector<1x16xf32>,
      %get3A_611 = arith.index_cast %add3A_574 : i32 to index
      %get3A_612 = arith.constant 64 : index
      %get3A_613 = tpu.vector_load %arg22[%get3A_611, %get3A_612] {strides = array<i32>} : memref<64x128xf32, #tpu.memory_space<vmem>>, vector<1x16xf32>,
      %get3A_614 = vector.shape_cast %get3A_613 : vector<1x16xf32> to vector<16xf32>
      %swap3A_615 = arith.index_cast %add3A_574 : i32 to index
      %swap3A_616 = arith.constant 64 : index
      %swap3A_617 = tpu.vector_load %arg18[%swap3A_615, %swap3A_616] {strides = array<i32>} : memref<64x128xf32, #tpu.memory_space<vmem>>, vector<1x16xf32>,
      %swap3A_618 = vector.shape_cast %swap3A_617 : vector<1x16xf32> to vector<16xf32>
      %swap3A_619 = vector.shape_cast %get3A_614 : vector<16xf32> to vector<1x16xf32>
      tpu.vector_store %arg18[%swap3A_615, %swap3A_616], %swap3A_619 {add = true, strides = array<i32>} : memref<64x128xf32, #tpu.memory_space<vmem>>, vector<1x16xf32>,
      %get3A_620 = arith.index_cast %add3A_574 : i32 to index
      %get3A_621 = arith.constant 80 : index
      %get3A_622 = tpu.vector_load %arg22[%get3A_620, %get3A_621] {strides = array<i32>} : memref<64x128xf32, #tpu.memory_space<vmem>>, vector<1x16xf32>,
      %get3A_623 = vector.shape_cast %get3A_622 : vector<1x16xf32> to vector<16xf32>
      %swap3A_624 = arith.index_cast %add3A_574 : i32 to index
      %swap3A_625 = arith.constant 80 : index
      %swap3A_626 = tpu.vector_load %arg18[%swap3A_624, %swap3A_625] {strides = array<i32>} : memref<64x128xf32, #tpu.memory_space<vmem>>, vector<1x16xf32>,
      %swap3A_627 = vector.shape_cast %swap3A_626 : vector<1x16xf32> to vector<16xf32>
      %swap3A_628 = vector.shape_cast %get3A_623 : vector<16xf32> to vector<1x16xf32>
      tpu.vector_store %arg18[%swap3A_624, %swap3A_625], %swap3A_628 {add = true, strides = array<i32>} : memref<64x128xf32, #tpu.memory_space<vmem>>, vector<1x16xf32>,
      %get3A_629 = arith.index_cast %add3A_574 : i32 to index
      %get3A_630 = arith.constant 96 : index
      %get3A_631 = tpu.vector_load %arg22[%get3A_629, %get3A_630] {strides = array<i32>} : memref<64x128xf32, #tpu.memory_space<vmem>>, vector<1x16xf32>,
      %get3A_632 = vector.shape_cast %get3A_631 : vector<1x16xf32> to vector<16xf32>
      %swap3A_633 = arith.index_cast %add3A_574 : i32 to index
      %swap3A_634 = arith.constant 96 : index
      %swap3A_635 = tpu.vector_load %arg18[%swap3A_633, %swap3A_634] {strides = array<i32>} : memref<64x128xf32, #tpu.memory_space<vmem>>, vector<1x16xf32>,
      %swap3A_636 = vector.shape_cast %swap3A_635 : vector<1x16xf32> to vector<16xf32>
      %swap3A_637 = vector.shape_cast %get3A_632 : vector<16xf32> to vector<1x16xf32>
      tpu.vector_store %arg18[%swap3A_633, %swap3A_634], %swap3A_637 {add = true, strides = array<i32>} : memref<64x128xf32, #tpu.memory_space<vmem>>, vector<1x16xf32>,
      %get3A_638 = arith.index_cast %add3A_574 : i32 to index
      %get3A_639 = arith.constant 112 : index
      %get3A_640 = tpu.vector_load %arg22[%get3A_638, %get3A_639] {strides = array<i32>} : memref<64x128xf32, #tpu.memory_space<vmem>>, vector<1x16xf32>,
      %get3A_641 = vector.shape_cast %get3A_640 : vector<1x16xf32> to vector<16xf32>
      %swap3A_642 = arith.index_cast %add3A_574 : i32 to index
      %swap3A_643 = arith.constant 112 : index
      %swap3A_644 = tpu.vector_load %arg18[%swap3A_642, %swap3A_643] {strides = array<i32>} : memref<64x128xf32, #tpu.memory_space<vmem>>, vector<1x16xf32>,
      %swap3A_645 = vector.shape_cast %swap3A_644 : vector<1x16xf32> to vector<16xf32>
      %swap3A_646 = vector.shape_cast %get3A_641 : vector<16xf32> to vector<1x16xf32>
      tpu.vector_store %arg18[%swap3A_642, %swap3A_643], %swap3A_646 {add = true, strides = array<i32>} : memref<64x128xf32, #tpu.memory_space<vmem>>, vector<1x16xf32>,
      %mul3A_647 = arith.constant 4 : i32
      %mul3A_648 = arith.muli %scan3A_570, %mul3A_647 : i32
      %add3A_649 = arith.constant 1 : i32
      %add3A_650 = arith.addi %mul3A_648, %add3A_649 : i32
      %get3A_651 = arith.index_cast %add3A_650 : i32 to index
      %get3A_652 = arith.constant 0 : index
      %get3A_653 = tpu.vector_load %arg22[%get3A_651, %get3A_652] {strides = array<i32>} : memref<64x128xf32, #tpu.memory_space<vmem>>, vector<1x16xf32>,
      %get3A_654 = vector.shape_cast %get3A_653 : vector<1x16xf32> to vector<16xf32>
      %swap3A_655 = arith.index_cast %add3A_650 : i32 to index
      %swap3A_656 = arith.constant 0 : index
      %swap3A_657 = tpu.vector_load %arg18[%swap3A_655, %swap3A_656] {strides = array<i32>} : memref<64x128xf32, #tpu.memory_space<vmem>>, vector<1x16xf32>,
      %swap3A_658 = vector.shape_cast %swap3A_657 : vector<1x16xf32> to vector<16xf32>
      %swap3A_659 = vector.shape_cast %get3A_654 : vector<16xf32> to vector<1x16xf32>
      tpu.vector_store %arg18[%swap3A_655, %swap3A_656], %swap3A_659 {add = true, strides = array<i32>} : memref<64x128xf32, #tpu.memory_space<vmem>>, vector<1x16xf32>,
      %get3A_660 = arith.index_cast %add3A_650 : i32 to index
      %get3A_661 = arith.constant 16 : index
      %get3A_662 = tpu.vector_load %arg22[%get3A_660, %get3A_661] {strides = array<i32>} : memref<64x128xf32, #tpu.memory_space<vmem>>, vector<1x16xf32>,
      %get3A_663 = vector.shape_cast %get3A_662 : vector<1x16xf32> to vector<16xf32>
      %swap3A_664 = arith.index_cast %add3A_650 : i32 to index
      %swap3A_665 = arith.constant 16 : index
      %swap3A_666 = tpu.vector_load %arg18[%swap3A_664, %swap3A_665] {strides = array<i32>} : memref<64x128xf32, #tpu.memory_space<vmem>>, vector<1x16xf32>,
      %swap3A_667 = vector.shape_cast %swap3A_666 : vector<1x16xf32> to vector<16xf32>
      %swap3A_668 = vector.shape_cast %get3A_663 : vector<16xf32> to vector<1x16xf32>
      tpu.vector_store %arg18[%swap3A_664, %swap3A_665], %swap3A_668 {add = true, strides = array<i32>} : memref<64x128xf32, #tpu.memory_space<vmem>>, vector<1x16xf32>,
      %get3A_669 = arith.index_cast %add3A_650 : i32 to index
      %get3A_670 = arith.constant 32 : index
      %get3A_671 = tpu.vector_load %arg22[%get3A_669, %get3A_670] {strides = array<i32>} : memref<64x128xf32, #tpu.memory_space<vmem>>, vector<1x16xf32>,
      %get3A_672 = vector.shape_cast %get3A_671 : vector<1x16xf32> to vector<16xf32>
      %swap3A_673 = arith.index_cast %add3A_650 : i32 to index
      %swap3A_674 = arith.constant 32 : index
      %swap3A_675 = tpu.vector_load %arg18[%swap3A_673, %swap3A_674] {strides = array<i32>} : memref<64x128xf32, #tpu.memory_space<vmem>>, vector<1x16xf32>,
      %swap3A_676 = vector.shape_cast %swap3A_675 : vector<1x16xf32> to vector<16xf32>
      %swap3A_677 = vector.shape_cast %get3A_672 : vector<16xf32> to vector<1x16xf32>
      tpu.vector_store %arg18[%swap3A_673, %swap3A_674], %swap3A_677 {add = true, strides = array<i32>} : memref<64x128xf32, #tpu.memory_space<vmem>>, vector<1x16xf32>,
      %get3A_678 = arith.index_cast %add3A_650 : i32 to index
      %get3A_679 = arith.constant 48 : index
      %get3A_680 = tpu.vector_load %arg22[%get3A_678, %get3A_679] {strides = array<i32>} : memref<64x128xf32, #tpu.memory_space<vmem>>, vector<1x16xf32>,
      %get3A_681 = vector.shape_cast %get3A_680 : vector<1x16xf32> to vector<16xf32>
      %swap3A_682 = arith.index_cast %add3A_650 : i32 to index
      %swap3A_683 = arith.constant 48 : index
      %swap3A_684 = tpu.vector_load %arg18[%swap3A_682, %swap3A_683] {strides = array<i32>} : memref<64x128xf32, #tpu.memory_space<vmem>>, vector<1x16xf32>,
      %swap3A_685 = vector.shape_cast %swap3A_684 : vector<1x16xf32> to vector<16xf32>
      %swap3A_686 = vector.shape_cast %get3A_681 : vector<16xf32> to vector<1x16xf32>
      tpu.vector_store %arg18[%swap3A_682, %swap3A_683], %swap3A_686 {add = true, strides = array<i32>} : memref<64x128xf32, #tpu.memory_space<vmem>>, vector<1x16xf32>,
      %get3A_687 = arith.index_cast %add3A_650 : i32 to index
      %get3A_688 = arith.constant 64 : index
      %get3A_689 = tpu.vector_load %arg22[%get3A_687, %get3A_688] {strides = array<i32>} : memref<64x128xf32, #tpu.memory_space<vmem>>, vector<1x16xf32>,
      %get3A_690 = vector.shape_cast %get3A_689 : vector<1x16xf32> to vector<16xf32>
      %swap3A_691 = arith.index_cast %add3A_650 : i32 to index
      %swap3A_692 = arith.constant 64 : index
      %swap3A_693 = tpu.vector_load %arg18[%swap3A_691, %swap3A_692] {strides = array<i32>} : memref<64x128xf32, #tpu.memory_space<vmem>>, vector<1x16xf32>,
      %swap3A_694 = vector.shape_cast %swap3A_693 : vector<1x16xf32> to vector<16xf32>
      %swap3A_695 = vector.shape_cast %get3A_690 : vector<16xf32> to vector<1x16xf32>
      tpu.vector_store %arg18[%swap3A_691, %swap3A_692], %swap3A_695 {add = true, strides = array<i32>} : memref<64x128xf32, #tpu.memory_space<vmem>>, vector<1x16xf32>,
      %get3A_696 = arith.index_cast %add3A_650 : i32 to index
      %get3A_697 = arith.constant 80 : index
      %get3A_698 = tpu.vector_load %arg22[%get3A_696, %get3A_697] {strides = array<i32>} : memref<64x128xf32, #tpu.memory_space<vmem>>, vector<1x16xf32>,
      %get3A_699 = vector.shape_cast %get3A_698 : vector<1x16xf32> to vector<16xf32>
      %swap3A_700 = arith.index_cast %add3A_650 : i32 to index
      %swap3A_701 = arith.constant 80 : index
      %swap3A_702 = tpu.vector_load %arg18[%swap3A_700, %swap3A_701] {strides = array<i32>} : memref<64x128xf32, #tpu.memory_space<vmem>>, vector<1x16xf32>,
      %swap3A_703 = vector.shape_cast %swap3A_702 : vector<1x16xf32> to vector<16xf32>
      %swap3A_704 = vector.shape_cast %get3A_699 : vector<16xf32> to vector<1x16xf32>
      tpu.vector_store %arg18[%swap3A_700, %swap3A_701], %swap3A_704 {add = true, strides = array<i32>} : memref<64x128xf32, #tpu.memory_space<vmem>>, vector<1x16xf32>,
      %get3A_705 = arith.index_cast %add3A_650 : i32 to index
      %get3A_706 = arith.constant 96 : index
      %get3A_707 = tpu.vector_load %arg22[%get3A_705, %get3A_706] {strides = array<i32>} : memref<64x128xf32, #tpu.memory_space<vmem>>, vector<1x16xf32>,
      %get3A_708 = vector.shape_cast %get3A_707 : vector<1x16xf32> to vector<16xf32>
      %swap3A_709 = arith.index_cast %add3A_650 : i32 to index
      %swap3A_710 = arith.constant 96 : index
      %swap3A_711 = tpu.vector_load %arg18[%swap3A_709, %swap3A_710] {strides = array<i32>} : memref<64x128xf32, #tpu.memory_space<vmem>>, vector<1x16xf32>,
      %swap3A_712 = vector.shape_cast %swap3A_711 : vector<1x16xf32> to vector<16xf32>
      %swap3A_713 = vector.shape_cast %get3A_708 : vector<16xf32> to vector<1x16xf32>
      tpu.vector_store %arg18[%swap3A_709, %swap3A_710], %swap3A_713 {add = true, strides = array<i32>} : memref<64x128xf32, #tpu.memory_space<vmem>>, vector<1x16xf32>,
      %get3A_714 = arith.index_cast %add3A_650 : i32 to index
      %get3A_715 = arith.constant 112 : index
      %get3A_716 = tpu.vector_load %arg22[%get3A_714, %get3A_715] {strides = array<i32>} : memref<64x128xf32, #tpu.memory_space<vmem>>, vector<1x16xf32>,
      %get3A_717 = vector.shape_cast %get3A_716 : vector<1x16xf32> to vector<16xf32>
      %swap3A_718 = arith.index_cast %add3A_650 : i32 to index
      %swap3A_719 = arith.constant 112 : index
      %swap3A_720 = tpu.vector_load %arg18[%swap3A_718, %swap3A_719] {strides = array<i32>} : memref<64x128xf32, #tpu.memory_space<vmem>>, vector<1x16xf32>,
      %swap3A_721 = vector.shape_cast %swap3A_720 : vector<1x16xf32> to vector<16xf32>
      %swap3A_722 = vector.shape_cast %get3A_717 : vector<16xf32> to vector<1x16xf32>
      tpu.vector_store %arg18[%swap3A_718, %swap3A_719], %swap3A_722 {add = true, strides = array<i32>} : memref<64x128xf32, #tpu.memory_space<vmem>>, vector<1x16xf32>,
      %mul3A_723 = arith.constant 4 : i32
      %mul3A_724 = arith.muli %scan3A_570, %mul3A_723 : i32
      %add3A_725 = arith.constant 2 : i32
      %add3A_726 = arith.addi %mul3A_724, %add3A_725 : i32
      %get3A_727 = arith.index_cast %add3A_726 : i32 to index
      %get3A_728 = arith.constant 0 : index
      %get3A_729 = tpu.vector_load %arg22[%get3A_727, %get3A_728] {strides = array<i32>} : memref<64x128xf32, #tpu.memory_space<vmem>>, vector<1x16xf32>,
      %get3A_730 = vector.shape_cast %get3A_729 : vector<1x16xf32> to vector<16xf32>
      %swap3A_731 = arith.index_cast %add3A_726 : i32 to index
      %swap3A_732 = arith.constant 0 : index
      %swap3A_733 = tpu.vector_load %arg18[%swap3A_731, %swap3A_732] {strides = array<i32>} : memref<64x128xf32, #tpu.memory_space<vmem>>, vector<1x16xf32>,
      %swap3A_734 = vector.shape_cast %swap3A_733 : vector<1x16xf32> to vector<16xf32>
      %swap3A_735 = vector.shape_cast %get3A_730 : vector<16xf32> to vector<1x16xf32>
      tpu.vector_store %arg18[%swap3A_731, %swap3A_732], %swap3A_735 {add = true, strides = array<i32>} : memref<64x128xf32, #tpu.memory_space<vmem>>, vector<1x16xf32>,
      %get3A_736 = arith.index_cast %add3A_726 : i32 to index
      %get3A_737 = arith.constant 16 : index
      %get3A_738 = tpu.vector_load %arg22[%get3A_736, %get3A_737] {strides = array<i32>} : memref<64x128xf32, #tpu.memory_space<vmem>>, vector<1x16xf32>,
      %get3A_739 = vector.shape_cast %get3A_738 : vector<1x16xf32> to vector<16xf32>
      %swap3A_740 = arith.index_cast %add3A_726 : i32 to index
      %swap3A_741 = arith.constant 16 : index
      %swap3A_742 = tpu.vector_load %arg18[%swap3A_740, %swap3A_741] {strides = array<i32>} : memref<64x128xf32, #tpu.memory_space<vmem>>, vector<1x16xf32>,
      %swap3A_743 = vector.shape_cast %swap3A_742 : vector<1x16xf32> to vector<16xf32>
      %swap3A_744 = vector.shape_cast %get3A_739 : vector<16xf32> to vector<1x16xf32>
      tpu.vector_store %arg18[%swap3A_740, %swap3A_741], %swap3A_744 {add = true, strides = array<i32>} : memref<64x128xf32, #tpu.memory_space<vmem>>, vector<1x16xf32>,
      %get3A_745 = arith.index_cast %add3A_726 : i32 to index
      %get3A_746 = arith.constant 32 : index
      %get3A_747 = tpu.vector_load %arg22[%get3A_745, %get3A_746] {strides = array<i32>} : memref<64x128xf32, #tpu.memory_space<vmem>>, vector<1x16xf32>,
      %get3A_748 = vector.shape_cast %get3A_747 : vector<1x16xf32> to vector<16xf32>
      %swap3A_749 = arith.index_cast %add3A_726 : i32 to index
      %swap3A_750 = arith.constant 32 : index
      %swap3A_751 = tpu.vector_load %arg18[%swap3A_749, %swap3A_750] {strides = array<i32>} : memref<64x128xf32, #tpu.memory_space<vmem>>, vector<1x16xf32>,
      %swap3A_752 = vector.shape_cast %swap3A_751 : vector<1x16xf32> to vector<16xf32>
      %swap3A_753 = vector.shape_cast %get3A_748 : vector<16xf32> to vector<1x16xf32>
      tpu.vector_store %arg18[%swap3A_749, %swap3A_750], %swap3A_753 {add = true, strides = array<i32>} : memref<64x128xf32, #tpu.memory_space<vmem>>, vector<1x16xf32>,
      %get3A_754 = arith.index_cast %add3A_726 : i32 to index
      %get3A_755 = arith.constant 48 : index
      %get3A_756 = tpu.vector_load %arg22[%get3A_754, %get3A_755] {strides = array<i32>} : memref<64x128xf32, #tpu.memory_space<vmem>>, vector<1x16xf32>,
      %get3A_757 = vector.shape_cast %get3A_756 : vector<1x16xf32> to vector<16xf32>
      %swap3A_758 = arith.index_cast %add3A_726 : i32 to index
      %swap3A_759 = arith.constant 48 : index
      %swap3A_760 = tpu.vector_load %arg18[%swap3A_758, %swap3A_759] {strides = array<i32>} : memref<64x128xf32, #tpu.memory_space<vmem>>, vector<1x16xf32>,
      %swap3A_761 = vector.shape_cast %swap3A_760 : vector<1x16xf32> to vector<16xf32>
      %swap3A_762 = vector.shape_cast %get3A_757 : vector<16xf32> to vector<1x16xf32>
      tpu.vector_store %arg18[%swap3A_758, %swap3A_759], %swap3A_762 {add = true, strides = array<i32>} : memref<64x128xf32, #tpu.memory_space<vmem>>, vector<1x16xf32>,
      %get3A_763 = arith.index_cast %add3A_726 : i32 to index
      %get3A_764 = arith.constant 64 : index
      %get3A_765 = tpu.vector_load %arg22[%get3A_763, %get3A_764] {strides = array<i32>} : memref<64x128xf32, #tpu.memory_space<vmem>>, vector<1x16xf32>,
      %get3A_766 = vector.shape_cast %get3A_765 : vector<1x16xf32> to vector<16xf32>
      %swap3A_767 = arith.index_cast %add3A_726 : i32 to index
      %swap3A_768 = arith.constant 64 : index
      %swap3A_769 = tpu.vector_load %arg18[%swap3A_767, %swap3A_768] {strides = array<i32>} : memref<64x128xf32, #tpu.memory_space<vmem>>, vector<1x16xf32>,
      %swap3A_770 = vector.shape_cast %swap3A_769 : vector<1x16xf32> to vector<16xf32>
      %swap3A_771 = vector.shape_cast %get3A_766 : vector<16xf32> to vector<1x16xf32>
      tpu.vector_store %arg18[%swap3A_767, %swap3A_768], %swap3A_771 {add = true, strides = array<i32>} : memref<64x128xf32, #tpu.memory_space<vmem>>, vector<1x16xf32>,
      %get3A_772 = arith.index_cast %add3A_726 : i32 to index
      %get3A_773 = arith.constant 80 : index
      %get3A_774 = tpu.vector_load %arg22[%get3A_772, %get3A_773] {strides = array<i32>} : memref<64x128xf32, #tpu.memory_space<vmem>>, vector<1x16xf32>,
      %get3A_775 = vector.shape_cast %get3A_774 : vector<1x16xf32> to vector<16xf32>
      %swap3A_776 = arith.index_cast %add3A_726 : i32 to index
      %swap3A_777 = arith.constant 80 : index
      %swap3A_778 = tpu.vector_load %arg18[%swap3A_776, %swap3A_777] {strides = array<i32>} : memref<64x128xf32, #tpu.memory_space<vmem>>, vector<1x16xf32>,
      %swap3A_779 = vector.shape_cast %swap3A_778 : vector<1x16xf32> to vector<16xf32>
      %swap3A_780 = vector.shape_cast %get3A_775 : vector<16xf32> to vector<1x16xf32>
      tpu.vector_store %arg18[%swap3A_776, %swap3A_777], %swap3A_780 {add = true, strides = array<i32>} : memref<64x128xf32, #tpu.memory_space<vmem>>, vector<1x16xf32>,
      %get3A_781 = arith.index_cast %add3A_726 : i32 to index
      %get3A_782 = arith.constant 96 : index
      %get3A_783 = tpu.vector_load %arg22[%get3A_781, %get3A_782] {strides = array<i32>} : memref<64x128xf32, #tpu.memory_space<vmem>>, vector<1x16xf32>,
      %get3A_784 = vector.shape_cast %get3A_783 : vector<1x16xf32> to vector<16xf32>
      %swap3A_785 = arith.index_cast %add3A_726 : i32 to index
      %swap3A_786 = arith.constant 96 : index
      %swap3A_787 = tpu.vector_load %arg18[%swap3A_785, %swap3A_786] {strides = array<i32>} : memref<64x128xf32, #tpu.memory_space<vmem>>, vector<1x16xf32>,
      %swap3A_788 = vector.shape_cast %swap3A_787 : vector<1x16xf32> to vector<16xf32>
      %swap3A_789 = vector.shape_cast %get3A_784 : vector<16xf32> to vector<1x16xf32>
      tpu.vector_store %arg18[%swap3A_785, %swap3A_786], %swap3A_789 {add = true, strides = array<i32>} : memref<64x128xf32, #tpu.memory_space<vmem>>, vector<1x16xf32>,
      %get3A_790 = arith.index_cast %add3A_726 : i32 to index
      %get3A_791 = arith.constant 112 : index
      %get3A_792 = tpu.vector_load %arg22[%get3A_790, %get3A_791] {strides = array<i32>} : memref<64x128xf32, #tpu.memory_space<vmem>>, vector<1x16xf32>,
      %get3A_793 = vector.shape_cast %get3A_792 : vector<1x16xf32> to vector<16xf32>
      %swap3A_794 = arith.index_cast %add3A_726 : i32 to index
      %swap3A_795 = arith.constant 112 : index
      %swap3A_796 = tpu.vector_load %arg18[%swap3A_794, %swap3A_795] {strides = array<i32>} : memref<64x128xf32, #tpu.memory_space<vmem>>, vector<1x16xf32>,
      %swap3A_797 = vector.shape_cast %swap3A_796 : vector<1x16xf32> to vector<16xf32>
      %swap3A_798 = vector.shape_cast %get3A_793 : vector<16xf32> to vector<1x16xf32>
      tpu.vector_store %arg18[%swap3A_794, %swap3A_795], %swap3A_798 {add = true, strides = array<i32>} : memref<64x128xf32, #tpu.memory_space<vmem>>, vector<1x16xf32>,
      %mul3A_799 = arith.constant 4 : i32
      %mul3A_800 = arith.muli %scan3A_570, %mul3A_799 : i32
      %add3A_801 = arith.constant 3 : i32
      %add3A_802 = arith.addi %mul3A_800, %add3A_801 : i32
      %get3A_803 = arith.index_cast %add3A_802 : i32 to index
      %get3A_804 = arith.constant 0 : index
      %get3A_805 = tpu.vector_load %arg22[%get3A_803, %get3A_804] {strides = array<i32>} : memref<64x128xf32, #tpu.memory_space<vmem>>, vector<1x16xf32>,
      %get3A_806 = vector.shape_cast %get3A_805 : vector<1x16xf32> to vector<16xf32>
      %swap3A_807 = arith.index_cast %add3A_802 : i32 to index
      %swap3A_808 = arith.constant 0 : index
      %swap3A_809 = tpu.vector_load %arg18[%swap3A_807, %swap3A_808] {strides = array<i32>} : memref<64x128xf32, #tpu.memory_space<vmem>>, vector<1x16xf32>,
      %swap3A_810 = vector.shape_cast %swap3A_809 : vector<1x16xf32> to vector<16xf32>
      %swap3A_811 = vector.shape_cast %get3A_806 : vector<16xf32> to vector<1x16xf32>
      tpu.vector_store %arg18[%swap3A_807, %swap3A_808], %swap3A_811 {add = true, strides = array<i32>} : memref<64x128xf32, #tpu.memory_space<vmem>>, vector<1x16xf32>,
      %get3A_812 = arith.index_cast %add3A_802 : i32 to index
      %get3A_813 = arith.constant 16 : index
      %get3A_814 = tpu.vector_load %arg22[%get3A_812, %get3A_813] {strides = array<i32>} : memref<64x128xf32, #tpu.memory_space<vmem>>, vector<1x16xf32>,
      %get3A_815 = vector.shape_cast %get3A_814 : vector<1x16xf32> to vector<16xf32>
      %swap3A_816 = arith.index_cast %add3A_802 : i32 to index
      %swap3A_817 = arith.constant 16 : index
      %swap3A_818 = tpu.vector_load %arg18[%swap3A_816, %swap3A_817] {strides = array<i32>} : memref<64x128xf32, #tpu.memory_space<vmem>>, vector<1x16xf32>,
      %swap3A_819 = vector.shape_cast %swap3A_818 : vector<1x16xf32> to vector<16xf32>
      %swap3A_820 = vector.shape_cast %get3A_815 : vector<16xf32> to vector<1x16xf32>
      tpu.vector_store %arg18[%swap3A_816, %swap3A_817], %swap3A_820 {add = true, strides = array<i32>} : memref<64x128xf32, #tpu.memory_space<vmem>>, vector<1x16xf32>,
      %get3A_821 = arith.index_cast %add3A_802 : i32 to index
      %get3A_822 = arith.constant 32 : index
      %get3A_823 = tpu.vector_load %arg22[%get3A_821, %get3A_822] {strides = array<i32>} : memref<64x128xf32, #tpu.memory_space<vmem>>, vector<1x16xf32>,
      %get3A_824 = vector.shape_cast %get3A_823 : vector<1x16xf32> to vector<16xf32>
      %swap3A_825 = arith.index_cast %add3A_802 : i32 to index
      %swap3A_826 = arith.constant 32 : index
      %swap3A_827 = tpu.vector_load %arg18[%swap3A_825, %swap3A_826] {strides = array<i32>} : memref<64x128xf32, #tpu.memory_space<vmem>>, vector<1x16xf32>,
      %swap3A_828 = vector.shape_cast %swap3A_827 : vector<1x16xf32> to vector<16xf32>
      %swap3A_829 = vector.shape_cast %get3A_824 : vector<16xf32> to vector<1x16xf32>
      tpu.vector_store %arg18[%swap3A_825, %swap3A_826], %swap3A_829 {add = true, strides = array<i32>} : memref<64x128xf32, #tpu.memory_space<vmem>>, vector<1x16xf32>,
      %get3A_830 = arith.index_cast %add3A_802 : i32 to index
      %get3A_831 = arith.constant 48 : index
      %get3A_832 = tpu.vector_load %arg22[%get3A_830, %get3A_831] {strides = array<i32>} : memref<64x128xf32, #tpu.memory_space<vmem>>, vector<1x16xf32>,
      %get3A_833 = vector.shape_cast %get3A_832 : vector<1x16xf32> to vector<16xf32>
      %swap3A_834 = arith.index_cast %add3A_802 : i32 to index
      %swap3A_835 = arith.constant 48 : index
      %swap3A_836 = tpu.vector_load %arg18[%swap3A_834, %swap3A_835] {strides = array<i32>} : memref<64x128xf32, #tpu.memory_space<vmem>>, vector<1x16xf32>,
      %swap3A_837 = vector.shape_cast %swap3A_836 : vector<1x16xf32> to vector<16xf32>
      %swap3A_838 = vector.shape_cast %get3A_833 : vector<16xf32> to vector<1x16xf32>
      tpu.vector_store %arg18[%swap3A_834, %swap3A_835], %swap3A_838 {add = true, strides = array<i32>} : memref<64x128xf32, #tpu.memory_space<vmem>>, vector<1x16xf32>,
      %get3A_839 = arith.index_cast %add3A_802 : i32 to index
      %get3A_840 = arith.constant 64 : index
      %get3A_841 = tpu.vector_load %arg22[%get3A_839, %get3A_840] {strides = array<i32>} : memref<64x128xf32, #tpu.memory_space<vmem>>, vector<1x16xf32>,
      %get3A_842 = vector.shape_cast %get3A_841 : vector<1x16xf32> to vector<16xf32>
      %swap3A_843 = arith.index_cast %add3A_802 : i32 to index
      %swap3A_844 = arith.constant 64 : index
      %swap3A_845 = tpu.vector_load %arg18[%swap3A_843, %swap3A_844] {strides = array<i32>} : memref<64x128xf32, #tpu.memory_space<vmem>>, vector<1x16xf32>,
      %swap3A_846 = vector.shape_cast %swap3A_845 : vector<1x16xf32> to vector<16xf32>
      %swap3A_847 = vector.shape_cast %get3A_842 : vector<16xf32> to vector<1x16xf32>
      tpu.vector_store %arg18[%swap3A_843, %swap3A_844], %swap3A_847 {add = true, strides = array<i32>} : memref<64x128xf32, #tpu.memory_space<vmem>>, vector<1x16xf32>,
      %get3A_848 = arith.index_cast %add3A_802 : i32 to index
      %get3A_849 = arith.constant 80 : index
      %get3A_850 = tpu.vector_load %arg22[%get3A_848, %get3A_849] {strides = array<i32>} : memref<64x128xf32, #tpu.memory_space<vmem>>, vector<1x16xf32>,
      %get3A_851 = vector.shape_cast %get3A_850 : vector<1x16xf32> to vector<16xf32>
      %swap3A_852 = arith.index_cast %add3A_802 : i32 to index
      %swap3A_853 = arith.constant 80 : index
      %swap3A_854 = tpu.vector_load %arg18[%swap3A_852, %swap3A_853] {strides = array<i32>} : memref<64x128xf32, #tpu.memory_space<vmem>>, vector<1x16xf32>,
      %swap3A_855 = vector.shape_cast %swap3A_854 : vector<1x16xf32> to vector<16xf32>
      %swap3A_856 = vector.shape_cast %get3A_851 : vector<16xf32> to vector<1x16xf32>
      tpu.vector_store %arg18[%swap3A_852, %swap3A_853], %swap3A_856 {add = true, strides = array<i32>} : memref<64x128xf32, #tpu.memory_space<vmem>>, vector<1x16xf32>,
      %get3A_857 = arith.index_cast %add3A_802 : i32 to index
      %get3A_858 = arith.constant 96 : index
      %get3A_859 = tpu.vector_load %arg22[%get3A_857, %get3A_858] {strides = array<i32>} : memref<64x128xf32, #tpu.memory_space<vmem>>, vector<1x16xf32>,
      %get3A_860 = vector.shape_cast %get3A_859 : vector<1x16xf32> to vector<16xf32>
      %swap3A_861 = arith.index_cast %add3A_802 : i32 to index
      %swap3A_862 = arith.constant 96 : index
      %swap3A_863 = tpu.vector_load %arg18[%swap3A_861, %swap3A_862] {strides = array<i32>} : memref<64x128xf32, #tpu.memory_space<vmem>>, vector<1x16xf32>,
      %swap3A_864 = vector.shape_cast %swap3A_863 : vector<1x16xf32> to vector<16xf32>
      %swap3A_865 = vector.shape_cast %get3A_860 : vector<16xf32> to vector<1x16xf32>
      tpu.vector_store %arg18[%swap3A_861, %swap3A_862], %swap3A_865 {add = true, strides = array<i32>} : memref<64x128xf32, #tpu.memory_space<vmem>>, vector<1x16xf32>,
      %get3A_866 = arith.index_cast %add3A_802 : i32 to index
      %get3A_867 = arith.constant 112 : index
      %get3A_868 = tpu.vector_load %arg22[%get3A_866, %get3A_867] {strides = array<i32>} : memref<64x128xf32, #tpu.memory_space<vmem>>, vector<1x16xf32>,
      %get3A_869 = vector.shape_cast %get3A_868 : vector<1x16xf32> to vector<16xf32>
      %swap3A_870 = arith.index_cast %add3A_802 : i32 to index
      %swap3A_871 = arith.constant 112 : index
      %swap3A_872 = tpu.vector_load %arg18[%swap3A_870, %swap3A_871] {strides = array<i32>} : memref<64x128xf32, #tpu.memory_space<vmem>>, vector<1x16xf32>,
      %swap3A_873 = vector.shape_cast %swap3A_872 : vector<1x16xf32> to vector<16xf32>
      %swap3A_874 = vector.shape_cast %get3A_869 : vector<16xf32> to vector<1x16xf32>
      tpu.vector_store %arg18[%swap3A_870, %swap3A_871], %swap3A_874 {add = true, strides = array<i32>} : memref<64x128xf32, #tpu.memory_space<vmem>>, vector<1x16xf32>,
    }
    %scan3A_503 = arith.constant 16 : i32
    %add3A_504 = arith.constant 6208 : i32
    %add3A_505 = arith.addi %mul3A_2, %add3A_504 : i32
    %dma_start3A_506 = arith.constant 0 : i32
    %dma_start3A_507 = tpu.memref_slice %arg6[%add3A_505, %dma_start3A_506] : memref<204800x128xf32, #tpu.memory_space<hbm>> -> memref<64x128xf32, #tpu.memory_space<hbm>>
    %dma_start3A_508 = arith.constant 0 : i32
    %dma_start3A_509 = tpu.memref_slice %arg6[%add3A_505, %dma_start3A_508] : memref<204800x128xf32, #tpu.memory_space<hbm>> -> memref<64x128xf32, #tpu.memory_space<hbm>>
    tpu.enqueue_dma source(%arg18 : memref<64x128xf32, #tpu.memory_space<vmem>>) target(%dma_start3A_509 : memref<64x128xf32, #tpu.memory_space<hbm>>) target_semaphore(%arg30 : memref<!tpu.dma_semaphore, #tpu.memory_space<semaphore_mem>>)
    %dma_wait3A_510 = arith.constant 0 : i32
    %dma_wait3A_511 = arith.constant 0 : i32
    %dma_wait3A_512 = tpu.memref_slice %arg4[%dma_wait3A_510, %dma_wait3A_511] : memref<100000x128xf32, #tpu.memory_space<hbm>> -> memref<100000x128xf32, #tpu.memory_space<hbm>>
    tpu.wait_indirect_dma semaphore(%arg27 : memref<!tpu.dma_semaphore, #tpu.memory_space<semaphore_mem>>) src(%dma_wait3A_512 : memref<100000x128xf32, #tpu.memory_space<hbm>>) dst(%arg19 : memref<64x128xf32, #tpu.memory_space<vmem>>)
    %dma_wait3A_513 = arith.constant 0 : i32
    %dma_wait3A_514 = arith.constant 0 : i32
    %dma_wait3A_515 = tpu.memref_slice %arg5[%dma_wait3A_513, %dma_wait3A_514] : memref<400x128xf32, #tpu.memory_space<hbm>> -> memref<400x128xf32, #tpu.memory_space<hbm>>
    tpu.wait_indirect_dma semaphore(%arg27 : memref<!tpu.dma_semaphore, #tpu.memory_space<semaphore_mem>>) src(%dma_wait3A_515 : memref<400x128xf32, #tpu.memory_space<hbm>>) dst(%arg23 : memref<64x128xf32, #tpu.memory_space<vmem>>)
    %scan3A_516 = arith.constant 0 : i32
    %scan3A_517 = arith.constant 0 : i32
    %scan3A_518 = arith.constant 16 : i32
    %scan3A_519 = arith.addi %scan3A_517, %scan3A_518 : i32
    %scan3A_520 = arith.constant 1 : i32
    scf.for %scan3A_570 = %scan3A_517 to %scan3A_519 step %scan3A_520  : i32 {
      %mul3A_571 = arith.constant 4 : i32
      %mul3A_572 = arith.muli %scan3A_570, %mul3A_571 : i32
      %add3A_573 = arith.constant 0 : i32
      %add3A_574 = arith.addi %mul3A_572, %add3A_573 : i32
      %get3A_575 = arith.index_cast %add3A_574 : i32 to index
      %get3A_576 = arith.constant 0 : index
      %get3A_577 = tpu.vector_load %arg23[%get3A_575, %get3A_576] {strides = array<i32>} : memref<64x128xf32, #tpu.memory_space<vmem>>, vector<1x16xf32>,
      %get3A_578 = vector.shape_cast %get3A_577 : vector<1x16xf32> to vector<16xf32>
      %swap3A_579 = arith.index_cast %add3A_574 : i32 to index
      %swap3A_580 = arith.constant 0 : index
      %swap3A_581 = tpu.vector_load %arg19[%swap3A_579, %swap3A_580] {strides = array<i32>} : memref<64x128xf32, #tpu.memory_space<vmem>>, vector<1x16xf32>,
      %swap3A_582 = vector.shape_cast %swap3A_581 : vector<1x16xf32> to vector<16xf32>
      %swap3A_583 = vector.shape_cast %get3A_578 : vector<16xf32> to vector<1x16xf32>
      tpu.vector_store %arg19[%swap3A_579, %swap3A_580], %swap3A_583 {add = true, strides = array<i32>} : memref<64x128xf32, #tpu.memory_space<vmem>>, vector<1x16xf32>,
      %get3A_584 = arith.index_cast %add3A_574 : i32 to index
      %get3A_585 = arith.constant 16 : index
      %get3A_586 = tpu.vector_load %arg23[%get3A_584, %get3A_585] {strides = array<i32>} : memref<64x128xf32, #tpu.memory_space<vmem>>, vector<1x16xf32>,
      %get3A_587 = vector.shape_cast %get3A_586 : vector<1x16xf32> to vector<16xf32>
      %swap3A_588 = arith.index_cast %add3A_574 : i32 to index
      %swap3A_589 = arith.constant 16 : index
      %swap3A_590 = tpu.vector_load %arg19[%swap3A_588, %swap3A_589] {strides = array<i32>} : memref<64x128xf32, #tpu.memory_space<vmem>>, vector<1x16xf32>,
      %swap3A_591 = vector.shape_cast %swap3A_590 : vector<1x16xf32> to vector<16xf32>
      %swap3A_592 = vector.shape_cast %get3A_587 : vector<16xf32> to vector<1x16xf32>
      tpu.vector_store %arg19[%swap3A_588, %swap3A_589], %swap3A_592 {add = true, strides = array<i32>} : memref<64x128xf32, #tpu.memory_space<vmem>>, vector<1x16xf32>,
      %get3A_593 = arith.index_cast %add3A_574 : i32 to index
      %get3A_594 = arith.constant 32 : index
      %get3A_595 = tpu.vector_load %arg23[%get3A_593, %get3A_594] {strides = array<i32>} : memref<64x128xf32, #tpu.memory_space<vmem>>, vector<1x16xf32>,
      %get3A_596 = vector.shape_cast %get3A_595 : vector<1x16xf32> to vector<16xf32>
      %swap3A_597 = arith.index_cast %add3A_574 : i32 to index
      %swap3A_598 = arith.constant 32 : index
      %swap3A_599 = tpu.vector_load %arg19[%swap3A_597, %swap3A_598] {strides = array<i32>} : memref<64x128xf32, #tpu.memory_space<vmem>>, vector<1x16xf32>,
      %swap3A_600 = vector.shape_cast %swap3A_599 : vector<1x16xf32> to vector<16xf32>
      %swap3A_601 = vector.shape_cast %get3A_596 : vector<16xf32> to vector<1x16xf32>
      tpu.vector_store %arg19[%swap3A_597, %swap3A_598], %swap3A_601 {add = true, strides = array<i32>} : memref<64x128xf32, #tpu.memory_space<vmem>>, vector<1x16xf32>,
      %get3A_602 = arith.index_cast %add3A_574 : i32 to index
      %get3A_603 = arith.constant 48 : index
      %get3A_604 = tpu.vector_load %arg23[%get3A_602, %get3A_603] {strides = array<i32>} : memref<64x128xf32, #tpu.memory_space<vmem>>, vector<1x16xf32>,
      %get3A_605 = vector.shape_cast %get3A_604 : vector<1x16xf32> to vector<16xf32>
      %swap3A_606 = arith.index_cast %add3A_574 : i32 to index
      %swap3A_607 = arith.constant 48 : index
      %swap3A_608 = tpu.vector_load %arg19[%swap3A_606, %swap3A_607] {strides = array<i32>} : memref<64x128xf32, #tpu.memory_space<vmem>>, vector<1x16xf32>,
      %swap3A_609 = vector.shape_cast %swap3A_608 : vector<1x16xf32> to vector<16xf32>
      %swap3A_610 = vector.shape_cast %get3A_605 : vector<16xf32> to vector<1x16xf32>
      tpu.vector_store %arg19[%swap3A_606, %swap3A_607], %swap3A_610 {add = true, strides = array<i32>} : memref<64x128xf32, #tpu.memory_space<vmem>>, vector<1x16xf32>,
      %get3A_611 = arith.index_cast %add3A_574 : i32 to index
      %get3A_612 = arith.constant 64 : index
      %get3A_613 = tpu.vector_load %arg23[%get3A_611, %get3A_612] {strides = array<i32>} : memref<64x128xf32, #tpu.memory_space<vmem>>, vector<1x16xf32>,
      %get3A_614 = vector.shape_cast %get3A_613 : vector<1x16xf32> to vector<16xf32>
      %swap3A_615 = arith.index_cast %add3A_574 : i32 to index
      %swap3A_616 = arith.constant 64 : index
      %swap3A_617 = tpu.vector_load %arg19[%swap3A_615, %swap3A_616] {strides = array<i32>} : memref<64x128xf32, #tpu.memory_space<vmem>>, vector<1x16xf32>,
      %swap3A_618 = vector.shape_cast %swap3A_617 : vector<1x16xf32> to vector<16xf32>
      %swap3A_619 = vector.shape_cast %get3A_614 : vector<16xf32> to vector<1x16xf32>
      tpu.vector_store %arg19[%swap3A_615, %swap3A_616], %swap3A_619 {add = true, strides = array<i32>} : memref<64x128xf32, #tpu.memory_space<vmem>>, vector<1x16xf32>,
      %get3A_620 = arith.index_cast %add3A_574 : i32 to index
      %get3A_621 = arith.constant 80 : index
      %get3A_622 = tpu.vector_load %arg23[%get3A_620, %get3A_621] {strides = array<i32>} : memref<64x128xf32, #tpu.memory_space<vmem>>, vector<1x16xf32>,
      %get3A_623 = vector.shape_cast %get3A_622 : vector<1x16xf32> to vector<16xf32>
      %swap3A_624 = arith.index_cast %add3A_574 : i32 to index
      %swap3A_625 = arith.constant 80 : index
      %swap3A_626 = tpu.vector_load %arg19[%swap3A_624, %swap3A_625] {strides = array<i32>} : memref<64x128xf32, #tpu.memory_space<vmem>>, vector<1x16xf32>,
      %swap3A_627 = vector.shape_cast %swap3A_626 : vector<1x16xf32> to vector<16xf32>
      %swap3A_628 = vector.shape_cast %get3A_623 : vector<16xf32> to vector<1x16xf32>
      tpu.vector_store %arg19[%swap3A_624, %swap3A_625], %swap3A_628 {add = true, strides = array<i32>} : memref<64x128xf32, #tpu.memory_space<vmem>>, vector<1x16xf32>,
      %get3A_629 = arith.index_cast %add3A_574 : i32 to index
      %get3A_630 = arith.constant 96 : index
      %get3A_631 = tpu.vector_load %arg23[%get3A_629, %get3A_630] {strides = array<i32>} : memref<64x128xf32, #tpu.memory_space<vmem>>, vector<1x16xf32>,
      %get3A_632 = vector.shape_cast %get3A_631 : vector<1x16xf32> to vector<16xf32>
      %swap3A_633 = arith.index_cast %add3A_574 : i32 to index
      %swap3A_634 = arith.constant 96 : index
      %swap3A_635 = tpu.vector_load %arg19[%swap3A_633, %swap3A_634] {strides = array<i32>} : memref<64x128xf32, #tpu.memory_space<vmem>>, vector<1x16xf32>,
      %swap3A_636 = vector.shape_cast %swap3A_635 : vector<1x16xf32> to vector<16xf32>
      %swap3A_637 = vector.shape_cast %get3A_632 : vector<16xf32> to vector<1x16xf32>
      tpu.vector_store %arg19[%swap3A_633, %swap3A_634], %swap3A_637 {add = true, strides = array<i32>} : memref<64x128xf32, #tpu.memory_space<vmem>>, vector<1x16xf32>,
      %get3A_638 = arith.index_cast %add3A_574 : i32 to index
      %get3A_639 = arith.constant 112 : index
      %get3A_640 = tpu.vector_load %arg23[%get3A_638, %get3A_639] {strides = array<i32>} : memref<64x128xf32, #tpu.memory_space<vmem>>, vector<1x16xf32>,
      %get3A_641 = vector.shape_cast %get3A_640 : vector<1x16xf32> to vector<16xf32>
      %swap3A_642 = arith.index_cast %add3A_574 : i32 to index
      %swap3A_643 = arith.constant 112 : index
      %swap3A_644 = tpu.vector_load %arg19[%swap3A_642, %swap3A_643] {strides = array<i32>} : memref<64x128xf32, #tpu.memory_space<vmem>>, vector<1x16xf32>,
      %swap3A_645 = vector.shape_cast %swap3A_644 : vector<1x16xf32> to vector<16xf32>
      %swap3A_646 = vector.shape_cast %get3A_641 : vector<16xf32> to vector<1x16xf32>
      tpu.vector_store %arg19[%swap3A_642, %swap3A_643], %swap3A_646 {add = true, strides = array<i32>} : memref<64x128xf32, #tpu.memory_space<vmem>>, vector<1x16xf32>,
      %mul3A_647 = arith.constant 4 : i32
      %mul3A_648 = arith.muli %scan3A_570, %mul3A_647 : i32
      %add3A_649 = arith.constant 1 : i32
      %add3A_650 = arith.addi %mul3A_648, %add3A_649 : i32
      %get3A_651 = arith.index_cast %add3A_650 : i32 to index
      %get3A_652 = arith.constant 0 : index
      %get3A_653 = tpu.vector_load %arg23[%get3A_651, %get3A_652] {strides = array<i32>} : memref<64x128xf32, #tpu.memory_space<vmem>>, vector<1x16xf32>,
      %get3A_654 = vector.shape_cast %get3A_653 : vector<1x16xf32> to vector<16xf32>
      %swap3A_655 = arith.index_cast %add3A_650 : i32 to index
      %swap3A_656 = arith.constant 0 : index
      %swap3A_657 = tpu.vector_load %arg19[%swap3A_655, %swap3A_656] {strides = array<i32>} : memref<64x128xf32, #tpu.memory_space<vmem>>, vector<1x16xf32>,
      %swap3A_658 = vector.shape_cast %swap3A_657 : vector<1x16xf32> to vector<16xf32>
      %swap3A_659 = vector.shape_cast %get3A_654 : vector<16xf32> to vector<1x16xf32>
      tpu.vector_store %arg19[%swap3A_655, %swap3A_656], %swap3A_659 {add = true, strides = array<i32>} : memref<64x128xf32, #tpu.memory_space<vmem>>, vector<1x16xf32>,
      %get3A_660 = arith.index_cast %add3A_650 : i32 to index
      %get3A_661 = arith.constant 16 : index
      %get3A_662 = tpu.vector_load %arg23[%get3A_660, %get3A_661] {strides = array<i32>} : memref<64x128xf32, #tpu.memory_space<vmem>>, vector<1x16xf32>,
      %get3A_663 = vector.shape_cast %get3A_662 : vector<1x16xf32> to vector<16xf32>
      %swap3A_664 = arith.index_cast %add3A_650 : i32 to index
      %swap3A_665 = arith.constant 16 : index
      %swap3A_666 = tpu.vector_load %arg19[%swap3A_664, %swap3A_665] {strides = array<i32>} : memref<64x128xf32, #tpu.memory_space<vmem>>, vector<1x16xf32>,
      %swap3A_667 = vector.shape_cast %swap3A_666 : vector<1x16xf32> to vector<16xf32>
      %swap3A_668 = vector.shape_cast %get3A_663 : vector<16xf32> to vector<1x16xf32>
      tpu.vector_store %arg19[%swap3A_664, %swap3A_665], %swap3A_668 {add = true, strides = array<i32>} : memref<64x128xf32, #tpu.memory_space<vmem>>, vector<1x16xf32>,
      %get3A_669 = arith.index_cast %add3A_650 : i32 to index
      %get3A_670 = arith.constant 32 : index
      %get3A_671 = tpu.vector_load %arg23[%get3A_669, %get3A_670] {strides = array<i32>} : memref<64x128xf32, #tpu.memory_space<vmem>>, vector<1x16xf32>,
      %get3A_672 = vector.shape_cast %get3A_671 : vector<1x16xf32> to vector<16xf32>
      %swap3A_673 = arith.index_cast %add3A_650 : i32 to index
      %swap3A_674 = arith.constant 32 : index
      %swap3A_675 = tpu.vector_load %arg19[%swap3A_673, %swap3A_674] {strides = array<i32>} : memref<64x128xf32, #tpu.memory_space<vmem>>, vector<1x16xf32>,
      %swap3A_676 = vector.shape_cast %swap3A_675 : vector<1x16xf32> to vector<16xf32>
      %swap3A_677 = vector.shape_cast %get3A_672 : vector<16xf32> to vector<1x16xf32>
      tpu.vector_store %arg19[%swap3A_673, %swap3A_674], %swap3A_677 {add = true, strides = array<i32>} : memref<64x128xf32, #tpu.memory_space<vmem>>, vector<1x16xf32>,
      %get3A_678 = arith.index_cast %add3A_650 : i32 to index
      %get3A_679 = arith.constant 48 : index
      %get3A_680 = tpu.vector_load %arg23[%get3A_678, %get3A_679] {strides = array<i32>} : memref<64x128xf32, #tpu.memory_space<vmem>>, vector<1x16xf32>,
      %get3A_681 = vector.shape_cast %get3A_680 : vector<1x16xf32> to vector<16xf32>
      %swap3A_682 = arith.index_cast %add3A_650 : i32 to index
      %swap3A_683 = arith.constant 48 : index
      %swap3A_684 = tpu.vector_load %arg19[%swap3A_682, %swap3A_683] {strides = array<i32>} : memref<64x128xf32, #tpu.memory_space<vmem>>, vector<1x16xf32>,
      %swap3A_685 = vector.shape_cast %swap3A_684 : vector<1x16xf32> to vector<16xf32>
      %swap3A_686 = vector.shape_cast %get3A_681 : vector<16xf32> to vector<1x16xf32>
      tpu.vector_store %arg19[%swap3A_682, %swap3A_683], %swap3A_686 {add = true, strides = array<i32>} : memref<64x128xf32, #tpu.memory_space<vmem>>, vector<1x16xf32>,
      %get3A_687 = arith.index_cast %add3A_650 : i32 to index
      %get3A_688 = arith.constant 64 : index
      %get3A_689 = tpu.vector_load %arg23[%get3A_687, %get3A_688] {strides = array<i32>} : memref<64x128xf32, #tpu.memory_space<vmem>>, vector<1x16xf32>,
      %get3A_690 = vector.shape_cast %get3A_689 : vector<1x16xf32> to vector<16xf32>
      %swap3A_691 = arith.index_cast %add3A_650 : i32 to index
      %swap3A_692 = arith.constant 64 : index
      %swap3A_693 = tpu.vector_load %arg19[%swap3A_691, %swap3A_692] {strides = array<i32>} : memref<64x128xf32, #tpu.memory_space<vmem>>, vector<1x16xf32>,
      %swap3A_694 = vector.shape_cast %swap3A_693 : vector<1x16xf32> to vector<16xf32>
      %swap3A_695 = vector.shape_cast %get3A_690 : vector<16xf32> to vector<1x16xf32>
      tpu.vector_store %arg19[%swap3A_691, %swap3A_692], %swap3A_695 {add = true, strides = array<i32>} : memref<64x128xf32, #tpu.memory_space<vmem>>, vector<1x16xf32>,
      %get3A_696 = arith.index_cast %add3A_650 : i32 to index
      %get3A_697 = arith.constant 80 : index
      %get3A_698 = tpu.vector_load %arg23[%get3A_696, %get3A_697] {strides = array<i32>} : memref<64x128xf32, #tpu.memory_space<vmem>>, vector<1x16xf32>,
      %get3A_699 = vector.shape_cast %get3A_698 : vector<1x16xf32> to vector<16xf32>
      %swap3A_700 = arith.index_cast %add3A_650 : i32 to index
      %swap3A_701 = arith.constant 80 : index
      %swap3A_702 = tpu.vector_load %arg19[%swap3A_700, %swap3A_701] {strides = array<i32>} : memref<64x128xf32, #tpu.memory_space<vmem>>, vector<1x16xf32>,
      %swap3A_703 = vector.shape_cast %swap3A_702 : vector<1x16xf32> to vector<16xf32>
      %swap3A_704 = vector.shape_cast %get3A_699 : vector<16xf32> to vector<1x16xf32>
      tpu.vector_store %arg19[%swap3A_700, %swap3A_701], %swap3A_704 {add = true, strides = array<i32>} : memref<64x128xf32, #tpu.memory_space<vmem>>, vector<1x16xf32>,
      %get3A_705 = arith.index_cast %add3A_650 : i32 to index
      %get3A_706 = arith.constant 96 : index
      %get3A_707 = tpu.vector_load %arg23[%get3A_705, %get3A_706] {strides = array<i32>} : memref<64x128xf32, #tpu.memory_space<vmem>>, vector<1x16xf32>,
      %get3A_708 = vector.shape_cast %get3A_707 : vector<1x16xf32> to vector<16xf32>
      %swap3A_709 = arith.index_cast %add3A_650 : i32 to index
      %swap3A_710 = arith.constant 96 : index
      %swap3A_711 = tpu.vector_load %arg19[%swap3A_709, %swap3A_710] {strides = array<i32>} : memref<64x128xf32, #tpu.memory_space<vmem>>, vector<1x16xf32>,
      %swap3A_712 = vector.shape_cast %swap3A_711 : vector<1x16xf32> to vector<16xf32>
      %swap3A_713 = vector.shape_cast %get3A_708 : vector<16xf32> to vector<1x16xf32>
      tpu.vector_store %arg19[%swap3A_709, %swap3A_710], %swap3A_713 {add = true, strides = array<i32>} : memref<64x128xf32, #tpu.memory_space<vmem>>, vector<1x16xf32>,
      %get3A_714 = arith.index_cast %add3A_650 : i32 to index
      %get3A_715 = arith.constant 112 : index
      %get3A_716 = tpu.vector_load %arg23[%get3A_714, %get3A_715] {strides = array<i32>} : memref<64x128xf32, #tpu.memory_space<vmem>>, vector<1x16xf32>,
      %get3A_717 = vector.shape_cast %get3A_716 : vector<1x16xf32> to vector<16xf32>
      %swap3A_718 = arith.index_cast %add3A_650 : i32 to index
      %swap3A_719 = arith.constant 112 : index
      %swap3A_720 = tpu.vector_load %arg19[%swap3A_718, %swap3A_719] {strides = array<i32>} : memref<64x128xf32, #tpu.memory_space<vmem>>, vector<1x16xf32>,
      %swap3A_721 = vector.shape_cast %swap3A_720 : vector<1x16xf32> to vector<16xf32>
      %swap3A_722 = vector.shape_cast %get3A_717 : vector<16xf32> to vector<1x16xf32>
      tpu.vector_store %arg19[%swap3A_718, %swap3A_719], %swap3A_722 {add = true, strides = array<i32>} : memref<64x128xf32, #tpu.memory_space<vmem>>, vector<1x16xf32>,
      %mul3A_723 = arith.constant 4 : i32
      %mul3A_724 = arith.muli %scan3A_570, %mul3A_723 : i32
      %add3A_725 = arith.constant 2 : i32
      %add3A_726 = arith.addi %mul3A_724, %add3A_725 : i32
      %get3A_727 = arith.index_cast %add3A_726 : i32 to index
      %get3A_728 = arith.constant 0 : index
      %get3A_729 = tpu.vector_load %arg23[%get3A_727, %get3A_728] {strides = array<i32>} : memref<64x128xf32, #tpu.memory_space<vmem>>, vector<1x16xf32>,
      %get3A_730 = vector.shape_cast %get3A_729 : vector<1x16xf32> to vector<16xf32>
      %swap3A_731 = arith.index_cast %add3A_726 : i32 to index
      %swap3A_732 = arith.constant 0 : index
      %swap3A_733 = tpu.vector_load %arg19[%swap3A_731, %swap3A_732] {strides = array<i32>} : memref<64x128xf32, #tpu.memory_space<vmem>>, vector<1x16xf32>,
      %swap3A_734 = vector.shape_cast %swap3A_733 : vector<1x16xf32> to vector<16xf32>
      %swap3A_735 = vector.shape_cast %get3A_730 : vector<16xf32> to vector<1x16xf32>
      tpu.vector_store %arg19[%swap3A_731, %swap3A_732], %swap3A_735 {add = true, strides = array<i32>} : memref<64x128xf32, #tpu.memory_space<vmem>>, vector<1x16xf32>,
      %get3A_736 = arith.index_cast %add3A_726 : i32 to index
      %get3A_737 = arith.constant 16 : index
      %get3A_738 = tpu.vector_load %arg23[%get3A_736, %get3A_737] {strides = array<i32>} : memref<64x128xf32, #tpu.memory_space<vmem>>, vector<1x16xf32>,
      %get3A_739 = vector.shape_cast %get3A_738 : vector<1x16xf32> to vector<16xf32>
      %swap3A_740 = arith.index_cast %add3A_726 : i32 to index
      %swap3A_741 = arith.constant 16 : index
      %swap3A_742 = tpu.vector_load %arg19[%swap3A_740, %swap3A_741] {strides = array<i32>} : memref<64x128xf32, #tpu.memory_space<vmem>>, vector<1x16xf32>,
      %swap3A_743 = vector.shape_cast %swap3A_742 : vector<1x16xf32> to vector<16xf32>
      %swap3A_744 = vector.shape_cast %get3A_739 : vector<16xf32> to vector<1x16xf32>
      tpu.vector_store %arg19[%swap3A_740, %swap3A_741], %swap3A_744 {add = true, strides = array<i32>} : memref<64x128xf32, #tpu.memory_space<vmem>>, vector<1x16xf32>,
      %get3A_745 = arith.index_cast %add3A_726 : i32 to index
      %get3A_746 = arith.constant 32 : index
      %get3A_747 = tpu.vector_load %arg23[%get3A_745, %get3A_746] {strides = array<i32>} : memref<64x128xf32, #tpu.memory_space<vmem>>, vector<1x16xf32>,
      %get3A_748 = vector.shape_cast %get3A_747 : vector<1x16xf32> to vector<16xf32>
      %swap3A_749 = arith.index_cast %add3A_726 : i32 to index
      %swap3A_750 = arith.constant 32 : index
      %swap3A_751 = tpu.vector_load %arg19[%swap3A_749, %swap3A_750] {strides = array<i32>} : memref<64x128xf32, #tpu.memory_space<vmem>>, vector<1x16xf32>,
      %swap3A_752 = vector.shape_cast %swap3A_751 : vector<1x16xf32> to vector<16xf32>
      %swap3A_753 = vector.shape_cast %get3A_748 : vector<16xf32> to vector<1x16xf32>
      tpu.vector_store %arg19[%swap3A_749, %swap3A_750], %swap3A_753 {add = true, strides = array<i32>} : memref<64x128xf32, #tpu.memory_space<vmem>>, vector<1x16xf32>,
      %get3A_754 = arith.index_cast %add3A_726 : i32 to index
      %get3A_755 = arith.constant 48 : index
      %get3A_756 = tpu.vector_load %arg23[%get3A_754, %get3A_755] {strides = array<i32>} : memref<64x128xf32, #tpu.memory_space<vmem>>, vector<1x16xf32>,
      %get3A_757 = vector.shape_cast %get3A_756 : vector<1x16xf32> to vector<16xf32>
      %swap3A_758 = arith.index_cast %add3A_726 : i32 to index
      %swap3A_759 = arith.constant 48 : index
      %swap3A_760 = tpu.vector_load %arg19[%swap3A_758, %swap3A_759] {strides = array<i32>} : memref<64x128xf32, #tpu.memory_space<vmem>>, vector<1x16xf32>,
      %swap3A_761 = vector.shape_cast %swap3A_760 : vector<1x16xf32> to vector<16xf32>
      %swap3A_762 = vector.shape_cast %get3A_757 : vector<16xf32> to vector<1x16xf32>
      tpu.vector_store %arg19[%swap3A_758, %swap3A_759], %swap3A_762 {add = true, strides = array<i32>} : memref<64x128xf32, #tpu.memory_space<vmem>>, vector<1x16xf32>,
      %get3A_763 = arith.index_cast %add3A_726 : i32 to index
      %get3A_764 = arith.constant 64 : index
      %get3A_765 = tpu.vector_load %arg23[%get3A_763, %get3A_764] {strides = array<i32>} : memref<64x128xf32, #tpu.memory_space<vmem>>, vector<1x16xf32>,
      %get3A_766 = vector.shape_cast %get3A_765 : vector<1x16xf32> to vector<16xf32>
      %swap3A_767 = arith.index_cast %add3A_726 : i32 to index
      %swap3A_768 = arith.constant 64 : index
      %swap3A_769 = tpu.vector_load %arg19[%swap3A_767, %swap3A_768] {strides = array<i32>} : memref<64x128xf32, #tpu.memory_space<vmem>>, vector<1x16xf32>,
      %swap3A_770 = vector.shape_cast %swap3A_769 : vector<1x16xf32> to vector<16xf32>
      %swap3A_771 = vector.shape_cast %get3A_766 : vector<16xf32> to vector<1x16xf32>
      tpu.vector_store %arg19[%swap3A_767, %swap3A_768], %swap3A_771 {add = true, strides = array<i32>} : memref<64x128xf32, #tpu.memory_space<vmem>>, vector<1x16xf32>,
      %get3A_772 = arith.index_cast %add3A_726 : i32 to index
      %get3A_773 = arith.constant 80 : index
      %get3A_774 = tpu.vector_load %arg23[%get3A_772, %get3A_773] {strides = array<i32>} : memref<64x128xf32, #tpu.memory_space<vmem>>, vector<1x16xf32>,
      %get3A_775 = vector.shape_cast %get3A_774 : vector<1x16xf32> to vector<16xf32>
      %swap3A_776 = arith.index_cast %add3A_726 : i32 to index
      %swap3A_777 = arith.constant 80 : index
      %swap3A_778 = tpu.vector_load %arg19[%swap3A_776, %swap3A_777] {strides = array<i32>} : memref<64x128xf32, #tpu.memory_space<vmem>>, vector<1x16xf32>,
      %swap3A_779 = vector.shape_cast %swap3A_778 : vector<1x16xf32> to vector<16xf32>
      %swap3A_780 = vector.shape_cast %get3A_775 : vector<16xf32> to vector<1x16xf32>
      tpu.vector_store %arg19[%swap3A_776, %swap3A_777], %swap3A_780 {add = true, strides = array<i32>} : memref<64x128xf32, #tpu.memory_space<vmem>>, vector<1x16xf32>,
      %get3A_781 = arith.index_cast %add3A_726 : i32 to index
      %get3A_782 = arith.constant 96 : index
      %get3A_783 = tpu.vector_load %arg23[%get3A_781, %get3A_782] {strides = array<i32>} : memref<64x128xf32, #tpu.memory_space<vmem>>, vector<1x16xf32>,
      %get3A_784 = vector.shape_cast %get3A_783 : vector<1x16xf32> to vector<16xf32>
      %swap3A_785 = arith.index_cast %add3A_726 : i32 to index
      %swap3A_786 = arith.constant 96 : index
      %swap3A_787 = tpu.vector_load %arg19[%swap3A_785, %swap3A_786] {strides = array<i32>} : memref<64x128xf32, #tpu.memory_space<vmem>>, vector<1x16xf32>,
      %swap3A_788 = vector.shape_cast %swap3A_787 : vector<1x16xf32> to vector<16xf32>
      %swap3A_789 = vector.shape_cast %get3A_784 : vector<16xf32> to vector<1x16xf32>
      tpu.vector_store %arg19[%swap3A_785, %swap3A_786], %swap3A_789 {add = true, strides = array<i32>} : memref<64x128xf32, #tpu.memory_space<vmem>>, vector<1x16xf32>,
      %get3A_790 = arith.index_cast %add3A_726 : i32 to index
      %get3A_791 = arith.constant 112 : index
      %get3A_792 = tpu.vector_load %arg23[%get3A_790, %get3A_791] {strides = array<i32>} : memref<64x128xf32, #tpu.memory_space<vmem>>, vector<1x16xf32>,
      %get3A_793 = vector.shape_cast %get3A_792 : vector<1x16xf32> to vector<16xf32>
      %swap3A_794 = arith.index_cast %add3A_726 : i32 to index
      %swap3A_795 = arith.constant 112 : index
      %swap3A_796 = tpu.vector_load %arg19[%swap3A_794, %swap3A_795] {strides = array<i32>} : memref<64x128xf32, #tpu.memory_space<vmem>>, vector<1x16xf32>,
      %swap3A_797 = vector.shape_cast %swap3A_796 : vector<1x16xf32> to vector<16xf32>
      %swap3A_798 = vector.shape_cast %get3A_793 : vector<16xf32> to vector<1x16xf32>
      tpu.vector_store %arg19[%swap3A_794, %swap3A_795], %swap3A_798 {add = true, strides = array<i32>} : memref<64x128xf32, #tpu.memory_space<vmem>>, vector<1x16xf32>,
      %mul3A_799 = arith.constant 4 : i32
      %mul3A_800 = arith.muli %scan3A_570, %mul3A_799 : i32
      %add3A_801 = arith.constant 3 : i32
      %add3A_802 = arith.addi %mul3A_800, %add3A_801 : i32
      %get3A_803 = arith.index_cast %add3A_802 : i32 to index
      %get3A_804 = arith.constant 0 : index
      %get3A_805 = tpu.vector_load %arg23[%get3A_803, %get3A_804] {strides = array<i32>} : memref<64x128xf32, #tpu.memory_space<vmem>>, vector<1x16xf32>,
      %get3A_806 = vector.shape_cast %get3A_805 : vector<1x16xf32> to vector<16xf32>
      %swap3A_807 = arith.index_cast %add3A_802 : i32 to index
      %swap3A_808 = arith.constant 0 : index
      %swap3A_809 = tpu.vector_load %arg19[%swap3A_807, %swap3A_808] {strides = array<i32>} : memref<64x128xf32, #tpu.memory_space<vmem>>, vector<1x16xf32>,
      %swap3A_810 = vector.shape_cast %swap3A_809 : vector<1x16xf32> to vector<16xf32>
      %swap3A_811 = vector.shape_cast %get3A_806 : vector<16xf32> to vector<1x16xf32>
      tpu.vector_store %arg19[%swap3A_807, %swap3A_808], %swap3A_811 {add = true, strides = array<i32>} : memref<64x128xf32, #tpu.memory_space<vmem>>, vector<1x16xf32>,
      %get3A_812 = arith.index_cast %add3A_802 : i32 to index
      %get3A_813 = arith.constant 16 : index
      %get3A_814 = tpu.vector_load %arg23[%get3A_812, %get3A_813] {strides = array<i32>} : memref<64x128xf32, #tpu.memory_space<vmem>>, vector<1x16xf32>,
      %get3A_815 = vector.shape_cast %get3A_814 : vector<1x16xf32> to vector<16xf32>
      %swap3A_816 = arith.index_cast %add3A_802 : i32 to index
      %swap3A_817 = arith.constant 16 : index
      %swap3A_818 = tpu.vector_load %arg19[%swap3A_816, %swap3A_817] {strides = array<i32>} : memref<64x128xf32, #tpu.memory_space<vmem>>, vector<1x16xf32>,
      %swap3A_819 = vector.shape_cast %swap3A_818 : vector<1x16xf32> to vector<16xf32>
      %swap3A_820 = vector.shape_cast %get3A_815 : vector<16xf32> to vector<1x16xf32>
      tpu.vector_store %arg19[%swap3A_816, %swap3A_817], %swap3A_820 {add = true, strides = array<i32>} : memref<64x128xf32, #tpu.memory_space<vmem>>, vector<1x16xf32>,
      %get3A_821 = arith.index_cast %add3A_802 : i32 to index
      %get3A_822 = arith.constant 32 : index
      %get3A_823 = tpu.vector_load %arg23[%get3A_821, %get3A_822] {strides = array<i32>} : memref<64x128xf32, #tpu.memory_space<vmem>>, vector<1x16xf32>,
      %get3A_824 = vector.shape_cast %get3A_823 : vector<1x16xf32> to vector<16xf32>
      %swap3A_825 = arith.index_cast %add3A_802 : i32 to index
      %swap3A_826 = arith.constant 32 : index
      %swap3A_827 = tpu.vector_load %arg19[%swap3A_825, %swap3A_826] {strides = array<i32>} : memref<64x128xf32, #tpu.memory_space<vmem>>, vector<1x16xf32>,
      %swap3A_828 = vector.shape_cast %swap3A_827 : vector<1x16xf32> to vector<16xf32>
      %swap3A_829 = vector.shape_cast %get3A_824 : vector<16xf32> to vector<1x16xf32>
      tpu.vector_store %arg19[%swap3A_825, %swap3A_826], %swap3A_829 {add = true, strides = array<i32>} : memref<64x128xf32, #tpu.memory_space<vmem>>, vector<1x16xf32>,
      %get3A_830 = arith.index_cast %add3A_802 : i32 to index
      %get3A_831 = arith.constant 48 : index
      %get3A_832 = tpu.vector_load %arg23[%get3A_830, %get3A_831] {strides = array<i32>} : memref<64x128xf32, #tpu.memory_space<vmem>>, vector<1x16xf32>,
      %get3A_833 = vector.shape_cast %get3A_832 : vector<1x16xf32> to vector<16xf32>
      %swap3A_834 = arith.index_cast %add3A_802 : i32 to index
      %swap3A_835 = arith.constant 48 : index
      %swap3A_836 = tpu.vector_load %arg19[%swap3A_834, %swap3A_835] {strides = array<i32>} : memref<64x128xf32, #tpu.memory_space<vmem>>, vector<1x16xf32>,
      %swap3A_837 = vector.shape_cast %swap3A_836 : vector<1x16xf32> to vector<16xf32>
      %swap3A_838 = vector.shape_cast %get3A_833 : vector<16xf32> to vector<1x16xf32>
      tpu.vector_store %arg19[%swap3A_834, %swap3A_835], %swap3A_838 {add = true, strides = array<i32>} : memref<64x128xf32, #tpu.memory_space<vmem>>, vector<1x16xf32>,
      %get3A_839 = arith.index_cast %add3A_802 : i32 to index
      %get3A_840 = arith.constant 64 : index
      %get3A_841 = tpu.vector_load %arg23[%get3A_839, %get3A_840] {strides = array<i32>} : memref<64x128xf32, #tpu.memory_space<vmem>>, vector<1x16xf32>,
      %get3A_842 = vector.shape_cast %get3A_841 : vector<1x16xf32> to vector<16xf32>
      %swap3A_843 = arith.index_cast %add3A_802 : i32 to index
      %swap3A_844 = arith.constant 64 : index
      %swap3A_845 = tpu.vector_load %arg19[%swap3A_843, %swap3A_844] {strides = array<i32>} : memref<64x128xf32, #tpu.memory_space<vmem>>, vector<1x16xf32>,
      %swap3A_846 = vector.shape_cast %swap3A_845 : vector<1x16xf32> to vector<16xf32>
      %swap3A_847 = vector.shape_cast %get3A_842 : vector<16xf32> to vector<1x16xf32>
      tpu.vector_store %arg19[%swap3A_843, %swap3A_844], %swap3A_847 {add = true, strides = array<i32>} : memref<64x128xf32, #tpu.memory_space<vmem>>, vector<1x16xf32>,
      %get3A_848 = arith.index_cast %add3A_802 : i32 to index
      %get3A_849 = arith.constant 80 : index
      %get3A_850 = tpu.vector_load %arg23[%get3A_848, %get3A_849] {strides = array<i32>} : memref<64x128xf32, #tpu.memory_space<vmem>>, vector<1x16xf32>,
      %get3A_851 = vector.shape_cast %get3A_850 : vector<1x16xf32> to vector<16xf32>
      %swap3A_852 = arith.index_cast %add3A_802 : i32 to index
      %swap3A_853 = arith.constant 80 : index
      %swap3A_854 = tpu.vector_load %arg19[%swap3A_852, %swap3A_853] {strides = array<i32>} : memref<64x128xf32, #tpu.memory_space<vmem>>, vector<1x16xf32>,
      %swap3A_855 = vector.shape_cast %swap3A_854 : vector<1x16xf32> to vector<16xf32>
      %swap3A_856 = vector.shape_cast %get3A_851 : vector<16xf32> to vector<1x16xf32>
      tpu.vector_store %arg19[%swap3A_852, %swap3A_853], %swap3A_856 {add = true, strides = array<i32>} : memref<64x128xf32, #tpu.memory_space<vmem>>, vector<1x16xf32>,
      %get3A_857 = arith.index_cast %add3A_802 : i32 to index
      %get3A_858 = arith.constant 96 : index
      %get3A_859 = tpu.vector_load %arg23[%get3A_857, %get3A_858] {strides = array<i32>} : memref<64x128xf32, #tpu.memory_space<vmem>>, vector<1x16xf32>,
      %get3A_860 = vector.shape_cast %get3A_859 : vector<1x16xf32> to vector<16xf32>
      %swap3A_861 = arith.index_cast %add3A_802 : i32 to index
      %swap3A_862 = arith.constant 96 : index
      %swap3A_863 = tpu.vector_load %arg19[%swap3A_861, %swap3A_862] {strides = array<i32>} : memref<64x128xf32, #tpu.memory_space<vmem>>, vector<1x16xf32>,
      %swap3A_864 = vector.shape_cast %swap3A_863 : vector<1x16xf32> to vector<16xf32>
      %swap3A_865 = vector.shape_cast %get3A_860 : vector<16xf32> to vector<1x16xf32>
      tpu.vector_store %arg19[%swap3A_861, %swap3A_862], %swap3A_865 {add = true, strides = array<i32>} : memref<64x128xf32, #tpu.memory_space<vmem>>, vector<1x16xf32>,
      %get3A_866 = arith.index_cast %add3A_802 : i32 to index
      %get3A_867 = arith.constant 112 : index
      %get3A_868 = tpu.vector_load %arg23[%get3A_866, %get3A_867] {strides = array<i32>} : memref<64x128xf32, #tpu.memory_space<vmem>>, vector<1x16xf32>,
      %get3A_869 = vector.shape_cast %get3A_868 : vector<1x16xf32> to vector<16xf32>
      %swap3A_870 = arith.index_cast %add3A_802 : i32 to index
      %swap3A_871 = arith.constant 112 : index
      %swap3A_872 = tpu.vector_load %arg19[%swap3A_870, %swap3A_871] {strides = array<i32>} : memref<64x128xf32, #tpu.memory_space<vmem>>, vector<1x16xf32>,
      %swap3A_873 = vector.shape_cast %swap3A_872 : vector<1x16xf32> to vector<16xf32>
      %swap3A_874 = vector.shape_cast %get3A_869 : vector<16xf32> to vector<1x16xf32>
      tpu.vector_store %arg19[%swap3A_870, %swap3A_871], %swap3A_874 {add = true, strides = array<i32>} : memref<64x128xf32, #tpu.memory_space<vmem>>, vector<1x16xf32>,
    }
    %scan3A_521 = arith.constant 16 : i32
    %add3A_522 = arith.constant 6272 : i32
    %add3A_523 = arith.addi %mul3A_2, %add3A_522 : i32
    %dma_start3A_524 = arith.constant 0 : i32
    %dma_start3A_525 = tpu.memref_slice %arg6[%add3A_523, %dma_start3A_524] : memref<204800x128xf32, #tpu.memory_space<hbm>> -> memref<64x128xf32, #tpu.memory_space<hbm>>
    %dma_start3A_526 = arith.constant 0 : i32
    %dma_start3A_527 = tpu.memref_slice %arg6[%add3A_523, %dma_start3A_526] : memref<204800x128xf32, #tpu.memory_space<hbm>> -> memref<64x128xf32, #tpu.memory_space<hbm>>
    tpu.enqueue_dma source(%arg19 : memref<64x128xf32, #tpu.memory_space<vmem>>) target(%dma_start3A_527 : memref<64x128xf32, #tpu.memory_space<hbm>>) target_semaphore(%arg31 : memref<!tpu.dma_semaphore, #tpu.memory_space<semaphore_mem>>)
    %dma_wait3A_528 = arith.constant 0 : i32
    %dma_wait3A_529 = arith.constant 0 : i32
    %dma_wait3A_530 = tpu.memref_slice %arg4[%dma_wait3A_528, %dma_wait3A_529] : memref<100000x128xf32, #tpu.memory_space<hbm>> -> memref<100000x128xf32, #tpu.memory_space<hbm>>
    tpu.wait_indirect_dma semaphore(%arg28 : memref<!tpu.dma_semaphore, #tpu.memory_space<semaphore_mem>>) src(%dma_wait3A_530 : memref<100000x128xf32, #tpu.memory_space<hbm>>) dst(%arg20 : memref<64x128xf32, #tpu.memory_space<vmem>>)
    %dma_wait3A_531 = arith.constant 0 : i32
    %dma_wait3A_532 = arith.constant 0 : i32
    %dma_wait3A_533 = tpu.memref_slice %arg5[%dma_wait3A_531, %dma_wait3A_532] : memref<400x128xf32, #tpu.memory_space<hbm>> -> memref<400x128xf32, #tpu.memory_space<hbm>>
    tpu.wait_indirect_dma semaphore(%arg28 : memref<!tpu.dma_semaphore, #tpu.memory_space<semaphore_mem>>) src(%dma_wait3A_533 : memref<400x128xf32, #tpu.memory_space<hbm>>) dst(%arg24 : memref<64x128xf32, #tpu.memory_space<vmem>>)
    %scan3A_534 = arith.constant 0 : i32
    %scan3A_535 = arith.constant 0 : i32
    %scan3A_536 = arith.constant 16 : i32
    %scan3A_537 = arith.addi %scan3A_535, %scan3A_536 : i32
    %scan3A_538 = arith.constant 1 : i32
    scf.for %scan3A_570 = %scan3A_535 to %scan3A_537 step %scan3A_538  : i32 {
      %mul3A_571 = arith.constant 4 : i32
      %mul3A_572 = arith.muli %scan3A_570, %mul3A_571 : i32
      %add3A_573 = arith.constant 0 : i32
      %add3A_574 = arith.addi %mul3A_572, %add3A_573 : i32
      %get3A_575 = arith.index_cast %add3A_574 : i32 to index
      %get3A_576 = arith.constant 0 : index
      %get3A_577 = tpu.vector_load %arg24[%get3A_575, %get3A_576] {strides = array<i32>} : memref<64x128xf32, #tpu.memory_space<vmem>>, vector<1x16xf32>,
      %get3A_578 = vector.shape_cast %get3A_577 : vector<1x16xf32> to vector<16xf32>
      %swap3A_579 = arith.index_cast %add3A_574 : i32 to index
      %swap3A_580 = arith.constant 0 : index
      %swap3A_581 = tpu.vector_load %arg20[%swap3A_579, %swap3A_580] {strides = array<i32>} : memref<64x128xf32, #tpu.memory_space<vmem>>, vector<1x16xf32>,
      %swap3A_582 = vector.shape_cast %swap3A_581 : vector<1x16xf32> to vector<16xf32>
      %swap3A_583 = vector.shape_cast %get3A_578 : vector<16xf32> to vector<1x16xf32>
      tpu.vector_store %arg20[%swap3A_579, %swap3A_580], %swap3A_583 {add = true, strides = array<i32>} : memref<64x128xf32, #tpu.memory_space<vmem>>, vector<1x16xf32>,
      %get3A_584 = arith.index_cast %add3A_574 : i32 to index
      %get3A_585 = arith.constant 16 : index
      %get3A_586 = tpu.vector_load %arg24[%get3A_584, %get3A_585] {strides = array<i32>} : memref<64x128xf32, #tpu.memory_space<vmem>>, vector<1x16xf32>,
      %get3A_587 = vector.shape_cast %get3A_586 : vector<1x16xf32> to vector<16xf32>
      %swap3A_588 = arith.index_cast %add3A_574 : i32 to index
      %swap3A_589 = arith.constant 16 : index
      %swap3A_590 = tpu.vector_load %arg20[%swap3A_588, %swap3A_589] {strides = array<i32>} : memref<64x128xf32, #tpu.memory_space<vmem>>, vector<1x16xf32>,
      %swap3A_591 = vector.shape_cast %swap3A_590 : vector<1x16xf32> to vector<16xf32>
      %swap3A_592 = vector.shape_cast %get3A_587 : vector<16xf32> to vector<1x16xf32>
      tpu.vector_store %arg20[%swap3A_588, %swap3A_589], %swap3A_592 {add = true, strides = array<i32>} : memref<64x128xf32, #tpu.memory_space<vmem>>, vector<1x16xf32>,
      %get3A_593 = arith.index_cast %add3A_574 : i32 to index
      %get3A_594 = arith.constant 32 : index
      %get3A_595 = tpu.vector_load %arg24[%get3A_593, %get3A_594] {strides = array<i32>} : memref<64x128xf32, #tpu.memory_space<vmem>>, vector<1x16xf32>,
      %get3A_596 = vector.shape_cast %get3A_595 : vector<1x16xf32> to vector<16xf32>
      %swap3A_597 = arith.index_cast %add3A_574 : i32 to index
      %swap3A_598 = arith.constant 32 : index
      %swap3A_599 = tpu.vector_load %arg20[%swap3A_597, %swap3A_598] {strides = array<i32>} : memref<64x128xf32, #tpu.memory_space<vmem>>, vector<1x16xf32>,
      %swap3A_600 = vector.shape_cast %swap3A_599 : vector<1x16xf32> to vector<16xf32>
      %swap3A_601 = vector.shape_cast %get3A_596 : vector<16xf32> to vector<1x16xf32>
      tpu.vector_store %arg20[%swap3A_597, %swap3A_598], %swap3A_601 {add = true, strides = array<i32>} : memref<64x128xf32, #tpu.memory_space<vmem>>, vector<1x16xf32>,
      %get3A_602 = arith.index_cast %add3A_574 : i32 to index
      %get3A_603 = arith.constant 48 : index
      %get3A_604 = tpu.vector_load %arg24[%get3A_602, %get3A_603] {strides = array<i32>} : memref<64x128xf32, #tpu.memory_space<vmem>>, vector<1x16xf32>,
      %get3A_605 = vector.shape_cast %get3A_604 : vector<1x16xf32> to vector<16xf32>
      %swap3A_606 = arith.index_cast %add3A_574 : i32 to index
      %swap3A_607 = arith.constant 48 : index
      %swap3A_608 = tpu.vector_load %arg20[%swap3A_606, %swap3A_607] {strides = array<i32>} : memref<64x128xf32, #tpu.memory_space<vmem>>, vector<1x16xf32>,
      %swap3A_609 = vector.shape_cast %swap3A_608 : vector<1x16xf32> to vector<16xf32>
      %swap3A_610 = vector.shape_cast %get3A_605 : vector<16xf32> to vector<1x16xf32>
      tpu.vector_store %arg20[%swap3A_606, %swap3A_607], %swap3A_610 {add = true, strides = array<i32>} : memref<64x128xf32, #tpu.memory_space<vmem>>, vector<1x16xf32>,
      %get3A_611 = arith.index_cast %add3A_574 : i32 to index
      %get3A_612 = arith.constant 64 : index
      %get3A_613 = tpu.vector_load %arg24[%get3A_611, %get3A_612] {strides = array<i32>} : memref<64x128xf32, #tpu.memory_space<vmem>>, vector<1x16xf32>,
      %get3A_614 = vector.shape_cast %get3A_613 : vector<1x16xf32> to vector<16xf32>
      %swap3A_615 = arith.index_cast %add3A_574 : i32 to index
      %swap3A_616 = arith.constant 64 : index
      %swap3A_617 = tpu.vector_load %arg20[%swap3A_615, %swap3A_616] {strides = array<i32>} : memref<64x128xf32, #tpu.memory_space<vmem>>, vector<1x16xf32>,
      %swap3A_618 = vector.shape_cast %swap3A_617 : vector<1x16xf32> to vector<16xf32>
      %swap3A_619 = vector.shape_cast %get3A_614 : vector<16xf32> to vector<1x16xf32>
      tpu.vector_store %arg20[%swap3A_615, %swap3A_616], %swap3A_619 {add = true, strides = array<i32>} : memref<64x128xf32, #tpu.memory_space<vmem>>, vector<1x16xf32>,
      %get3A_620 = arith.index_cast %add3A_574 : i32 to index
      %get3A_621 = arith.constant 80 : index
      %get3A_622 = tpu.vector_load %arg24[%get3A_620, %get3A_621] {strides = array<i32>} : memref<64x128xf32, #tpu.memory_space<vmem>>, vector<1x16xf32>,
      %get3A_623 = vector.shape_cast %get3A_622 : vector<1x16xf32> to vector<16xf32>
      %swap3A_624 = arith.index_cast %add3A_574 : i32 to index
      %swap3A_625 = arith.constant 80 : index
      %swap3A_626 = tpu.vector_load %arg20[%swap3A_624, %swap3A_625] {strides = array<i32>} : memref<64x128xf32, #tpu.memory_space<vmem>>, vector<1x16xf32>,
      %swap3A_627 = vector.shape_cast %swap3A_626 : vector<1x16xf32> to vector<16xf32>
      %swap3A_628 = vector.shape_cast %get3A_623 : vector<16xf32> to vector<1x16xf32>
      tpu.vector_store %arg20[%swap3A_624, %swap3A_625], %swap3A_628 {add = true, strides = array<i32>} : memref<64x128xf32, #tpu.memory_space<vmem>>, vector<1x16xf32>,
      %get3A_629 = arith.index_cast %add3A_574 : i32 to index
      %get3A_630 = arith.constant 96 : index
      %get3A_631 = tpu.vector_load %arg24[%get3A_629, %get3A_630] {strides = array<i32>} : memref<64x128xf32, #tpu.memory_space<vmem>>, vector<1x16xf32>,
      %get3A_632 = vector.shape_cast %get3A_631 : vector<1x16xf32> to vector<16xf32>
      %swap3A_633 = arith.index_cast %add3A_574 : i32 to index
      %swap3A_634 = arith.constant 96 : index
      %swap3A_635 = tpu.vector_load %arg20[%swap3A_633, %swap3A_634] {strides = array<i32>} : memref<64x128xf32, #tpu.memory_space<vmem>>, vector<1x16xf32>,
      %swap3A_636 = vector.shape_cast %swap3A_635 : vector<1x16xf32> to vector<16xf32>
      %swap3A_637 = vector.shape_cast %get3A_632 : vector<16xf32> to vector<1x16xf32>
      tpu.vector_store %arg20[%swap3A_633, %swap3A_634], %swap3A_637 {add = true, strides = array<i32>} : memref<64x128xf32, #tpu.memory_space<vmem>>, vector<1x16xf32>,
      %get3A_638 = arith.index_cast %add3A_574 : i32 to index
      %get3A_639 = arith.constant 112 : index
      %get3A_640 = tpu.vector_load %arg24[%get3A_638, %get3A_639] {strides = array<i32>} : memref<64x128xf32, #tpu.memory_space<vmem>>, vector<1x16xf32>,
      %get3A_641 = vector.shape_cast %get3A_640 : vector<1x16xf32> to vector<16xf32>
      %swap3A_642 = arith.index_cast %add3A_574 : i32 to index
      %swap3A_643 = arith.constant 112 : index
      %swap3A_644 = tpu.vector_load %arg20[%swap3A_642, %swap3A_643] {strides = array<i32>} : memref<64x128xf32, #tpu.memory_space<vmem>>, vector<1x16xf32>,
      %swap3A_645 = vector.shape_cast %swap3A_644 : vector<1x16xf32> to vector<16xf32>
      %swap3A_646 = vector.shape_cast %get3A_641 : vector<16xf32> to vector<1x16xf32>
      tpu.vector_store %arg20[%swap3A_642, %swap3A_643], %swap3A_646 {add = true, strides = array<i32>} : memref<64x128xf32, #tpu.memory_space<vmem>>, vector<1x16xf32>,
      %mul3A_647 = arith.constant 4 : i32
      %mul3A_648 = arith.muli %scan3A_570, %mul3A_647 : i32
      %add3A_649 = arith.constant 1 : i32
      %add3A_650 = arith.addi %mul3A_648, %add3A_649 : i32
      %get3A_651 = arith.index_cast %add3A_650 : i32 to index
      %get3A_652 = arith.constant 0 : index
      %get3A_653 = tpu.vector_load %arg24[%get3A_651, %get3A_652] {strides = array<i32>} : memref<64x128xf32, #tpu.memory_space<vmem>>, vector<1x16xf32>,
      %get3A_654 = vector.shape_cast %get3A_653 : vector<1x16xf32> to vector<16xf32>
      %swap3A_655 = arith.index_cast %add3A_650 : i32 to index
      %swap3A_656 = arith.constant 0 : index
      %swap3A_657 = tpu.vector_load %arg20[%swap3A_655, %swap3A_656] {strides = array<i32>} : memref<64x128xf32, #tpu.memory_space<vmem>>, vector<1x16xf32>,
      %swap3A_658 = vector.shape_cast %swap3A_657 : vector<1x16xf32> to vector<16xf32>
      %swap3A_659 = vector.shape_cast %get3A_654 : vector<16xf32> to vector<1x16xf32>
      tpu.vector_store %arg20[%swap3A_655, %swap3A_656], %swap3A_659 {add = true, strides = array<i32>} : memref<64x128xf32, #tpu.memory_space<vmem>>, vector<1x16xf32>,
      %get3A_660 = arith.index_cast %add3A_650 : i32 to index
      %get3A_661 = arith.constant 16 : index
      %get3A_662 = tpu.vector_load %arg24[%get3A_660, %get3A_661] {strides = array<i32>} : memref<64x128xf32, #tpu.memory_space<vmem>>, vector<1x16xf32>,
      %get3A_663 = vector.shape_cast %get3A_662 : vector<1x16xf32> to vector<16xf32>
      %swap3A_664 = arith.index_cast %add3A_650 : i32 to index
      %swap3A_665 = arith.constant 16 : index
      %swap3A_666 = tpu.vector_load %arg20[%swap3A_664, %swap3A_665] {strides = array<i32>} : memref<64x128xf32, #tpu.memory_space<vmem>>, vector<1x16xf32>,
      %swap3A_667 = vector.shape_cast %swap3A_666 : vector<1x16xf32> to vector<16xf32>
      %swap3A_668 = vector.shape_cast %get3A_663 : vector<16xf32> to vector<1x16xf32>
      tpu.vector_store %arg20[%swap3A_664, %swap3A_665], %swap3A_668 {add = true, strides = array<i32>} : memref<64x128xf32, #tpu.memory_space<vmem>>, vector<1x16xf32>,
      %get3A_669 = arith.index_cast %add3A_650 : i32 to index
      %get3A_670 = arith.constant 32 : index
      %get3A_671 = tpu.vector_load %arg24[%get3A_669, %get3A_670] {strides = array<i32>} : memref<64x128xf32, #tpu.memory_space<vmem>>, vector<1x16xf32>,
      %get3A_672 = vector.shape_cast %get3A_671 : vector<1x16xf32> to vector<16xf32>
      %swap3A_673 = arith.index_cast %add3A_650 : i32 to index
      %swap3A_674 = arith.constant 32 : index
      %swap3A_675 = tpu.vector_load %arg20[%swap3A_673, %swap3A_674] {strides = array<i32>} : memref<64x128xf32, #tpu.memory_space<vmem>>, vector<1x16xf32>,
      %swap3A_676 = vector.shape_cast %swap3A_675 : vector<1x16xf32> to vector<16xf32>
      %swap3A_677 = vector.shape_cast %get3A_672 : vector<16xf32> to vector<1x16xf32>
      tpu.vector_store %arg20[%swap3A_673, %swap3A_674], %swap3A_677 {add = true, strides = array<i32>} : memref<64x128xf32, #tpu.memory_space<vmem>>, vector<1x16xf32>,
      %get3A_678 = arith.index_cast %add3A_650 : i32 to index
      %get3A_679 = arith.constant 48 : index
      %get3A_680 = tpu.vector_load %arg24[%get3A_678, %get3A_679] {strides = array<i32>} : memref<64x128xf32, #tpu.memory_space<vmem>>, vector<1x16xf32>,
      %get3A_681 = vector.shape_cast %get3A_680 : vector<1x16xf32> to vector<16xf32>
      %swap3A_682 = arith.index_cast %add3A_650 : i32 to index
      %swap3A_683 = arith.constant 48 : index
      %swap3A_684 = tpu.vector_load %arg20[%swap3A_682, %swap3A_683] {strides = array<i32>} : memref<64x128xf32, #tpu.memory_space<vmem>>, vector<1x16xf32>,
      %swap3A_685 = vector.shape_cast %swap3A_684 : vector<1x16xf32> to vector<16xf32>
      %swap3A_686 = vector.shape_cast %get3A_681 : vector<16xf32> to vector<1x16xf32>
      tpu.vector_store %arg20[%swap3A_682, %swap3A_683], %swap3A_686 {add = true, strides = array<i32>} : memref<64x128xf32, #tpu.memory_space<vmem>>, vector<1x16xf32>,
      %get3A_687 = arith.index_cast %add3A_650 : i32 to index
      %get3A_688 = arith.constant 64 : index
      %get3A_689 = tpu.vector_load %arg24[%get3A_687, %get3A_688] {strides = array<i32>} : memref<64x128xf32, #tpu.memory_space<vmem>>, vector<1x16xf32>,
      %get3A_690 = vector.shape_cast %get3A_689 : vector<1x16xf32> to vector<16xf32>
      %swap3A_691 = arith.index_cast %add3A_650 : i32 to index
      %swap3A_692 = arith.constant 64 : index
      %swap3A_693 = tpu.vector_load %arg20[%swap3A_691, %swap3A_692] {strides = array<i32>} : memref<64x128xf32, #tpu.memory_space<vmem>>, vector<1x16xf32>,
      %swap3A_694 = vector.shape_cast %swap3A_693 : vector<1x16xf32> to vector<16xf32>
      %swap3A_695 = vector.shape_cast %get3A_690 : vector<16xf32> to vector<1x16xf32>
      tpu.vector_store %arg20[%swap3A_691, %swap3A_692], %swap3A_695 {add = true, strides = array<i32>} : memref<64x128xf32, #tpu.memory_space<vmem>>, vector<1x16xf32>,
      %get3A_696 = arith.index_cast %add3A_650 : i32 to index
      %get3A_697 = arith.constant 80 : index
      %get3A_698 = tpu.vector_load %arg24[%get3A_696, %get3A_697] {strides = array<i32>} : memref<64x128xf32, #tpu.memory_space<vmem>>, vector<1x16xf32>,
      %get3A_699 = vector.shape_cast %get3A_698 : vector<1x16xf32> to vector<16xf32>
      %swap3A_700 = arith.index_cast %add3A_650 : i32 to index
      %swap3A_701 = arith.constant 80 : index
      %swap3A_702 = tpu.vector_load %arg20[%swap3A_700, %swap3A_701] {strides = array<i32>} : memref<64x128xf32, #tpu.memory_space<vmem>>, vector<1x16xf32>,
      %swap3A_703 = vector.shape_cast %swap3A_702 : vector<1x16xf32> to vector<16xf32>
      %swap3A_704 = vector.shape_cast %get3A_699 : vector<16xf32> to vector<1x16xf32>
      tpu.vector_store %arg20[%swap3A_700, %swap3A_701], %swap3A_704 {add = true, strides = array<i32>} : memref<64x128xf32, #tpu.memory_space<vmem>>, vector<1x16xf32>,
      %get3A_705 = arith.index_cast %add3A_650 : i32 to index
      %get3A_706 = arith.constant 96 : index
      %get3A_707 = tpu.vector_load %arg24[%get3A_705, %get3A_706] {strides = array<i32>} : memref<64x128xf32, #tpu.memory_space<vmem>>, vector<1x16xf32>,
      %get3A_708 = vector.shape_cast %get3A_707 : vector<1x16xf32> to vector<16xf32>
      %swap3A_709 = arith.index_cast %add3A_650 : i32 to index
      %swap3A_710 = arith.constant 96 : index
      %swap3A_711 = tpu.vector_load %arg20[%swap3A_709, %swap3A_710] {strides = array<i32>} : memref<64x128xf32, #tpu.memory_space<vmem>>, vector<1x16xf32>,
      %swap3A_712 = vector.shape_cast %swap3A_711 : vector<1x16xf32> to vector<16xf32>
      %swap3A_713 = vector.shape_cast %get3A_708 : vector<16xf32> to vector<1x16xf32>
      tpu.vector_store %arg20[%swap3A_709, %swap3A_710], %swap3A_713 {add = true, strides = array<i32>} : memref<64x128xf32, #tpu.memory_space<vmem>>, vector<1x16xf32>,
      %get3A_714 = arith.index_cast %add3A_650 : i32 to index
      %get3A_715 = arith.constant 112 : index
      %get3A_716 = tpu.vector_load %arg24[%get3A_714, %get3A_715] {strides = array<i32>} : memref<64x128xf32, #tpu.memory_space<vmem>>, vector<1x16xf32>,
      %get3A_717 = vector.shape_cast %get3A_716 : vector<1x16xf32> to vector<16xf32>
      %swap3A_718 = arith.index_cast %add3A_650 : i32 to index
      %swap3A_719 = arith.constant 112 : index
      %swap3A_720 = tpu.vector_load %arg20[%swap3A_718, %swap3A_719] {strides = array<i32>} : memref<64x128xf32, #tpu.memory_space<vmem>>, vector<1x16xf32>,
      %swap3A_721 = vector.shape_cast %swap3A_720 : vector<1x16xf32> to vector<16xf32>
      %swap3A_722 = vector.shape_cast %get3A_717 : vector<16xf32> to vector<1x16xf32>
      tpu.vector_store %arg20[%swap3A_718, %swap3A_719], %swap3A_722 {add = true, strides = array<i32>} : memref<64x128xf32, #tpu.memory_space<vmem>>, vector<1x16xf32>,
      %mul3A_723 = arith.constant 4 : i32
      %mul3A_724 = arith.muli %scan3A_570, %mul3A_723 : i32
      %add3A_725 = arith.constant 2 : i32
      %add3A_726 = arith.addi %mul3A_724, %add3A_725 : i32
      %get3A_727 = arith.index_cast %add3A_726 : i32 to index
      %get3A_728 = arith.constant 0 : index
      %get3A_729 = tpu.vector_load %arg24[%get3A_727, %get3A_728] {strides = array<i32>} : memref<64x128xf32, #tpu.memory_space<vmem>>, vector<1x16xf32>,
      %get3A_730 = vector.shape_cast %get3A_729 : vector<1x16xf32> to vector<16xf32>
      %swap3A_731 = arith.index_cast %add3A_726 : i32 to index
      %swap3A_732 = arith.constant 0 : index
      %swap3A_733 = tpu.vector_load %arg20[%swap3A_731, %swap3A_732] {strides = array<i32>} : memref<64x128xf32, #tpu.memory_space<vmem>>, vector<1x16xf32>,
      %swap3A_734 = vector.shape_cast %swap3A_733 : vector<1x16xf32> to vector<16xf32>
      %swap3A_735 = vector.shape_cast %get3A_730 : vector<16xf32> to vector<1x16xf32>
      tpu.vector_store %arg20[%swap3A_731, %swap3A_732], %swap3A_735 {add = true, strides = array<i32>} : memref<64x128xf32, #tpu.memory_space<vmem>>, vector<1x16xf32>,
      %get3A_736 = arith.index_cast %add3A_726 : i32 to index
      %get3A_737 = arith.constant 16 : index
      %get3A_738 = tpu.vector_load %arg24[%get3A_736, %get3A_737] {strides = array<i32>} : memref<64x128xf32, #tpu.memory_space<vmem>>, vector<1x16xf32>,
      %get3A_739 = vector.shape_cast %get3A_738 : vector<1x16xf32> to vector<16xf32>
      %swap3A_740 = arith.index_cast %add3A_726 : i32 to index
      %swap3A_741 = arith.constant 16 : index
      %swap3A_742 = tpu.vector_load %arg20[%swap3A_740, %swap3A_741] {strides = array<i32>} : memref<64x128xf32, #tpu.memory_space<vmem>>, vector<1x16xf32>,
      %swap3A_743 = vector.shape_cast %swap3A_742 : vector<1x16xf32> to vector<16xf32>
      %swap3A_744 = vector.shape_cast %get3A_739 : vector<16xf32> to vector<1x16xf32>
      tpu.vector_store %arg20[%swap3A_740, %swap3A_741], %swap3A_744 {add = true, strides = array<i32>} : memref<64x128xf32, #tpu.memory_space<vmem>>, vector<1x16xf32>,
      %get3A_745 = arith.index_cast %add3A_726 : i32 to index
      %get3A_746 = arith.constant 32 : index
      %get3A_747 = tpu.vector_load %arg24[%get3A_745, %get3A_746] {strides = array<i32>} : memref<64x128xf32, #tpu.memory_space<vmem>>, vector<1x16xf32>,
      %get3A_748 = vector.shape_cast %get3A_747 : vector<1x16xf32> to vector<16xf32>
      %swap3A_749 = arith.index_cast %add3A_726 : i32 to index
      %swap3A_750 = arith.constant 32 : index
      %swap3A_751 = tpu.vector_load %arg20[%swap3A_749, %swap3A_750] {strides = array<i32>} : memref<64x128xf32, #tpu.memory_space<vmem>>, vector<1x16xf32>,
      %swap3A_752 = vector.shape_cast %swap3A_751 : vector<1x16xf32> to vector<16xf32>
      %swap3A_753 = vector.shape_cast %get3A_748 : vector<16xf32> to vector<1x16xf32>
      tpu.vector_store %arg20[%swap3A_749, %swap3A_750], %swap3A_753 {add = true, strides = array<i32>} : memref<64x128xf32, #tpu.memory_space<vmem>>, vector<1x16xf32>,
      %get3A_754 = arith.index_cast %add3A_726 : i32 to index
      %get3A_755 = arith.constant 48 : index
      %get3A_756 = tpu.vector_load %arg24[%get3A_754, %get3A_755] {strides = array<i32>} : memref<64x128xf32, #tpu.memory_space<vmem>>, vector<1x16xf32>,
      %get3A_757 = vector.shape_cast %get3A_756 : vector<1x16xf32> to vector<16xf32>
      %swap3A_758 = arith.index_cast %add3A_726 : i32 to index
      %swap3A_759 = arith.constant 48 : index
      %swap3A_760 = tpu.vector_load %arg20[%swap3A_758, %swap3A_759] {strides = array<i32>} : memref<64x128xf32, #tpu.memory_space<vmem>>, vector<1x16xf32>,
      %swap3A_761 = vector.shape_cast %swap3A_760 : vector<1x16xf32> to vector<16xf32>
      %swap3A_762 = vector.shape_cast %get3A_757 : vector<16xf32> to vector<1x16xf32>
      tpu.vector_store %arg20[%swap3A_758, %swap3A_759], %swap3A_762 {add = true, strides = array<i32>} : memref<64x128xf32, #tpu.memory_space<vmem>>, vector<1x16xf32>,
      %get3A_763 = arith.index_cast %add3A_726 : i32 to index
      %get3A_764 = arith.constant 64 : index
      %get3A_765 = tpu.vector_load %arg24[%get3A_763, %get3A_764] {strides = array<i32>} : memref<64x128xf32, #tpu.memory_space<vmem>>, vector<1x16xf32>,
      %get3A_766 = vector.shape_cast %get3A_765 : vector<1x16xf32> to vector<16xf32>
      %swap3A_767 = arith.index_cast %add3A_726 : i32 to index
      %swap3A_768 = arith.constant 64 : index
      %swap3A_769 = tpu.vector_load %arg20[%swap3A_767, %swap3A_768] {strides = array<i32>} : memref<64x128xf32, #tpu.memory_space<vmem>>, vector<1x16xf32>,
      %swap3A_770 = vector.shape_cast %swap3A_769 : vector<1x16xf32> to vector<16xf32>
      %swap3A_771 = vector.shape_cast %get3A_766 : vector<16xf32> to vector<1x16xf32>
      tpu.vector_store %arg20[%swap3A_767, %swap3A_768], %swap3A_771 {add = true, strides = array<i32>} : memref<64x128xf32, #tpu.memory_space<vmem>>, vector<1x16xf32>,
      %get3A_772 = arith.index_cast %add3A_726 : i32 to index
      %get3A_773 = arith.constant 80 : index
      %get3A_774 = tpu.vector_load %arg24[%get3A_772, %get3A_773] {strides = array<i32>} : memref<64x128xf32, #tpu.memory_space<vmem>>, vector<1x16xf32>,
      %get3A_775 = vector.shape_cast %get3A_774 : vector<1x16xf32> to vector<16xf32>
      %swap3A_776 = arith.index_cast %add3A_726 : i32 to index
      %swap3A_777 = arith.constant 80 : index
      %swap3A_778 = tpu.vector_load %arg20[%swap3A_776, %swap3A_777] {strides = array<i32>} : memref<64x128xf32, #tpu.memory_space<vmem>>, vector<1x16xf32>,
      %swap3A_779 = vector.shape_cast %swap3A_778 : vector<1x16xf32> to vector<16xf32>
      %swap3A_780 = vector.shape_cast %get3A_775 : vector<16xf32> to vector<1x16xf32>
      tpu.vector_store %arg20[%swap3A_776, %swap3A_777], %swap3A_780 {add = true, strides = array<i32>} : memref<64x128xf32, #tpu.memory_space<vmem>>, vector<1x16xf32>,
      %get3A_781 = arith.index_cast %add3A_726 : i32 to index
      %get3A_782 = arith.constant 96 : index
      %get3A_783 = tpu.vector_load %arg24[%get3A_781, %get3A_782] {strides = array<i32>} : memref<64x128xf32, #tpu.memory_space<vmem>>, vector<1x16xf32>,
      %get3A_784 = vector.shape_cast %get3A_783 : vector<1x16xf32> to vector<16xf32>
      %swap3A_785 = arith.index_cast %add3A_726 : i32 to index
      %swap3A_786 = arith.constant 96 : index
      %swap3A_787 = tpu.vector_load %arg20[%swap3A_785, %swap3A_786] {strides = array<i32>} : memref<64x128xf32, #tpu.memory_space<vmem>>, vector<1x16xf32>,
      %swap3A_788 = vector.shape_cast %swap3A_787 : vector<1x16xf32> to vector<16xf32>
      %swap3A_789 = vector.shape_cast %get3A_784 : vector<16xf32> to vector<1x16xf32>
      tpu.vector_store %arg20[%swap3A_785, %swap3A_786], %swap3A_789 {add = true, strides = array<i32>} : memref<64x128xf32, #tpu.memory_space<vmem>>, vector<1x16xf32>,
      %get3A_790 = arith.index_cast %add3A_726 : i32 to index
      %get3A_791 = arith.constant 112 : index
      %get3A_792 = tpu.vector_load %arg24[%get3A_790, %get3A_791] {strides = array<i32>} : memref<64x128xf32, #tpu.memory_space<vmem>>, vector<1x16xf32>,
      %get3A_793 = vector.shape_cast %get3A_792 : vector<1x16xf32> to vector<16xf32>
      %swap3A_794 = arith.index_cast %add3A_726 : i32 to index
      %swap3A_795 = arith.constant 112 : index
      %swap3A_796 = tpu.vector_load %arg20[%swap3A_794, %swap3A_795] {strides = array<i32>} : memref<64x128xf32, #tpu.memory_space<vmem>>, vector<1x16xf32>,
      %swap3A_797 = vector.shape_cast %swap3A_796 : vector<1x16xf32> to vector<16xf32>
      %swap3A_798 = vector.shape_cast %get3A_793 : vector<16xf32> to vector<1x16xf32>
      tpu.vector_store %arg20[%swap3A_794, %swap3A_795], %swap3A_798 {add = true, strides = array<i32>} : memref<64x128xf32, #tpu.memory_space<vmem>>, vector<1x16xf32>,
      %mul3A_799 = arith.constant 4 : i32
      %mul3A_800 = arith.muli %scan3A_570, %mul3A_799 : i32
      %add3A_801 = arith.constant 3 : i32
      %add3A_802 = arith.addi %mul3A_800, %add3A_801 : i32
      %get3A_803 = arith.index_cast %add3A_802 : i32 to index
      %get3A_804 = arith.constant 0 : index
      %get3A_805 = tpu.vector_load %arg24[%get3A_803, %get3A_804] {strides = array<i32>} : memref<64x128xf32, #tpu.memory_space<vmem>>, vector<1x16xf32>,
      %get3A_806 = vector.shape_cast %get3A_805 : vector<1x16xf32> to vector<16xf32>
      %swap3A_807 = arith.index_cast %add3A_802 : i32 to index
      %swap3A_808 = arith.constant 0 : index
      %swap3A_809 = tpu.vector_load %arg20[%swap3A_807, %swap3A_808] {strides = array<i32>} : memref<64x128xf32, #tpu.memory_space<vmem>>, vector<1x16xf32>,
      %swap3A_810 = vector.shape_cast %swap3A_809 : vector<1x16xf32> to vector<16xf32>
      %swap3A_811 = vector.shape_cast %get3A_806 : vector<16xf32> to vector<1x16xf32>
      tpu.vector_store %arg20[%swap3A_807, %swap3A_808], %swap3A_811 {add = true, strides = array<i32>} : memref<64x128xf32, #tpu.memory_space<vmem>>, vector<1x16xf32>,
      %get3A_812 = arith.index_cast %add3A_802 : i32 to index
      %get3A_813 = arith.constant 16 : index
      %get3A_814 = tpu.vector_load %arg24[%get3A_812, %get3A_813] {strides = array<i32>} : memref<64x128xf32, #tpu.memory_space<vmem>>, vector<1x16xf32>,
      %get3A_815 = vector.shape_cast %get3A_814 : vector<1x16xf32> to vector<16xf32>
      %swap3A_816 = arith.index_cast %add3A_802 : i32 to index
      %swap3A_817 = arith.constant 16 : index
      %swap3A_818 = tpu.vector_load %arg20[%swap3A_816, %swap3A_817] {strides = array<i32>} : memref<64x128xf32, #tpu.memory_space<vmem>>, vector<1x16xf32>,
      %swap3A_819 = vector.shape_cast %swap3A_818 : vector<1x16xf32> to vector<16xf32>
      %swap3A_820 = vector.shape_cast %get3A_815 : vector<16xf32> to vector<1x16xf32>
      tpu.vector_store %arg20[%swap3A_816, %swap3A_817], %swap3A_820 {add = true, strides = array<i32>} : memref<64x128xf32, #tpu.memory_space<vmem>>, vector<1x16xf32>,
      %get3A_821 = arith.index_cast %add3A_802 : i32 to index
      %get3A_822 = arith.constant 32 : index
      %get3A_823 = tpu.vector_load %arg24[%get3A_821, %get3A_822] {strides = array<i32>} : memref<64x128xf32, #tpu.memory_space<vmem>>, vector<1x16xf32>,
      %get3A_824 = vector.shape_cast %get3A_823 : vector<1x16xf32> to vector<16xf32>
      %swap3A_825 = arith.index_cast %add3A_802 : i32 to index
      %swap3A_826 = arith.constant 32 : index
      %swap3A_827 = tpu.vector_load %arg20[%swap3A_825, %swap3A_826] {strides = array<i32>} : memref<64x128xf32, #tpu.memory_space<vmem>>, vector<1x16xf32>,
      %swap3A_828 = vector.shape_cast %swap3A_827 : vector<1x16xf32> to vector<16xf32>
      %swap3A_829 = vector.shape_cast %get3A_824 : vector<16xf32> to vector<1x16xf32>
      tpu.vector_store %arg20[%swap3A_825, %swap3A_826], %swap3A_829 {add = true, strides = array<i32>} : memref<64x128xf32, #tpu.memory_space<vmem>>, vector<1x16xf32>,
      %get3A_830 = arith.index_cast %add3A_802 : i32 to index
      %get3A_831 = arith.constant 48 : index
      %get3A_832 = tpu.vector_load %arg24[%get3A_830, %get3A_831] {strides = array<i32>} : memref<64x128xf32, #tpu.memory_space<vmem>>, vector<1x16xf32>,
      %get3A_833 = vector.shape_cast %get3A_832 : vector<1x16xf32> to vector<16xf32>
      %swap3A_834 = arith.index_cast %add3A_802 : i32 to index
      %swap3A_835 = arith.constant 48 : index
      %swap3A_836 = tpu.vector_load %arg20[%swap3A_834, %swap3A_835] {strides = array<i32>} : memref<64x128xf32, #tpu.memory_space<vmem>>, vector<1x16xf32>,
      %swap3A_837 = vector.shape_cast %swap3A_836 : vector<1x16xf32> to vector<16xf32>
      %swap3A_838 = vector.shape_cast %get3A_833 : vector<16xf32> to vector<1x16xf32>
      tpu.vector_store %arg20[%swap3A_834, %swap3A_835], %swap3A_838 {add = true, strides = array<i32>} : memref<64x128xf32, #tpu.memory_space<vmem>>, vector<1x16xf32>,
      %get3A_839 = arith.index_cast %add3A_802 : i32 to index
      %get3A_840 = arith.constant 64 : index
      %get3A_841 = tpu.vector_load %arg24[%get3A_839, %get3A_840] {strides = array<i32>} : memref<64x128xf32, #tpu.memory_space<vmem>>, vector<1x16xf32>,
      %get3A_842 = vector.shape_cast %get3A_841 : vector<1x16xf32> to vector<16xf32>
      %swap3A_843 = arith.index_cast %add3A_802 : i32 to index
      %swap3A_844 = arith.constant 64 : index
      %swap3A_845 = tpu.vector_load %arg20[%swap3A_843, %swap3A_844] {strides = array<i32>} : memref<64x128xf32, #tpu.memory_space<vmem>>, vector<1x16xf32>,
      %swap3A_846 = vector.shape_cast %swap3A_845 : vector<1x16xf32> to vector<16xf32>
      %swap3A_847 = vector.shape_cast %get3A_842 : vector<16xf32> to vector<1x16xf32>
      tpu.vector_store %arg20[%swap3A_843, %swap3A_844], %swap3A_847 {add = true, strides = array<i32>} : memref<64x128xf32, #tpu.memory_space<vmem>>, vector<1x16xf32>,
      %get3A_848 = arith.index_cast %add3A_802 : i32 to index
      %get3A_849 = arith.constant 80 : index
      %get3A_850 = tpu.vector_load %arg24[%get3A_848, %get3A_849] {strides = array<i32>} : memref<64x128xf32, #tpu.memory_space<vmem>>, vector<1x16xf32>,
      %get3A_851 = vector.shape_cast %get3A_850 : vector<1x16xf32> to vector<16xf32>
      %swap3A_852 = arith.index_cast %add3A_802 : i32 to index
      %swap3A_853 = arith.constant 80 : index
      %swap3A_854 = tpu.vector_load %arg20[%swap3A_852, %swap3A_853] {strides = array<i32>} : memref<64x128xf32, #tpu.memory_space<vmem>>, vector<1x16xf32>,
      %swap3A_855 = vector.shape_cast %swap3A_854 : vector<1x16xf32> to vector<16xf32>
      %swap3A_856 = vector.shape_cast %get3A_851 : vector<16xf32> to vector<1x16xf32>
      tpu.vector_store %arg20[%swap3A_852, %swap3A_853], %swap3A_856 {add = true, strides = array<i32>} : memref<64x128xf32, #tpu.memory_space<vmem>>, vector<1x16xf32>,
      %get3A_857 = arith.index_cast %add3A_802 : i32 to index
      %get3A_858 = arith.constant 96 : index
      %get3A_859 = tpu.vector_load %arg24[%get3A_857, %get3A_858] {strides = array<i32>} : memref<64x128xf32, #tpu.memory_space<vmem>>, vector<1x16xf32>,
      %get3A_860 = vector.shape_cast %get3A_859 : vector<1x16xf32> to vector<16xf32>
      %swap3A_861 = arith.index_cast %add3A_802 : i32 to index
      %swap3A_862 = arith.constant 96 : index
      %swap3A_863 = tpu.vector_load %arg20[%swap3A_861, %swap3A_862] {strides = array<i32>} : memref<64x128xf32, #tpu.memory_space<vmem>>, vector<1x16xf32>,
      %swap3A_864 = vector.shape_cast %swap3A_863 : vector<1x16xf32> to vector<16xf32>
      %swap3A_865 = vector.shape_cast %get3A_860 : vector<16xf32> to vector<1x16xf32>
      tpu.vector_store %arg20[%swap3A_861, %swap3A_862], %swap3A_865 {add = true, strides = array<i32>} : memref<64x128xf32, #tpu.memory_space<vmem>>, vector<1x16xf32>,
      %get3A_866 = arith.index_cast %add3A_802 : i32 to index
      %get3A_867 = arith.constant 112 : index
      %get3A_868 = tpu.vector_load %arg24[%get3A_866, %get3A_867] {strides = array<i32>} : memref<64x128xf32, #tpu.memory_space<vmem>>, vector<1x16xf32>,
      %get3A_869 = vector.shape_cast %get3A_868 : vector<1x16xf32> to vector<16xf32>
      %swap3A_870 = arith.index_cast %add3A_802 : i32 to index
      %swap3A_871 = arith.constant 112 : index
      %swap3A_872 = tpu.vector_load %arg20[%swap3A_870, %swap3A_871] {strides = array<i32>} : memref<64x128xf32, #tpu.memory_space<vmem>>, vector<1x16xf32>,
      %swap3A_873 = vector.shape_cast %swap3A_872 : vector<1x16xf32> to vector<16xf32>
      %swap3A_874 = vector.shape_cast %get3A_869 : vector<16xf32> to vector<1x16xf32>
      tpu.vector_store %arg20[%swap3A_870, %swap3A_871], %swap3A_874 {add = true, strides = array<i32>} : memref<64x128xf32, #tpu.memory_space<vmem>>, vector<1x16xf32>,
    }
    %scan3A_539 = arith.constant 16 : i32
    %add3A_540 = arith.constant 6336 : i32
    %add3A_541 = arith.addi %mul3A_2, %add3A_540 : i32
    %dma_start3A_542 = arith.constant 0 : i32
    %dma_start3A_543 = tpu.memref_slice %arg6[%add3A_541, %dma_start3A_542] : memref<204800x128xf32, #tpu.memory_space<hbm>> -> memref<64x128xf32, #tpu.memory_space<hbm>>
    %dma_start3A_544 = arith.constant 0 : i32
    %dma_start3A_545 = tpu.memref_slice %arg6[%add3A_541, %dma_start3A_544] : memref<204800x128xf32, #tpu.memory_space<hbm>> -> memref<64x128xf32, #tpu.memory_space<hbm>>
    tpu.enqueue_dma source(%arg20 : memref<64x128xf32, #tpu.memory_space<vmem>>) target(%dma_start3A_545 : memref<64x128xf32, #tpu.memory_space<hbm>>) target_semaphore(%arg32 : memref<!tpu.dma_semaphore, #tpu.memory_space<semaphore_mem>>)
    %dma_wait3A_546 = arith.constant 0 : i32
    %dma_wait3A_547 = arith.constant 0 : i32
    %dma_wait3A_548 = tpu.memref_slice %arg6[%dma_wait3A_546, %dma_wait3A_547] : memref<204800x128xf32, #tpu.memory_space<hbm>> -> memref<64x128xf32, #tpu.memory_space<hbm>>
    %dma_wait3A_549 = arith.constant 0 : i32
    %dma_wait3A_550 = arith.constant 0 : i32
    %dma_wait3A_551 = tpu.memref_slice %arg6[%dma_wait3A_549, %dma_wait3A_550] : memref<204800x128xf32, #tpu.memory_space<hbm>> -> memref<64x128xf32, #tpu.memory_space<hbm>>
    tpu.wait_dma2 semaphore(%arg29 : memref<!tpu.dma_semaphore, #tpu.memory_space<semaphore_mem>>) src(%arg17 : memref<64x128xf32, #tpu.memory_space<vmem>>) dst(%dma_wait3A_551 : memref<64x128xf32, #tpu.memory_space<hbm>>)
    %dma_wait3A_552 = arith.constant 0 : i32
    %dma_wait3A_553 = arith.constant 0 : i32
    %dma_wait3A_554 = tpu.memref_slice %arg6[%dma_wait3A_552, %dma_wait3A_553] : memref<204800x128xf32, #tpu.memory_space<hbm>> -> memref<64x128xf32, #tpu.memory_space<hbm>>
    %dma_wait3A_555 = arith.constant 0 : i32
    %dma_wait3A_556 = arith.constant 0 : i32
    %dma_wait3A_557 = tpu.memref_slice %arg6[%dma_wait3A_555, %dma_wait3A_556] : memref<204800x128xf32, #tpu.memory_space<hbm>> -> memref<64x128xf32, #tpu.memory_space<hbm>>
    tpu.wait_dma2 semaphore(%arg30 : memref<!tpu.dma_semaphore, #tpu.memory_space<semaphore_mem>>) src(%arg18 : memref<64x128xf32, #tpu.memory_space<vmem>>) dst(%dma_wait3A_557 : memref<64x128xf32, #tpu.memory_space<hbm>>)
    %dma_wait3A_558 = arith.constant 0 : i32
    %dma_wait3A_559 = arith.constant 0 : i32
    %dma_wait3A_560 = tpu.memref_slice %arg6[%dma_wait3A_558, %dma_wait3A_559] : memref<204800x128xf32, #tpu.memory_space<hbm>> -> memref<64x128xf32, #tpu.memory_space<hbm>>
    %dma_wait3A_561 = arith.constant 0 : i32
    %dma_wait3A_562 = arith.constant 0 : i32
    %dma_wait3A_563 = tpu.memref_slice %arg6[%dma_wait3A_561, %dma_wait3A_562] : memref<204800x128xf32, #tpu.memory_space<hbm>> -> memref<64x128xf32, #tpu.memory_space<hbm>>
    tpu.wait_dma2 semaphore(%arg31 : memref<!tpu.dma_semaphore, #tpu.memory_space<semaphore_mem>>) src(%arg19 : memref<64x128xf32, #tpu.memory_space<vmem>>) dst(%dma_wait3A_563 : memref<64x128xf32, #tpu.memory_space<hbm>>)
    %dma_wait3A_564 = arith.constant 0 : i32
    %dma_wait3A_565 = arith.constant 0 : i32
    %dma_wait3A_566 = tpu.memref_slice %arg6[%dma_wait3A_564, %dma_wait3A_565] : memref<204800x128xf32, #tpu.memory_space<hbm>> -> memref<64x128xf32, #tpu.memory_space<hbm>>
    %dma_wait3A_567 = arith.constant 0 : i32
    %dma_wait3A_568 = arith.constant 0 : i32
    %dma_wait3A_569 = tpu.memref_slice %arg6[%dma_wait3A_567, %dma_wait3A_568] : memref<204800x128xf32, #tpu.memory_space<hbm>> -> memref<64x128xf32, #tpu.memory_space<hbm>>
    tpu.wait_dma2 semaphore(%arg32 : memref<!tpu.dma_semaphore, #tpu.memory_space<semaphore_mem>>) src(%arg20 : memref<64x128xf32, #tpu.memory_space<vmem>>) dst(%dma_wait3A_569 : memref<64x128xf32, #tpu.memory_space<hbm>>)
    return
  }
}

module attributes {stable_mosaic.version = 14 : i64} {
  func.func @_combine_body(%arg0: memref<200x128xf32, #tpu.memory_space<vmem>>, %arg1: memref<2x128xf32, #tpu.memory_space<vmem>>, %arg2: memref<2x200x128xf32, #tpu.memory_space<vmem>>) attributes {dimension_semantics = [], scalar_prefetch = 0 : i64, scratch_operands = 0 : i64, tpu.core_type = #tpu.core_type<tc>} {
    %get3A = arith.constant 0 : index
    %get3A_0 = arith.constant 0 : index
    %get3A_1 = vector.load %arg1[%get3A, %get3A_0] : memref<2x128xf32, #tpu.memory_space<vmem>>, vector<2x128xf32>
    %broadcast_in_dim3A = vector.shape_cast %get3A_1 : vector<2x128xf32> to vector<2x1x128xf32>
    %get3A_2 = arith.constant 0 : index
    %get3A_3 = arith.constant 0 : index
    %get3A_4 = vector.load %arg0[%get3A_2, %get3A_3] : memref<200x128xf32, #tpu.memory_space<vmem>>, vector<200x128xf32>
    %broadcast_in_dim3A_5 = vector.shape_cast %get3A_4 : vector<200x128xf32> to vector<1x200x128xf32>
    %add3A = vector.broadcast %broadcast_in_dim3A : vector<2x1x128xf32> to vector<2x200x128xf32>
    %add3A_6 = vector.broadcast %broadcast_in_dim3A_5 : vector<1x200x128xf32> to vector<2x200x128xf32>
    %add3A_7 = arith.addf %add3A, %add3A_6 : vector<2x200x128xf32>
    %swap3A = arith.constant 0 : index
    %swap3A_8 = arith.constant 0 : index
    %swap3A_9 = arith.constant 0 : index
    %swap3A_10 = vector.load %arg2[%swap3A, %swap3A_8, %swap3A_9] : memref<2x200x128xf32, #tpu.memory_space<vmem>>, vector<2x200x128xf32>
    tpu.vector_store %arg2[%swap3A, %swap3A_8, %swap3A_9], %add3A_7 {strides = array<i32>} : memref<2x200x128xf32, #tpu.memory_space<vmem>>, vector<2x200x128xf32>,
    return
  }
}

</mosaic_0001>

<sc_bundles>
// kernel: kernel.4.cloned.1.call-start
scs
__scs_entry_jumppad:
0x0: {  	(pc) =	sbr.rel $0x88, $3  }
0x1: {  	(tag) =	ssettag $0x0;
	lr =	simm.s32 $0x1  }
0x2: {  	[smem:$0x3F9C] =	sst lr;
	_ =	strace $0xD0000000  }
0x3: {  	_ = 	snop  }
0x4: {  	_ = 	snop  }
0x5: {  	_ = 	snop  }
0x6: {  	_ = 	snop  }
0x7: {  	_ = 	snop  }
__scs_overlays_trampoline_lowered:
0x8: {  	[smem:$0x3FAB] =	sst s0  }
0x9: {  	[smem:$0x3FAC] =	sst s1  }
0xa: {  	[smem:$0x3FAD] =	sst s2  }
0xb: {  	[smem:$0x3FAE] =	sst s3  }
0xc: {  	[smem:$0x3FAF] =	sst s4  }
0xd: {  	[smem:$0x3FB0] =	sst s5  }
0xe: {  	[smem:$0x3FB1] =	sst s6  }
0xf: {  	[smem:$0x3FB2] =	sst s7  }
0x10: {  	[smem:$0x3FB3] =	sst s8  }
0x11: {  	[smem:$0x3FB4] =	sst s9;
	s0 =	simm.s32 @!p0 $0x0  }
0x12: {  	s1 =	sld [smem:$0x3F9A];
	s0 =	simm.s32 @p0 $0x1  }
0x13: {  	[smem:$0x3FB5] =	sst s0;
	s0 =	simm.s32 @!p1 $0x0  }
0x14: {  	s2 =	sld [smem:$0x3F99];
	s0 =	simm.s32 @p1 $0x1  }
0x15: {  	[smem:$0x3FB6] =	sst s0;
	s0 =	simm.s32 @!p2 $0x0  }
0x16: {  	s3 =	sld [smem:$0x3FDB];
	s0 =	simm.s32 @p2 $0x1  }
0x17: {  	s4 =	simm.s32 $0x1BF5;
	[smem:$0x3FB8] =	sst s0  }
0x18: {  	s0 =	sld [smem:$0x3F9B];
	_ =	swait.ge [sflag:s4], $0x0  }
0x19: {  	s7 =	sld [smem:$0x3F9C]  }
0x1a: {  	s8 =	sadd.s32 $0xFFFFE003, lr  }
0x1b: {  	s9 =	sadd.s32 $0xFFFFFEF7, lr;
	s5 =	simm.s32 $0xFFFFFFFF;
	p2 =	slt.u32 s8, $0xFFFFF086  }
0x1c: {  	p1 =	slt.u32 s9, $0xF7A;
	s5 =	simm.s32 @!p2 $0x0  }
0x1d: {  	s5 =	simm.s32 @p1 $0x1;
	p0 =	seq.s32 s7, s2  }
0x1e: {  	s7 =	smul.u32 @!p0 $0xF7A, s2;
	p2 =	seq.s32 @!p0 s5, $0x0  }
0x1f: {  	s9 =	smul.u32 $0xF7A, s1;
	s8 =	simm.s32 @!p0 $0x1BF5;
	p2 =	por !p2, p0  }
0x20: {  	[sflag:s8] =	ssyncset.s32 @!p0 $0xFFFFF086;
	s6 =	sadd.s32 @!p0 s3, s7;
	s7 =	simm.s32 @!p0 $0x108  }
0x21: {  	s3 =	sadd.s32 s3, s9;
	s6 =	sadd.s32 @!p0 $0x88, s6;
	s7 =	simm.s32 @p2 $0x1082  }
0x22: {  	[simem:s7], [sflag:s8] =	dma.local @!p0 [hbm:s6], $0xF7A  }
0x23: {  	s9 =	sor.u32 $0xD0000000, s2;
	s6 =	simm.s32 $0x108;
	_ =	swait.ge @!p0 [sflag:s8], $0x0  }
0x24: {  	s3 =	sadd.s32 $0x88, s3;
	s6 =	simm.s32 @!p1 $0x1082;
	[sflag:s4] =	ssyncset.s32 $0xFFFFF086  }
0x25: {  	[simem:s6], [sflag:s4] =	dma.local [hbm:s3], $0xF7A  }
0x26: {  	[smem:$0x3F9C] =	sst s1;
	(tag) =	ssettag s2;
	_ =	strace s9  }
0x27: {  	s1 =	sld [smem:$0x3FAC]  }
0x28: {  	s2 =	sld [smem:$0x3FAD]  }
0x29: {  	s4 =	sld [smem:$0x3FAF]  }
0x2a: {  	p0 =	seq.s32 s5, $0x0;
	s5 =	sld [smem:$0x3FB0]  }
0x2b: {  	s6 =	sld [smem:$0x3FB1]  }
0x2c: {  	s7 =	sld [smem:$0x3FB2]  }
0x2d: {  	s3 =	simm.s32 $0x108;
	s8 =	sld [smem:$0x3FB3]  }
0x2e: {  	s3 =	simm.s32 @!p0 $0x1082;
	s9 =	sld [smem:$0x3FB4]  }
0x2f: {  	lr =	sadd.s32 s0, s3;
	s0 =	sld [smem:$0x3FAB]  }
0x30: {  	s3 =	sld [smem:$0x3FAE]  }
0x31: {  	[smem:$0x3FB7] =	sst s10  }
0x32: {  	s10 =	sld [smem:$0x3FB5];
	_ =	sdelay $0x3  }
0x33: {  	p0 =	seq.s32 s10, $0x1;
	s10 =	sld [smem:$0x3FB7];
	_ =	sdelay $0x3  }
0x34: {  	[smem:$0x3FB7] =	sst s10  }
0x35: {  	s10 =	sld [smem:$0x3FB6];
	_ =	sdelay $0x3  }
0x36: {  	p1 =	seq.s32 s10, $0x1;
	s10 =	sld [smem:$0x3FB7];
	_ =	sdelay $0x3  }
0x37: {  	[smem:$0x3FB7] =	sst s10  }
0x38: {  	s10 =	sld [smem:$0x3FB8]  }
0x39: {  	_ = 	snop;
	(pc) =	sbr.ind lr, $3  }
0x3a: {  	_ = 	snop  }
0x3b: {  	_ = 	snop  }
0x3c: {  	p2 =	seq.s32 s10, $0x1;
	s10 =	sld [smem:$0x3FB7]  }
0x3d: {  	_ =	shalt  }
0x3e: {  	_ =	shalt  }
0x3f: {  	_ =	shalt  }
0x40: {  	_ =	shalt  }
0x41: {  	_ =	shalt  }
0x42: {  	_ =	shalt  }
0x43: {  	_ =	shalt  }
0x44: {  	_ =	shalt  }
0x45: {  	_ =	shalt  }
0x46: {  	_ =	shalt  }
0x47: {  	_ =	shalt  }
0x48: {  	_ =	shalt  }
0x49: {  	_ =	shalt  }
0x4a: {  	_ =	shalt  }
0x4b: {  	_ =	shalt  }
0x4c: {  	_ =	shalt  }
0x4d: {  	_ =	shalt  }
0x4e: {  	_ =	shalt  }
0x4f: {  	_ =	shalt  }
0x50: {  	_ =	shalt  }
0x51: {  	_ =	shalt  }
0x52: {  	_ =	shalt  }
0x53: {  	_ =	shalt  }
0x54: {  	_ =	shalt  }
0x55: {  	_ =	shalt  }
0x56: {  	_ =	shalt  }
0x57: {  	_ =	shalt  }
0x58: {  	_ =	shalt  }
0x59: {  	_ =	shalt  }
0x5a: {  	_ =	shalt  }
0x5b: {  	_ =	shalt  }
0x5c: {  	_ =	shalt  }
0x5d: {  	_ =	shalt  }
0x5e: {  	_ =	shalt  }
0x5f: {  	_ =	shalt  }
0x60: {  	_ =	shalt  }
0x61: {  	_ =	shalt  }
0x62: {  	_ =	shalt  }
0x63: {  	_ =	shalt  }
0x64: {  	_ =	shalt  }
0x65: {  	_ =	shalt  }
0x66: {  	_ =	shalt  }
0x67: {  	_ =	shalt  }
0x68: {  	_ =	shalt  }
0x69: {  	_ =	shalt  }
0x6a: {  	_ =	shalt  }
0x6b: {  	_ =	shalt  }
0x6c: {  	_ =	shalt  }
0x6d: {  	_ =	shalt  }
0x6e: {  	_ =	shalt  }
0x6f: {  	_ =	shalt  }
0x70: {  	_ =	shalt  }
0x71: {  	_ =	shalt  }
0x72: {  	_ =	shalt  }
0x73: {  	_ =	shalt  }
0x74: {  	_ =	shalt  }
0x75: {  	_ =	shalt  }
0x76: {  	_ =	shalt  }
0x77: {  	_ =	shalt  }
0x78: {  	_ =	shalt  }
0x79: {  	_ =	shalt  }
0x7a: {  	_ =	shalt  }
0x7b: {  	_ =	shalt  }
0x7c: {  	_ =	shalt  }
0x7d: {  	_ =	shalt  }
0x7e: {  	_ =	shalt  }
0x7f: {  	_ =	shalt  }
0x80: {  	_ =	shalt  }
0x81: {  	_ =	shalt  }
0x82: {  	_ =	shalt  }
0x83: {  	_ =	shalt  }
0x84: {  	_ =	shalt  }
0x85: {  	_ =	shalt  }
0x86: {  	_ =	shalt  }
0x87: {  	_ =	shalt  }
.Lfunc_end0:
.L_simem_size_0:
called_computation_lowered:
.L_overlay_start_0:
0x88: {  	s2 =	sld [smem:$0x3FD9]  }
0x89: {  	s3 =	sld [smem:$0x3FFE];
	_ =	sdelay $0x1  }
0x8a: {  	s1 =	srdreg.scid  }
0x8b: {  	s0 =	sand.u32 $0x1, s1  }
0x8c: {  	s17 =	sshll.u32 s0, $0xA;
	s2 =	sadd.s32 s3, s2  }
0x8d: {  	s2 =	sadd.s32 s2, s17  }
0x8e: {  	[smem:$0x3FC3] =	sst s2  }
0x8f: {  	_ = 	snop  }
0x90: {  	s2 =	sld [smem:$0x3FC7]  }
0x91: {  	s18 =	sld [smem:$0x3FD0];
	(tm) =	ssettm $0x1  }
0x92: {  	s4 =	sld [smem:$0x3FFB];
	_ =	sdelay $0x3  }
0x93: {  	_ =	strace s4  }
0x94: {  	s4 =	sld [smem:$0x3FFC];
	_ =	sdelay $0x3  }
0x95: {  	_ =	strace s4  }
0x96: {  	s4 =	sld [smem:$0x3FFD];
	_ =	sdelay $0x3  }
0x97: {  	_ =	strace s4  }
0x98: {  	_ =	strace $0x8FFFFFFF  }
0x99: {  	s19 =	sld [smem:$0x3FDB];
	_ =	sdelay $0x1  }
0x9a: {  	s5 =	simm.s32 $_scs_section_size  }
0x9b: {  	s6 =	simm.s32 $_size__tile_overlayer_lowered;
	s7 =	simm.s32 $_tile_overlayer_lowered  }
0x9c: {  	s22 =	simm.s32 $0x1BFF;
	s21 =	sshll.u32 s7, $0x1;
	s4 =	sadd.s32 s5, s19  }
0x9d: {  	s8 =	simm.s32 $0x0;
	s20 =	sshll.u32 s6, $0x1;
	s6 =	sadd.s32 s21, s4  }
0x9e: {  	[timem:s8], [sflag:s22] =	dma.local [hbm:s6], s20  }
0x9f: {  	_ =	swait.ge [sflag:s22], s20  }
0xa0: {  	s5 =	ssub.s32 $0x0, s20;
	[sflag:s22] =	ssyncset.done $0x0  }
0xa1: {  	[sflag:s22] =	ssyncadd.s32 s5;
	_ =	sdelay $0x1  }
0xa2: {  	s23 =	simm.s32 $0x1B8B  }
0xa3: {  	_ =	swait.ge [sflag:s23], $0x1  }
0xa4: {  	[sflag:s23] =	ssyncset.done $0x0  }
0xa5: {  	s25 =	simm.s32 $0x1B8E;
	s24 =	sld [smem:$0x3FFE];
	[sflag:s23] =	ssyncadd.s32 $0xFFFFFFFF  }
0xa6: {  	s26 =	simm.s32 $execute0_lowered;
	[smem:$0x3FD2] =	sst s25  }
0xa7: {  	s6 =	sshll.u32 s26, $0x1;
	_ =	strace $0x80000046;
	[dreg:$0x1] =	wrdreg $0xFFFFFFFF  }
0xa8: {  	s28 =	simm.s32 $_size_execute0_lowered;
	s4 =	sadd.s32 s4, s6;
	[dreg:$0x0] =	wrdreg $0x0  }
0xa9: {  	s6 =	sshll.u32 s28, $0x1;
	[dreg:$0x2] =	wrdreg s4  }
0xaa: {  	[dreg:$0x3] =	wrdreg s6  }
0xab: {  	[dreg:$0x4] =	wrdreg $0xC0  }
0xac: {  	_ =	task [dreg:s8], $0x5FFFF  }
0xad: {  	[dreg:$0x1] =	wrdreg $0xFFFFFFFF  }
0xae: {  	[dreg:$0x0] =	wrdreg $0x60  }
0xaf: {  	[dreg:$0x2] =	wrdreg s24  }
0xb0: {  	[dreg:$0x3] =	wrdreg s2  }
0xb1: {  	[dreg:$0x4] =	wrdreg s18  }
0xb2: {  	[dreg:$0x5] =	wrdreg $0x9  }
0xb3: {  	_ =	task.clear_ibuf [dreg:s8], $0x6FFFF;
	_ =	strace $0x90000046  }
0xb4: {  	s29 =	simm.s32 $0x9;
	_ =	strace $0x80000048  }
0xb5: {  	_ =	swait.ge [sflag:s29], $0x1  }
0xb6: {  	[sflag:s29] =	ssyncadd.s32 $0xFFFFFFFF  }
0xb7: {  	_ =	strace $0x90000048  }
0xb8: {  	_ =	sfence  }
0xb9: {  	s30 =	sld [smem:$0x0];
	_ =	sdelay $0x2  }
0xba: {  	s31 =	sshll.u32 s1, $0xD;
	s1 =	sshrl.u32 s1, $0x2  }
0xbb: {  	s3 =	sand.u32 $0x4000, s31;
	s1 =	sadd.s32 s1, s30  }
0xbc: {  	s0 =	sor.u32 s3, s0;
	s1 =	sshll.u32 s1, $0x11  }
0xbd: {  	s0 =	sor.u32 s1, s0  }
0xbe: {  	s0 =	sadd.s32 $0x8F2B, s0  }
0xbf: {  	[sflag:s0] =	ssyncadd.remote.s32 $0x1  }
0xc0: {  	_ =	sfence.sel $0xFFFF  }
0xc1: {  	[dreg:$0x0] =	wrdreg $0xFFFFFFFF;
	(pc) =	sbr.abs _section_cstart, $3  }
0xc2: {  	[dreg:$0x1] =	wrdreg $0xFFFFFFFF  }
0xc3: {  	_ =	task.clear_ibuf [dreg:s8], $0x2FFFF;
	_ =	strace $0x9FFFFFFF  }
0xc4: {  	(tm) =	ssettm $0x7FFFFFFF  }
0xc5: {  	_ =	shalt  }
tec
execute0_lowered:
.L_overlay_start_1:
0x0: {  	(tag) =	ssettag $0x1  }
0x1: {  	s0 =	srdreg.scid;
	s1 =	stileid.u32  }
0x2: {  	s4 =	sand.u32 $0x1, s0;
	s14 =	sshll.u32 s1, $0x1  }
0x3: {  	s0 =	sor.u32 s4, s14  }
0x4: {  	s1 =	smul.u32 $0x1900, s0  }
0x5: {  	v0 =	vlaneseq.u32  }
0x6: {  	v1 =	vor.u32 s1, v0  }
0x7: {  	s2 =	sor.u32 $0x10, s1;
	s15 =	sor.u32 $0x20, s1;
	s16 =	sor.u32 $0x30, s1;
	v2 =	vmulhi.u32 $0x51EB851F, v1  }
0x8: {  	s18 =	sor.u32 $0x70, s1;
	s11 =	sor.u32 $0x90, s1;
	v3 =	vor.u32 s2, v0;
	v5 =	vor.u32 s15, v0;
	v7 =	vor.u32 s16, v0  }
0x9: {  	s22 =	sor.u32 $0xB0, s1;
	s12 =	sor.u32 $0xC0, s1;
	v11 =	vor.u32 s18, v0;
	v14 =	vor.u32 s11, v0;
	v4 =	vmulhi.u32 $0x51EB851F, v3  }
0xa: {  	s2 =	sor.u32 $0x40, s1;
	v15 =	vor.u32 s22, v0;
	v17 =	vor.u32 s12, v0;
	v6 =	vmulhi.u32 $0x51EB851F, v5  }
0xb: {  	v8 =	vmulhi.u32 $0x51EB851F, v7;
	v9 =	vor.u32 s2, v0;
	v2 =	vshrl.u32 v2, $0x6  }
0xc: {  	v2 =	vmul.u32 $0xC8, v2;
	v4 =	vshrl.u32 v4, $0x6;
	v6 =	vshrl.u32 v6, $0x6  }
0xd: {  	s24 =	sor.u32 $0xE0, s1;
	v16 =	vmulhi.u32 $0x51EB851F, v15;
	v4 =	vmul.u32 $0xC8, v4;
	v6 =	vmul.u32 $0xC8, v6  }
0xe: {  	v19 =	vor.u32 s24, v0;
	v10 =	vmulhi.u32 $0x51EB851F, v9;
	v1 =	vsub.s32 v1, v2  }
0xf: {  	s8 =	rddreg [dreg:$0x0];
	s7 =	sor.u32 $0x50, s1;
	v2 =	vsub.s32 v3, v4;
	v3 =	vsub.s32 v5, v6;
	v4 =	vshrl.u32 v8, $0x6  }
0x10: {  	s3 =	rddreg [dreg:$0x1];
	s17 =	sor.u32 $0x60, s1;
	v5 =	vshrl.u32 v10, $0x6;
	v6 =	vor.u32 s7, v0;
	v4 =	vmul.u32 $0xC8, v4  }
0x11: {  	s5 =	rddreg [dreg:$0x2];
	s14 =	sor.u32 $0xF0, s1;
	v10 =	vor.u32 s17, v0;
	v5 =	vmul.u32 $0xC8, v5;
	v8 =	vmulhi.u32 $0x51EB851F, v6  }
0x12: {  	s6 =	simm.s32 $0x0;
	s31 =	simm.s32 $0x7600;
	s4 =	ssub.s32 $0x2, s4;
	v21 =	vor.u32 s14, v0;
	v4 =	vsub.s32 v7, v4;
	v7 =	vmulhi.u32 $0x51EB851F, v10  }
0x13: {  	[smem:$0x7FF] =	sst s6;
	s10 =	sshrl.u32 s4, $0x1;
	s7 =	sor.u32 $0x80, s1;
	v5 =	vsub.s32 v9, v5;
	v8 =	vshrl.u32 v8, $0x6;
	v9 =	vmulhi.u32 $0x51EB851F, v11  }
0x14: {  	s28 =	simm.s32 $0x0;
	_ =	strace $0x80000047;
	s4 =	ssub.s32 s4, s10;
	v12 =	vor.u32 s7, v0;
	v8 =	vmul.u32 $0xC8, v8;
	v7 =	vshrl.u32 v7, $0x6  }
0x15: {  	s10 =	smul.u32 $0xC8000, s0;
	s0 =	simm.s32 $0xF600;
	s9 =	sshrl.u32 s1, $0x3;
	v13 =	vmulhi.u32 $0x51EB851F, v12;
	v9 =	vshrl.u32 v9, $0x6;
	v7 =	vmul.u32 $0xC8, v7  }
0x16: {  	s21 =	sor.u32 $0xA0, s1;
	s23 =	sor.u32 $0xD0, s1;
	s4 =	smax.u32 s4, $0x1;
	v20 =	vmulhi.u32 $0x51EB851F, v19;
	v6 =	vsub.s32 v6, v8;
	v8 =	vmul.u32 $0xC8, v9  }
0x17: {  	s9 =	sadd.s32 s9, s8;
	s8 =	sadd.s32 $0xD200, s8;
	s13 =	sshrl.u32 s10, $0x3;
	v9 =	vshrl.u32 v13, $0x6;
	v7 =	vsub.s32 v10, v7;
	v10 =	vmulhi.u32 $0x51EB851F, v14  }
0x18: {  	[dreg:$0xa] =	wrdreg s4;
	v18 =	vor.u32 s23, v0;
	s22 =	simm.s32 $0x3600;
	s4 =	simm.s32 $0x3500;
	v22 =	vmulhi.u32 $0x51EB851F, v21;
	v9 =	vmul.u32 $0xC8, v9  }
0x19: {  	s11 =	simm.s32 $0x3580;
	s14 =	simm.s32 $0x1;
	s15 =	simm.s32 $0x2;
	v8 =	vsub.s32 v11, v8;
	v11 =	vor.u32 s21, v0;
	v10 =	vshrl.u32 v10, $0x6  }
0x1a: {  	s16 =	simm.s32 $0x3;
	s18 =	simm.s32 $0x5;
	s19 =	sadd.s32 $0xA00, s9;
	v16 =	vshrl.u32 v16, $0x6;
	v13 =	vmulhi.u32 $0x51EB851F, v11;
	v10 =	vmul.u32 $0xC8, v10  }
0x1b: {  	s20 =	sadd.s32 $0x6E00, s9;
	s13 =	sadd.s32 s5, s13;
	[dreg:$0x4] =	wrdreg s19;
	v62 =	vshrl.u32 v22, $0x6;
	v9 =	vsub.s32 v12, v9;
	v12 =	vmulhi.u32 $0x51EB851F, v17  }
0x1c: {  	s23 =	simm.s32 $0x7;
	[dreg:$0x5] =	wrdreg s20;
	s25 =	sadd.s32 $0x18000, s13;
	v13 =	vshrl.u32 v13, $0x6;
	v10 =	vsub.s32 v14, v10;
	v14 =	vmulhi.u32 $0x51EB851F, v18  }
0x1d: {  	s24 =	simm.s32 $0x8;
	s26 =	sadd.s32 $0x18400, s13;
	[dreg:$0x6] =	wrdreg s25;
	v16 =	vmul.u32 $0xC8, v16;
	v12 =	vshrl.u32 v12, $0x6;
	v13 =	vmul.u32 $0xC8, v13  }
0x1e: {  	s9 =	simm.s32 $0x9600;
	s29 =	sadd.s32 $0x18800, s13;
	[dreg:$0x7] =	wrdreg s26;
	v23 =	vmul.u32 $0xC8, v12;
	v12 =	vshrl.u32 v14, $0x6;
	v14 =	vshrl.u32 v20, $0x6  }
0x1f: {  	s30 =	sadd.s32 $0x18C00, s13;
	s20 =	simm.s32 $0x40;
	[dreg:$0x8] =	wrdreg s29;
	v20 =	vmul.u32 $0xC8, v62;
	v63 =	vmul.u32 $0xC8, v12;
	v24 =	vmul.u32 $0xC8, v14  }
0x20: {  	s19 =	simm.s32 $0x3380;
	s13 =	simm.s32 $0x11600;
	[dreg:$0x9] =	wrdreg s30;
	v11 =	vsub.s32 v11, v13;
	v13 =	vsub.s32 v17, v23;
	v12 =	vsub.s32 v15, v16  }
0x21: {  	s26 =	simm.s32 $0x5600;
	s17 =	simm.s32 $0x4;
	s21 =	simm.s32 $0x6;
	v16 =	vsub.s32 v21, v20;
	v14 =	vsub.s32 v18, v63;
	v15 =	vsub.s32 v19, v24  }
.LBB2_1:
0x22: {  	[dreg:$0xb] =	wrdreg s28  }
0x23: {  	s25 =	rddreg [dreg:$0x4];
	s28 =	simm.s32 $0x9  }
0x24: {  	[tilespmem:s6], [sflag:$0x9] =	stream.linear.gather [hbm4b:s25+s6], $0x1900, $0x38;
	[tilespmem:$0x13600] =	vst v63  }
0x25: {  	_ =	swait.ge [sflag:s28], $0x1900  }
0x26: {  	[sflag:s28] =	ssyncset.done $0x0  }
0x27: {  	s29 =	simm.s32 $0x1900;
	s30 =	rddreg [dreg:$0x5];
	[sflag:s28] =	ssyncadd.s32 $0xFFFFE700  }
0x28: {  	[tilespmem:s29], [sflag:$0x9] =	stream.linear.gather [hbm4b:s30+s6], $0x1900, $0x38;
	[tilespmem:$0x13600] =	vst v63  }
0x29: {  	_ =	swait.ge [sflag:s28], $0x1900  }
0x2a: {  	[sflag:s28] =	ssyncset.done $0x0  }
0x2b: {  	[sflag:s28] =	ssyncadd.s32 $0xFFFFE700  }
0x2c: {  	v17 =	vld [tilespmem:$0x0]  }
0x2d: {  	v18 =	vld [tilespmem:$0x10]  }
0x2e: {  	v19 =	vld [tilespmem:$0x20]  }
0x2f: {  	v20 =	vld [tilespmem:$0x30];
	_ =	sdelay $0x1  }
0x30: {  	[tilespmem:$0x3200] =	vst v17  }
0x31: {  	[tilespmem:$0x3210] =	vst v18  }
0x32: {  	[tilespmem:$0x3220] =	vst v19  }
0x33: {  	s28 =	simm.s32 $0x3200;
	[tilespmem:$0x3230] =	vst v20  }
0x34: {  	[tilespmem:s22], [sflag:$0x1] =	stream.indirect.gather [hbm4b:s3+s20], $0x80, s28, s20, $0xb8;
	[tilespmem:$0x13600] =	vst v63  }
0x35: {  	v17 =	vld [tilespmem:$0x1900]  }
0x36: {  	v18 =	vld [tilespmem:$0x1910]  }
0x37: {  	v19 =	vld [tilespmem:$0x1920]  }
0x38: {  	v57 =	vld [tilespmem:$0x1930];
	_ =	sdelay $0x1  }
0x39: {  	v17 =	vmul.u32 $0xC8, v17  }
0x3a: {  	v18 =	vmul.u32 $0xC8, v18  }
0x3b: {  	v19 =	vmul.u32 $0xC8, v19;
	v17 =	vadd.s32 v1, v17  }
0x3c: {  	[tilespmem:$0x3400] =	vst v17;
	v17 =	vadd.s32 v2, v18;
	v18 =	vmul.u32 $0xC8, v57  }
0x3d: {  	[tilespmem:$0x3410] =	vst v17;
	v17 =	vadd.s32 v3, v19  }
0x3e: {  	[tilespmem:$0x3420] =	vst v17;
	v17 =	vadd.s32 v4, v18  }
0x3f: {  	s29 =	simm.s32 $0x3400;
	s30 =	simm.s32 $0xB600;
	[tilespmem:$0x3430] =	vst v17  }
0x40: {  	[tilespmem:s30], [sflag:$0x1] =	stream.indirect.gather [hbm4b:s8+s20], $0x80, s29, s20, $0xb8;
	[tilespmem:$0x13600] =	vst v63  }
0x41: {  	v17 =	vld [tilespmem:$0x40]  }
0x42: {  	v18 =	vld [tilespmem:$0x50]  }
0x43: {  	v19 =	vld [tilespmem:$0x60]  }
0x44: {  	v58 =	vld [tilespmem:$0x70];
	_ =	sdelay $0x1  }
0x45: {  	[tilespmem:$0x3280] =	vst v17  }
0x46: {  	[tilespmem:$0x3290] =	vst v18  }
0x47: {  	[tilespmem:$0x32A0] =	vst v19  }
0x48: {  	s29 =	simm.s32 $0x3280;
	[tilespmem:$0x32B0] =	vst v58  }
0x49: {  	[tilespmem:s26], [sflag:$0x2] =	stream.indirect.gather [hbm4b:s3+s20], $0x80, s29, s20, $0xb8;
	[tilespmem:$0x13600] =	vst v63  }
0x4a: {  	v17 =	vld [tilespmem:$0x1940]  }
0x4b: {  	v18 =	vld [tilespmem:$0x1950]  }
0x4c: {  	v19 =	vld [tilespmem:$0x1960]  }
0x4d: {  	v59 =	vld [tilespmem:$0x1970];
	_ =	sdelay $0x1  }
0x4e: {  	v17 =	vmul.u32 $0xC8, v17  }
0x4f: {  	v18 =	vmul.u32 $0xC8, v18  }
0x50: {  	v19 =	vmul.u32 $0xC8, v19;
	v17 =	vadd.s32 v5, v17  }
0x51: {  	[tilespmem:$0x3480] =	vst v17;
	v17 =	vadd.s32 v6, v18;
	v18 =	vmul.u32 $0xC8, v59  }
0x52: {  	[tilespmem:$0x3490] =	vst v17;
	v17 =	vadd.s32 v7, v19  }
0x53: {  	[tilespmem:$0x34A0] =	vst v17;
	v17 =	vadd.s32 v8, v18  }
0x54: {  	s30 =	simm.s32 $0x3480;
	s29 =	simm.s32 $0xD600;
	[tilespmem:$0x34B0] =	vst v17  }
0x55: {  	[tilespmem:s29], [sflag:$0x2] =	stream.indirect.gather [hbm4b:s8+s20], $0x80, s30, s20, $0xb8;
	[tilespmem:$0x13600] =	vst v63  }
0x56: {  	v17 =	vld [tilespmem:$0x80]  }
0x57: {  	v18 =	vld [tilespmem:$0x90]  }
0x58: {  	v19 =	vld [tilespmem:$0xA0]  }
0x59: {  	v60 =	vld [tilespmem:$0xB0];
	_ =	sdelay $0x1  }
0x5a: {  	[tilespmem:$0x3300] =	vst v17  }
0x5b: {  	[tilespmem:$0x3310] =	vst v18  }
0x5c: {  	[tilespmem:$0x3320] =	vst v19  }
0x5d: {  	s30 =	simm.s32 $0x3300;
	[tilespmem:$0x3330] =	vst v60  }
0x5e: {  	[tilespmem:s31], [sflag:$0x3] =	stream.indirect.gather [hbm4b:s3+s20], $0x80, s30, s20, $0xb8;
	[tilespmem:$0x13600] =	vst v63  }
0x5f: {  	v17 =	vld [tilespmem:$0x1980]  }
0x60: {  	v18 =	vld [tilespmem:$0x1990]  }
0x61: {  	v19 =	vld [tilespmem:$0x19A0]  }
0x62: {  	v61 =	vld [tilespmem:$0x19B0];
	_ =	sdelay $0x1  }
0x63: {  	v17 =	vmul.u32 $0xC8, v17  }
0x64: {  	v18 =	vmul.u32 $0xC8, v18  }
0x65: {  	v19 =	vmul.u32 $0xC8, v19;
	v17 =	vadd.s32 v9, v17  }
0x66: {  	[tilespmem:$0x3500] =	vst v17;
	v17 =	vadd.s32 v10, v18;
	v18 =	vmul.u32 $0xC8, v61  }
0x67: {  	[tilespmem:$0x3510] =	vst v17;
	v17 =	vadd.s32 v11, v19  }
0x68: {  	[tilespmem:$0x3520] =	vst v17;
	v17 =	vadd.s32 v12, v18  }
0x69: {  	[tilespmem:$0x3530] =	vst v17  }
0x6a: {  	[tilespmem:s0], [sflag:$0x3] =	stream.indirect.gather [hbm4b:s8+s20], $0x80, s4, s20, $0xb8;
	[tilespmem:$0x13600] =	vst v63  }
0x6b: {  	v17 =	vld [tilespmem:$0xC0]  }
0x6c: {  	v18 =	vld [tilespmem:$0xD0]  }
0x6d: {  	v19 =	vld [tilespmem:$0xE0]  }
0x6e: {  	v62 =	vld [tilespmem:$0xF0];
	_ =	sdelay $0x1  }
0x6f: {  	[tilespmem:$0x3380] =	vst v17  }
0x70: {  	[tilespmem:$0x3390] =	vst v18  }
0x71: {  	[tilespmem:$0x33A0] =	vst v19  }
0x72: {  	[tilespmem:$0x33B0] =	vst v62  }
0x73: {  	[tilespmem:s9], [sflag:$0x4] =	stream.indirect.gather [hbm4b:s3+s20], $0x80, s19, s20, $0xb8;
	[tilespmem:$0x13600] =	vst v63  }
0x74: {  	v17 =	vld [tilespmem:$0x19C0]  }
0x75: {  	v18 =	vld [tilespmem:$0x19D0]  }
0x76: {  	v19 =	vld [tilespmem:$0x19E0]  }
0x77: {  	v63 =	vld [tilespmem:$0x19F0];
	_ =	sdelay $0x1  }
0x78: {  	v17 =	vmul.u32 $0xC8, v17  }
0x79: {  	v18 =	vmul.u32 $0xC8, v18  }
0x7a: {  	v19 =	vmul.u32 $0xC8, v19;
	v17 =	vadd.s32 v13, v17  }
0x7b: {  	[tilespmem:$0x3580] =	vst v17;
	v17 =	vadd.s32 v14, v18;
	v18 =	vmul.u32 $0xC8, v63  }
0x7c: {  	[tilespmem:$0x3590] =	vst v17;
	v17 =	vadd.s32 v15, v19  }
0x7d: {  	[tilespmem:$0x35A0] =	vst v17;
	v17 =	vadd.s32 v16, v18  }
0x7e: {  	s25 =	simm.s32 $0x0;
	[tilespmem:$0x35B0] =	vst v17  }
0x7f: {  	[tilespmem:s13], [sflag:$0x4] =	stream.indirect.gather [hbm4b:s8+s20], $0x80, s11, s20, $0xb8;
	[tilespmem:$0x13600] =	vst v63  }
.LBB2_2:
0x80: {  	_ =	swait.ge [sflag:s14], $0x2000  }
0x81: {  	[sflag:s14] =	ssyncset.done $0x0  }
0x82: {  	[sflag:s14] =	ssyncadd.s32 $0xFFFFE000  }
0x83: {  	_ =	swait.ge [sflag:s14], $0x2000  }
0x84: {  	[sflag:s14] =	ssyncset.done $0x0  }
0x85: {  	s28 =	simm.s32 $0x0;
	s29 =	simm.s32 $0x800;
	[sflag:s14] =	ssyncadd.s32 $0xFFFFE000  }
.LBB2_3:
0x86: {  	p0 =	sne.s32 s29, $0x7800;
	v17 =	vld [tilespmem:s28+$0xB7F0]  }
0x87: {  	v18 =	vld [tilespmem:s28+$0xB600]  }
0x88: {  	v19 =	vld [tilespmem:s28+$0xB610]  }
0x89: {  	v20 =	vld [tilespmem:s28+$0xB620]  }
0x8a: {  	v21 =	vld [tilespmem:s28+$0xB630]  }
0x8b: {  	[tilespmem:s28+$0x37F0] =	vst.add.f32.msk $0xffff, v17  }
0x8c: {  	v17 =	vld [tilespmem:s28+$0xB640]  }
0x8d: {  	v22 =	vld [tilespmem:s28+$0xB650]  }
0x8e: {  	v23 =	vld [tilespmem:s28+$0xB660]  }
0x8f: {  	v24 =	vld [tilespmem:s28+$0xB670]  }
0x90: {  	v25 =	vld [tilespmem:s28+$0xB680]  }
0x91: {  	v26 =	vld [tilespmem:s28+$0xB690]  }
0x92: {  	v27 =	vld [tilespmem:s28+$0xB6A0]  }
0x93: {  	v28 =	vld [tilespmem:s28+$0xB6B0]  }
0x94: {  	v29 =	vld [tilespmem:s28+$0xB6C0]  }
0x95: {  	v30 =	vld [tilespmem:s28+$0xB6D0]  }
0x96: {  	v31 =	vld [tilespmem:s28+$0xB6E0]  }
0x97: {  	v32 =	vld [tilespmem:s28+$0xB6F0]  }
0x98: {  	v33 =	vld [tilespmem:s28+$0xB700]  }
0x99: {  	v34 =	vld [tilespmem:s28+$0xB710]  }
0x9a: {  	v35 =	vld [tilespmem:s28+$0xB720]  }
0x9b: {  	v36 =	vld [tilespmem:s28+$0xB730]  }
0x9c: {  	v37 =	vld [tilespmem:s28+$0xB740]  }
0x9d: {  	v38 =	vld [tilespmem:s28+$0xB750]  }
0x9e: {  	v39 =	vld [tilespmem:s28+$0xB760]  }
0x9f: {  	v40 =	vld [tilespmem:s28+$0xB770]  }
0xa0: {  	v41 =	vld [tilespmem:s28+$0xB780]  }
0xa1: {  	v42 =	vld [tilespmem:s28+$0xB790]  }
0xa2: {  	v43 =	vld [tilespmem:s28+$0xB7A0]  }
0xa3: {  	v44 =	vld [tilespmem:s28+$0xB7B0]  }
0xa4: {  	v45 =	vld [tilespmem:s28+$0xB7C0]  }
0xa5: {  	v46 =	vld [tilespmem:s28+$0xB7D0]  }
0xa6: {  	v47 =	vld [tilespmem:s28+$0xB7E0]  }
0xa7: {  	[tilespmem:s28+$0x3600] =	vst.add.f32.msk $0xffff, v18  }
0xa8: {  	[tilespmem:s28+$0x3610] =	vst.add.f32.msk $0xffff, v19  }
0xa9: {  	[tilespmem:s28+$0x3620] =	vst.add.f32.msk $0xffff, v20  }
0xaa: {  	[tilespmem:s28+$0x3630] =	vst.add.f32.msk $0xffff, v21  }
0xab: {  	[tilespmem:s28+$0x3640] =	vst.add.f32.msk $0xffff, v17  }
0xac: {  	[tilespmem:s28+$0x3650] =	vst.add.f32.msk $0xffff, v22  }
0xad: {  	[tilespmem:s28+$0x3660] =	vst.add.f32.msk $0xffff, v23  }
0xae: {  	[tilespmem:s28+$0x3670] =	vst.add.f32.msk $0xffff, v24  }
0xaf: {  	[tilespmem:s28+$0x3680] =	vst.add.f32.msk $0xffff, v25  }
0xb0: {  	[tilespmem:s28+$0x3690] =	vst.add.f32.msk $0xffff, v26  }
0xb1: {  	[tilespmem:s28+$0x36A0] =	vst.add.f32.msk $0xffff, v27  }
0xb2: {  	[tilespmem:s28+$0x36B0] =	vst.add.f32.msk $0xffff, v28  }
0xb3: {  	[tilespmem:s28+$0x36C0] =	vst.add.f32.msk $0xffff, v29  }
0xb4: {  	[tilespmem:s28+$0x36D0] =	vst.add.f32.msk $0xffff, v30  }
0xb5: {  	[tilespmem:s28+$0x36E0] =	vst.add.f32.msk $0xffff, v31  }
0xb6: {  	[tilespmem:s28+$0x36F0] =	vst.add.f32.msk $0xffff, v32  }
0xb7: {  	[tilespmem:s28+$0x3700] =	vst.add.f32.msk $0xffff, v33  }
0xb8: {  	[tilespmem:s28+$0x3710] =	vst.add.f32.msk $0xffff, v34  }
0xb9: {  	[tilespmem:s28+$0x3720] =	vst.add.f32.msk $0xffff, v35  }
0xba: {  	[tilespmem:s28+$0x3730] =	vst.add.f32.msk $0xffff, v36  }
0xbb: {  	[tilespmem:s28+$0x3740] =	vst.add.f32.msk $0xffff, v37  }
0xbc: {  	[tilespmem:s28+$0x3750] =	vst.add.f32.msk $0xffff, v38  }
0xbd: {  	[tilespmem:s28+$0x3760] =	vst.add.f32.msk $0xffff, v39  }
0xbe: {  	[tilespmem:s28+$0x3770] =	vst.add.f32.msk $0xffff, v40  }
0xbf: {  	[tilespmem:s28+$0x3780] =	vst.add.f32.msk $0xffff, v41  }
0xc0: {  	[tilespmem:s28+$0x3790] =	vst.add.f32.msk $0xffff, v42  }
.Ltmp0:
0xc1: {  	[tilespmem:s28+$0x37A0] =	vst.add.f32.msk $0xffff, v43;
	(pc) =	sbr.rel @p0 .LBB2_3-.Ltmp0, $4  }
0xc2: {  	[tilespmem:s28+$0x37B0] =	vst.add.f32.msk $0xffff, v44  }
0xc3: {  	[tilespmem:s28+$0x37C0] =	vst.add.f32.msk $0xffff, v45  }
0xc4: {  	[tilespmem:s28+$0x37D0] =	vst.add.f32.msk $0xffff, v46  }
0xc5: {  	[tilespmem:s28+$0x37E0] =	vst.add.f32.msk $0xffff, v47;
	s28 =	sshra.s32 s29, $0x2;
	s29 =	sadd.s32 $0x800, s29  }
0xc6: {  	v17 =	vld [tilespmem:s28+$0xB7F0]  }
0xc7: {  	v18 =	vld [tilespmem:s28+$0xB600]  }
0xc8: {  	v19 =	vld [tilespmem:s28+$0xB610]  }
0xc9: {  	v20 =	vld [tilespmem:s28+$0xB620]  }
0xca: {  	v21 =	vld [tilespmem:s28+$0xB630]  }
0xcb: {  	v22 =	vld [tilespmem:s28+$0xB650]  }
0xcc: {  	v23 =	vld [tilespmem:s28+$0xB660]  }
0xcd: {  	v24 =	vld [tilespmem:s28+$0xB670]  }
0xce: {  	v25 =	vld [tilespmem:s28+$0xB680]  }
0xcf: {  	v26 =	vld [tilespmem:s28+$0xB690]  }
0xd0: {  	v27 =	vld [tilespmem:s28+$0xB6A0]  }
0xd1: {  	v28 =	vld [tilespmem:s28+$0xB6B0]  }
0xd2: {  	v29 =	vld [tilespmem:s28+$0xB6C0]  }
0xd3: {  	v30 =	vld [tilespmem:s28+$0xB6D0]  }
0xd4: {  	v31 =	vld [tilespmem:s28+$0xB6E0]  }
0xd5: {  	v32 =	vld [tilespmem:s28+$0xB6F0]  }
0xd6: {  	v33 =	vld [tilespmem:s28+$0xB700]  }
0xd7: {  	v34 =	vld [tilespmem:s28+$0xB710]  }
0xd8: {  	v35 =	vld [tilespmem:s28+$0xB720]  }
0xd9: {  	v36 =	vld [tilespmem:s28+$0xB730]  }
0xda: {  	v37 =	vld [tilespmem:s28+$0xB740]  }
0xdb: {  	v38 =	vld [tilespmem:s28+$0xB750]  }
0xdc: {  	v39 =	vld [tilespmem:s28+$0xB760]  }
0xdd: {  	v40 =	vld [tilespmem:s28+$0xB770]  }
0xde: {  	v41 =	vld [tilespmem:s28+$0xB780]  }
0xdf: {  	v42 =	vld [tilespmem:s28+$0xB790]  }
0xe0: {  	v43 =	vld [tilespmem:s28+$0xB7A0]  }
0xe1: {  	v44 =	vld [tilespmem:s28+$0xB7B0]  }
0xe2: {  	v45 =	vld [tilespmem:s28+$0xB7C0]  }
0xe3: {  	v46 =	vld [tilespmem:s28+$0xB7D0]  }
0xe4: {  	v47 =	vld [tilespmem:s28+$0xB7E0]  }
0xe5: {  	[tilespmem:s28+$0x37F0] =	vst.add.f32.msk $0xffff, v17  }
0xe6: {  	v17 =	vld [tilespmem:s28+$0xB640]  }
0xe7: {  	[tilespmem:s28+$0x3600] =	vst.add.f32.msk $0xffff, v18  }
0xe8: {  	[tilespmem:s28+$0x3610] =	vst.add.f32.msk $0xffff, v19  }
0xe9: {  	[tilespmem:s28+$0x3620] =	vst.add.f32.msk $0xffff, v20  }
0xea: {  	[tilespmem:s28+$0x3630] =	vst.add.f32.msk $0xffff, v21  }
0xeb: {  	[tilespmem:s28+$0x3650] =	vst.add.f32.msk $0xffff, v22  }
0xec: {  	[tilespmem:s28+$0x3660] =	vst.add.f32.msk $0xffff, v23  }
0xed: {  	[tilespmem:s28+$0x3670] =	vst.add.f32.msk $0xffff, v24  }
0xee: {  	[tilespmem:s28+$0x3680] =	vst.add.f32.msk $0xffff, v25  }
0xef: {  	[tilespmem:s28+$0x3690] =	vst.add.f32.msk $0xffff, v26  }
0xf0: {  	[tilespmem:s28+$0x36A0] =	vst.add.f32.msk $0xffff, v27  }
0xf1: {  	[tilespmem:s28+$0x36B0] =	vst.add.f32.msk $0xffff, v28  }
0xf2: {  	[tilespmem:s28+$0x36C0] =	vst.add.f32.msk $0xffff, v29  }
0xf3: {  	[tilespmem:s28+$0x36D0] =	vst.add.f32.msk $0xffff, v30  }
0xf4: {  	[tilespmem:s28+$0x36E0] =	vst.add.f32.msk $0xffff, v31  }
0xf5: {  	[tilespmem:s28+$0x36F0] =	vst.add.f32.msk $0xffff, v32  }
0xf6: {  	[tilespmem:s28+$0x3700] =	vst.add.f32.msk $0xffff, v33  }
0xf7: {  	[tilespmem:s28+$0x3710] =	vst.add.f32.msk $0xffff, v34  }
0xf8: {  	[tilespmem:s28+$0x3720] =	vst.add.f32.msk $0xffff, v35  }
0xf9: {  	[tilespmem:s28+$0x3730] =	vst.add.f32.msk $0xffff, v36  }
0xfa: {  	[tilespmem:s28+$0x3740] =	vst.add.f32.msk $0xffff, v37  }
0xfb: {  	[tilespmem:s28+$0x3750] =	vst.add.f32.msk $0xffff, v38  }
0xfc: {  	[tilespmem:s28+$0x3760] =	vst.add.f32.msk $0xffff, v39  }
0xfd: {  	[tilespmem:s28+$0x3770] =	vst.add.f32.msk $0xffff, v40  }
0xfe: {  	[tilespmem:s28+$0x3780] =	vst.add.f32.msk $0xffff, v41  }
0xff: {  	[tilespmem:s28+$0x3790] =	vst.add.f32.msk $0xffff, v42  }
0x100: {  	[tilespmem:s28+$0x37A0] =	vst.add.f32.msk $0xffff, v43  }
0x101: {  	[tilespmem:s28+$0x37B0] =	vst.add.f32.msk $0xffff, v44  }
0x102: {  	s29 =	sshll.u32 s25, $0xF;
	[tilespmem:s28+$0x37C0] =	vst.add.f32.msk $0xffff, v45  }
0x103: {  	s29 =	sadd.s32 s10, s29;
	[tilespmem:s28+$0x37D0] =	vst.add.f32.msk $0xffff, v46  }
0x104: {  	s29 =	sshrl.u32 s29, $0x3;
	[tilespmem:s28+$0x37E0] =	vst.add.f32.msk $0xffff, v47  }
0x105: {  	[tilespmem:s28+$0x3640] =	vst.add.f32.msk $0xffff, v17;
	s28 =	sadd.s32 s5, s29;
	s29 =	simm.s32 $0x0  }
0x106: {  	[hbm4b:s28+s29] =	stream.linear.scatter [tilespmem:s22], [sflag:$0x5], $0x2000, $0x38;
	[tilespmem:$0x13600] =	vst v63  }
0x107: {  	_ =	swait.ge [sflag:s15], $0x2000  }
0x108: {  	[sflag:s15] =	ssyncset.done $0x0  }
0x109: {  	[sflag:s15] =	ssyncadd.s32 $0xFFFFE000  }
0x10a: {  	_ =	swait.ge [sflag:s15], $0x2000  }
0x10b: {  	[sflag:s15] =	ssyncset.done $0x0  }
0x10c: {  	s29 =	simm.s32 $0x0;
	s28 =	simm.s32 $0x800;
	[sflag:s15] =	ssyncadd.s32 $0xFFFFE000  }
.LBB2_5:
0x10d: {  	p0 =	sne.s32 s28, $0x7800;
	v17 =	vld [tilespmem:s29+$0xD7F0]  }
0x10e: {  	v18 =	vld [tilespmem:s29+$0xD600]  }
0x10f: {  	v19 =	vld [tilespmem:s29+$0xD610]  }
0x110: {  	v20 =	vld [tilespmem:s29+$0xD620]  }
0x111: {  	v21 =	vld [tilespmem:s29+$0xD630]  }
0x112: {  	[tilespmem:s29+$0x57F0] =	vst.add.f32.msk $0xffff, v17  }
0x113: {  	v17 =	vld [tilespmem:s29+$0xD640]  }
0x114: {  	v22 =	vld [tilespmem:s29+$0xD650]  }
0x115: {  	v23 =	vld [tilespmem:s29+$0xD660]  }
0x116: {  	v24 =	vld [tilespmem:s29+$0xD670]  }
0x117: {  	v25 =	vld [tilespmem:s29+$0xD680]  }
0x118: {  	v26 =	vld [tilespmem:s29+$0xD690]  }
0x119: {  	v27 =	vld [tilespmem:s29+$0xD6A0]  }
0x11a: {  	v28 =	vld [tilespmem:s29+$0xD6B0]  }
0x11b: {  	v29 =	vld [tilespmem:s29+$0xD6C0]  }
0x11c: {  	v30 =	vld [tilespmem:s29+$0xD6D0]  }
0x11d: {  	v31 =	vld [tilespmem:s29+$0xD6E0]  }
0x11e: {  	v32 =	vld [tilespmem:s29+$0xD6F0]  }
0x11f: {  	v33 =	vld [tilespmem:s29+$0xD700]  }
0x120: {  	v34 =	vld [tilespmem:s29+$0xD710]  }
0x121: {  	v35 =	vld [tilespmem:s29+$0xD720]  }
0x122: {  	v36 =	vld [tilespmem:s29+$0xD730]  }
0x123: {  	v37 =	vld [tilespmem:s29+$0xD740]  }
0x124: {  	v38 =	vld [tilespmem:s29+$0xD750]  }
0x125: {  	v39 =	vld [tilespmem:s29+$0xD760]  }
0x126: {  	v40 =	vld [tilespmem:s29+$0xD770]  }
0x127: {  	v41 =	vld [tilespmem:s29+$0xD780]  }
0x128: {  	v42 =	vld [tilespmem:s29+$0xD790]  }
0x129: {  	v43 =	vld [tilespmem:s29+$0xD7A0]  }
0x12a: {  	v44 =	vld [tilespmem:s29+$0xD7B0]  }
0x12b: {  	v45 =	vld [tilespmem:s29+$0xD7C0]  }
0x12c: {  	v46 =	vld [tilespmem:s29+$0xD7D0]  }
0x12d: {  	v47 =	vld [tilespmem:s29+$0xD7E0]  }
0x12e: {  	[tilespmem:s29+$0x5600] =	vst.add.f32.msk $0xffff, v18  }
0x12f: {  	[tilespmem:s29+$0x5610] =	vst.add.f32.msk $0xffff, v19  }
0x130: {  	[tilespmem:s29+$0x5620] =	vst.add.f32.msk $0xffff, v20  }
0x131: {  	[tilespmem:s29+$0x5630] =	vst.add.f32.msk $0xffff, v21  }
0x132: {  	[tilespmem:s29+$0x5640] =	vst.add.f32.msk $0xffff, v17  }
0x133: {  	[tilespmem:s29+$0x5650] =	vst.add.f32.msk $0xffff, v22  }
0x134: {  	[tilespmem:s29+$0x5660] =	vst.add.f32.msk $0xffff, v23  }
0x135: {  	[tilespmem:s29+$0x5670] =	vst.add.f32.msk $0xffff, v24  }
0x136: {  	[tilespmem:s29+$0x5680] =	vst.add.f32.msk $0xffff, v25  }
0x137: {  	[tilespmem:s29+$0x5690] =	vst.add.f32.msk $0xffff, v26  }
0x138: {  	[tilespmem:s29+$0x56A0] =	vst.add.f32.msk $0xffff, v27  }
0x139: {  	[tilespmem:s29+$0x56B0] =	vst.add.f32.msk $0xffff, v28  }
0x13a: {  	[tilespmem:s29+$0x56C0] =	vst.add.f32.msk $0xffff, v29  }
0x13b: {  	[tilespmem:s29+$0x56D0] =	vst.add.f32.msk $0xffff, v30  }
0x13c: {  	[tilespmem:s29+$0x56E0] =	vst.add.f32.msk $0xffff, v31  }
0x13d: {  	[tilespmem:s29+$0x56F0] =	vst.add.f32.msk $0xffff, v32  }
0x13e: {  	[tilespmem:s29+$0x5700] =	vst.add.f32.msk $0xffff, v33  }
0x13f: {  	[tilespmem:s29+$0x5710] =	vst.add.f32.msk $0xffff, v34  }
0x140: {  	[tilespmem:s29+$0x5720] =	vst.add.f32.msk $0xffff, v35  }
0x141: {  	[tilespmem:s29+$0x5730] =	vst.add.f32.msk $0xffff, v36  }
0x142: {  	[tilespmem:s29+$0x5740] =	vst.add.f32.msk $0xffff, v37  }
0x143: {  	[tilespmem:s29+$0x5750] =	vst.add.f32.msk $0xffff, v38  }
0x144: {  	[tilespmem:s29+$0x5760] =	vst.add.f32.msk $0xffff, v39  }
0x145: {  	[tilespmem:s29+$0x5770] =	vst.add.f32.msk $0xffff, v40  }
0x146: {  	[tilespmem:s29+$0x5780] =	vst.add.f32.msk $0xffff, v41  }
0x147: {  	[tilespmem:s29+$0x5790] =	vst.add.f32.msk $0xffff, v42  }
.Ltmp1:
0x148: {  	[tilespmem:s29+$0x57A0] =	vst.add.f32.msk $0xffff, v43;
	(pc) =	sbr.rel @p0 .LBB2_5-.Ltmp1, $4  }
0x149: {  	[tilespmem:s29+$0x57B0] =	vst.add.f32.msk $0xffff, v44  }
0x14a: {  	[tilespmem:s29+$0x57C0] =	vst.add.f32.msk $0xffff, v45  }
0x14b: {  	[tilespmem:s29+$0x57D0] =	vst.add.f32.msk $0xffff, v46  }
0x14c: {  	[tilespmem:s29+$0x57E0] =	vst.add.f32.msk $0xffff, v47;
	s29 =	sshra.s32 s28, $0x2;
	s28 =	sadd.s32 $0x800, s28  }
0x14d: {  	v17 =	vld [tilespmem:s29+$0xD7F0]  }
0x14e: {  	v18 =	vld [tilespmem:s29+$0xD600]  }
0x14f: {  	v19 =	vld [tilespmem:s29+$0xD610]  }
0x150: {  	v20 =	vld [tilespmem:s29+$0xD620]  }
0x151: {  	v21 =	vld [tilespmem:s29+$0xD630]  }
0x152: {  	v22 =	vld [tilespmem:s29+$0xD650]  }
0x153: {  	v23 =	vld [tilespmem:s29+$0xD660]  }
0x154: {  	v24 =	vld [tilespmem:s29+$0xD670]  }
0x155: {  	v25 =	vld [tilespmem:s29+$0xD680]  }
0x156: {  	v26 =	vld [tilespmem:s29+$0xD690]  }
0x157: {  	v27 =	vld [tilespmem:s29+$0xD6A0]  }
0x158: {  	v28 =	vld [tilespmem:s29+$0xD6B0]  }
0x159: {  	v29 =	vld [tilespmem:s29+$0xD6C0]  }
0x15a: {  	v30 =	vld [tilespmem:s29+$0xD6D0]  }
0x15b: {  	v31 =	vld [tilespmem:s29+$0xD6E0]  }
0x15c: {  	v32 =	vld [tilespmem:s29+$0xD6F0]  }
0x15d: {  	v33 =	vld [tilespmem:s29+$0xD700]  }
0x15e: {  	v34 =	vld [tilespmem:s29+$0xD710]  }
0x15f: {  	v35 =	vld [tilespmem:s29+$0xD720]  }
0x160: {  	v36 =	vld [tilespmem:s29+$0xD730]  }
0x161: {  	v37 =	vld [tilespmem:s29+$0xD740]  }
0x162: {  	v38 =	vld [tilespmem:s29+$0xD750]  }
0x163: {  	v39 =	vld [tilespmem:s29+$0xD760]  }
0x164: {  	v40 =	vld [tilespmem:s29+$0xD770]  }
0x165: {  	v41 =	vld [tilespmem:s29+$0xD780]  }
0x166: {  	v42 =	vld [tilespmem:s29+$0xD790]  }
0x167: {  	v43 =	vld [tilespmem:s29+$0xD7A0]  }
0x168: {  	v44 =	vld [tilespmem:s29+$0xD7B0]  }
0x169: {  	v45 =	vld [tilespmem:s29+$0xD7C0]  }
0x16a: {  	v46 =	vld [tilespmem:s29+$0xD7D0]  }
0x16b: {  	v47 =	vld [tilespmem:s29+$0xD7E0]  }
0x16c: {  	[tilespmem:s29+$0x57F0] =	vst.add.f32.msk $0xffff, v17  }
0x16d: {  	v17 =	vld [tilespmem:s29+$0xD640]  }
0x16e: {  	[tilespmem:s29+$0x5600] =	vst.add.f32.msk $0xffff, v18  }
0x16f: {  	[tilespmem:s29+$0x5610] =	vst.add.f32.msk $0xffff, v19  }
0x170: {  	[tilespmem:s29+$0x5620] =	vst.add.f32.msk $0xffff, v20  }
0x171: {  	[tilespmem:s29+$0x5630] =	vst.add.f32.msk $0xffff, v21  }
0x172: {  	[tilespmem:s29+$0x5650] =	vst.add.f32.msk $0xffff, v22  }
0x173: {  	[tilespmem:s29+$0x5660] =	vst.add.f32.msk $0xffff, v23  }
0x174: {  	[tilespmem:s29+$0x5670] =	vst.add.f32.msk $0xffff, v24  }
0x175: {  	[tilespmem:s29+$0x5680] =	vst.add.f32.msk $0xffff, v25  }
0x176: {  	[tilespmem:s29+$0x5690] =	vst.add.f32.msk $0xffff, v26  }
0x177: {  	[tilespmem:s29+$0x56A0] =	vst.add.f32.msk $0xffff, v27  }
0x178: {  	[tilespmem:s29+$0x56B0] =	vst.add.f32.msk $0xffff, v28  }
0x179: {  	[tilespmem:s29+$0x56C0] =	vst.add.f32.msk $0xffff, v29  }
0x17a: {  	[tilespmem:s29+$0x56D0] =	vst.add.f32.msk $0xffff, v30  }
0x17b: {  	[tilespmem:s29+$0x56E0] =	vst.add.f32.msk $0xffff, v31  }
0x17c: {  	[tilespmem:s29+$0x56F0] =	vst.add.f32.msk $0xffff, v32  }
0x17d: {  	[tilespmem:s29+$0x5700] =	vst.add.f32.msk $0xffff, v33  }
0x17e: {  	[tilespmem:s29+$0x5710] =	vst.add.f32.msk $0xffff, v34  }
0x17f: {  	[tilespmem:s29+$0x5720] =	vst.add.f32.msk $0xffff, v35  }
0x180: {  	[tilespmem:s29+$0x5730] =	vst.add.f32.msk $0xffff, v36  }
0x181: {  	[tilespmem:s29+$0x5740] =	vst.add.f32.msk $0xffff, v37  }
0x182: {  	[tilespmem:s29+$0x5750] =	vst.add.f32.msk $0xffff, v38  }
0x183: {  	[tilespmem:s29+$0x5760] =	vst.add.f32.msk $0xffff, v39  }
0x184: {  	[tilespmem:s29+$0x5770] =	vst.add.f32.msk $0xffff, v40  }
0x185: {  	[tilespmem:s29+$0x5780] =	vst.add.f32.msk $0xffff, v41  }
0x186: {  	[tilespmem:s29+$0x5790] =	vst.add.f32.msk $0xffff, v42  }
0x187: {  	[tilespmem:s29+$0x57A0] =	vst.add.f32.msk $0xffff, v43  }
0x188: {  	[tilespmem:s29+$0x57B0] =	vst.add.f32.msk $0xffff, v44  }
0x189: {  	s28 =	sshll.u32 s25, $0x8;
	[tilespmem:s29+$0x57C0] =	vst.add.f32.msk $0xffff, v45  }
0x18a: {  	s30 =	sadd.s32 s28, s2;
	[tilespmem:s29+$0x57D0] =	vst.add.f32.msk $0xffff, v46  }
0x18b: {  	s30 =	sshll.u32 s30, $0x4;
	[tilespmem:s29+$0x57E0] =	vst.add.f32.msk $0xffff, v47  }
0x18c: {  	[tilespmem:s29+$0x5640] =	vst.add.f32.msk $0xffff, v17;
	s29 =	sadd.s32 s5, s30;
	s30 =	simm.s32 $0x0  }
0x18d: {  	[hbm4b:s29+s30] =	stream.linear.scatter [tilespmem:s26], [sflag:$0x6], $0x2000, $0x38;
	[tilespmem:$0x13600] =	vst v63  }
0x18e: {  	_ =	swait.ge [sflag:s16], $0x2000  }
0x18f: {  	[sflag:s16] =	ssyncset.done $0x0  }
0x190: {  	[sflag:s16] =	ssyncadd.s32 $0xFFFFE000  }
0x191: {  	_ =	swait.ge [sflag:s16], $0x2000  }
0x192: {  	[sflag:s16] =	ssyncset.done $0x0  }
0x193: {  	s29 =	simm.s32 $0x0;
	s30 =	simm.s32 $0x800;
	[sflag:s16] =	ssyncadd.s32 $0xFFFFE000  }
.LBB2_7:
0x194: {  	p0 =	sne.s32 s30, $0x7800;
	v17 =	vld [tilespmem:s29+$0xF7F0]  }
0x195: {  	v18 =	vld [tilespmem:s29+$0xF600]  }
0x196: {  	v19 =	vld [tilespmem:s29+$0xF610]  }
0x197: {  	v20 =	vld [tilespmem:s29+$0xF620]  }
0x198: {  	v21 =	vld [tilespmem:s29+$0xF630]  }
0x199: {  	[tilespmem:s29+$0x77F0] =	vst.add.f32.msk $0xffff, v17  }
0x19a: {  	v17 =	vld [tilespmem:s29+$0xF640]  }
0x19b: {  	v22 =	vld [tilespmem:s29+$0xF650]  }
0x19c: {  	v23 =	vld [tilespmem:s29+$0xF660]  }
0x19d: {  	v24 =	vld [tilespmem:s29+$0xF670]  }
0x19e: {  	v25 =	vld [tilespmem:s29+$0xF680]  }
0x19f: {  	v26 =	vld [tilespmem:s29+$0xF690]  }
0x1a0: {  	v27 =	vld [tilespmem:s29+$0xF6A0]  }
0x1a1: {  	v28 =	vld [tilespmem:s29+$0xF6B0]  }
0x1a2: {  	v29 =	vld [tilespmem:s29+$0xF6C0]  }
0x1a3: {  	v30 =	vld [tilespmem:s29+$0xF6D0]  }
0x1a4: {  	v31 =	vld [tilespmem:s29+$0xF6E0]  }
0x1a5: {  	v32 =	vld [tilespmem:s29+$0xF6F0]  }
0x1a6: {  	v33 =	vld [tilespmem:s29+$0xF700]  }
0x1a7: {  	v34 =	vld [tilespmem:s29+$0xF710]  }
0x1a8: {  	v35 =	vld [tilespmem:s29+$0xF720]  }
0x1a9: {  	v36 =	vld [tilespmem:s29+$0xF730]  }
0x1aa: {  	v37 =	vld [tilespmem:s29+$0xF740]  }
0x1ab: {  	v38 =	vld [tilespmem:s29+$0xF750]  }
0x1ac: {  	v39 =	vld [tilespmem:s29+$0xF760]  }
0x1ad: {  	v40 =	vld [tilespmem:s29+$0xF770]  }
0x1ae: {  	v41 =	vld [tilespmem:s29+$0xF780]  }
0x1af: {  	v42 =	vld [tilespmem:s29+$0xF790]  }
0x1b0: {  	v43 =	vld [tilespmem:s29+$0xF7A0]  }
0x1b1: {  	v44 =	vld [tilespmem:s29+$0xF7B0]  }
0x1b2: {  	v45 =	vld [tilespmem:s29+$0xF7C0]  }
0x1b3: {  	v46 =	vld [tilespmem:s29+$0xF7D0]  }
0x1b4: {  	v47 =	vld [tilespmem:s29+$0xF7E0]  }
0x1b5: {  	[tilespmem:s29+$0x7600] =	vst.add.f32.msk $0xffff, v18  }
0x1b6: {  	[tilespmem:s29+$0x7610] =	vst.add.f32.msk $0xffff, v19  }
0x1b7: {  	[tilespmem:s29+$0x7620] =	vst.add.f32.msk $0xffff, v20  }
0x1b8: {  	[tilespmem:s29+$0x7630] =	vst.add.f32.msk $0xffff, v21  }
0x1b9: {  	[tilespmem:s29+$0x7640] =	vst.add.f32.msk $0xffff, v17  }
0x1ba: {  	[tilespmem:s29+$0x7650] =	vst.add.f32.msk $0xffff, v22  }
0x1bb: {  	[tilespmem:s29+$0x7660] =	vst.add.f32.msk $0xffff, v23  }
0x1bc: {  	[tilespmem:s29+$0x7670] =	vst.add.f32.msk $0xffff, v24  }
0x1bd: {  	[tilespmem:s29+$0x7680] =	vst.add.f32.msk $0xffff, v25  }
0x1be: {  	[tilespmem:s29+$0x7690] =	vst.add.f32.msk $0xffff, v26  }
0x1bf: {  	[tilespmem:s29+$0x76A0] =	vst.add.f32.msk $0xffff, v27  }
0x1c0: {  	[tilespmem:s29+$0x76B0] =	vst.add.f32.msk $0xffff, v28  }
0x1c1: {  	[tilespmem:s29+$0x76C0] =	vst.add.f32.msk $0xffff, v29  }
0x1c2: {  	[tilespmem:s29+$0x76D0] =	vst.add.f32.msk $0xffff, v30  }
0x1c3: {  	[tilespmem:s29+$0x76E0] =	vst.add.f32.msk $0xffff, v31  }
0x1c4: {  	[tilespmem:s29+$0x76F0] =	vst.add.f32.msk $0xffff, v32  }
0x1c5: {  	[tilespmem:s29+$0x7700] =	vst.add.f32.msk $0xffff, v33  }
0x1c6: {  	[tilespmem:s29+$0x7710] =	vst.add.f32.msk $0xffff, v34  }
0x1c7: {  	[tilespmem:s29+$0x7720] =	vst.add.f32.msk $0xffff, v35  }
0x1c8: {  	[tilespmem:s29+$0x7730] =	vst.add.f32.msk $0xffff, v36  }
0x1c9: {  	[tilespmem:s29+$0x7740] =	vst.add.f32.msk $0xffff, v37  }
0x1ca: {  	[tilespmem:s29+$0x7750] =	vst.add.f32.msk $0xffff, v38  }
0x1cb: {  	[tilespmem:s29+$0x7760] =	vst.add.f32.msk $0xffff, v39  }
0x1cc: {  	[tilespmem:s29+$0x7770] =	vst.add.f32.msk $0xffff, v40  }
0x1cd: {  	[tilespmem:s29+$0x7780] =	vst.add.f32.msk $0xffff, v41  }
0x1ce: {  	[tilespmem:s29+$0x7790] =	vst.add.f32.msk $0xffff, v42  }
.Ltmp2:
0x1cf: {  	[tilespmem:s29+$0x77A0] =	vst.add.f32.msk $0xffff, v43;
	(pc) =	sbr.rel @p0 .LBB2_7-.Ltmp2, $4  }
0x1d0: {  	[tilespmem:s29+$0x77B0] =	vst.add.f32.msk $0xffff, v44  }
0x1d1: {  	[tilespmem:s29+$0x77C0] =	vst.add.f32.msk $0xffff, v45  }
0x1d2: {  	[tilespmem:s29+$0x77D0] =	vst.add.f32.msk $0xffff, v46  }
0x1d3: {  	[tilespmem:s29+$0x77E0] =	vst.add.f32.msk $0xffff, v47;
	s29 =	sshra.s32 s30, $0x2;
	s30 =	sadd.s32 $0x800, s30  }
0x1d4: {  	v17 =	vld [tilespmem:s29+$0xF7F0]  }
0x1d5: {  	v18 =	vld [tilespmem:s29+$0xF600]  }
0x1d6: {  	v19 =	vld [tilespmem:s29+$0xF610]  }
0x1d7: {  	v20 =	vld [tilespmem:s29+$0xF620]  }
0x1d8: {  	v21 =	vld [tilespmem:s29+$0xF630]  }
0x1d9: {  	v22 =	vld [tilespmem:s29+$0xF650]  }
0x1da: {  	v23 =	vld [tilespmem:s29+$0xF660]  }
0x1db: {  	v24 =	vld [tilespmem:s29+$0xF670]  }
0x1dc: {  	v25 =	vld [tilespmem:s29+$0xF680]  }
0x1dd: {  	v26 =	vld [tilespmem:s29+$0xF690]  }
0x1de: {  	v27 =	vld [tilespmem:s29+$0xF6A0]  }
0x1df: {  	v28 =	vld [tilespmem:s29+$0xF6B0]  }
0x1e0: {  	v29 =	vld [tilespmem:s29+$0xF6C0]  }
0x1e1: {  	v30 =	vld [tilespmem:s29+$0xF6D0]  }
0x1e2: {  	v31 =	vld [tilespmem:s29+$0xF6E0]  }
0x1e3: {  	v32 =	vld [tilespmem:s29+$0xF6F0]  }
0x1e4: {  	v33 =	vld [tilespmem:s29+$0xF700]  }
0x1e5: {  	v34 =	vld [tilespmem:s29+$0xF710]  }
0x1e6: {  	v35 =	vld [tilespmem:s29+$0xF720]  }
0x1e7: {  	v36 =	vld [tilespmem:s29+$0xF730]  }
0x1e8: {  	v37 =	vld [tilespmem:s29+$0xF740]  }
0x1e9: {  	v38 =	vld [tilespmem:s29+$0xF750]  }
0x1ea: {  	v39 =	vld [tilespmem:s29+$0xF760]  }
0x1eb: {  	v40 =	vld [tilespmem:s29+$0xF770]  }
0x1ec: {  	v41 =	vld [tilespmem:s29+$0xF780]  }
0x1ed: {  	v42 =	vld [tilespmem:s29+$0xF790]  }
0x1ee: {  	v43 =	vld [tilespmem:s29+$0xF7A0]  }
0x1ef: {  	v44 =	vld [tilespmem:s29+$0xF7B0]  }
0x1f0: {  	v45 =	vld [tilespmem:s29+$0xF7C0]  }
0x1f1: {  	v46 =	vld [tilespmem:s29+$0xF7D0]  }
0x1f2: {  	v47 =	vld [tilespmem:s29+$0xF7E0]  }
0x1f3: {  	[tilespmem:s29+$0x77F0] =	vst.add.f32.msk $0xffff, v17  }
0x1f4: {  	v17 =	vld [tilespmem:s29+$0xF640]  }
0x1f5: {  	[tilespmem:s29+$0x7600] =	vst.add.f32.msk $0xffff, v18  }
0x1f6: {  	[tilespmem:s29+$0x7610] =	vst.add.f32.msk $0xffff, v19  }
0x1f7: {  	[tilespmem:s29+$0x7620] =	vst.add.f32.msk $0xffff, v20  }
0x1f8: {  	[tilespmem:s29+$0x7630] =	vst.add.f32.msk $0xffff, v21  }
0x1f9: {  	[tilespmem:s29+$0x7650] =	vst.add.f32.msk $0xffff, v22  }
0x1fa: {  	[tilespmem:s29+$0x7660] =	vst.add.f32.msk $0xffff, v23  }
0x1fb: {  	[tilespmem:s29+$0x7670] =	vst.add.f32.msk $0xffff, v24  }
0x1fc: {  	[tilespmem:s29+$0x7680] =	vst.add.f32.msk $0xffff, v25  }
0x1fd: {  	[tilespmem:s29+$0x7690] =	vst.add.f32.msk $0xffff, v26  }
0x1fe: {  	[tilespmem:s29+$0x76A0] =	vst.add.f32.msk $0xffff, v27  }
0x1ff: {  	[tilespmem:s29+$0x76B0] =	vst.add.f32.msk $0xffff, v28  }
0x200: {  	[tilespmem:s29+$0x76C0] =	vst.add.f32.msk $0xffff, v29  }
0x201: {  	[tilespmem:s29+$0x76D0] =	vst.add.f32.msk $0xffff, v30  }
0x202: {  	[tilespmem:s29+$0x76E0] =	vst.add.f32.msk $0xffff, v31  }
0x203: {  	[tilespmem:s29+$0x76F0] =	vst.add.f32.msk $0xffff, v32  }
0x204: {  	[tilespmem:s29+$0x7700] =	vst.add.f32.msk $0xffff, v33  }
0x205: {  	[tilespmem:s29+$0x7710] =	vst.add.f32.msk $0xffff, v34  }
0x206: {  	[tilespmem:s29+$0x7720] =	vst.add.f32.msk $0xffff, v35  }
0x207: {  	[tilespmem:s29+$0x7730] =	vst.add.f32.msk $0xffff, v36  }
0x208: {  	[tilespmem:s29+$0x7740] =	vst.add.f32.msk $0xffff, v37  }
0x209: {  	[tilespmem:s29+$0x7750] =	vst.add.f32.msk $0xffff, v38  }
0x20a: {  	[tilespmem:s29+$0x7760] =	vst.add.f32.msk $0xffff, v39  }
0x20b: {  	[tilespmem:s29+$0x7770] =	vst.add.f32.msk $0xffff, v40  }
0x20c: {  	[tilespmem:s29+$0x7780] =	vst.add.f32.msk $0xffff, v41  }
0x20d: {  	[tilespmem:s29+$0x7790] =	vst.add.f32.msk $0xffff, v42  }
0x20e: {  	[tilespmem:s29+$0x77A0] =	vst.add.f32.msk $0xffff, v43  }
0x20f: {  	[tilespmem:s29+$0x77B0] =	vst.add.f32.msk $0xffff, v44  }
0x210: {  	[tilespmem:s29+$0x77C0] =	vst.add.f32.msk $0xffff, v45  }
0x211: {  	s30 =	sadd.s32 s28, s7;
	[tilespmem:s29+$0x77D0] =	vst.add.f32.msk $0xffff, v46  }
0x212: {  	s30 =	sshll.u32 s30, $0x4;
	[tilespmem:s29+$0x77E0] =	vst.add.f32.msk $0xffff, v47  }
0x213: {  	[tilespmem:s29+$0x7640] =	vst.add.f32.msk $0xffff, v17;
	s29 =	sadd.s32 s5, s30;
	s30 =	simm.s32 $0x0  }
0x214: {  	[hbm4b:s29+s30] =	stream.linear.scatter [tilespmem:s31], [sflag:$0x7], $0x2000, $0x38;
	[tilespmem:$0x13600] =	vst v63  }
0x215: {  	_ =	swait.ge [sflag:s17], $0x2000  }
0x216: {  	[sflag:s17] =	ssyncset.done $0x0  }
0x217: {  	[sflag:s17] =	ssyncadd.s32 $0xFFFFE000  }
0x218: {  	_ =	swait.ge [sflag:s17], $0x2000  }
0x219: {  	[sflag:s17] =	ssyncset.done $0x0  }
0x21a: {  	s29 =	simm.s32 $0x0;
	s30 =	simm.s32 $0x800;
	[sflag:s17] =	ssyncadd.s32 $0xFFFFE000  }
.LBB2_9:
0x21b: {  	p0 =	sne.s32 s30, $0x7800;
	v17 =	vld [tilespmem:s29+$0x117F0]  }
0x21c: {  	v18 =	vld [tilespmem:s29+$0x11600]  }
0x21d: {  	v19 =	vld [tilespmem:s29+$0x11610]  }
0x21e: {  	v20 =	vld [tilespmem:s29+$0x11620]  }
0x21f: {  	v21 =	vld [tilespmem:s29+$0x11630]  }
0x220: {  	[tilespmem:s29+$0x97F0] =	vst.add.f32.msk $0xffff, v17  }
0x221: {  	v17 =	vld [tilespmem:s29+$0x11640]  }
0x222: {  	v22 =	vld [tilespmem:s29+$0x11650]  }
0x223: {  	v23 =	vld [tilespmem:s29+$0x11660]  }
0x224: {  	v24 =	vld [tilespmem:s29+$0x11670]  }
0x225: {  	v25 =	vld [tilespmem:s29+$0x11680]  }
0x226: {  	v26 =	vld [tilespmem:s29+$0x11690]  }
0x227: {  	v27 =	vld [tilespmem:s29+$0x116A0]  }
0x228: {  	v28 =	vld [tilespmem:s29+$0x116B0]  }
0x229: {  	v29 =	vld [tilespmem:s29+$0x116C0]  }
0x22a: {  	v30 =	vld [tilespmem:s29+$0x116D0]  }
0x22b: {  	v31 =	vld [tilespmem:s29+$0x116E0]  }
0x22c: {  	v32 =	vld [tilespmem:s29+$0x116F0]  }
0x22d: {  	v33 =	vld [tilespmem:s29+$0x11700]  }
0x22e: {  	v34 =	vld [tilespmem:s29+$0x11710]  }
0x22f: {  	v35 =	vld [tilespmem:s29+$0x11720]  }
0x230: {  	v36 =	vld [tilespmem:s29+$0x11730]  }
0x231: {  	v37 =	vld [tilespmem:s29+$0x11740]  }
0x232: {  	v38 =	vld [tilespmem:s29+$0x11750]  }
0x233: {  	v39 =	vld [tilespmem:s29+$0x11760]  }
0x234: {  	v40 =	vld [tilespmem:s29+$0x11770]  }
0x235: {  	v41 =	vld [tilespmem:s29+$0x11780]  }
0x236: {  	v42 =	vld [tilespmem:s29+$0x11790]  }
0x237: {  	v43 =	vld [tilespmem:s29+$0x117A0]  }
0x238: {  	v44 =	vld [tilespmem:s29+$0x117B0]  }
0x239: {  	v45 =	vld [tilespmem:s29+$0x117C0]  }
0x23a: {  	v46 =	vld [tilespmem:s29+$0x117D0]  }
0x23b: {  	v47 =	vld [tilespmem:s29+$0x117E0]  }
0x23c: {  	[tilespmem:s29+$0x9600] =	vst.add.f32.msk $0xffff, v18  }
0x23d: {  	[tilespmem:s29+$0x9610] =	vst.add.f32.msk $0xffff, v19  }
0x23e: {  	[tilespmem:s29+$0x9620] =	vst.add.f32.msk $0xffff, v20  }
0x23f: {  	[tilespmem:s29+$0x9630] =	vst.add.f32.msk $0xffff, v21  }
0x240: {  	[tilespmem:s29+$0x9640] =	vst.add.f32.msk $0xffff, v17  }
0x241: {  	[tilespmem:s29+$0x9650] =	vst.add.f32.msk $0xffff, v22  }
0x242: {  	[tilespmem:s29+$0x9660] =	vst.add.f32.msk $0xffff, v23  }
0x243: {  	[tilespmem:s29+$0x9670] =	vst.add.f32.msk $0xffff, v24  }
0x244: {  	[tilespmem:s29+$0x9680] =	vst.add.f32.msk $0xffff, v25  }
0x245: {  	[tilespmem:s29+$0x9690] =	vst.add.f32.msk $0xffff, v26  }
0x246: {  	[tilespmem:s29+$0x96A0] =	vst.add.f32.msk $0xffff, v27  }
0x247: {  	[tilespmem:s29+$0x96B0] =	vst.add.f32.msk $0xffff, v28  }
0x248: {  	[tilespmem:s29+$0x96C0] =	vst.add.f32.msk $0xffff, v29  }
0x249: {  	[tilespmem:s29+$0x96D0] =	vst.add.f32.msk $0xffff, v30  }
0x24a: {  	[tilespmem:s29+$0x96E0] =	vst.add.f32.msk $0xffff, v31  }
0x24b: {  	[tilespmem:s29+$0x96F0] =	vst.add.f32.msk $0xffff, v32  }
0x24c: {  	[tilespmem:s29+$0x9700] =	vst.add.f32.msk $0xffff, v33  }
0x24d: {  	[tilespmem:s29+$0x9710] =	vst.add.f32.msk $0xffff, v34  }
0x24e: {  	[tilespmem:s29+$0x9720] =	vst.add.f32.msk $0xffff, v35  }
0x24f: {  	[tilespmem:s29+$0x9730] =	vst.add.f32.msk $0xffff, v36  }
0x250: {  	[tilespmem:s29+$0x9740] =	vst.add.f32.msk $0xffff, v37  }
0x251: {  	[tilespmem:s29+$0x9750] =	vst.add.f32.msk $0xffff, v38  }
0x252: {  	[tilespmem:s29+$0x9760] =	vst.add.f32.msk $0xffff, v39  }
0x253: {  	[tilespmem:s29+$0x9770] =	vst.add.f32.msk $0xffff, v40  }
0x254: {  	[tilespmem:s29+$0x9780] =	vst.add.f32.msk $0xffff, v41  }
0x255: {  	[tilespmem:s29+$0x9790] =	vst.add.f32.msk $0xffff, v42  }
.Ltmp3:
0x256: {  	[tilespmem:s29+$0x97A0] =	vst.add.f32.msk $0xffff, v43;
	(pc) =	sbr.rel @p0 .LBB2_9-.Ltmp3, $4  }
0x257: {  	[tilespmem:s29+$0x97B0] =	vst.add.f32.msk $0xffff, v44  }
0x258: {  	[tilespmem:s29+$0x97C0] =	vst.add.f32.msk $0xffff, v45  }
0x259: {  	[tilespmem:s29+$0x97D0] =	vst.add.f32.msk $0xffff, v46  }
0x25a: {  	[tilespmem:s29+$0x97E0] =	vst.add.f32.msk $0xffff, v47;
	s29 =	sshra.s32 s30, $0x2;
	s30 =	sadd.s32 $0x800, s30  }
0x25b: {  	v17 =	vld [tilespmem:s29+$0x117F0]  }
0x25c: {  	v18 =	vld [tilespmem:s29+$0x11600]  }
0x25d: {  	v19 =	vld [tilespmem:s29+$0x11610]  }
0x25e: {  	v20 =	vld [tilespmem:s29+$0x11620]  }
0x25f: {  	v21 =	vld [tilespmem:s29+$0x11630]  }
0x260: {  	v22 =	vld [tilespmem:s29+$0x11650]  }
0x261: {  	v23 =	vld [tilespmem:s29+$0x11660]  }
0x262: {  	v24 =	vld [tilespmem:s29+$0x11670]  }
0x263: {  	v25 =	vld [tilespmem:s29+$0x11680]  }
0x264: {  	v26 =	vld [tilespmem:s29+$0x11690]  }
0x265: {  	v27 =	vld [tilespmem:s29+$0x116A0]  }
0x266: {  	v28 =	vld [tilespmem:s29+$0x116B0]  }
0x267: {  	v29 =	vld [tilespmem:s29+$0x116C0]  }
0x268: {  	v30 =	vld [tilespmem:s29+$0x116D0]  }
0x269: {  	v31 =	vld [tilespmem:s29+$0x116E0]  }
0x26a: {  	v32 =	vld [tilespmem:s29+$0x116F0]  }
0x26b: {  	v33 =	vld [tilespmem:s29+$0x11700]  }
0x26c: {  	v34 =	vld [tilespmem:s29+$0x11710]  }
0x26d: {  	v35 =	vld [tilespmem:s29+$0x11720]  }
0x26e: {  	v36 =	vld [tilespmem:s29+$0x11730]  }
0x26f: {  	v37 =	vld [tilespmem:s29+$0x11740]  }
0x270: {  	v38 =	vld [tilespmem:s29+$0x11750]  }
0x271: {  	v39 =	vld [tilespmem:s29+$0x11760]  }
0x272: {  	v40 =	vld [tilespmem:s29+$0x11770]  }
0x273: {  	v41 =	vld [tilespmem:s29+$0x11780]  }
0x274: {  	v42 =	vld [tilespmem:s29+$0x11790]  }
0x275: {  	v43 =	vld [tilespmem:s29+$0x117A0]  }
0x276: {  	v44 =	vld [tilespmem:s29+$0x117B0]  }
0x277: {  	v45 =	vld [tilespmem:s29+$0x117C0]  }
0x278: {  	v46 =	vld [tilespmem:s29+$0x117D0]  }
0x279: {  	v47 =	vld [tilespmem:s29+$0x117E0]  }
0x27a: {  	[tilespmem:s29+$0x97F0] =	vst.add.f32.msk $0xffff, v17  }
0x27b: {  	v17 =	vld [tilespmem:s29+$0x11640]  }
0x27c: {  	[tilespmem:s29+$0x9600] =	vst.add.f32.msk $0xffff, v18  }
0x27d: {  	[tilespmem:s29+$0x9610] =	vst.add.f32.msk $0xffff, v19  }
0x27e: {  	[tilespmem:s29+$0x9620] =	vst.add.f32.msk $0xffff, v20  }
0x27f: {  	[tilespmem:s29+$0x9630] =	vst.add.f32.msk $0xffff, v21  }
0x280: {  	[tilespmem:s29+$0x9650] =	vst.add.f32.msk $0xffff, v22  }
0x281: {  	[tilespmem:s29+$0x9660] =	vst.add.f32.msk $0xffff, v23  }
0x282: {  	[tilespmem:s29+$0x9670] =	vst.add.f32.msk $0xffff, v24  }
0x283: {  	[tilespmem:s29+$0x9680] =	vst.add.f32.msk $0xffff, v25  }
0x284: {  	[tilespmem:s29+$0x9690] =	vst.add.f32.msk $0xffff, v26  }
0x285: {  	[tilespmem:s29+$0x96A0] =	vst.add.f32.msk $0xffff, v27  }
0x286: {  	[tilespmem:s29+$0x96B0] =	vst.add.f32.msk $0xffff, v28  }
0x287: {  	[tilespmem:s29+$0x96C0] =	vst.add.f32.msk $0xffff, v29  }
0x288: {  	[tilespmem:s29+$0x96D0] =	vst.add.f32.msk $0xffff, v30  }
0x289: {  	[tilespmem:s29+$0x96E0] =	vst.add.f32.msk $0xffff, v31  }
0x28a: {  	[tilespmem:s29+$0x96F0] =	vst.add.f32.msk $0xffff, v32  }
0x28b: {  	[tilespmem:s29+$0x9700] =	vst.add.f32.msk $0xffff, v33  }
0x28c: {  	[tilespmem:s29+$0x9710] =	vst.add.f32.msk $0xffff, v34  }
0x28d: {  	[tilespmem:s29+$0x9720] =	vst.add.f32.msk $0xffff, v35  }
0x28e: {  	[tilespmem:s29+$0x9730] =	vst.add.f32.msk $0xffff, v36  }
0x28f: {  	[tilespmem:s29+$0x9740] =	vst.add.f32.msk $0xffff, v37  }
0x290: {  	[tilespmem:s29+$0x9750] =	vst.add.f32.msk $0xffff, v38  }
0x291: {  	[tilespmem:s29+$0x9760] =	vst.add.f32.msk $0xffff, v39  }
0x292: {  	[tilespmem:s29+$0x9770] =	vst.add.f32.msk $0xffff, v40  }
0x293: {  	[tilespmem:s29+$0x9780] =	vst.add.f32.msk $0xffff, v41  }
0x294: {  	[tilespmem:s29+$0x9790] =	vst.add.f32.msk $0xffff, v42  }
0x295: {  	[tilespmem:s29+$0x97A0] =	vst.add.f32.msk $0xffff, v43  }
0x296: {  	[tilespmem:s29+$0x97B0] =	vst.add.f32.msk $0xffff, v44  }
0x297: {  	[tilespmem:s29+$0x97C0] =	vst.add.f32.msk $0xffff, v45  }
0x298: {  	s30 =	sadd.s32 s28, s12;
	[tilespmem:s29+$0x97D0] =	vst.add.f32.msk $0xffff, v46  }
0x299: {  	s30 =	sshll.u32 s30, $0x4;
	[tilespmem:s29+$0x97E0] =	vst.add.f32.msk $0xffff, v47  }
0x29a: {  	s30 =	sadd.s32 s5, s30;
	[tilespmem:s29+$0x9640] =	vst.add.f32.msk $0xffff, v17  }
0x29b: {  	[hbm4b:s30+s6] =	stream.linear.scatter [tilespmem:s9], [sflag:$0x8], $0x2000, $0x38;
	[tilespmem:$0x13600] =	vst v63  }
0x29c: {  	_ =	swait.ge [sflag:s18], $0x2000  }
0x29d: {  	[sflag:s18] =	ssyncset.done $0x0  }
0x29e: {  	[sflag:s18] =	ssyncadd.s32 $0xFFFFE000  }
0x29f: {  	v17 =	vld [tilespmem:s28+$0x100];
	_ =	sdelay $0x4  }
0x2a0: {  	[tilespmem:$0x3200] =	vst v17  }
0x2a1: {  	v17 =	vld [tilespmem:s28+$0x110];
	_ =	sdelay $0x4  }
0x2a2: {  	[tilespmem:$0x3210] =	vst v17  }
0x2a3: {  	v17 =	vld [tilespmem:s28+$0x120];
	_ =	sdelay $0x4  }
0x2a4: {  	[tilespmem:$0x3220] =	vst v17  }
0x2a5: {  	v17 =	vld [tilespmem:s28+$0x130];
	_ =	sdelay $0x3  }
0x2a6: {  	s29 =	sadd.s32 $0x100, s28  }
0x2a7: {  	s30 =	simm.s32 $0x3200;
	s29 =	sadd.s32 s1, s29;
	[tilespmem:$0x3230] =	vst v17  }
0x2a8: {  	[tilespmem:s22], [sflag:$0x1] =	stream.indirect.gather [hbm4b:s3+s20], $0x80, s30, s20, $0xb8;
	[tilespmem:$0x13600] =	vst v63  }
0x2a9: {  	v17 =	vor.u32 s29, v0;
	v18 =	vld [tilespmem:s28+$0x1A00]  }
0x2aa: {  	v19 =	vmulhi.u32 $0x51EB851F, v17;
	_ =	sdelay $0x1  }
0x2ab: {  	v19 =	vshrl.u32 v19, $0x6  }
0x2ac: {  	v19 =	vmul.u32 $0xC8, v19  }
0x2ad: {  	v18 =	vmul.u32 $0xC8, v18  }
0x2ae: {  	v17 =	vsub.s32 v17, v19  }
0x2af: {  	v17 =	vadd.s32 v17, v18  }
0x2b0: {  	s30 =	sor.u32 $0x10, s29;
	[tilespmem:$0x3400] =	vst v17  }
0x2b1: {  	v17 =	vor.u32 s30, v0;
	v18 =	vld [tilespmem:s28+$0x1A10]  }
0x2b2: {  	v19 =	vmulhi.u32 $0x51EB851F, v17;
	_ =	sdelay $0x1  }
0x2b3: {  	v19 =	vshrl.u32 v19, $0x6  }
0x2b4: {  	v19 =	vmul.u32 $0xC8, v19  }
0x2b5: {  	v18 =	vmul.u32 $0xC8, v18  }
0x2b6: {  	v17 =	vsub.s32 v17, v19  }
0x2b7: {  	v17 =	vadd.s32 v17, v18  }
0x2b8: {  	s30 =	sor.u32 $0x20, s29;
	[tilespmem:$0x3410] =	vst v17  }
0x2b9: {  	v17 =	vor.u32 s30, v0;
	v18 =	vld [tilespmem:s28+$0x1A20]  }
0x2ba: {  	v19 =	vmulhi.u32 $0x51EB851F, v17;
	_ =	sdelay $0x1  }
0x2bb: {  	v19 =	vshrl.u32 v19, $0x6  }
0x2bc: {  	v19 =	vmul.u32 $0xC8, v19  }
0x2bd: {  	v18 =	vmul.u32 $0xC8, v18  }
0x2be: {  	v17 =	vsub.s32 v17, v19  }
0x2bf: {  	v17 =	vadd.s32 v17, v18  }
0x2c0: {  	s29 =	sor.u32 $0x30, s29;
	[tilespmem:$0x3420] =	vst v17  }
0x2c1: {  	v17 =	vor.u32 s29, v0;
	v18 =	vld [tilespmem:s28+$0x1A30]  }
0x2c2: {  	v19 =	vmulhi.u32 $0x51EB851F, v17;
	_ =	sdelay $0x1  }
0x2c3: {  	v19 =	vshrl.u32 v19, $0x6  }
0x2c4: {  	v19 =	vmul.u32 $0xC8, v19  }
0x2c5: {  	v18 =	vmul.u32 $0xC8, v18  }
0x2c6: {  	v17 =	vsub.s32 v17, v19  }
0x2c7: {  	v17 =	vadd.s32 v17, v18  }
0x2c8: {  	s30 =	simm.s32 $0xB600;
	s29 =	simm.s32 $0x3400;
	[tilespmem:$0x3430] =	vst v17  }
0x2c9: {  	[tilespmem:s30], [sflag:$0x1] =	stream.indirect.gather [hbm4b:s8+s20], $0x80, s29, s20, $0xb8;
	[tilespmem:$0x13600] =	vst v63  }
0x2ca: {  	_ =	swait.ge [sflag:s21], $0x2000  }
0x2cb: {  	[sflag:s21] =	ssyncset.done $0x0  }
0x2cc: {  	[sflag:s21] =	ssyncadd.s32 $0xFFFFE000  }
0x2cd: {  	v17 =	vld [tilespmem:s28+$0x140];
	_ =	sdelay $0x4  }
0x2ce: {  	[tilespmem:$0x3280] =	vst v17  }
0x2cf: {  	v17 =	vld [tilespmem:s28+$0x150];
	_ =	sdelay $0x4  }
0x2d0: {  	[tilespmem:$0x3290] =	vst v17  }
0x2d1: {  	v17 =	vld [tilespmem:s28+$0x160];
	_ =	sdelay $0x4  }
0x2d2: {  	[tilespmem:$0x32A0] =	vst v17  }
0x2d3: {  	v17 =	vld [tilespmem:s28+$0x170];
	_ =	sdelay $0x3  }
0x2d4: {  	s29 =	sadd.s32 $0x140, s28  }
0x2d5: {  	s30 =	simm.s32 $0x3280;
	s29 =	sadd.s32 s1, s29;
	[tilespmem:$0x32B0] =	vst v17  }
0x2d6: {  	[tilespmem:s26], [sflag:$0x2] =	stream.indirect.gather [hbm4b:s3+s20], $0x80, s30, s20, $0xb8;
	[tilespmem:$0x13600] =	vst v63  }
0x2d7: {  	v17 =	vor.u32 s29, v0;
	v18 =	vld [tilespmem:s28+$0x1A40]  }
0x2d8: {  	v19 =	vmulhi.u32 $0x51EB851F, v17;
	_ =	sdelay $0x1  }
0x2d9: {  	v19 =	vshrl.u32 v19, $0x6  }
0x2da: {  	v19 =	vmul.u32 $0xC8, v19  }
0x2db: {  	v18 =	vmul.u32 $0xC8, v18  }
0x2dc: {  	v17 =	vsub.s32 v17, v19  }
0x2dd: {  	v17 =	vadd.s32 v17, v18  }
0x2de: {  	s30 =	sor.u32 $0x10, s29;
	[tilespmem:$0x3480] =	vst v17  }
0x2df: {  	v17 =	vor.u32 s30, v0;
	v18 =	vld [tilespmem:s28+$0x1A50]  }
0x2e0: {  	v19 =	vmulhi.u32 $0x51EB851F, v17;
	_ =	sdelay $0x1  }
0x2e1: {  	v19 =	vshrl.u32 v19, $0x6  }
0x2e2: {  	v19 =	vmul.u32 $0xC8, v19  }
0x2e3: {  	v18 =	vmul.u32 $0xC8, v18  }
0x2e4: {  	v17 =	vsub.s32 v17, v19  }
0x2e5: {  	v17 =	vadd.s32 v17, v18  }
0x2e6: {  	s30 =	sor.u32 $0x20, s29;
	[tilespmem:$0x3490] =	vst v17  }
0x2e7: {  	v17 =	vor.u32 s30, v0;
	v18 =	vld [tilespmem:s28+$0x1A60]  }
0x2e8: {  	v19 =	vmulhi.u32 $0x51EB851F, v17;
	_ =	sdelay $0x1  }
0x2e9: {  	v19 =	vshrl.u32 v19, $0x6  }
0x2ea: {  	v19 =	vmul.u32 $0xC8, v19  }
0x2eb: {  	v18 =	vmul.u32 $0xC8, v18  }
0x2ec: {  	v17 =	vsub.s32 v17, v19  }
0x2ed: {  	v17 =	vadd.s32 v17, v18  }
0x2ee: {  	s29 =	sor.u32 $0x30, s29;
	[tilespmem:$0x34A0] =	vst v17  }
0x2ef: {  	v17 =	vor.u32 s29, v0;
	v18 =	vld [tilespmem:s28+$0x1A70]  }
0x2f0: {  	v19 =	vmulhi.u32 $0x51EB851F, v17;
	_ =	sdelay $0x1  }
0x2f1: {  	v19 =	vshrl.u32 v19, $0x6  }
0x2f2: {  	v19 =	vmul.u32 $0xC8, v19  }
0x2f3: {  	v18 =	vmul.u32 $0xC8, v18  }
0x2f4: {  	v17 =	vsub.s32 v17, v19  }
0x2f5: {  	v17 =	vadd.s32 v17, v18  }
0x2f6: {  	s30 =	simm.s32 $0xD600;
	s29 =	simm.s32 $0x3480;
	[tilespmem:$0x34B0] =	vst v17  }
0x2f7: {  	[tilespmem:s30], [sflag:$0x2] =	stream.indirect.gather [hbm4b:s8+s20], $0x80, s29, s20, $0xb8;
	[tilespmem:$0x13600] =	vst v63  }
0x2f8: {  	_ =	swait.ge [sflag:s23], $0x2000  }
0x2f9: {  	[sflag:s23] =	ssyncset.done $0x0  }
0x2fa: {  	[sflag:s23] =	ssyncadd.s32 $0xFFFFE000  }
0x2fb: {  	v17 =	vld [tilespmem:s28+$0x180];
	_ =	sdelay $0x4  }
0x2fc: {  	[tilespmem:$0x3300] =	vst v17  }
0x2fd: {  	v17 =	vld [tilespmem:s28+$0x190];
	_ =	sdelay $0x4  }
0x2fe: {  	[tilespmem:$0x3310] =	vst v17  }
0x2ff: {  	v17 =	vld [tilespmem:s28+$0x1A0];
	_ =	sdelay $0x4  }
0x300: {  	[tilespmem:$0x3320] =	vst v17  }
0x301: {  	v17 =	vld [tilespmem:s28+$0x1B0];
	_ =	sdelay $0x3  }
0x302: {  	s29 =	sadd.s32 $0x180, s28  }
0x303: {  	s30 =	simm.s32 $0x3300;
	s29 =	sadd.s32 s1, s29;
	[tilespmem:$0x3330] =	vst v17  }
0x304: {  	[tilespmem:s31], [sflag:$0x3] =	stream.indirect.gather [hbm4b:s3+s20], $0x80, s30, s20, $0xb8;
	[tilespmem:$0x13600] =	vst v63  }
0x305: {  	v17 =	vor.u32 s29, v0;
	v18 =	vld [tilespmem:s28+$0x1A80]  }
0x306: {  	v19 =	vmulhi.u32 $0x51EB851F, v17;
	_ =	sdelay $0x1  }
0x307: {  	v19 =	vshrl.u32 v19, $0x6  }
0x308: {  	v19 =	vmul.u32 $0xC8, v19  }
0x309: {  	v18 =	vmul.u32 $0xC8, v18  }
0x30a: {  	v17 =	vsub.s32 v17, v19  }
0x30b: {  	v17 =	vadd.s32 v17, v18  }
0x30c: {  	s30 =	sor.u32 $0x10, s29;
	[tilespmem:$0x3500] =	vst v17  }
0x30d: {  	v17 =	vor.u32 s30, v0;
	v18 =	vld [tilespmem:s28+$0x1A90]  }
0x30e: {  	v19 =	vmulhi.u32 $0x51EB851F, v17;
	_ =	sdelay $0x1  }
0x30f: {  	v19 =	vshrl.u32 v19, $0x6  }
0x310: {  	v19 =	vmul.u32 $0xC8, v19  }
0x311: {  	v18 =	vmul.u32 $0xC8, v18  }
0x312: {  	v17 =	vsub.s32 v17, v19  }
0x313: {  	v17 =	vadd.s32 v17, v18  }
0x314: {  	s30 =	sor.u32 $0x20, s29;
	[tilespmem:$0x3510] =	vst v17  }
0x315: {  	v17 =	vor.u32 s30, v0;
	v18 =	vld [tilespmem:s28+$0x1AA0]  }
0x316: {  	v19 =	vmulhi.u32 $0x51EB851F, v17;
	_ =	sdelay $0x1  }
0x317: {  	v19 =	vshrl.u32 v19, $0x6  }
0x318: {  	v19 =	vmul.u32 $0xC8, v19  }
0x319: {  	v18 =	vmul.u32 $0xC8, v18  }
0x31a: {  	v17 =	vsub.s32 v17, v19  }
0x31b: {  	v17 =	vadd.s32 v17, v18  }
0x31c: {  	s29 =	sor.u32 $0x30, s29;
	[tilespmem:$0x3520] =	vst v17  }
0x31d: {  	v17 =	vor.u32 s29, v0;
	v18 =	vld [tilespmem:s28+$0x1AB0]  }
0x31e: {  	v19 =	vmulhi.u32 $0x51EB851F, v17;
	_ =	sdelay $0x1  }
0x31f: {  	v19 =	vshrl.u32 v19, $0x6  }
0x320: {  	v19 =	vmul.u32 $0xC8, v19  }
0x321: {  	v18 =	vmul.u32 $0xC8, v18  }
0x322: {  	v17 =	vsub.s32 v17, v19  }
0x323: {  	v17 =	vadd.s32 v17, v18  }
0x324: {  	[tilespmem:$0x3530] =	vst v17  }
0x325: {  	[tilespmem:s0], [sflag:$0x3] =	stream.indirect.gather [hbm4b:s8+s20], $0x80, s4, s20, $0xb8;
	[tilespmem:$0x13600] =	vst v63  }
0x326: {  	_ =	swait.ge [sflag:s24], $0x2000  }
0x327: {  	[sflag:s24] =	ssyncset.done $0x0  }
0x328: {  	[sflag:s24] =	ssyncadd.s32 $0xFFFFE000  }
0x329: {  	v17 =	vld [tilespmem:s28+$0x1C0];
	_ =	sdelay $0x4  }
0x32a: {  	[tilespmem:$0x3380] =	vst v17  }
0x32b: {  	v17 =	vld [tilespmem:s28+$0x1D0];
	_ =	sdelay $0x4  }
0x32c: {  	[tilespmem:$0x3390] =	vst v17  }
0x32d: {  	v17 =	vld [tilespmem:s28+$0x1E0];
	_ =	sdelay $0x4  }
0x32e: {  	[tilespmem:$0x33A0] =	vst v17  }
0x32f: {  	v17 =	vld [tilespmem:s28+$0x1F0];
	_ =	sdelay $0x3  }
0x330: {  	s30 =	sadd.s32 $0x1C0, s28  }
0x331: {  	s29 =	sadd.s32 s1, s30;
	[tilespmem:$0x33B0] =	vst v17  }
0x332: {  	[tilespmem:s9], [sflag:$0x4] =	stream.indirect.gather [hbm4b:s3+s20], $0x80, s19, s20, $0xb8;
	[tilespmem:$0x13600] =	vst v63  }
0x333: {  	v17 =	vor.u32 s29, v0;
	v18 =	vld [tilespmem:s28+$0x1AC0]  }
0x334: {  	v19 =	vmulhi.u32 $0x51EB851F, v17;
	_ =	sdelay $0x1  }
0x335: {  	v19 =	vshrl.u32 v19, $0x6  }
0x336: {  	v19 =	vmul.u32 $0xC8, v19  }
0x337: {  	v18 =	vmul.u32 $0xC8, v18  }
0x338: {  	v17 =	vsub.s32 v17, v19  }
0x339: {  	v17 =	vadd.s32 v17, v18  }
0x33a: {  	s30 =	sor.u32 $0x10, s29;
	[tilespmem:$0x3580] =	vst v17  }
0x33b: {  	v17 =	vor.u32 s30, v0;
	v18 =	vld [tilespmem:s28+$0x1AD0]  }
0x33c: {  	v19 =	vmulhi.u32 $0x51EB851F, v17;
	_ =	sdelay $0x1  }
0x33d: {  	v19 =	vshrl.u32 v19, $0x6  }
0x33e: {  	v19 =	vmul.u32 $0xC8, v19  }
0x33f: {  	v18 =	vmul.u32 $0xC8, v18  }
0x340: {  	v17 =	vsub.s32 v17, v19  }
0x341: {  	v17 =	vadd.s32 v17, v18  }
0x342: {  	s30 =	sor.u32 $0x20, s29;
	[tilespmem:$0x3590] =	vst v17  }
0x343: {  	v17 =	vor.u32 s30, v0;
	v18 =	vld [tilespmem:s28+$0x1AE0]  }
0x344: {  	v19 =	vmulhi.u32 $0x51EB851F, v17;
	_ =	sdelay $0x1  }
0x345: {  	v19 =	vshrl.u32 v19, $0x6  }
0x346: {  	v19 =	vmul.u32 $0xC8, v19  }
0x347: {  	v18 =	vmul.u32 $0xC8, v18  }
0x348: {  	v17 =	vsub.s32 v17, v19  }
0x349: {  	v17 =	vadd.s32 v17, v18  }
0x34a: {  	s29 =	sor.u32 $0x30, s29;
	[tilespmem:$0x35A0] =	vst v17  }
0x34b: {  	v17 =	vor.u32 s29, v0;
	v18 =	vld [tilespmem:s28+$0x1AF0]  }
0x34c: {  	v19 =	vmulhi.u32 $0x51EB851F, v17;
	_ =	sdelay $0x1  }
0x34d: {  	s25 =	sadd.s32 $0x1, s25;
	v19 =	vshrl.u32 v19, $0x6  }
0x34e: {  	p0 =	sne.s32 s25, $0x18;
	v19 =	vmul.u32 $0xC8, v19  }
.Ltmp4:
0x34f: {  	v18 =	vmul.u32 $0xC8, v18;
	(pc) =	sbr.rel @p0 .LBB2_2-.Ltmp4, $4  }
0x350: {  	v17 =	vsub.s32 v17, v19  }
0x351: {  	v17 =	vadd.s32 v17, v18  }
0x352: {  	[tilespmem:$0x35B0] =	vst v17  }
0x353: {  	[tilespmem:s13], [sflag:$0x4] =	stream.indirect.gather [hbm4b:s8+s20], $0x80, s11, s20, $0xb8;
	[tilespmem:$0x13600] =	vst v63  }
0x354: {  	_ =	swait.ge [sflag:s14], $0x2000  }
0x355: {  	[sflag:s14] =	ssyncset.done $0x0  }
0x356: {  	[sflag:s14] =	ssyncadd.s32 $0xFFFFE000  }
0x357: {  	_ =	swait.ge [sflag:s14], $0x2000  }
0x358: {  	[sflag:s14] =	ssyncset.done $0x0  }
0x359: {  	s25 =	simm.s32 $0x0;
	s28 =	simm.s32 $0x800;
	[sflag:s14] =	ssyncadd.s32 $0xFFFFE000  }
.LBB2_12:
0x35a: {  	p0 =	sne.s32 s28, $0x7800;
	v17 =	vld [tilespmem:s25+$0xB7F0]  }
0x35b: {  	v18 =	vld [tilespmem:s25+$0xB600]  }
0x35c: {  	v19 =	vld [tilespmem:s25+$0xB610]  }
0x35d: {  	v20 =	vld [tilespmem:s25+$0xB620]  }
0x35e: {  	v21 =	vld [tilespmem:s25+$0xB630]  }
0x35f: {  	[tilespmem:s25+$0x37F0] =	vst.add.f32.msk $0xffff, v17  }
0x360: {  	v17 =	vld [tilespmem:s25+$0xB640]  }
0x361: {  	v22 =	vld [tilespmem:s25+$0xB650]  }
0x362: {  	v23 =	vld [tilespmem:s25+$0xB660]  }
0x363: {  	v24 =	vld [tilespmem:s25+$0xB670]  }
0x364: {  	v25 =	vld [tilespmem:s25+$0xB680]  }
0x365: {  	v26 =	vld [tilespmem:s25+$0xB690]  }
0x366: {  	v27 =	vld [tilespmem:s25+$0xB6A0]  }
0x367: {  	v28 =	vld [tilespmem:s25+$0xB6B0]  }
0x368: {  	v29 =	vld [tilespmem:s25+$0xB6C0]  }
0x369: {  	v30 =	vld [tilespmem:s25+$0xB6D0]  }
0x36a: {  	v31 =	vld [tilespmem:s25+$0xB6E0]  }
0x36b: {  	v32 =	vld [tilespmem:s25+$0xB6F0]  }
0x36c: {  	v33 =	vld [tilespmem:s25+$0xB700]  }
0x36d: {  	v34 =	vld [tilespmem:s25+$0xB710]  }
0x36e: {  	v35 =	vld [tilespmem:s25+$0xB720]  }
0x36f: {  	v36 =	vld [tilespmem:s25+$0xB730]  }
0x370: {  	v37 =	vld [tilespmem:s25+$0xB740]  }
0x371: {  	v38 =	vld [tilespmem:s25+$0xB750]  }
0x372: {  	v39 =	vld [tilespmem:s25+$0xB760]  }
0x373: {  	v40 =	vld [tilespmem:s25+$0xB770]  }
0x374: {  	v41 =	vld [tilespmem:s25+$0xB780]  }
0x375: {  	v42 =	vld [tilespmem:s25+$0xB790]  }
0x376: {  	v43 =	vld [tilespmem:s25+$0xB7A0]  }
0x377: {  	v44 =	vld [tilespmem:s25+$0xB7B0]  }
0x378: {  	v45 =	vld [tilespmem:s25+$0xB7C0]  }
0x379: {  	v46 =	vld [tilespmem:s25+$0xB7D0]  }
0x37a: {  	v47 =	vld [tilespmem:s25+$0xB7E0]  }
0x37b: {  	[tilespmem:s25+$0x3600] =	vst.add.f32.msk $0xffff, v18  }
0x37c: {  	[tilespmem:s25+$0x3610] =	vst.add.f32.msk $0xffff, v19  }
0x37d: {  	[tilespmem:s25+$0x3620] =	vst.add.f32.msk $0xffff, v20  }
0x37e: {  	[tilespmem:s25+$0x3630] =	vst.add.f32.msk $0xffff, v21  }
0x37f: {  	[tilespmem:s25+$0x3640] =	vst.add.f32.msk $0xffff, v17  }
0x380: {  	[tilespmem:s25+$0x3650] =	vst.add.f32.msk $0xffff, v22  }
0x381: {  	[tilespmem:s25+$0x3660] =	vst.add.f32.msk $0xffff, v23  }
0x382: {  	[tilespmem:s25+$0x3670] =	vst.add.f32.msk $0xffff, v24  }
0x383: {  	[tilespmem:s25+$0x3680] =	vst.add.f32.msk $0xffff, v25  }
0x384: {  	[tilespmem:s25+$0x3690] =	vst.add.f32.msk $0xffff, v26  }
0x385: {  	[tilespmem:s25+$0x36A0] =	vst.add.f32.msk $0xffff, v27  }
0x386: {  	[tilespmem:s25+$0x36B0] =	vst.add.f32.msk $0xffff, v28  }
0x387: {  	[tilespmem:s25+$0x36C0] =	vst.add.f32.msk $0xffff, v29  }
0x388: {  	[tilespmem:s25+$0x36D0] =	vst.add.f32.msk $0xffff, v30  }
0x389: {  	[tilespmem:s25+$0x36E0] =	vst.add.f32.msk $0xffff, v31  }
0x38a: {  	[tilespmem:s25+$0x36F0] =	vst.add.f32.msk $0xffff, v32  }
0x38b: {  	[tilespmem:s25+$0x3700] =	vst.add.f32.msk $0xffff, v33  }
0x38c: {  	[tilespmem:s25+$0x3710] =	vst.add.f32.msk $0xffff, v34  }
0x38d: {  	[tilespmem:s25+$0x3720] =	vst.add.f32.msk $0xffff, v35  }
0x38e: {  	[tilespmem:s25+$0x3730] =	vst.add.f32.msk $0xffff, v36  }
0x38f: {  	[tilespmem:s25+$0x3740] =	vst.add.f32.msk $0xffff, v37  }
0x390: {  	[tilespmem:s25+$0x3750] =	vst.add.f32.msk $0xffff, v38  }
0x391: {  	[tilespmem:s25+$0x3760] =	vst.add.f32.msk $0xffff, v39  }
0x392: {  	[tilespmem:s25+$0x3770] =	vst.add.f32.msk $0xffff, v40  }
0x393: {  	[tilespmem:s25+$0x3780] =	vst.add.f32.msk $0xffff, v41  }
0x394: {  	[tilespmem:s25+$0x3790] =	vst.add.f32.msk $0xffff, v42  }
.Ltmp5:
0x395: {  	[tilespmem:s25+$0x37A0] =	vst.add.f32.msk $0xffff, v43;
	(pc) =	sbr.rel @p0 .LBB2_12-.Ltmp5, $4  }
0x396: {  	[tilespmem:s25+$0x37B0] =	vst.add.f32.msk $0xffff, v44  }
0x397: {  	[tilespmem:s25+$0x37C0] =	vst.add.f32.msk $0xffff, v45  }
0x398: {  	[tilespmem:s25+$0x37D0] =	vst.add.f32.msk $0xffff, v46  }
0x399: {  	[tilespmem:s25+$0x37E0] =	vst.add.f32.msk $0xffff, v47;
	s25 =	sshra.s32 s28, $0x2;
	s28 =	sadd.s32 $0x800, s28  }
0x39a: {  	v17 =	vld [tilespmem:s25+$0xB7F0]  }
0x39b: {  	v18 =	vld [tilespmem:s25+$0xB600]  }
0x39c: {  	v19 =	vld [tilespmem:s25+$0xB610]  }
0x39d: {  	v20 =	vld [tilespmem:s25+$0xB620]  }
0x39e: {  	v21 =	vld [tilespmem:s25+$0xB630]  }
0x39f: {  	v22 =	vld [tilespmem:s25+$0xB650]  }
0x3a0: {  	v23 =	vld [tilespmem:s25+$0xB660]  }
0x3a1: {  	v24 =	vld [tilespmem:s25+$0xB670]  }
0x3a2: {  	v25 =	vld [tilespmem:s25+$0xB680]  }
0x3a3: {  	v26 =	vld [tilespmem:s25+$0xB690]  }
0x3a4: {  	v27 =	vld [tilespmem:s25+$0xB6A0]  }
0x3a5: {  	v28 =	vld [tilespmem:s25+$0xB6B0]  }
0x3a6: {  	v29 =	vld [tilespmem:s25+$0xB6C0]  }
0x3a7: {  	v30 =	vld [tilespmem:s25+$0xB6D0]  }
0x3a8: {  	v31 =	vld [tilespmem:s25+$0xB6E0]  }
0x3a9: {  	v32 =	vld [tilespmem:s25+$0xB6F0]  }
0x3aa: {  	v33 =	vld [tilespmem:s25+$0xB700]  }
0x3ab: {  	v34 =	vld [tilespmem:s25+$0xB710]  }
0x3ac: {  	v35 =	vld [tilespmem:s25+$0xB720]  }
0x3ad: {  	v36 =	vld [tilespmem:s25+$0xB730]  }
0x3ae: {  	v37 =	vld [tilespmem:s25+$0xB740]  }
0x3af: {  	v38 =	vld [tilespmem:s25+$0xB750]  }
0x3b0: {  	v39 =	vld [tilespmem:s25+$0xB760]  }
0x3b1: {  	v40 =	vld [tilespmem:s25+$0xB770]  }
0x3b2: {  	v41 =	vld [tilespmem:s25+$0xB780]  }
0x3b3: {  	v42 =	vld [tilespmem:s25+$0xB790]  }
0x3b4: {  	v43 =	vld [tilespmem:s25+$0xB7A0]  }
0x3b5: {  	v44 =	vld [tilespmem:s25+$0xB7B0]  }
0x3b6: {  	v45 =	vld [tilespmem:s25+$0xB7C0]  }
0x3b7: {  	v46 =	vld [tilespmem:s25+$0xB7D0]  }
0x3b8: {  	v47 =	vld [tilespmem:s25+$0xB7E0]  }
0x3b9: {  	[tilespmem:s25+$0x37F0] =	vst.add.f32.msk $0xffff, v17  }
0x3ba: {  	v17 =	vld [tilespmem:s25+$0xB640]  }
0x3bb: {  	[tilespmem:s25+$0x3600] =	vst.add.f32.msk $0xffff, v18  }
0x3bc: {  	[tilespmem:s25+$0x3610] =	vst.add.f32.msk $0xffff, v19  }
0x3bd: {  	[tilespmem:s25+$0x3620] =	vst.add.f32.msk $0xffff, v20  }
0x3be: {  	[tilespmem:s25+$0x3630] =	vst.add.f32.msk $0xffff, v21  }
0x3bf: {  	[tilespmem:s25+$0x3650] =	vst.add.f32.msk $0xffff, v22  }
0x3c0: {  	[tilespmem:s25+$0x3660] =	vst.add.f32.msk $0xffff, v23  }
0x3c1: {  	[tilespmem:s25+$0x3670] =	vst.add.f32.msk $0xffff, v24  }
0x3c2: {  	[tilespmem:s25+$0x3680] =	vst.add.f32.msk $0xffff, v25  }
0x3c3: {  	[tilespmem:s25+$0x3690] =	vst.add.f32.msk $0xffff, v26  }
0x3c4: {  	[tilespmem:s25+$0x36A0] =	vst.add.f32.msk $0xffff, v27  }
0x3c5: {  	[tilespmem:s25+$0x36B0] =	vst.add.f32.msk $0xffff, v28  }
0x3c6: {  	[tilespmem:s25+$0x36C0] =	vst.add.f32.msk $0xffff, v29  }
0x3c7: {  	[tilespmem:s25+$0x36D0] =	vst.add.f32.msk $0xffff, v30  }
0x3c8: {  	[tilespmem:s25+$0x36E0] =	vst.add.f32.msk $0xffff, v31  }
0x3c9: {  	[tilespmem:s25+$0x36F0] =	vst.add.f32.msk $0xffff, v32  }
0x3ca: {  	[tilespmem:s25+$0x3700] =	vst.add.f32.msk $0xffff, v33  }
0x3cb: {  	[tilespmem:s25+$0x3710] =	vst.add.f32.msk $0xffff, v34  }
0x3cc: {  	[tilespmem:s25+$0x3720] =	vst.add.f32.msk $0xffff, v35  }
0x3cd: {  	[tilespmem:s25+$0x3730] =	vst.add.f32.msk $0xffff, v36  }
0x3ce: {  	[tilespmem:s25+$0x3740] =	vst.add.f32.msk $0xffff, v37  }
0x3cf: {  	[tilespmem:s25+$0x3750] =	vst.add.f32.msk $0xffff, v38  }
0x3d0: {  	[tilespmem:s25+$0x3760] =	vst.add.f32.msk $0xffff, v39  }
0x3d1: {  	[tilespmem:s25+$0x3770] =	vst.add.f32.msk $0xffff, v40  }
0x3d2: {  	[tilespmem:s25+$0x3780] =	vst.add.f32.msk $0xffff, v41  }
0x3d3: {  	[tilespmem:s25+$0x3790] =	vst.add.f32.msk $0xffff, v42  }
0x3d4: {  	[tilespmem:s25+$0x37A0] =	vst.add.f32.msk $0xffff, v43  }
0x3d5: {  	[tilespmem:s25+$0x37B0] =	vst.add.f32.msk $0xffff, v44  }
0x3d6: {  	[tilespmem:s25+$0x37C0] =	vst.add.f32.msk $0xffff, v45  }
0x3d7: {  	[tilespmem:s25+$0x37D0] =	vst.add.f32.msk $0xffff, v46  }
0x3d8: {  	[tilespmem:s25+$0x37E0] =	vst.add.f32.msk $0xffff, v47  }
0x3d9: {  	s30 =	simm.s32 $0x0;
	s28 =	rddreg [dreg:$0x6];
	[tilespmem:s25+$0x3640] =	vst.add.f32.msk $0xffff, v17  }
0x3da: {  	[hbm4b:s28+s30] =	stream.linear.scatter [tilespmem:s22], [sflag:$0x5], $0x2000, $0x38;
	[tilespmem:$0x13600] =	vst v63  }
0x3db: {  	_ =	swait.ge [sflag:s15], $0x2000  }
0x3dc: {  	[sflag:s15] =	ssyncset.done $0x0  }
0x3dd: {  	[sflag:s15] =	ssyncadd.s32 $0xFFFFE000  }
0x3de: {  	_ =	swait.ge [sflag:s15], $0x2000  }
0x3df: {  	[sflag:s15] =	ssyncset.done $0x0  }
0x3e0: {  	s25 =	simm.s32 $0x0;
	s28 =	simm.s32 $0x800;
	[sflag:s15] =	ssyncadd.s32 $0xFFFFE000  }
.LBB2_14:
0x3e1: {  	p0 =	sne.s32 s28, $0x7800;
	v17 =	vld [tilespmem:s25+$0xD7F0]  }
0x3e2: {  	v18 =	vld [tilespmem:s25+$0xD600]  }
0x3e3: {  	v19 =	vld [tilespmem:s25+$0xD610]  }
0x3e4: {  	v20 =	vld [tilespmem:s25+$0xD620]  }
0x3e5: {  	v21 =	vld [tilespmem:s25+$0xD630]  }
0x3e6: {  	[tilespmem:s25+$0x57F0] =	vst.add.f32.msk $0xffff, v17  }
0x3e7: {  	v17 =	vld [tilespmem:s25+$0xD640]  }
0x3e8: {  	v22 =	vld [tilespmem:s25+$0xD650]  }
0x3e9: {  	v23 =	vld [tilespmem:s25+$0xD660]  }
0x3ea: {  	v24 =	vld [tilespmem:s25+$0xD670]  }
0x3eb: {  	v25 =	vld [tilespmem:s25+$0xD680]  }
0x3ec: {  	v26 =	vld [tilespmem:s25+$0xD690]  }
0x3ed: {  	v27 =	vld [tilespmem:s25+$0xD6A0]  }
0x3ee: {  	v28 =	vld [tilespmem:s25+$0xD6B0]  }
0x3ef: {  	v29 =	vld [tilespmem:s25+$0xD6C0]  }
0x3f0: {  	v30 =	vld [tilespmem:s25+$0xD6D0]  }
0x3f1: {  	v31 =	vld [tilespmem:s25+$0xD6E0]  }
0x3f2: {  	v32 =	vld [tilespmem:s25+$0xD6F0]  }
0x3f3: {  	v33 =	vld [tilespmem:s25+$0xD700]  }
0x3f4: {  	v34 =	vld [tilespmem:s25+$0xD710]  }
0x3f5: {  	v35 =	vld [tilespmem:s25+$0xD720]  }
0x3f6: {  	v36 =	vld [tilespmem:s25+$0xD730]  }
0x3f7: {  	v37 =	vld [tilespmem:s25+$0xD740]  }
0x3f8: {  	v38 =	vld [tilespmem:s25+$0xD750]  }
0x3f9: {  	v39 =	vld [tilespmem:s25+$0xD760]  }
0x3fa: {  	v40 =	vld [tilespmem:s25+$0xD770]  }
0x3fb: {  	v41 =	vld [tilespmem:s25+$0xD780]  }
0x3fc: {  	v42 =	vld [tilespmem:s25+$0xD790]  }
0x3fd: {  	v43 =	vld [tilespmem:s25+$0xD7A0]  }
0x3fe: {  	v44 =	vld [tilespmem:s25+$0xD7B0]  }
0x3ff: {  	v45 =	vld [tilespmem:s25+$0xD7C0]  }
0x400: {  	v46 =	vld [tilespmem:s25+$0xD7D0]  }
0x401: {  	v47 =	vld [tilespmem:s25+$0xD7E0]  }
0x402: {  	[tilespmem:s25+$0x5600] =	vst.add.f32.msk $0xffff, v18  }
0x403: {  	[tilespmem:s25+$0x5610] =	vst.add.f32.msk $0xffff, v19  }
0x404: {  	[tilespmem:s25+$0x5620] =	vst.add.f32.msk $0xffff, v20  }
0x405: {  	[tilespmem:s25+$0x5630] =	vst.add.f32.msk $0xffff, v21  }
0x406: {  	[tilespmem:s25+$0x5640] =	vst.add.f32.msk $0xffff, v17  }
0x407: {  	[tilespmem:s25+$0x5650] =	vst.add.f32.msk $0xffff, v22  }
0x408: {  	[tilespmem:s25+$0x5660] =	vst.add.f32.msk $0xffff, v23  }
0x409: {  	[tilespmem:s25+$0x5670] =	vst.add.f32.msk $0xffff, v24  }
0x40a: {  	[tilespmem:s25+$0x5680] =	vst.add.f32.msk $0xffff, v25  }
0x40b: {  	[tilespmem:s25+$0x5690] =	vst.add.f32.msk $0xffff, v26  }
0x40c: {  	[tilespmem:s25+$0x56A0] =	vst.add.f32.msk $0xffff, v27  }
0x40d: {  	[tilespmem:s25+$0x56B0] =	vst.add.f32.msk $0xffff, v28  }
0x40e: {  	[tilespmem:s25+$0x56C0] =	vst.add.f32.msk $0xffff, v29  }
0x40f: {  	[tilespmem:s25+$0x56D0] =	vst.add.f32.msk $0xffff, v30  }
0x410: {  	[tilespmem:s25+$0x56E0] =	vst.add.f32.msk $0xffff, v31  }
0x411: {  	[tilespmem:s25+$0x56F0] =	vst.add.f32.msk $0xffff, v32  }
0x412: {  	[tilespmem:s25+$0x5700] =	vst.add.f32.msk $0xffff, v33  }
0x413: {  	[tilespmem:s25+$0x5710] =	vst.add.f32.msk $0xffff, v34  }
0x414: {  	[tilespmem:s25+$0x5720] =	vst.add.f32.msk $0xffff, v35  }
0x415: {  	[tilespmem:s25+$0x5730] =	vst.add.f32.msk $0xffff, v36  }
0x416: {  	[tilespmem:s25+$0x5740] =	vst.add.f32.msk $0xffff, v37  }
0x417: {  	[tilespmem:s25+$0x5750] =	vst.add.f32.msk $0xffff, v38  }
0x418: {  	[tilespmem:s25+$0x5760] =	vst.add.f32.msk $0xffff, v39  }
0x419: {  	[tilespmem:s25+$0x5770] =	vst.add.f32.msk $0xffff, v40  }
0x41a: {  	[tilespmem:s25+$0x5780] =	vst.add.f32.msk $0xffff, v41  }
0x41b: {  	[tilespmem:s25+$0x5790] =	vst.add.f32.msk $0xffff, v42  }
.Ltmp6:
0x41c: {  	[tilespmem:s25+$0x57A0] =	vst.add.f32.msk $0xffff, v43;
	(pc) =	sbr.rel @p0 .LBB2_14-.Ltmp6, $4  }
0x41d: {  	[tilespmem:s25+$0x57B0] =	vst.add.f32.msk $0xffff, v44  }
0x41e: {  	[tilespmem:s25+$0x57C0] =	vst.add.f32.msk $0xffff, v45  }
0x41f: {  	[tilespmem:s25+$0x57D0] =	vst.add.f32.msk $0xffff, v46  }
0x420: {  	[tilespmem:s25+$0x57E0] =	vst.add.f32.msk $0xffff, v47;
	s25 =	sshra.s32 s28, $0x2;
	s28 =	sadd.s32 $0x800, s28  }
0x421: {  	v17 =	vld [tilespmem:s25+$0xD7F0]  }
0x422: {  	v18 =	vld [tilespmem:s25+$0xD600]  }
0x423: {  	v19 =	vld [tilespmem:s25+$0xD610]  }
0x424: {  	v20 =	vld [tilespmem:s25+$0xD620]  }
0x425: {  	v21 =	vld [tilespmem:s25+$0xD630]  }
0x426: {  	v22 =	vld [tilespmem:s25+$0xD650]  }
0x427: {  	v23 =	vld [tilespmem:s25+$0xD660]  }
0x428: {  	v24 =	vld [tilespmem:s25+$0xD670]  }
0x429: {  	v25 =	vld [tilespmem:s25+$0xD680]  }
0x42a: {  	v26 =	vld [tilespmem:s25+$0xD690]  }
0x42b: {  	v27 =	vld [tilespmem:s25+$0xD6A0]  }
0x42c: {  	v28 =	vld [tilespmem:s25+$0xD6B0]  }
0x42d: {  	v29 =	vld [tilespmem:s25+$0xD6C0]  }
0x42e: {  	v30 =	vld [tilespmem:s25+$0xD6D0]  }
0x42f: {  	v31 =	vld [tilespmem:s25+$0xD6E0]  }
0x430: {  	v32 =	vld [tilespmem:s25+$0xD6F0]  }
0x431: {  	v33 =	vld [tilespmem:s25+$0xD700]  }
0x432: {  	v34 =	vld [tilespmem:s25+$0xD710]  }
0x433: {  	v35 =	vld [tilespmem:s25+$0xD720]  }
0x434: {  	v36 =	vld [tilespmem:s25+$0xD730]  }
0x435: {  	v37 =	vld [tilespmem:s25+$0xD740]  }
0x436: {  	v38 =	vld [tilespmem:s25+$0xD750]  }
0x437: {  	v39 =	vld [tilespmem:s25+$0xD760]  }
0x438: {  	v40 =	vld [tilespmem:s25+$0xD770]  }
0x439: {  	v41 =	vld [tilespmem:s25+$0xD780]  }
0x43a: {  	v42 =	vld [tilespmem:s25+$0xD790]  }
0x43b: {  	v43 =	vld [tilespmem:s25+$0xD7A0]  }
0x43c: {  	v44 =	vld [tilespmem:s25+$0xD7B0]  }
0x43d: {  	v45 =	vld [tilespmem:s25+$0xD7C0]  }
0x43e: {  	v46 =	vld [tilespmem:s25+$0xD7D0]  }
0x43f: {  	v47 =	vld [tilespmem:s25+$0xD7E0]  }
0x440: {  	[tilespmem:s25+$0x57F0] =	vst.add.f32.msk $0xffff, v17  }
0x441: {  	v17 =	vld [tilespmem:s25+$0xD640]  }
0x442: {  	[tilespmem:s25+$0x5600] =	vst.add.f32.msk $0xffff, v18  }
0x443: {  	[tilespmem:s25+$0x5610] =	vst.add.f32.msk $0xffff, v19  }
0x444: {  	[tilespmem:s25+$0x5620] =	vst.add.f32.msk $0xffff, v20  }
0x445: {  	[tilespmem:s25+$0x5630] =	vst.add.f32.msk $0xffff, v21  }
0x446: {  	[tilespmem:s25+$0x5650] =	vst.add.f32.msk $0xffff, v22  }
0x447: {  	[tilespmem:s25+$0x5660] =	vst.add.f32.msk $0xffff, v23  }
0x448: {  	[tilespmem:s25+$0x5670] =	vst.add.f32.msk $0xffff, v24  }
0x449: {  	[tilespmem:s25+$0x5680] =	vst.add.f32.msk $0xffff, v25  }
0x44a: {  	[tilespmem:s25+$0x5690] =	vst.add.f32.msk $0xffff, v26  }
0x44b: {  	[tilespmem:s25+$0x56A0] =	vst.add.f32.msk $0xffff, v27  }
0x44c: {  	[tilespmem:s25+$0x56B0] =	vst.add.f32.msk $0xffff, v28  }
0x44d: {  	[tilespmem:s25+$0x56C0] =	vst.add.f32.msk $0xffff, v29  }
0x44e: {  	[tilespmem:s25+$0x56D0] =	vst.add.f32.msk $0xffff, v30  }
0x44f: {  	[tilespmem:s25+$0x56E0] =	vst.add.f32.msk $0xffff, v31  }
0x450: {  	[tilespmem:s25+$0x56F0] =	vst.add.f32.msk $0xffff, v32  }
0x451: {  	[tilespmem:s25+$0x5700] =	vst.add.f32.msk $0xffff, v33  }
0x452: {  	[tilespmem:s25+$0x5710] =	vst.add.f32.msk $0xffff, v34  }
0x453: {  	[tilespmem:s25+$0x5720] =	vst.add.f32.msk $0xffff, v35  }
0x454: {  	[tilespmem:s25+$0x5730] =	vst.add.f32.msk $0xffff, v36  }
0x455: {  	[tilespmem:s25+$0x5740] =	vst.add.f32.msk $0xffff, v37  }
0x456: {  	[tilespmem:s25+$0x5750] =	vst.add.f32.msk $0xffff, v38  }
0x457: {  	[tilespmem:s25+$0x5760] =	vst.add.f32.msk $0xffff, v39  }
0x458: {  	[tilespmem:s25+$0x5770] =	vst.add.f32.msk $0xffff, v40  }
0x459: {  	[tilespmem:s25+$0x5780] =	vst.add.f32.msk $0xffff, v41  }
0x45a: {  	[tilespmem:s25+$0x5790] =	vst.add.f32.msk $0xffff, v42  }
0x45b: {  	[tilespmem:s25+$0x57A0] =	vst.add.f32.msk $0xffff, v43  }
0x45c: {  	[tilespmem:s25+$0x57B0] =	vst.add.f32.msk $0xffff, v44  }
0x45d: {  	[tilespmem:s25+$0x57C0] =	vst.add.f32.msk $0xffff, v45  }
0x45e: {  	[tilespmem:s25+$0x57D0] =	vst.add.f32.msk $0xffff, v46  }
0x45f: {  	[tilespmem:s25+$0x57E0] =	vst.add.f32.msk $0xffff, v47  }
0x460: {  	s30 =	simm.s32 $0x0;
	s28 =	rddreg [dreg:$0x7];
	[tilespmem:s25+$0x5640] =	vst.add.f32.msk $0xffff, v17  }
0x461: {  	[hbm4b:s28+s30] =	stream.linear.scatter [tilespmem:s26], [sflag:$0x6], $0x2000, $0x38;
	[tilespmem:$0x13600] =	vst v63  }
0x462: {  	_ =	swait.ge [sflag:s16], $0x2000  }
0x463: {  	[sflag:s16] =	ssyncset.done $0x0  }
0x464: {  	[sflag:s16] =	ssyncadd.s32 $0xFFFFE000  }
0x465: {  	_ =	swait.ge [sflag:s16], $0x2000  }
0x466: {  	[sflag:s16] =	ssyncset.done $0x0  }
0x467: {  	s25 =	simm.s32 $0x0;
	s28 =	simm.s32 $0x800;
	[sflag:s16] =	ssyncadd.s32 $0xFFFFE000  }
.LBB2_16:
0x468: {  	p0 =	sne.s32 s28, $0x7800;
	v17 =	vld [tilespmem:s25+$0xF7F0]  }
0x469: {  	v18 =	vld [tilespmem:s25+$0xF600]  }
0x46a: {  	v19 =	vld [tilespmem:s25+$0xF610]  }
0x46b: {  	v20 =	vld [tilespmem:s25+$0xF620]  }
0x46c: {  	v21 =	vld [tilespmem:s25+$0xF630]  }
0x46d: {  	[tilespmem:s25+$0x77F0] =	vst.add.f32.msk $0xffff, v17  }
0x46e: {  	v17 =	vld [tilespmem:s25+$0xF640]  }
0x46f: {  	v22 =	vld [tilespmem:s25+$0xF650]  }
0x470: {  	v23 =	vld [tilespmem:s25+$0xF660]  }
0x471: {  	v24 =	vld [tilespmem:s25+$0xF670]  }
0x472: {  	v25 =	vld [tilespmem:s25+$0xF680]  }
0x473: {  	v26 =	vld [tilespmem:s25+$0xF690]  }
0x474: {  	v27 =	vld [tilespmem:s25+$0xF6A0]  }
0x475: {  	v28 =	vld [tilespmem:s25+$0xF6B0]  }
0x476: {  	v29 =	vld [tilespmem:s25+$0xF6C0]  }
0x477: {  	v30 =	vld [tilespmem:s25+$0xF6D0]  }
0x478: {  	v31 =	vld [tilespmem:s25+$0xF6E0]  }
0x479: {  	v32 =	vld [tilespmem:s25+$0xF6F0]  }
0x47a: {  	v33 =	vld [tilespmem:s25+$0xF700]  }
0x47b: {  	v34 =	vld [tilespmem:s25+$0xF710]  }
0x47c: {  	v35 =	vld [tilespmem:s25+$0xF720]  }
0x47d: {  	v36 =	vld [tilespmem:s25+$0xF730]  }
0x47e: {  	v37 =	vld [tilespmem:s25+$0xF740]  }
0x47f: {  	v38 =	vld [tilespmem:s25+$0xF750]  }
0x480: {  	v39 =	vld [tilespmem:s25+$0xF760]  }
0x481: {  	v40 =	vld [tilespmem:s25+$0xF770]  }
0x482: {  	v41 =	vld [tilespmem:s25+$0xF780]  }
0x483: {  	v42 =	vld [tilespmem:s25+$0xF790]  }
0x484: {  	v43 =	vld [tilespmem:s25+$0xF7A0]  }
0x485: {  	v44 =	vld [tilespmem:s25+$0xF7B0]  }
0x486: {  	v45 =	vld [tilespmem:s25+$0xF7C0]  }
0x487: {  	v46 =	vld [tilespmem:s25+$0xF7D0]  }
0x488: {  	v47 =	vld [tilespmem:s25+$0xF7E0]  }
0x489: {  	[tilespmem:s25+$0x7600] =	vst.add.f32.msk $0xffff, v18  }
0x48a: {  	[tilespmem:s25+$0x7610] =	vst.add.f32.msk $0xffff, v19  }
0x48b: {  	[tilespmem:s25+$0x7620] =	vst.add.f32.msk $0xffff, v20  }
0x48c: {  	[tilespmem:s25+$0x7630] =	vst.add.f32.msk $0xffff, v21  }
0x48d: {  	[tilespmem:s25+$0x7640] =	vst.add.f32.msk $0xffff, v17  }
0x48e: {  	[tilespmem:s25+$0x7650] =	vst.add.f32.msk $0xffff, v22  }
0x48f: {  	[tilespmem:s25+$0x7660] =	vst.add.f32.msk $0xffff, v23  }
0x490: {  	[tilespmem:s25+$0x7670] =	vst.add.f32.msk $0xffff, v24  }
0x491: {  	[tilespmem:s25+$0x7680] =	vst.add.f32.msk $0xffff, v25  }
0x492: {  	[tilespmem:s25+$0x7690] =	vst.add.f32.msk $0xffff, v26  }
0x493: {  	[tilespmem:s25+$0x76A0] =	vst.add.f32.msk $0xffff, v27  }
0x494: {  	[tilespmem:s25+$0x76B0] =	vst.add.f32.msk $0xffff, v28  }
0x495: {  	[tilespmem:s25+$0x76C0] =	vst.add.f32.msk $0xffff, v29  }
0x496: {  	[tilespmem:s25+$0x76D0] =	vst.add.f32.msk $0xffff, v30  }
0x497: {  	[tilespmem:s25+$0x76E0] =	vst.add.f32.msk $0xffff, v31  }
0x498: {  	[tilespmem:s25+$0x76F0] =	vst.add.f32.msk $0xffff, v32  }
0x499: {  	[tilespmem:s25+$0x7700] =	vst.add.f32.msk $0xffff, v33  }
0x49a: {  	[tilespmem:s25+$0x7710] =	vst.add.f32.msk $0xffff, v34  }
0x49b: {  	[tilespmem:s25+$0x7720] =	vst.add.f32.msk $0xffff, v35  }
0x49c: {  	[tilespmem:s25+$0x7730] =	vst.add.f32.msk $0xffff, v36  }
0x49d: {  	[tilespmem:s25+$0x7740] =	vst.add.f32.msk $0xffff, v37  }
0x49e: {  	[tilespmem:s25+$0x7750] =	vst.add.f32.msk $0xffff, v38  }
0x49f: {  	[tilespmem:s25+$0x7760] =	vst.add.f32.msk $0xffff, v39  }
0x4a0: {  	[tilespmem:s25+$0x7770] =	vst.add.f32.msk $0xffff, v40  }
0x4a1: {  	[tilespmem:s25+$0x7780] =	vst.add.f32.msk $0xffff, v41  }
0x4a2: {  	[tilespmem:s25+$0x7790] =	vst.add.f32.msk $0xffff, v42  }
.Ltmp7:
0x4a3: {  	[tilespmem:s25+$0x77A0] =	vst.add.f32.msk $0xffff, v43;
	(pc) =	sbr.rel @p0 .LBB2_16-.Ltmp7, $4  }
0x4a4: {  	[tilespmem:s25+$0x77B0] =	vst.add.f32.msk $0xffff, v44  }
0x4a5: {  	[tilespmem:s25+$0x77C0] =	vst.add.f32.msk $0xffff, v45  }
0x4a6: {  	[tilespmem:s25+$0x77D0] =	vst.add.f32.msk $0xffff, v46  }
0x4a7: {  	[tilespmem:s25+$0x77E0] =	vst.add.f32.msk $0xffff, v47;
	s25 =	sshra.s32 s28, $0x2;
	s28 =	sadd.s32 $0x800, s28  }
0x4a8: {  	v17 =	vld [tilespmem:s25+$0xF7F0]  }
0x4a9: {  	v18 =	vld [tilespmem:s25+$0xF600]  }
0x4aa: {  	v19 =	vld [tilespmem:s25+$0xF610]  }
0x4ab: {  	v20 =	vld [tilespmem:s25+$0xF620]  }
0x4ac: {  	v21 =	vld [tilespmem:s25+$0xF630]  }
0x4ad: {  	v22 =	vld [tilespmem:s25+$0xF650]  }
0x4ae: {  	v23 =	vld [tilespmem:s25+$0xF660]  }
0x4af: {  	v24 =	vld [tilespmem:s25+$0xF670]  }
0x4b0: {  	v25 =	vld [tilespmem:s25+$0xF680]  }
0x4b1: {  	v26 =	vld [tilespmem:s25+$0xF690]  }
0x4b2: {  	v27 =	vld [tilespmem:s25+$0xF6A0]  }
0x4b3: {  	v28 =	vld [tilespmem:s25+$0xF6B0]  }
0x4b4: {  	v29 =	vld [tilespmem:s25+$0xF6C0]  }
0x4b5: {  	v30 =	vld [tilespmem:s25+$0xF6D0]  }
0x4b6: {  	v31 =	vld [tilespmem:s25+$0xF6E0]  }
0x4b7: {  	v32 =	vld [tilespmem:s25+$0xF6F0]  }
0x4b8: {  	v33 =	vld [tilespmem:s25+$0xF700]  }
0x4b9: {  	v34 =	vld [tilespmem:s25+$0xF710]  }
0x4ba: {  	v35 =	vld [tilespmem:s25+$0xF720]  }
0x4bb: {  	v36 =	vld [tilespmem:s25+$0xF730]  }
0x4bc: {  	v37 =	vld [tilespmem:s25+$0xF740]  }
0x4bd: {  	v38 =	vld [tilespmem:s25+$0xF750]  }
0x4be: {  	v39 =	vld [tilespmem:s25+$0xF760]  }
0x4bf: {  	v40 =	vld [tilespmem:s25+$0xF770]  }
0x4c0: {  	v41 =	vld [tilespmem:s25+$0xF780]  }
0x4c1: {  	v42 =	vld [tilespmem:s25+$0xF790]  }
0x4c2: {  	v43 =	vld [tilespmem:s25+$0xF7A0]  }
0x4c3: {  	v44 =	vld [tilespmem:s25+$0xF7B0]  }
0x4c4: {  	v45 =	vld [tilespmem:s25+$0xF7C0]  }
0x4c5: {  	v46 =	vld [tilespmem:s25+$0xF7D0]  }
0x4c6: {  	v47 =	vld [tilespmem:s25+$0xF7E0]  }
0x4c7: {  	[tilespmem:s25+$0x77F0] =	vst.add.f32.msk $0xffff, v17  }
0x4c8: {  	v17 =	vld [tilespmem:s25+$0xF640]  }
0x4c9: {  	[tilespmem:s25+$0x7600] =	vst.add.f32.msk $0xffff, v18  }
0x4ca: {  	[tilespmem:s25+$0x7610] =	vst.add.f32.msk $0xffff, v19  }
0x4cb: {  	[tilespmem:s25+$0x7620] =	vst.add.f32.msk $0xffff, v20  }
0x4cc: {  	[tilespmem:s25+$0x7630] =	vst.add.f32.msk $0xffff, v21  }
0x4cd: {  	[tilespmem:s25+$0x7650] =	vst.add.f32.msk $0xffff, v22  }
0x4ce: {  	[tilespmem:s25+$0x7660] =	vst.add.f32.msk $0xffff, v23  }
0x4cf: {  	[tilespmem:s25+$0x7670] =	vst.add.f32.msk $0xffff, v24  }
0x4d0: {  	[tilespmem:s25+$0x7680] =	vst.add.f32.msk $0xffff, v25  }
0x4d1: {  	[tilespmem:s25+$0x7690] =	vst.add.f32.msk $0xffff, v26  }
0x4d2: {  	[tilespmem:s25+$0x76A0] =	vst.add.f32.msk $0xffff, v27  }
0x4d3: {  	[tilespmem:s25+$0x76B0] =	vst.add.f32.msk $0xffff, v28  }
0x4d4: {  	[tilespmem:s25+$0x76C0] =	vst.add.f32.msk $0xffff, v29  }
0x4d5: {  	[tilespmem:s25+$0x76D0] =	vst.add.f32.msk $0xffff, v30  }
0x4d6: {  	[tilespmem:s25+$0x76E0] =	vst.add.f32.msk $0xffff, v31  }
0x4d7: {  	[tilespmem:s25+$0x76F0] =	vst.add.f32.msk $0xffff, v32  }
0x4d8: {  	[tilespmem:s25+$0x7700] =	vst.add.f32.msk $0xffff, v33  }
0x4d9: {  	[tilespmem:s25+$0x7710] =	vst.add.f32.msk $0xffff, v34  }
0x4da: {  	[tilespmem:s25+$0x7720] =	vst.add.f32.msk $0xffff, v35  }
0x4db: {  	[tilespmem:s25+$0x7730] =	vst.add.f32.msk $0xffff, v36  }
0x4dc: {  	[tilespmem:s25+$0x7740] =	vst.add.f32.msk $0xffff, v37  }
0x4dd: {  	[tilespmem:s25+$0x7750] =	vst.add.f32.msk $0xffff, v38  }
0x4de: {  	[tilespmem:s25+$0x7760] =	vst.add.f32.msk $0xffff, v39  }
0x4df: {  	[tilespmem:s25+$0x7770] =	vst.add.f32.msk $0xffff, v40  }
0x4e0: {  	[tilespmem:s25+$0x7780] =	vst.add.f32.msk $0xffff, v41  }
0x4e1: {  	[tilespmem:s25+$0x7790] =	vst.add.f32.msk $0xffff, v42  }
0x4e2: {  	[tilespmem:s25+$0x77A0] =	vst.add.f32.msk $0xffff, v43  }
0x4e3: {  	[tilespmem:s25+$0x77B0] =	vst.add.f32.msk $0xffff, v44  }
0x4e4: {  	[tilespmem:s25+$0x77C0] =	vst.add.f32.msk $0xffff, v45  }
0x4e5: {  	[tilespmem:s25+$0x77D0] =	vst.add.f32.msk $0xffff, v46  }
0x4e6: {  	[tilespmem:s25+$0x77E0] =	vst.add.f32.msk $0xffff, v47  }
0x4e7: {  	s30 =	simm.s32 $0x0;
	s28 =	rddreg [dreg:$0x8];
	[tilespmem:s25+$0x7640] =	vst.add.f32.msk $0xffff, v17  }
0x4e8: {  	[hbm4b:s28+s30] =	stream.linear.scatter [tilespmem:s31], [sflag:$0x7], $0x2000, $0x38;
	[tilespmem:$0x13600] =	vst v63  }
0x4e9: {  	_ =	swait.ge [sflag:s17], $0x2000  }
0x4ea: {  	[sflag:s17] =	ssyncset.done $0x0  }
0x4eb: {  	[sflag:s17] =	ssyncadd.s32 $0xFFFFE000  }
0x4ec: {  	_ =	swait.ge [sflag:s17], $0x2000  }
0x4ed: {  	[sflag:s17] =	ssyncset.done $0x0  }
0x4ee: {  	s25 =	simm.s32 $0x0;
	s28 =	simm.s32 $0x800;
	[sflag:s17] =	ssyncadd.s32 $0xFFFFE000  }
.LBB2_18:
0x4ef: {  	p0 =	sne.s32 s28, $0x7800;
	v17 =	vld [tilespmem:s25+$0x117F0]  }
0x4f0: {  	v18 =	vld [tilespmem:s25+$0x11600]  }
0x4f1: {  	v19 =	vld [tilespmem:s25+$0x11610]  }
0x4f2: {  	v20 =	vld [tilespmem:s25+$0x11620]  }
0x4f3: {  	v21 =	vld [tilespmem:s25+$0x11630]  }
0x4f4: {  	[tilespmem:s25+$0x97F0] =	vst.add.f32.msk $0xffff, v17  }
0x4f5: {  	v17 =	vld [tilespmem:s25+$0x11640]  }
0x4f6: {  	v22 =	vld [tilespmem:s25+$0x11650]  }
0x4f7: {  	v23 =	vld [tilespmem:s25+$0x11660]  }
0x4f8: {  	v24 =	vld [tilespmem:s25+$0x11670]  }
0x4f9: {  	v25 =	vld [tilespmem:s25+$0x11680]  }
0x4fa: {  	v26 =	vld [tilespmem:s25+$0x11690]  }
0x4fb: {  	v27 =	vld [tilespmem:s25+$0x116A0]  }
0x4fc: {  	v28 =	vld [tilespmem:s25+$0x116B0]  }
0x4fd: {  	v29 =	vld [tilespmem:s25+$0x116C0]  }
0x4fe: {  	v30 =	vld [tilespmem:s25+$0x116D0]  }
0x4ff: {  	v31 =	vld [tilespmem:s25+$0x116E0]  }
0x500: {  	v32 =	vld [tilespmem:s25+$0x116F0]  }
0x501: {  	v33 =	vld [tilespmem:s25+$0x11700]  }
0x502: {  	v34 =	vld [tilespmem:s25+$0x11710]  }
0x503: {  	v35 =	vld [tilespmem:s25+$0x11720]  }
0x504: {  	v36 =	vld [tilespmem:s25+$0x11730]  }
0x505: {  	v37 =	vld [tilespmem:s25+$0x11740]  }
0x506: {  	v38 =	vld [tilespmem:s25+$0x11750]  }
0x507: {  	v39 =	vld [tilespmem:s25+$0x11760]  }
0x508: {  	v40 =	vld [tilespmem:s25+$0x11770]  }
0x509: {  	v41 =	vld [tilespmem:s25+$0x11780]  }
0x50a: {  	v42 =	vld [tilespmem:s25+$0x11790]  }
0x50b: {  	v43 =	vld [tilespmem:s25+$0x117A0]  }
0x50c: {  	v44 =	vld [tilespmem:s25+$0x117B0]  }
0x50d: {  	v45 =	vld [tilespmem:s25+$0x117C0]  }
0x50e: {  	v46 =	vld [tilespmem:s25+$0x117D0]  }
0x50f: {  	v47 =	vld [tilespmem:s25+$0x117E0]  }
0x510: {  	[tilespmem:s25+$0x9600] =	vst.add.f32.msk $0xffff, v18  }
0x511: {  	[tilespmem:s25+$0x9610] =	vst.add.f32.msk $0xffff, v19  }
0x512: {  	[tilespmem:s25+$0x9620] =	vst.add.f32.msk $0xffff, v20  }
0x513: {  	[tilespmem:s25+$0x9630] =	vst.add.f32.msk $0xffff, v21  }
0x514: {  	[tilespmem:s25+$0x9640] =	vst.add.f32.msk $0xffff, v17  }
0x515: {  	[tilespmem:s25+$0x9650] =	vst.add.f32.msk $0xffff, v22  }
0x516: {  	[tilespmem:s25+$0x9660] =	vst.add.f32.msk $0xffff, v23  }
0x517: {  	[tilespmem:s25+$0x9670] =	vst.add.f32.msk $0xffff, v24  }
0x518: {  	[tilespmem:s25+$0x9680] =	vst.add.f32.msk $0xffff, v25  }
0x519: {  	[tilespmem:s25+$0x9690] =	vst.add.f32.msk $0xffff, v26  }
0x51a: {  	[tilespmem:s25+$0x96A0] =	vst.add.f32.msk $0xffff, v27  }
0x51b: {  	[tilespmem:s25+$0x96B0] =	vst.add.f32.msk $0xffff, v28  }
0x51c: {  	[tilespmem:s25+$0x96C0] =	vst.add.f32.msk $0xffff, v29  }
0x51d: {  	[tilespmem:s25+$0x96D0] =	vst.add.f32.msk $0xffff, v30  }
0x51e: {  	[tilespmem:s25+$0x96E0] =	vst.add.f32.msk $0xffff, v31  }
0x51f: {  	[tilespmem:s25+$0x96F0] =	vst.add.f32.msk $0xffff, v32  }
0x520: {  	[tilespmem:s25+$0x9700] =	vst.add.f32.msk $0xffff, v33  }
0x521: {  	[tilespmem:s25+$0x9710] =	vst.add.f32.msk $0xffff, v34  }
0x522: {  	[tilespmem:s25+$0x9720] =	vst.add.f32.msk $0xffff, v35  }
0x523: {  	[tilespmem:s25+$0x9730] =	vst.add.f32.msk $0xffff, v36  }
0x524: {  	[tilespmem:s25+$0x9740] =	vst.add.f32.msk $0xffff, v37  }
0x525: {  	[tilespmem:s25+$0x9750] =	vst.add.f32.msk $0xffff, v38  }
0x526: {  	[tilespmem:s25+$0x9760] =	vst.add.f32.msk $0xffff, v39  }
0x527: {  	[tilespmem:s25+$0x9770] =	vst.add.f32.msk $0xffff, v40  }
0x528: {  	[tilespmem:s25+$0x9780] =	vst.add.f32.msk $0xffff, v41  }
0x529: {  	[tilespmem:s25+$0x9790] =	vst.add.f32.msk $0xffff, v42  }
.Ltmp8:
0x52a: {  	[tilespmem:s25+$0x97A0] =	vst.add.f32.msk $0xffff, v43;
	(pc) =	sbr.rel @p0 .LBB2_18-.Ltmp8, $4  }
0x52b: {  	[tilespmem:s25+$0x97B0] =	vst.add.f32.msk $0xffff, v44  }
0x52c: {  	[tilespmem:s25+$0x97C0] =	vst.add.f32.msk $0xffff, v45  }
0x52d: {  	[tilespmem:s25+$0x97D0] =	vst.add.f32.msk $0xffff, v46  }
0x52e: {  	[tilespmem:s25+$0x97E0] =	vst.add.f32.msk $0xffff, v47;
	s25 =	sshra.s32 s28, $0x2;
	s28 =	sadd.s32 $0x800, s28  }
0x52f: {  	v17 =	vld [tilespmem:s25+$0x117F0]  }
0x530: {  	v18 =	vld [tilespmem:s25+$0x11600]  }
0x531: {  	v19 =	vld [tilespmem:s25+$0x11610]  }
0x532: {  	v20 =	vld [tilespmem:s25+$0x11620]  }
0x533: {  	v21 =	vld [tilespmem:s25+$0x11630]  }
0x534: {  	v22 =	vld [tilespmem:s25+$0x11650]  }
0x535: {  	v23 =	vld [tilespmem:s25+$0x11660]  }
0x536: {  	v24 =	vld [tilespmem:s25+$0x11670]  }
0x537: {  	v25 =	vld [tilespmem:s25+$0x11680]  }
0x538: {  	v26 =	vld [tilespmem:s25+$0x11690]  }
0x539: {  	v27 =	vld [tilespmem:s25+$0x116A0]  }
0x53a: {  	v28 =	vld [tilespmem:s25+$0x116B0]  }
0x53b: {  	v29 =	vld [tilespmem:s25+$0x116C0]  }
0x53c: {  	v30 =	vld [tilespmem:s25+$0x116D0]  }
0x53d: {  	v31 =	vld [tilespmem:s25+$0x116E0]  }
0x53e: {  	v32 =	vld [tilespmem:s25+$0x116F0]  }
0x53f: {  	v33 =	vld [tilespmem:s25+$0x11700]  }
0x540: {  	v34 =	vld [tilespmem:s25+$0x11710]  }
0x541: {  	v35 =	vld [tilespmem:s25+$0x11720]  }
0x542: {  	v36 =	vld [tilespmem:s25+$0x11730]  }
0x543: {  	v37 =	vld [tilespmem:s25+$0x11740]  }
0x544: {  	v38 =	vld [tilespmem:s25+$0x11750]  }
0x545: {  	v39 =	vld [tilespmem:s25+$0x11760]  }
0x546: {  	v40 =	vld [tilespmem:s25+$0x11770]  }
0x547: {  	v41 =	vld [tilespmem:s25+$0x11780]  }
0x548: {  	v42 =	vld [tilespmem:s25+$0x11790]  }
0x549: {  	v43 =	vld [tilespmem:s25+$0x117A0]  }
0x54a: {  	v44 =	vld [tilespmem:s25+$0x117B0]  }
0x54b: {  	v45 =	vld [tilespmem:s25+$0x117C0]  }
0x54c: {  	v46 =	vld [tilespmem:s25+$0x117D0]  }
0x54d: {  	v47 =	vld [tilespmem:s25+$0x117E0]  }
0x54e: {  	[tilespmem:s25+$0x97F0] =	vst.add.f32.msk $0xffff, v17  }
0x54f: {  	v17 =	vld [tilespmem:s25+$0x11640]  }
0x550: {  	[tilespmem:s25+$0x9600] =	vst.add.f32.msk $0xffff, v18  }
0x551: {  	[tilespmem:s25+$0x9610] =	vst.add.f32.msk $0xffff, v19  }
0x552: {  	[tilespmem:s25+$0x9620] =	vst.add.f32.msk $0xffff, v20  }
0x553: {  	[tilespmem:s25+$0x9630] =	vst.add.f32.msk $0xffff, v21  }
0x554: {  	[tilespmem:s25+$0x9650] =	vst.add.f32.msk $0xffff, v22  }
0x555: {  	[tilespmem:s25+$0x9660] =	vst.add.f32.msk $0xffff, v23  }
0x556: {  	[tilespmem:s25+$0x9670] =	vst.add.f32.msk $0xffff, v24  }
0x557: {  	[tilespmem:s25+$0x9680] =	vst.add.f32.msk $0xffff, v25  }
0x558: {  	[tilespmem:s25+$0x9690] =	vst.add.f32.msk $0xffff, v26  }
0x559: {  	[tilespmem:s25+$0x96A0] =	vst.add.f32.msk $0xffff, v27  }
0x55a: {  	[tilespmem:s25+$0x96B0] =	vst.add.f32.msk $0xffff, v28  }
0x55b: {  	[tilespmem:s25+$0x96C0] =	vst.add.f32.msk $0xffff, v29  }
0x55c: {  	[tilespmem:s25+$0x96D0] =	vst.add.f32.msk $0xffff, v30  }
0x55d: {  	[tilespmem:s25+$0x96E0] =	vst.add.f32.msk $0xffff, v31  }
0x55e: {  	[tilespmem:s25+$0x96F0] =	vst.add.f32.msk $0xffff, v32  }
0x55f: {  	[tilespmem:s25+$0x9700] =	vst.add.f32.msk $0xffff, v33  }
0x560: {  	[tilespmem:s25+$0x9710] =	vst.add.f32.msk $0xffff, v34  }
0x561: {  	[tilespmem:s25+$0x9720] =	vst.add.f32.msk $0xffff, v35  }
0x562: {  	[tilespmem:s25+$0x9730] =	vst.add.f32.msk $0xffff, v36  }
0x563: {  	[tilespmem:s25+$0x9740] =	vst.add.f32.msk $0xffff, v37  }
0x564: {  	[tilespmem:s25+$0x9750] =	vst.add.f32.msk $0xffff, v38  }
0x565: {  	[tilespmem:s25+$0x9760] =	vst.add.f32.msk $0xffff, v39  }
0x566: {  	[tilespmem:s25+$0x9770] =	vst.add.f32.msk $0xffff, v40  }
0x567: {  	[tilespmem:s25+$0x9780] =	vst.add.f32.msk $0xffff, v41  }
0x568: {  	[tilespmem:s25+$0x9790] =	vst.add.f32.msk $0xffff, v42  }
0x569: {  	[tilespmem:s25+$0x97A0] =	vst.add.f32.msk $0xffff, v43  }
0x56a: {  	[tilespmem:s25+$0x97B0] =	vst.add.f32.msk $0xffff, v44  }
0x56b: {  	[tilespmem:s25+$0x97C0] =	vst.add.f32.msk $0xffff, v45  }
0x56c: {  	[tilespmem:s25+$0x97D0] =	vst.add.f32.msk $0xffff, v46  }
0x56d: {  	[tilespmem:s25+$0x97E0] =	vst.add.f32.msk $0xffff, v47  }
0x56e: {  	s29 =	rddreg [dreg:$0x9];
	[tilespmem:s25+$0x9640] =	vst.add.f32.msk $0xffff, v17  }
0x56f: {  	[hbm4b:s29+s6] =	stream.linear.scatter [tilespmem:s9], [sflag:$0x8], $0x2000, $0x38;
	[tilespmem:$0x13600] =	vst v63  }
0x570: {  	_ =	swait.ge [sflag:s18], $0x2000  }
0x571: {  	[sflag:s18] =	ssyncset.done $0x0  }
0x572: {  	[sflag:s18] =	ssyncadd.s32 $0xFFFFE000  }
0x573: {  	_ =	swait.ge [sflag:s21], $0x2000  }
0x574: {  	[sflag:s21] =	ssyncset.done $0x0  }
0x575: {  	[sflag:s21] =	ssyncadd.s32 $0xFFFFE000  }
0x576: {  	_ =	swait.ge [sflag:s23], $0x2000  }
0x577: {  	[sflag:s23] =	ssyncset.done $0x0  }
0x578: {  	[sflag:s23] =	ssyncadd.s32 $0xFFFFE000  }
0x579: {  	_ =	swait.ge [sflag:s24], $0x2000  }
0x57a: {  	s28 =	rddreg [dreg:$0xb]  }
0x57b: {  	s30 =	rddreg [dreg:$0xa];
	s28 =	sadd.s32 $0x1, s28  }
0x57c: {  	p0 =	sne.s32 s28, s30  }
.Ltmp9:
0x57d: {  	_ = 	snop;
	(pc) =	sbr.rel @p0 .LBB2_1-.Ltmp9, $3  }
0x57e: {  	_ =	sdelay $0x1  }
0x57f: {  	[sflag:s24] =	ssyncset.done $0x0  }
0x580: {  	[sflag:s24] =	ssyncadd.s32 $0xFFFFE000  }
0x581: {  	_ =	sfence.sel $0x180000  }
0x582: {  	[bflag:$0x0] =	sbarrier.arrive $0xFFFF  }
0x583: {  	_ =	strace $0x90000047  }
0x584: {  	s0 =	stileid.u32;
	[bflag:$0x2] =	sbarrier.arrive $0xFFFF  }
0x585: {  	p0 =	sne.s32 s0, $0x0;
	s0 =	rddreg [dreg:$0x3]  }
0x586: {  	s0 =	sadd.s32 @!p0 $0x100000, s0  }
0x587: {  	[sflag:s0] =	ssyncadd.tile.s32 @!p0 $0x1;
	_ =	shalt  }
.Lfunc_end2:
_tile_overlayer_lowered:
.L_overlay_start_2:
0x588: {  	(tag) =	ssettag $0x2  }
0x589: {  	s0 =	rddreg [dreg:$0x0];
	s2 =	stileid.u32  }
0x58a: {  	s1 =	rddreg [dreg:$0x1];
	p0 =	sne.s32 s2, $0x0  }
0x58b: {  	s3 =	rddreg [dreg:$0x2];
	[bflag:$0x3] =	sbarrier.arrive $0xFFFF;
	s2 =	simm.s32 @!p0 $0x1C09  }
0x58c: {  	[timem:s3], [sflag:s2] =	dma.local @!p0 [hbm:s0], s1  }
0x58d: {  	s0 =	simm.s32 @!p0 $0x9  }
0x58e: {  	_ =	swait.ge @!p0 [sflag:s0], s1  }
0x58f: {  	s1 =	ssub.s32 @!p0 $0x0, s1;
	[sflag:s0] =	ssyncset.done @!p0 $0x0  }
0x590: {  	[sflag:s0] =	ssyncadd.s32 @!p0 s1  }
0x591: {  	[bflag:$0x3] =	sbarrier.arrive $0xFFFF  }
0x592: {  	_ =	shalt  }

</sc_bundles>
